<compile_context>
chip_gen: v7x
topology: tpu7x:2x2x1
jax: 0.10.2.dev20260603
libtpu: 0.0.44.dev20260713+nightly
codegen_flags: <defaults>
</compile_context>

<pallas_src>
import functools

import jax
import jax.numpy as jnp
from jax import lax
from jax.experimental import pallas as pl
from jax.experimental.pallas import tpu as pltpu
from jax.experimental.pallas import tpu_sc as plsc

_NC = 2
_NS = 16
_NW = _NC * _NS


def _sc_position_add(x, input_pos, emb_weight):
    B, S, D = x.shape
    PB = 4
    NSBLK = _NW // (B // PB)
    SPW = S // NSBLK
    CH = 2
    NCHUNK = SPW // CH
    NBUF = 4
    NG = NCHUNK // NBUF
    LANES = 16

    mesh = plsc.VectorSubcoreMesh(core_axis_name="c", subcore_axis_name="s")

    @functools.partial(
        pl.kernel,
        mesh=mesh,
        out_type=jax.ShapeDtypeStruct((B, S, D), jnp.float32),
        scratch_types=[
            pltpu.VMEM((NCHUNK, CH), jnp.int32),
            pltpu.VMEM((NBUF, PB, CH, D), jnp.float32),
            pltpu.VMEM((NBUF, CH, D), jnp.float32),
            [pltpu.SemaphoreType.DMA] * NBUF,
            [pltpu.SemaphoreType.DMA] * NBUF,
            [pltpu.SemaphoreType.DMA] * NBUF,
        ],
    )
    def body(x_hbm, pos_hbm, emb_hbm, out_hbm, idx_all, xbuf, ebuf,
             sx, se, so):
        wid = lax.axis_index("s") * _NC + lax.axis_index("c")
        bp = wid // NSBLK
        sblk = wid % NSBLK
        b0 = PB * bp
        s_base = sblk * SPW

        pltpu.sync_copy(pos_hbm.at[pl.ds(sblk * NCHUNK, NCHUNK), :], idx_all)

        def x_copy(i, b):
            s0 = s_base + i * CH
            return pltpu.make_async_copy(
                x_hbm.at[pl.ds(b0, PB), pl.ds(s0, CH), :], xbuf.at[b], sx[b])

        def e_copy(i, b):
            return pltpu.make_async_copy(
                emb_hbm.at[idx_all.at[i]], ebuf.at[b], se[b])

        def o_copy(i, b):
            s0 = s_base + i * CH
            return pltpu.make_async_copy(
                xbuf.at[b], out_hbm.at[pl.ds(b0, PB), pl.ds(s0, CH), :], so[b])

        def issue_loads(i, b):
            x_copy(i, b).start()
            e_copy(i, b).start()

        def add_chunk(b):
            for r in range(CH):
                @plsc.parallel_loop(0, D // LANES, unroll=8)
                def _(k, _r=r, _b=b):
                    off = k * LANES
                    e = ebuf[_b, _r, pl.ds(off, LANES)]
                    for j in range(PB):
                        plsc.addupdate(xbuf.at[_b, j, _r, pl.ds(off, LANES)], e)

        LOOKAHEAD = 3

        for b in range(LOOKAHEAD):
            issue_loads(b, b)

        for i in range(NBUF):
            b = i % NBUF
            x_copy(i, b).wait()
            e_copy(i, b).wait()
            add_chunk(b)
            o_copy(i, b).start()
            nb = (b + LOOKAHEAD) % NBUF
            if i >= NBUF - LOOKAHEAD:
                o_copy(i - (NBUF - LOOKAHEAD), nb).wait()
            issue_loads(i + LOOKAHEAD, nb)

        def group(g, carry):
            for b in range(NBUF):
                i = g * NBUF + b
                x_copy(i, b).wait()
                e_copy(i, b).wait()
                add_chunk(b)
                o_copy(i, b).start()
                nb = (b + LOOKAHEAD) % NBUF
                o_copy(i - (NBUF - LOOKAHEAD), nb).wait()

                @pl.when(i + LOOKAHEAD < NCHUNK)
                def _():
                    issue_loads(i + LOOKAHEAD, nb)
            return carry

        lax.fori_loop(1, NG, group, 0)

        for i in range(NCHUNK - (NBUF - LOOKAHEAD), NCHUNK):
            o_copy(i, i % NBUF).wait()

    pos2 = input_pos.reshape(S // CH, CH)
    return body(x, pos2, emb_weight)


def kernel(x, input_pos, emb_weight):
    return _sc_position_add(x, input_pos, emb_weight)

# --- scband reference (transcript-rebuilt; emitter-appended) ---
"""Pipeline reference for scband-position-embedding-21784074125913 (READ-ONLY COPY).

The authoritative reference and input builder live on the scoring server;
editing this copy changes nothing except your own understanding.
"""

import jax, jax.numpy as jnp
import numpy as np

MAX_SEQ_LEN = 8192
D_MODEL = 2048
BATCH = 4
SEQ_LEN = 4096

def setup_inputs(seed: int = 0) -> dict:
    key = jax.random.key(seed)
    k_x, k_emb = jax.random.split(key)
    x = jax.random.normal(k_x, (BATCH, SEQ_LEN, D_MODEL), dtype=jnp.float32)
    input_pos = jnp.arange(SEQ_LEN, dtype=jnp.int64 if jax.config.jax_enable_x64 else jnp.int32)
    emb_weight = jax.random.normal(k_emb, (MAX_SEQ_LEN, D_MODEL), dtype=jnp.float32)
    return {"x": x, "input_pos": input_pos, "emb_weight": emb_weight}

def reference(x, input_pos, emb_weight):
    # PositionEmbedding.forward: embedding lookup of positions, broadcast-add to x.
    # dropout p=0.0 (eval) -> identity.
    pos_emb = jnp.take(emb_weight, input_pos, axis=0)  # [SEQ_LEN, D_MODEL]
    out = pos_emb + x  # broadcast over batch: [B, S, D]
    return out

if __name__ == "__main__":
    import jax
    _d = setup_inputs()
    print(jax.jit(kernel)(*tuple(_d.values())))

</pallas_src>

<mosaic_0001>
#map = affine_map<(d0, d1) -> (0, 0, 0)>
#map1 = affine_map<(d0, d1) -> (0, 0)>
module attributes {stable_mosaic.version = 14 : i64} {
  func.func @body(%arg0: i32, %arg1: i32, %arg2: memref<4x4096x2048xf32, #tpu.memory_space<hbm>>, %arg3: memref<2048x2xi32, #tpu.memory_space<hbm>>, %arg4: memref<8192x2048xf32, #tpu.memory_space<hbm>>, %arg5: memref<4x4096x2048xf32, #tpu.memory_space<hbm>>, %arg6: memref<64x2xi32, #tpu.memory_space<vmem>>, %arg7: memref<4x4x2x2048xf32, #tpu.memory_space<vmem>>, %arg8: memref<4x2x2048xf32, #tpu.memory_space<vmem>>, %arg9: memref<!tpu.dma_semaphore, #tpu.memory_space<semaphore_mem>>, %arg10: memref<!tpu.dma_semaphore, #tpu.memory_space<semaphore_mem>>, %arg11: memref<!tpu.dma_semaphore, #tpu.memory_space<semaphore_mem>>, %arg12: memref<!tpu.dma_semaphore, #tpu.memory_space<semaphore_mem>>, %arg13: memref<!tpu.dma_semaphore, #tpu.memory_space<semaphore_mem>>, %arg14: memref<!tpu.dma_semaphore, #tpu.memory_space<semaphore_mem>>, %arg15: memref<!tpu.dma_semaphore, #tpu.memory_space<semaphore_mem>>, %arg16: memref<!tpu.dma_semaphore, #tpu.memory_space<semaphore_mem>>, %arg17: memref<!tpu.dma_semaphore, #tpu.memory_space<semaphore_mem>>, %arg18: memref<!tpu.dma_semaphore, #tpu.memory_space<semaphore_mem>>, %arg19: memref<!tpu.dma_semaphore, #tpu.memory_space<semaphore_mem>>, %arg20: memref<!tpu.dma_semaphore, #tpu.memory_space<semaphore_mem>>) attributes {dimension_semantics = [#tpu.dimension_semantics<core_parallel>, #tpu.dimension_semantics<subcore_parallel>], iteration_bounds = array<i64: 2, 16>, scalar_prefetch = 0 : i64, scratch_operands = 15 : i64, tpu.core_type = #tpu.core_type<sc_vector_subcore>, window_params = [{transform_indices = #map}, {transform_indices = #map1}, {transform_indices = #map1}, {transform_indices = #map}]} {
    %mul3A = arith.constant 2 : i32
    %mul3A_0 = arith.muli %arg1, %mul3A : i32
    %add3A = arith.addi %mul3A_0, %arg0 : i32
    %jit3A = arith.constant 32 : i32
    %div3A = arith.divsi %add3A, %jit3A : i32
    %sign3A = arith.constant 0 : i32
    %sign3A_1 = arith.cmpi sgt, %add3A, %sign3A : i32
    %sign3A_2 = arith.extui %sign3A_1 : i1 to i32
    %sign3A_3 = arith.constant 0 : i32
    %sign3A_4 = arith.cmpi slt, %add3A, %sign3A_3 : i32
    %sign3A_5 = arith.extui %sign3A_4 : i1 to i32
    %sign3A_6 = arith.subi %sign3A_2, %sign3A_5 : i32
    %sign3A_7 = arith.constant 0 : i32
    %sign3A_8 = arith.cmpi sgt, %jit3A, %sign3A_7 : i32
    %sign3A_9 = arith.extui %sign3A_8 : i1 to i32
    %sign3A_10 = arith.constant 0 : i32
    %sign3A_11 = arith.cmpi slt, %jit3A, %sign3A_10 : i32
    %sign3A_12 = arith.extui %sign3A_11 : i1 to i32
    %sign3A_13 = arith.subi %sign3A_9, %sign3A_12 : i32
    %ne3A = arith.cmpi ne, %sign3A_6, %sign3A_13 : i32
    %rem3A = arith.remsi %add3A, %jit3A : i32
    %ne3A_14 = arith.constant 0 : i32
    %ne3A_15 = arith.cmpi ne, %rem3A, %ne3A_14 : i32
    %and3A = arith.andi %ne3A, %ne3A_15 : i1
    %sub3A = arith.constant 1 : i32
    %sub3A_16 = arith.subi %div3A, %sub3A : i32
    %select_n3A = arith.select %and3A, %sub3A_16, %div3A : i32
    %jit3A_17 = arith.constant 32 : i32
    %eq3A = arith.constant 0 : i32
    %eq3A_18 = arith.cmpi eq, %jit3A_17, %eq3A : i32
    %jit3A_19 = arith.constant 1 : i32
    %select_n3A_20 = arith.select %eq3A_18, %jit3A_19, %jit3A_17 : i32
    %rem3A_21 = arith.remsi %add3A, %select_n3A_20 : i32
    %ne3A_22 = arith.constant 0 : i32
    %ne3A_23 = arith.cmpi ne, %rem3A_21, %ne3A_22 : i32
    %lt3A = arith.constant 0 : i32
    %lt3A_24 = arith.cmpi slt, %rem3A_21, %lt3A : i32
    %lt3A_25 = arith.constant 0 : i32
    %lt3A_26 = arith.cmpi slt, %select_n3A_20, %lt3A_25 : i32
    %ne3A_27 = arith.xori %lt3A_24, %lt3A_26 : i1
    %and3A_28 = arith.andi %ne3A_27, %ne3A_23 : i1
    %add3A_29 = arith.addi %rem3A_21, %select_n3A_20 : i32
    %select_n3A_30 = arith.select %and3A_28, %add3A_29, %rem3A_21 : i32
    %mul3A_31 = arith.constant 4 : i32
    %mul3A_32 = arith.muli %mul3A_31, %select_n3A : i32
    %mul3A_33 = arith.constant 128 : i32
    %mul3A_34 = arith.muli %select_n3A_30, %mul3A_33 : i32
    %mul3A_35 = arith.constant 64 : i32
    %mul3A_36 = arith.muli %select_n3A_30, %mul3A_35 : i32
    "tpu.region"() ({
      %run_scoped3A = tpu.sem_alloc : memref<!tpu.dma_semaphore, #tpu.memory_space<semaphore_mem>>
      %dma_start3A_518 = arith.constant 0 : i32
      %dma_start3A_519 = tpu.memref_slice %arg3[%mul3A_36, %dma_start3A_518] : memref<2048x2xi32, #tpu.memory_space<hbm>> -> memref<64x2xi32, #tpu.memory_space<hbm>>
      %dma_start3A_520 = arith.constant 0 : i32
      %dma_start3A_521 = tpu.memref_slice %arg3[%mul3A_36, %dma_start3A_520] : memref<2048x2xi32, #tpu.memory_space<hbm>> -> memref<64x2xi32, #tpu.memory_space<hbm>>
      tpu.enqueue_dma source(%dma_start3A_521 : memref<64x2xi32, #tpu.memory_space<hbm>>) target(%arg6 : memref<64x2xi32, #tpu.memory_space<vmem>>) target_semaphore(%run_scoped3A : memref<!tpu.dma_semaphore, #tpu.memory_space<semaphore_mem>>)
      %dma_wait3A_522 = arith.constant 0 : i32
      %dma_wait3A_523 = tpu.memref_slice %arg3[%mul3A_36, %dma_wait3A_522] : memref<2048x2xi32, #tpu.memory_space<hbm>> -> memref<64x2xi32, #tpu.memory_space<hbm>>
      %dma_wait3A_524 = arith.constant 0 : i32
      %dma_wait3A_525 = tpu.memref_slice %arg3[%mul3A_36, %dma_wait3A_524] : memref<2048x2xi32, #tpu.memory_space<hbm>> -> memref<64x2xi32, #tpu.memory_space<hbm>>
      tpu.wait_dma2 semaphore(%run_scoped3A : memref<!tpu.dma_semaphore, #tpu.memory_space<semaphore_mem>>) src(%dma_wait3A_525 : memref<64x2xi32, #tpu.memory_space<hbm>>) dst(%arg6 : memref<64x2xi32, #tpu.memory_space<vmem>>)
      tpu.yield
    }) : () -> ()
    %add3A_37 = arith.constant 0 : i32
    %add3A_38 = arith.addi %mul3A_34, %add3A_37 : i32
    %dma_start3A = arith.constant 0 : i32
    %dma_start3A_39 = arith.constant 0 : i32
    %dma_start3A_40 = arith.constant 0 : i32
    %dma_start3A_41 = arith.constant 0 : i32
    %dma_start3A_42 = tpu.memref_slice %arg7[%dma_start3A, %dma_start3A_39, %dma_start3A_40, %dma_start3A_41] : memref<4x4x2x2048xf32, #tpu.memory_space<vmem>> -> memref<1x4x2x2048xf32, #tpu.memory_space<vmem>>
    %dma_start3A_43 = tpu.memref_squeeze %dma_start3A_42 : memref<1x4x2x2048xf32, #tpu.memory_space<vmem>> -> memref<4x2x2048xf32, #tpu.memory_space<vmem>>
    %dma_start3A_44 = arith.constant 0 : i32
    %dma_start3A_45 = tpu.memref_slice %arg2[%mul3A_32, %add3A_38, %dma_start3A_44] : memref<4x4096x2048xf32, #tpu.memory_space<hbm>> -> memref<4x2x2048xf32, #tpu.memory_space<hbm>>
    %dma_start3A_46 = arith.constant 0 : i32
    %dma_start3A_47 = arith.constant 0 : i32
    %dma_start3A_48 = arith.constant 0 : i32
    %dma_start3A_49 = tpu.memref_slice %arg7[%dma_start3A, %dma_start3A_46, %dma_start3A_47, %dma_start3A_48] : memref<4x4x2x2048xf32, #tpu.memory_space<vmem>> -> memref<1x4x2x2048xf32, #tpu.memory_space<vmem>>
    %dma_start3A_50 = tpu.memref_squeeze %dma_start3A_49 : memref<1x4x2x2048xf32, #tpu.memory_space<vmem>> -> memref<4x2x2048xf32, #tpu.memory_space<vmem>>
    %dma_start3A_51 = arith.constant 0 : i32
    %dma_start3A_52 = tpu.memref_slice %arg2[%mul3A_32, %add3A_38, %dma_start3A_51] : memref<4x4096x2048xf32, #tpu.memory_space<hbm>> -> memref<4x2x2048xf32, #tpu.memory_space<hbm>>
    tpu.enqueue_dma source(%dma_start3A_52 : memref<4x2x2048xf32, #tpu.memory_space<hbm>>) target(%dma_start3A_50 : memref<4x2x2048xf32, #tpu.memory_space<vmem>>) target_semaphore(%arg9 : memref<!tpu.dma_semaphore, #tpu.memory_space<semaphore_mem>>)
    %dma_start3A_53 = arith.constant 0 : i32
    %dma_start3A_54 = arith.constant 0 : i32
    %dma_start3A_55 = arith.constant 0 : i32
    %dma_start3A_56 = arith.constant 0 : i32
    %dma_start3A_57 = tpu.memref_slice %arg8[%dma_start3A_54, %dma_start3A_55, %dma_start3A_56] : memref<4x2x2048xf32, #tpu.memory_space<vmem>> -> memref<1x2x2048xf32, #tpu.memory_space<vmem>>
    %dma_start3A_58 = tpu.memref_squeeze %dma_start3A_57 : memref<1x2x2048xf32, #tpu.memory_space<vmem>> -> memref<2x2048xf32, #tpu.memory_space<vmem>>
    %dma_start3A_59 = arith.constant 0 : i32
    %dma_start3A_60 = tpu.memref_slice %arg6[%dma_start3A_53, %dma_start3A_59] : memref<64x2xi32, #tpu.memory_space<vmem>> -> memref<1x2xi32, #tpu.memory_space<vmem>>
    %dma_start3A_61 = tpu.memref_squeeze %dma_start3A_60 : memref<1x2xi32, #tpu.memory_space<vmem>> -> memref<2xi32, #tpu.memory_space<vmem>>
    %dma_start3A_62 = arith.constant 0 : i32
    %dma_start3A_63 = arith.constant 0 : i32
    %dma_start3A_64 = tpu.memref_slice %arg4[%dma_start3A_62, %dma_start3A_63] : memref<8192x2048xf32, #tpu.memory_space<hbm>> -> memref<8192x2048xf32, #tpu.memory_space<hbm>>
    tpu.enqueue_indirect_dma source(%dma_start3A_64 : memref<8192x2048xf32, #tpu.memory_space<hbm>>) target(%dma_start3A_58 : memref<2x2048xf32, #tpu.memory_space<vmem>>) offsets(%dma_start3A_61 : memref<2xi32, #tpu.memory_space<vmem>>) semaphore(%arg13 : memref<!tpu.dma_semaphore, #tpu.memory_space<semaphore_mem>>)
    %add3A_65 = arith.constant 2 : i32
    %add3A_66 = arith.addi %mul3A_34, %add3A_65 : i32
    %dma_start3A_67 = arith.constant 1 : i32
    %dma_start3A_68 = arith.constant 0 : i32
    %dma_start3A_69 = arith.constant 0 : i32
    %dma_start3A_70 = arith.constant 0 : i32
    %dma_start3A_71 = tpu.memref_slice %arg7[%dma_start3A_67, %dma_start3A_68, %dma_start3A_69, %dma_start3A_70] : memref<4x4x2x2048xf32, #tpu.memory_space<vmem>> -> memref<1x4x2x2048xf32, #tpu.memory_space<vmem>>
    %dma_start3A_72 = tpu.memref_squeeze %dma_start3A_71 : memref<1x4x2x2048xf32, #tpu.memory_space<vmem>> -> memref<4x2x2048xf32, #tpu.memory_space<vmem>>
    %dma_start3A_73 = arith.constant 0 : i32
    %dma_start3A_74 = tpu.memref_slice %arg2[%mul3A_32, %add3A_66, %dma_start3A_73] : memref<4x4096x2048xf32, #tpu.memory_space<hbm>> -> memref<4x2x2048xf32, #tpu.memory_space<hbm>>
    %dma_start3A_75 = arith.constant 0 : i32
    %dma_start3A_76 = arith.constant 0 : i32
    %dma_start3A_77 = arith.constant 0 : i32
    %dma_start3A_78 = tpu.memref_slice %arg7[%dma_start3A_67, %dma_start3A_75, %dma_start3A_76, %dma_start3A_77] : memref<4x4x2x2048xf32, #tpu.memory_space<vmem>> -> memref<1x4x2x2048xf32, #tpu.memory_space<vmem>>
    %dma_start3A_79 = tpu.memref_squeeze %dma_start3A_78 : memref<1x4x2x2048xf32, #tpu.memory_space<vmem>> -> memref<4x2x2048xf32, #tpu.memory_space<vmem>>
    %dma_start3A_80 = arith.constant 0 : i32
    %dma_start3A_81 = tpu.memref_slice %arg2[%mul3A_32, %add3A_66, %dma_start3A_80] : memref<4x4096x2048xf32, #tpu.memory_space<hbm>> -> memref<4x2x2048xf32, #tpu.memory_space<hbm>>
    tpu.enqueue_dma source(%dma_start3A_81 : memref<4x2x2048xf32, #tpu.memory_space<hbm>>) target(%dma_start3A_79 : memref<4x2x2048xf32, #tpu.memory_space<vmem>>) target_semaphore(%arg10 : memref<!tpu.dma_semaphore, #tpu.memory_space<semaphore_mem>>)
    %dma_start3A_82 = arith.constant 1 : i32
    %dma_start3A_83 = arith.constant 1 : i32
    %dma_start3A_84 = arith.constant 0 : i32
    %dma_start3A_85 = arith.constant 0 : i32
    %dma_start3A_86 = tpu.memref_slice %arg8[%dma_start3A_83, %dma_start3A_84, %dma_start3A_85] : memref<4x2x2048xf32, #tpu.memory_space<vmem>> -> memref<1x2x2048xf32, #tpu.memory_space<vmem>>
    %dma_start3A_87 = tpu.memref_squeeze %dma_start3A_86 : memref<1x2x2048xf32, #tpu.memory_space<vmem>> -> memref<2x2048xf32, #tpu.memory_space<vmem>>
    %dma_start3A_88 = arith.constant 0 : i32
    %dma_start3A_89 = tpu.memref_slice %arg6[%dma_start3A_82, %dma_start3A_88] : memref<64x2xi32, #tpu.memory_space<vmem>> -> memref<1x2xi32, #tpu.memory_space<vmem>>
    %dma_start3A_90 = tpu.memref_squeeze %dma_start3A_89 : memref<1x2xi32, #tpu.memory_space<vmem>> -> memref<2xi32, #tpu.memory_space<vmem>>
    %dma_start3A_91 = arith.constant 0 : i32
    %dma_start3A_92 = arith.constant 0 : i32
    %dma_start3A_93 = tpu.memref_slice %arg4[%dma_start3A_91, %dma_start3A_92] : memref<8192x2048xf32, #tpu.memory_space<hbm>> -> memref<8192x2048xf32, #tpu.memory_space<hbm>>
    tpu.enqueue_indirect_dma source(%dma_start3A_93 : memref<8192x2048xf32, #tpu.memory_space<hbm>>) target(%dma_start3A_87 : memref<2x2048xf32, #tpu.memory_space<vmem>>) offsets(%dma_start3A_90 : memref<2xi32, #tpu.memory_space<vmem>>) semaphore(%arg14 : memref<!tpu.dma_semaphore, #tpu.memory_space<semaphore_mem>>)
    %add3A_94 = arith.constant 4 : i32
    %add3A_95 = arith.addi %mul3A_34, %add3A_94 : i32
    %dma_start3A_96 = arith.constant 2 : i32
    %dma_start3A_97 = arith.constant 0 : i32
    %dma_start3A_98 = arith.constant 0 : i32
    %dma_start3A_99 = arith.constant 0 : i32
    %dma_start3A_100 = tpu.memref_slice %arg7[%dma_start3A_96, %dma_start3A_97, %dma_start3A_98, %dma_start3A_99] : memref<4x4x2x2048xf32, #tpu.memory_space<vmem>> -> memref<1x4x2x2048xf32, #tpu.memory_space<vmem>>
    %dma_start3A_101 = tpu.memref_squeeze %dma_start3A_100 : memref<1x4x2x2048xf32, #tpu.memory_space<vmem>> -> memref<4x2x2048xf32, #tpu.memory_space<vmem>>
    %dma_start3A_102 = arith.constant 0 : i32
    %dma_start3A_103 = tpu.memref_slice %arg2[%mul3A_32, %add3A_95, %dma_start3A_102] : memref<4x4096x2048xf32, #tpu.memory_space<hbm>> -> memref<4x2x2048xf32, #tpu.memory_space<hbm>>
    %dma_start3A_104 = arith.constant 0 : i32
    %dma_start3A_105 = arith.constant 0 : i32
    %dma_start3A_106 = arith.constant 0 : i32
    %dma_start3A_107 = tpu.memref_slice %arg7[%dma_start3A_96, %dma_start3A_104, %dma_start3A_105, %dma_start3A_106] : memref<4x4x2x2048xf32, #tpu.memory_space<vmem>> -> memref<1x4x2x2048xf32, #tpu.memory_space<vmem>>
    %dma_start3A_108 = tpu.memref_squeeze %dma_start3A_107 : memref<1x4x2x2048xf32, #tpu.memory_space<vmem>> -> memref<4x2x2048xf32, #tpu.memory_space<vmem>>
    %dma_start3A_109 = arith.constant 0 : i32
    %dma_start3A_110 = tpu.memref_slice %arg2[%mul3A_32, %add3A_95, %dma_start3A_109] : memref<4x4096x2048xf32, #tpu.memory_space<hbm>> -> memref<4x2x2048xf32, #tpu.memory_space<hbm>>
    tpu.enqueue_dma source(%dma_start3A_110 : memref<4x2x2048xf32, #tpu.memory_space<hbm>>) target(%dma_start3A_108 : memref<4x2x2048xf32, #tpu.memory_space<vmem>>) target_semaphore(%arg11 : memref<!tpu.dma_semaphore, #tpu.memory_space<semaphore_mem>>)
    %dma_start3A_111 = arith.constant 2 : i32
    %dma_start3A_112 = arith.constant 2 : i32
    %dma_start3A_113 = arith.constant 0 : i32
    %dma_start3A_114 = arith.constant 0 : i32
    %dma_start3A_115 = tpu.memref_slice %arg8[%dma_start3A_112, %dma_start3A_113, %dma_start3A_114] : memref<4x2x2048xf32, #tpu.memory_space<vmem>> -> memref<1x2x2048xf32, #tpu.memory_space<vmem>>
    %dma_start3A_116 = tpu.memref_squeeze %dma_start3A_115 : memref<1x2x2048xf32, #tpu.memory_space<vmem>> -> memref<2x2048xf32, #tpu.memory_space<vmem>>
    %dma_start3A_117 = arith.constant 0 : i32
    %dma_start3A_118 = tpu.memref_slice %arg6[%dma_start3A_111, %dma_start3A_117] : memref<64x2xi32, #tpu.memory_space<vmem>> -> memref<1x2xi32, #tpu.memory_space<vmem>>
    %dma_start3A_119 = tpu.memref_squeeze %dma_start3A_118 : memref<1x2xi32, #tpu.memory_space<vmem>> -> memref<2xi32, #tpu.memory_space<vmem>>
    %dma_start3A_120 = arith.constant 0 : i32
    %dma_start3A_121 = arith.constant 0 : i32
    %dma_start3A_122 = tpu.memref_slice %arg4[%dma_start3A_120, %dma_start3A_121] : memref<8192x2048xf32, #tpu.memory_space<hbm>> -> memref<8192x2048xf32, #tpu.memory_space<hbm>>
    tpu.enqueue_indirect_dma source(%dma_start3A_122 : memref<8192x2048xf32, #tpu.memory_space<hbm>>) target(%dma_start3A_116 : memref<2x2048xf32, #tpu.memory_space<vmem>>) offsets(%dma_start3A_119 : memref<2xi32, #tpu.memory_space<vmem>>) semaphore(%arg15 : memref<!tpu.dma_semaphore, #tpu.memory_space<semaphore_mem>>)
    %add3A_123 = arith.constant 0 : i32
    %add3A_124 = arith.addi %mul3A_34, %add3A_123 : i32
    %dma_wait3A = arith.constant 0 : i32
    %dma_wait3A_125 = arith.constant 0 : i32
    %dma_wait3A_126 = arith.constant 0 : i32
    %dma_wait3A_127 = arith.constant 0 : i32
    %dma_wait3A_128 = tpu.memref_slice %arg7[%dma_wait3A, %dma_wait3A_125, %dma_wait3A_126, %dma_wait3A_127] : memref<4x4x2x2048xf32, #tpu.memory_space<vmem>> -> memref<1x4x2x2048xf32, #tpu.memory_space<vmem>>
    %dma_wait3A_129 = tpu.memref_squeeze %dma_wait3A_128 : memref<1x4x2x2048xf32, #tpu.memory_space<vmem>> -> memref<4x2x2048xf32, #tpu.memory_space<vmem>>
    %dma_wait3A_130 = arith.constant 0 : i32
    %dma_wait3A_131 = tpu.memref_slice %arg2[%mul3A_32, %add3A_124, %dma_wait3A_130] : memref<4x4096x2048xf32, #tpu.memory_space<hbm>> -> memref<4x2x2048xf32, #tpu.memory_space<hbm>>
    %dma_wait3A_132 = arith.constant 0 : i32
    %dma_wait3A_133 = arith.constant 0 : i32
    %dma_wait3A_134 = arith.constant 0 : i32
    %dma_wait3A_135 = tpu.memref_slice %arg7[%dma_wait3A, %dma_wait3A_132, %dma_wait3A_133, %dma_wait3A_134] : memref<4x4x2x2048xf32, #tpu.memory_space<vmem>> -> memref<1x4x2x2048xf32, #tpu.memory_space<vmem>>
    %dma_wait3A_136 = tpu.memref_squeeze %dma_wait3A_135 : memref<1x4x2x2048xf32, #tpu.memory_space<vmem>> -> memref<4x2x2048xf32, #tpu.memory_space<vmem>>
    %dma_wait3A_137 = arith.constant 0 : i32
    %dma_wait3A_138 = tpu.memref_slice %arg2[%mul3A_32, %add3A_124, %dma_wait3A_137] : memref<4x4096x2048xf32, #tpu.memory_space<hbm>> -> memref<4x2x2048xf32, #tpu.memory_space<hbm>>
    tpu.wait_dma2 semaphore(%arg9 : memref<!tpu.dma_semaphore, #tpu.memory_space<semaphore_mem>>) src(%dma_wait3A_138 : memref<4x2x2048xf32, #tpu.memory_space<hbm>>) dst(%dma_wait3A_136 : memref<4x2x2048xf32, #tpu.memory_space<vmem>>)
    %dma_wait3A_139 = arith.constant 0 : i32
    %dma_wait3A_140 = arith.constant 0 : i32
    %dma_wait3A_141 = arith.constant 0 : i32
    %dma_wait3A_142 = arith.constant 0 : i32
    %dma_wait3A_143 = tpu.memref_slice %arg8[%dma_wait3A_140, %dma_wait3A_141, %dma_wait3A_142] : memref<4x2x2048xf32, #tpu.memory_space<vmem>> -> memref<1x2x2048xf32, #tpu.memory_space<vmem>>
    %dma_wait3A_144 = tpu.memref_squeeze %dma_wait3A_143 : memref<1x2x2048xf32, #tpu.memory_space<vmem>> -> memref<2x2048xf32, #tpu.memory_space<vmem>>
    %dma_wait3A_145 = arith.constant 0 : i32
    %dma_wait3A_146 = tpu.memref_slice %arg6[%dma_wait3A_139, %dma_wait3A_145] : memref<64x2xi32, #tpu.memory_space<vmem>> -> memref<1x2xi32, #tpu.memory_space<vmem>>
    %dma_wait3A_147 = tpu.memref_squeeze %dma_wait3A_146 : memref<1x2xi32, #tpu.memory_space<vmem>> -> memref<2xi32, #tpu.memory_space<vmem>>
    %dma_wait3A_148 = arith.constant 0 : i32
    %dma_wait3A_149 = arith.constant 0 : i32
    %dma_wait3A_150 = tpu.memref_slice %arg4[%dma_wait3A_148, %dma_wait3A_149] : memref<8192x2048xf32, #tpu.memory_space<hbm>> -> memref<8192x2048xf32, #tpu.memory_space<hbm>>
    tpu.wait_indirect_dma semaphore(%arg13 : memref<!tpu.dma_semaphore, #tpu.memory_space<semaphore_mem>>) src(%dma_wait3A_150 : memref<8192x2048xf32, #tpu.memory_space<hbm>>) dst(%dma_wait3A_144 : memref<2x2048xf32, #tpu.memory_space<vmem>>)
    %parallel_loop3A = arith.constant 0 : i32
    %parallel_loop3A_151 = arith.constant 128 : i32
    %parallel_loop3A_152 = arith.constant 1 : i32
    scf.for %parallel_loop3A_518 = %parallel_loop3A to %parallel_loop3A_151 step %parallel_loop3A_152  : i32 {
      %parallel_loop3A_519 = arith.constant 16 : i32
      %parallel_loop3A_520 = arith.muli %parallel_loop3A_518, %parallel_loop3A_519 : i32
      %parallel_loop3A_521 = arith.constant 0 : i32
      %parallel_loop3A_522 = arith.constant 0 : i32
      %parallel_loop3A_523 = arith.index_cast %parallel_loop3A_521 : i32 to index
      %parallel_loop3A_524 = arith.index_cast %parallel_loop3A_522 : i32 to index
      %parallel_loop3A_525 = arith.index_cast %parallel_loop3A_520 : i32 to index
      %parallel_loop3A_526 = tpu.vector_load %arg8[%parallel_loop3A_523, %parallel_loop3A_524, %parallel_loop3A_525] {strides = array<i32>} : memref<4x2x2048xf32, #tpu.memory_space<vmem>>, vector<1x1x16xf32>,
      %parallel_loop3A_527 = vector.shape_cast %parallel_loop3A_526 : vector<1x1x16xf32> to vector<16xf32>
      %parallel_loop3A_528 = arith.constant 0 : i32
      %parallel_loop3A_529 = arith.constant 0 : i32
      %parallel_loop3A_530 = arith.constant 0 : i32
      %parallel_loop3A_531 = arith.index_cast %parallel_loop3A_528 : i32 to index
      %parallel_loop3A_532 = arith.index_cast %parallel_loop3A_529 : i32 to index
      %parallel_loop3A_533 = arith.index_cast %parallel_loop3A_530 : i32 to index
      %parallel_loop3A_534 = arith.index_cast %parallel_loop3A_520 : i32 to index
      %parallel_loop3A_535 = tpu.vector_load %arg7[%parallel_loop3A_531, %parallel_loop3A_532, %parallel_loop3A_533, %parallel_loop3A_534] {strides = array<i32>} : memref<4x4x2x2048xf32, #tpu.memory_space<vmem>>, vector<1x1x1x16xf32>,
      %parallel_loop3A_536 = vector.shape_cast %parallel_loop3A_535 : vector<1x1x1x16xf32> to vector<16xf32>
      %parallel_loop3A_537 = vector.shape_cast %parallel_loop3A_527 : vector<16xf32> to vector<1x1x1x16xf32>
      tpu.vector_store %arg7[%parallel_loop3A_531, %parallel_loop3A_532, %parallel_loop3A_533, %parallel_loop3A_534], %parallel_loop3A_537 {add = true, strides = array<i32>} : memref<4x4x2x2048xf32, #tpu.memory_space<vmem>>, vector<1x1x1x16xf32>,
      %parallel_loop3A_538 = arith.constant 0 : i32
      %parallel_loop3A_539 = arith.constant 1 : i32
      %parallel_loop3A_540 = arith.constant 0 : i32
      %parallel_loop3A_541 = arith.index_cast %parallel_loop3A_538 : i32 to index
      %parallel_loop3A_542 = arith.index_cast %parallel_loop3A_539 : i32 to index
      %parallel_loop3A_543 = arith.index_cast %parallel_loop3A_540 : i32 to index
      %parallel_loop3A_544 = arith.index_cast %parallel_loop3A_520 : i32 to index
      %parallel_loop3A_545 = tpu.vector_load %arg7[%parallel_loop3A_541, %parallel_loop3A_542, %parallel_loop3A_543, %parallel_loop3A_544] {strides = array<i32>} : memref<4x4x2x2048xf32, #tpu.memory_space<vmem>>, vector<1x1x1x16xf32>,
      %parallel_loop3A_546 = vector.shape_cast %parallel_loop3A_545 : vector<1x1x1x16xf32> to vector<16xf32>
      %parallel_loop3A_547 = vector.shape_cast %parallel_loop3A_527 : vector<16xf32> to vector<1x1x1x16xf32>
      tpu.vector_store %arg7[%parallel_loop3A_541, %parallel_loop3A_542, %parallel_loop3A_543, %parallel_loop3A_544], %parallel_loop3A_547 {add = true, strides = array<i32>} : memref<4x4x2x2048xf32, #tpu.memory_space<vmem>>, vector<1x1x1x16xf32>,
      %parallel_loop3A_548 = arith.constant 0 : i32
      %parallel_loop3A_549 = arith.constant 2 : i32
      %parallel_loop3A_550 = arith.constant 0 : i32
      %parallel_loop3A_551 = arith.index_cast %parallel_loop3A_548 : i32 to index
      %parallel_loop3A_552 = arith.index_cast %parallel_loop3A_549 : i32 to index
      %parallel_loop3A_553 = arith.index_cast %parallel_loop3A_550 : i32 to index
      %parallel_loop3A_554 = arith.index_cast %parallel_loop3A_520 : i32 to index
      %parallel_loop3A_555 = tpu.vector_load %arg7[%parallel_loop3A_551, %parallel_loop3A_552, %parallel_loop3A_553, %parallel_loop3A_554] {strides = array<i32>} : memref<4x4x2x2048xf32, #tpu.memory_space<vmem>>, vector<1x1x1x16xf32>,
      %parallel_loop3A_556 = vector.shape_cast %parallel_loop3A_555 : vector<1x1x1x16xf32> to vector<16xf32>
      %parallel_loop3A_557 = vector.shape_cast %parallel_loop3A_527 : vector<16xf32> to vector<1x1x1x16xf32>
      tpu.vector_store %arg7[%parallel_loop3A_551, %parallel_loop3A_552, %parallel_loop3A_553, %parallel_loop3A_554], %parallel_loop3A_557 {add = true, strides = array<i32>} : memref<4x4x2x2048xf32, #tpu.memory_space<vmem>>, vector<1x1x1x16xf32>,
      %parallel_loop3A_558 = arith.constant 0 : i32
      %parallel_loop3A_559 = arith.constant 3 : i32
      %parallel_loop3A_560 = arith.constant 0 : i32
      %parallel_loop3A_561 = arith.index_cast %parallel_loop3A_558 : i32 to index
      %parallel_loop3A_562 = arith.index_cast %parallel_loop3A_559 : i32 to index
      %parallel_loop3A_563 = arith.index_cast %parallel_loop3A_560 : i32 to index
      %parallel_loop3A_564 = arith.index_cast %parallel_loop3A_520 : i32 to index
      %parallel_loop3A_565 = tpu.vector_load %arg7[%parallel_loop3A_561, %parallel_loop3A_562, %parallel_loop3A_563, %parallel_loop3A_564] {strides = array<i32>} : memref<4x4x2x2048xf32, #tpu.memory_space<vmem>>, vector<1x1x1x16xf32>,
      %parallel_loop3A_566 = vector.shape_cast %parallel_loop3A_565 : vector<1x1x1x16xf32> to vector<16xf32>
      %parallel_loop3A_567 = vector.shape_cast %parallel_loop3A_527 : vector<16xf32> to vector<1x1x1x16xf32>
      tpu.vector_store %arg7[%parallel_loop3A_561, %parallel_loop3A_562, %parallel_loop3A_563, %parallel_loop3A_564], %parallel_loop3A_567 {add = true, strides = array<i32>} : memref<4x4x2x2048xf32, #tpu.memory_space<vmem>>, vector<1x1x1x16xf32>,
    } {sc.loop_unroll_factor = 8 : i64, sc.parallel_access}
    %parallel_loop3A_153 = arith.constant 0 : i32
    %parallel_loop3A_154 = arith.constant 128 : i32
    %parallel_loop3A_155 = arith.constant 1 : i32
    scf.for %parallel_loop3A_518 = %parallel_loop3A_153 to %parallel_loop3A_154 step %parallel_loop3A_155  : i32 {
      %parallel_loop3A_519 = arith.constant 16 : i32
      %parallel_loop3A_520 = arith.muli %parallel_loop3A_518, %parallel_loop3A_519 : i32
      %parallel_loop3A_521 = arith.constant 0 : i32
      %parallel_loop3A_522 = arith.constant 1 : i32
      %parallel_loop3A_523 = arith.index_cast %parallel_loop3A_521 : i32 to index
      %parallel_loop3A_524 = arith.index_cast %parallel_loop3A_522 : i32 to index
      %parallel_loop3A_525 = arith.index_cast %parallel_loop3A_520 : i32 to index
      %parallel_loop3A_526 = tpu.vector_load %arg8[%parallel_loop3A_523, %parallel_loop3A_524, %parallel_loop3A_525] {strides = array<i32>} : memref<4x2x2048xf32, #tpu.memory_space<vmem>>, vector<1x1x16xf32>,
      %parallel_loop3A_527 = vector.shape_cast %parallel_loop3A_526 : vector<1x1x16xf32> to vector<16xf32>
      %parallel_loop3A_528 = arith.constant 0 : i32
      %parallel_loop3A_529 = arith.constant 0 : i32
      %parallel_loop3A_530 = arith.constant 1 : i32
      %parallel_loop3A_531 = arith.index_cast %parallel_loop3A_528 : i32 to index
      %parallel_loop3A_532 = arith.index_cast %parallel_loop3A_529 : i32 to index
      %parallel_loop3A_533 = arith.index_cast %parallel_loop3A_530 : i32 to index
      %parallel_loop3A_534 = arith.index_cast %parallel_loop3A_520 : i32 to index
      %parallel_loop3A_535 = tpu.vector_load %arg7[%parallel_loop3A_531, %parallel_loop3A_532, %parallel_loop3A_533, %parallel_loop3A_534] {strides = array<i32>} : memref<4x4x2x2048xf32, #tpu.memory_space<vmem>>, vector<1x1x1x16xf32>,
      %parallel_loop3A_536 = vector.shape_cast %parallel_loop3A_535 : vector<1x1x1x16xf32> to vector<16xf32>
      %parallel_loop3A_537 = vector.shape_cast %parallel_loop3A_527 : vector<16xf32> to vector<1x1x1x16xf32>
      tpu.vector_store %arg7[%parallel_loop3A_531, %parallel_loop3A_532, %parallel_loop3A_533, %parallel_loop3A_534], %parallel_loop3A_537 {add = true, strides = array<i32>} : memref<4x4x2x2048xf32, #tpu.memory_space<vmem>>, vector<1x1x1x16xf32>,
      %parallel_loop3A_538 = arith.constant 0 : i32
      %parallel_loop3A_539 = arith.constant 1 : i32
      %parallel_loop3A_540 = arith.constant 1 : i32
      %parallel_loop3A_541 = arith.index_cast %parallel_loop3A_538 : i32 to index
      %parallel_loop3A_542 = arith.index_cast %parallel_loop3A_539 : i32 to index
      %parallel_loop3A_543 = arith.index_cast %parallel_loop3A_540 : i32 to index
      %parallel_loop3A_544 = arith.index_cast %parallel_loop3A_520 : i32 to index
      %parallel_loop3A_545 = tpu.vector_load %arg7[%parallel_loop3A_541, %parallel_loop3A_542, %parallel_loop3A_543, %parallel_loop3A_544] {strides = array<i32>} : memref<4x4x2x2048xf32, #tpu.memory_space<vmem>>, vector<1x1x1x16xf32>,
      %parallel_loop3A_546 = vector.shape_cast %parallel_loop3A_545 : vector<1x1x1x16xf32> to vector<16xf32>
      %parallel_loop3A_547 = vector.shape_cast %parallel_loop3A_527 : vector<16xf32> to vector<1x1x1x16xf32>
      tpu.vector_store %arg7[%parallel_loop3A_541, %parallel_loop3A_542, %parallel_loop3A_543, %parallel_loop3A_544], %parallel_loop3A_547 {add = true, strides = array<i32>} : memref<4x4x2x2048xf32, #tpu.memory_space<vmem>>, vector<1x1x1x16xf32>,
      %parallel_loop3A_548 = arith.constant 0 : i32
      %parallel_loop3A_549 = arith.constant 2 : i32
      %parallel_loop3A_550 = arith.constant 1 : i32
      %parallel_loop3A_551 = arith.index_cast %parallel_loop3A_548 : i32 to index
      %parallel_loop3A_552 = arith.index_cast %parallel_loop3A_549 : i32 to index
      %parallel_loop3A_553 = arith.index_cast %parallel_loop3A_550 : i32 to index
      %parallel_loop3A_554 = arith.index_cast %parallel_loop3A_520 : i32 to index
      %parallel_loop3A_555 = tpu.vector_load %arg7[%parallel_loop3A_551, %parallel_loop3A_552, %parallel_loop3A_553, %parallel_loop3A_554] {strides = array<i32>} : memref<4x4x2x2048xf32, #tpu.memory_space<vmem>>, vector<1x1x1x16xf32>,
      %parallel_loop3A_556 = vector.shape_cast %parallel_loop3A_555 : vector<1x1x1x16xf32> to vector<16xf32>
      %parallel_loop3A_557 = vector.shape_cast %parallel_loop3A_527 : vector<16xf32> to vector<1x1x1x16xf32>
      tpu.vector_store %arg7[%parallel_loop3A_551, %parallel_loop3A_552, %parallel_loop3A_553, %parallel_loop3A_554], %parallel_loop3A_557 {add = true, strides = array<i32>} : memref<4x4x2x2048xf32, #tpu.memory_space<vmem>>, vector<1x1x1x16xf32>,
      %parallel_loop3A_558 = arith.constant 0 : i32
      %parallel_loop3A_559 = arith.constant 3 : i32
      %parallel_loop3A_560 = arith.constant 1 : i32
      %parallel_loop3A_561 = arith.index_cast %parallel_loop3A_558 : i32 to index
      %parallel_loop3A_562 = arith.index_cast %parallel_loop3A_559 : i32 to index
      %parallel_loop3A_563 = arith.index_cast %parallel_loop3A_560 : i32 to index
      %parallel_loop3A_564 = arith.index_cast %parallel_loop3A_520 : i32 to index
      %parallel_loop3A_565 = tpu.vector_load %arg7[%parallel_loop3A_561, %parallel_loop3A_562, %parallel_loop3A_563, %parallel_loop3A_564] {strides = array<i32>} : memref<4x4x2x2048xf32, #tpu.memory_space<vmem>>, vector<1x1x1x16xf32>,
      %parallel_loop3A_566 = vector.shape_cast %parallel_loop3A_565 : vector<1x1x1x16xf32> to vector<16xf32>
      %parallel_loop3A_567 = vector.shape_cast %parallel_loop3A_527 : vector<16xf32> to vector<1x1x1x16xf32>
      tpu.vector_store %arg7[%parallel_loop3A_561, %parallel_loop3A_562, %parallel_loop3A_563, %parallel_loop3A_564], %parallel_loop3A_567 {add = true, strides = array<i32>} : memref<4x4x2x2048xf32, #tpu.memory_space<vmem>>, vector<1x1x1x16xf32>,
    } {sc.loop_unroll_factor = 8 : i64, sc.parallel_access}
    %add3A_156 = arith.constant 0 : i32
    %add3A_157 = arith.addi %mul3A_34, %add3A_156 : i32
    %dma_start3A_158 = arith.constant 0 : i32
    %dma_start3A_159 = arith.constant 0 : i32
    %dma_start3A_160 = arith.constant 0 : i32
    %dma_start3A_161 = arith.constant 0 : i32
    %dma_start3A_162 = tpu.memref_slice %arg7[%dma_start3A_158, %dma_start3A_159, %dma_start3A_160, %dma_start3A_161] : memref<4x4x2x2048xf32, #tpu.memory_space<vmem>> -> memref<1x4x2x2048xf32, #tpu.memory_space<vmem>>
    %dma_start3A_163 = tpu.memref_squeeze %dma_start3A_162 : memref<1x4x2x2048xf32, #tpu.memory_space<vmem>> -> memref<4x2x2048xf32, #tpu.memory_space<vmem>>
    %dma_start3A_164 = arith.constant 0 : i32
    %dma_start3A_165 = tpu.memref_slice %arg5[%mul3A_32, %add3A_157, %dma_start3A_164] : memref<4x4096x2048xf32, #tpu.memory_space<hbm>> -> memref<4x2x2048xf32, #tpu.memory_space<hbm>>
    %dma_start3A_166 = arith.constant 0 : i32
    %dma_start3A_167 = tpu.memref_slice %arg5[%mul3A_32, %add3A_157, %dma_start3A_166] : memref<4x4096x2048xf32, #tpu.memory_space<hbm>> -> memref<4x2x2048xf32, #tpu.memory_space<hbm>>
    %dma_start3A_168 = arith.constant 0 : i32
    %dma_start3A_169 = arith.constant 0 : i32
    %dma_start3A_170 = arith.constant 0 : i32
    %dma_start3A_171 = tpu.memref_slice %arg7[%dma_start3A_158, %dma_start3A_168, %dma_start3A_169, %dma_start3A_170] : memref<4x4x2x2048xf32, #tpu.memory_space<vmem>> -> memref<1x4x2x2048xf32, #tpu.memory_space<vmem>>
    %dma_start3A_172 = tpu.memref_squeeze %dma_start3A_171 : memref<1x4x2x2048xf32, #tpu.memory_space<vmem>> -> memref<4x2x2048xf32, #tpu.memory_space<vmem>>
    tpu.enqueue_dma source(%dma_start3A_172 : memref<4x2x2048xf32, #tpu.memory_space<vmem>>) target(%dma_start3A_167 : memref<4x2x2048xf32, #tpu.memory_space<hbm>>) target_semaphore(%arg17 : memref<!tpu.dma_semaphore, #tpu.memory_space<semaphore_mem>>)
    %add3A_173 = arith.constant 6 : i32
    %add3A_174 = arith.addi %mul3A_34, %add3A_173 : i32
    %dma_start3A_175 = arith.constant 3 : i32
    %dma_start3A_176 = arith.constant 0 : i32
    %dma_start3A_177 = arith.constant 0 : i32
    %dma_start3A_178 = arith.constant 0 : i32
    %dma_start3A_179 = tpu.memref_slice %arg7[%dma_start3A_175, %dma_start3A_176, %dma_start3A_177, %dma_start3A_178] : memref<4x4x2x2048xf32, #tpu.memory_space<vmem>> -> memref<1x4x2x2048xf32, #tpu.memory_space<vmem>>
    %dma_start3A_180 = tpu.memref_squeeze %dma_start3A_179 : memref<1x4x2x2048xf32, #tpu.memory_space<vmem>> -> memref<4x2x2048xf32, #tpu.memory_space<vmem>>
    %dma_start3A_181 = arith.constant 0 : i32
    %dma_start3A_182 = tpu.memref_slice %arg2[%mul3A_32, %add3A_174, %dma_start3A_181] : memref<4x4096x2048xf32, #tpu.memory_space<hbm>> -> memref<4x2x2048xf32, #tpu.memory_space<hbm>>
    %dma_start3A_183 = arith.constant 0 : i32
    %dma_start3A_184 = arith.constant 0 : i32
    %dma_start3A_185 = arith.constant 0 : i32
    %dma_start3A_186 = tpu.memref_slice %arg7[%dma_start3A_175, %dma_start3A_183, %dma_start3A_184, %dma_start3A_185] : memref<4x4x2x2048xf32, #tpu.memory_space<vmem>> -> memref<1x4x2x2048xf32, #tpu.memory_space<vmem>>
    %dma_start3A_187 = tpu.memref_squeeze %dma_start3A_186 : memref<1x4x2x2048xf32, #tpu.memory_space<vmem>> -> memref<4x2x2048xf32, #tpu.memory_space<vmem>>
    %dma_start3A_188 = arith.constant 0 : i32
    %dma_start3A_189 = tpu.memref_slice %arg2[%mul3A_32, %add3A_174, %dma_start3A_188] : memref<4x4096x2048xf32, #tpu.memory_space<hbm>> -> memref<4x2x2048xf32, #tpu.memory_space<hbm>>
    tpu.enqueue_dma source(%dma_start3A_189 : memref<4x2x2048xf32, #tpu.memory_space<hbm>>) target(%dma_start3A_187 : memref<4x2x2048xf32, #tpu.memory_space<vmem>>) target_semaphore(%arg12 : memref<!tpu.dma_semaphore, #tpu.memory_space<semaphore_mem>>)
    %dma_start3A_190 = arith.constant 3 : i32
    %dma_start3A_191 = arith.constant 3 : i32
    %dma_start3A_192 = arith.constant 0 : i32
    %dma_start3A_193 = arith.constant 0 : i32
    %dma_start3A_194 = tpu.memref_slice %arg8[%dma_start3A_191, %dma_start3A_192, %dma_start3A_193] : memref<4x2x2048xf32, #tpu.memory_space<vmem>> -> memref<1x2x2048xf32, #tpu.memory_space<vmem>>
    %dma_start3A_195 = tpu.memref_squeeze %dma_start3A_194 : memref<1x2x2048xf32, #tpu.memory_space<vmem>> -> memref<2x2048xf32, #tpu.memory_space<vmem>>
    %dma_start3A_196 = arith.constant 0 : i32
    %dma_start3A_197 = tpu.memref_slice %arg6[%dma_start3A_190, %dma_start3A_196] : memref<64x2xi32, #tpu.memory_space<vmem>> -> memref<1x2xi32, #tpu.memory_space<vmem>>
    %dma_start3A_198 = tpu.memref_squeeze %dma_start3A_197 : memref<1x2xi32, #tpu.memory_space<vmem>> -> memref<2xi32, #tpu.memory_space<vmem>>
    %dma_start3A_199 = arith.constant 0 : i32
    %dma_start3A_200 = arith.constant 0 : i32
    %dma_start3A_201 = tpu.memref_slice %arg4[%dma_start3A_199, %dma_start3A_200] : memref<8192x2048xf32, #tpu.memory_space<hbm>> -> memref<8192x2048xf32, #tpu.memory_space<hbm>>
    tpu.enqueue_indirect_dma source(%dma_start3A_201 : memref<8192x2048xf32, #tpu.memory_space<hbm>>) target(%dma_start3A_195 : memref<2x2048xf32, #tpu.memory_space<vmem>>) offsets(%dma_start3A_198 : memref<2xi32, #tpu.memory_space<vmem>>) semaphore(%arg16 : memref<!tpu.dma_semaphore, #tpu.memory_space<semaphore_mem>>)
    %add3A_202 = arith.constant 2 : i32
    %add3A_203 = arith.addi %mul3A_34, %add3A_202 : i32
    %dma_wait3A_204 = arith.constant 1 : i32
    %dma_wait3A_205 = arith.constant 0 : i32
    %dma_wait3A_206 = arith.constant 0 : i32
    %dma_wait3A_207 = arith.constant 0 : i32
    %dma_wait3A_208 = tpu.memref_slice %arg7[%dma_wait3A_204, %dma_wait3A_205, %dma_wait3A_206, %dma_wait3A_207] : memref<4x4x2x2048xf32, #tpu.memory_space<vmem>> -> memref<1x4x2x2048xf32, #tpu.memory_space<vmem>>
    %dma_wait3A_209 = tpu.memref_squeeze %dma_wait3A_208 : memref<1x4x2x2048xf32, #tpu.memory_space<vmem>> -> memref<4x2x2048xf32, #tpu.memory_space<vmem>>
    %dma_wait3A_210 = arith.constant 0 : i32
    %dma_wait3A_211 = tpu.memref_slice %arg2[%mul3A_32, %add3A_203, %dma_wait3A_210] : memref<4x4096x2048xf32, #tpu.memory_space<hbm>> -> memref<4x2x2048xf32, #tpu.memory_space<hbm>>
    %dma_wait3A_212 = arith.constant 0 : i32
    %dma_wait3A_213 = arith.constant 0 : i32
    %dma_wait3A_214 = arith.constant 0 : i32
    %dma_wait3A_215 = tpu.memref_slice %arg7[%dma_wait3A_204, %dma_wait3A_212, %dma_wait3A_213, %dma_wait3A_214] : memref<4x4x2x2048xf32, #tpu.memory_space<vmem>> -> memref<1x4x2x2048xf32, #tpu.memory_space<vmem>>
    %dma_wait3A_216 = tpu.memref_squeeze %dma_wait3A_215 : memref<1x4x2x2048xf32, #tpu.memory_space<vmem>> -> memref<4x2x2048xf32, #tpu.memory_space<vmem>>
    %dma_wait3A_217 = arith.constant 0 : i32
    %dma_wait3A_218 = tpu.memref_slice %arg2[%mul3A_32, %add3A_203, %dma_wait3A_217] : memref<4x4096x2048xf32, #tpu.memory_space<hbm>> -> memref<4x2x2048xf32, #tpu.memory_space<hbm>>
    tpu.wait_dma2 semaphore(%arg10 : memref<!tpu.dma_semaphore, #tpu.memory_space<semaphore_mem>>) src(%dma_wait3A_218 : memref<4x2x2048xf32, #tpu.memory_space<hbm>>) dst(%dma_wait3A_216 : memref<4x2x2048xf32, #tpu.memory_space<vmem>>)
    %dma_wait3A_219 = arith.constant 1 : i32
    %dma_wait3A_220 = arith.constant 1 : i32
    %dma_wait3A_221 = arith.constant 0 : i32
    %dma_wait3A_222 = arith.constant 0 : i32
    %dma_wait3A_223 = tpu.memref_slice %arg8[%dma_wait3A_220, %dma_wait3A_221, %dma_wait3A_222] : memref<4x2x2048xf32, #tpu.memory_space<vmem>> -> memref<1x2x2048xf32, #tpu.memory_space<vmem>>
    %dma_wait3A_224 = tpu.memref_squeeze %dma_wait3A_223 : memref<1x2x2048xf32, #tpu.memory_space<vmem>> -> memref<2x2048xf32, #tpu.memory_space<vmem>>
    %dma_wait3A_225 = arith.constant 0 : i32
    %dma_wait3A_226 = tpu.memref_slice %arg6[%dma_wait3A_219, %dma_wait3A_225] : memref<64x2xi32, #tpu.memory_space<vmem>> -> memref<1x2xi32, #tpu.memory_space<vmem>>
    %dma_wait3A_227 = tpu.memref_squeeze %dma_wait3A_226 : memref<1x2xi32, #tpu.memory_space<vmem>> -> memref<2xi32, #tpu.memory_space<vmem>>
    %dma_wait3A_228 = arith.constant 0 : i32
    %dma_wait3A_229 = arith.constant 0 : i32
    %dma_wait3A_230 = tpu.memref_slice %arg4[%dma_wait3A_228, %dma_wait3A_229] : memref<8192x2048xf32, #tpu.memory_space<hbm>> -> memref<8192x2048xf32, #tpu.memory_space<hbm>>
    tpu.wait_indirect_dma semaphore(%arg14 : memref<!tpu.dma_semaphore, #tpu.memory_space<semaphore_mem>>) src(%dma_wait3A_230 : memref<8192x2048xf32, #tpu.memory_space<hbm>>) dst(%dma_wait3A_224 : memref<2x2048xf32, #tpu.memory_space<vmem>>)
    %parallel_loop3A_231 = arith.constant 0 : i32
    %parallel_loop3A_232 = arith.constant 128 : i32
    %parallel_loop3A_233 = arith.constant 1 : i32
    scf.for %parallel_loop3A_518 = %parallel_loop3A_231 to %parallel_loop3A_232 step %parallel_loop3A_233  : i32 {
      %parallel_loop3A_519 = arith.constant 16 : i32
      %parallel_loop3A_520 = arith.muli %parallel_loop3A_518, %parallel_loop3A_519 : i32
      %parallel_loop3A_521 = arith.constant 1 : i32
      %parallel_loop3A_522 = arith.constant 0 : i32
      %parallel_loop3A_523 = arith.index_cast %parallel_loop3A_521 : i32 to index
      %parallel_loop3A_524 = arith.index_cast %parallel_loop3A_522 : i32 to index
      %parallel_loop3A_525 = arith.index_cast %parallel_loop3A_520 : i32 to index
      %parallel_loop3A_526 = tpu.vector_load %arg8[%parallel_loop3A_523, %parallel_loop3A_524, %parallel_loop3A_525] {strides = array<i32>} : memref<4x2x2048xf32, #tpu.memory_space<vmem>>, vector<1x1x16xf32>,
      %parallel_loop3A_527 = vector.shape_cast %parallel_loop3A_526 : vector<1x1x16xf32> to vector<16xf32>
      %parallel_loop3A_528 = arith.constant 1 : i32
      %parallel_loop3A_529 = arith.constant 0 : i32
      %parallel_loop3A_530 = arith.constant 0 : i32
      %parallel_loop3A_531 = arith.index_cast %parallel_loop3A_528 : i32 to index
      %parallel_loop3A_532 = arith.index_cast %parallel_loop3A_529 : i32 to index
      %parallel_loop3A_533 = arith.index_cast %parallel_loop3A_530 : i32 to index
      %parallel_loop3A_534 = arith.index_cast %parallel_loop3A_520 : i32 to index
      %parallel_loop3A_535 = tpu.vector_load %arg7[%parallel_loop3A_531, %parallel_loop3A_532, %parallel_loop3A_533, %parallel_loop3A_534] {strides = array<i32>} : memref<4x4x2x2048xf32, #tpu.memory_space<vmem>>, vector<1x1x1x16xf32>,
      %parallel_loop3A_536 = vector.shape_cast %parallel_loop3A_535 : vector<1x1x1x16xf32> to vector<16xf32>
      %parallel_loop3A_537 = vector.shape_cast %parallel_loop3A_527 : vector<16xf32> to vector<1x1x1x16xf32>
      tpu.vector_store %arg7[%parallel_loop3A_531, %parallel_loop3A_532, %parallel_loop3A_533, %parallel_loop3A_534], %parallel_loop3A_537 {add = true, strides = array<i32>} : memref<4x4x2x2048xf32, #tpu.memory_space<vmem>>, vector<1x1x1x16xf32>,
      %parallel_loop3A_538 = arith.constant 1 : i32
      %parallel_loop3A_539 = arith.constant 1 : i32
      %parallel_loop3A_540 = arith.constant 0 : i32
      %parallel_loop3A_541 = arith.index_cast %parallel_loop3A_538 : i32 to index
      %parallel_loop3A_542 = arith.index_cast %parallel_loop3A_539 : i32 to index
      %parallel_loop3A_543 = arith.index_cast %parallel_loop3A_540 : i32 to index
      %parallel_loop3A_544 = arith.index_cast %parallel_loop3A_520 : i32 to index
      %parallel_loop3A_545 = tpu.vector_load %arg7[%parallel_loop3A_541, %parallel_loop3A_542, %parallel_loop3A_543, %parallel_loop3A_544] {strides = array<i32>} : memref<4x4x2x2048xf32, #tpu.memory_space<vmem>>, vector<1x1x1x16xf32>,
      %parallel_loop3A_546 = vector.shape_cast %parallel_loop3A_545 : vector<1x1x1x16xf32> to vector<16xf32>
      %parallel_loop3A_547 = vector.shape_cast %parallel_loop3A_527 : vector<16xf32> to vector<1x1x1x16xf32>
      tpu.vector_store %arg7[%parallel_loop3A_541, %parallel_loop3A_542, %parallel_loop3A_543, %parallel_loop3A_544], %parallel_loop3A_547 {add = true, strides = array<i32>} : memref<4x4x2x2048xf32, #tpu.memory_space<vmem>>, vector<1x1x1x16xf32>,
      %parallel_loop3A_548 = arith.constant 1 : i32
      %parallel_loop3A_549 = arith.constant 2 : i32
      %parallel_loop3A_550 = arith.constant 0 : i32
      %parallel_loop3A_551 = arith.index_cast %parallel_loop3A_548 : i32 to index
      %parallel_loop3A_552 = arith.index_cast %parallel_loop3A_549 : i32 to index
      %parallel_loop3A_553 = arith.index_cast %parallel_loop3A_550 : i32 to index
      %parallel_loop3A_554 = arith.index_cast %parallel_loop3A_520 : i32 to index
      %parallel_loop3A_555 = tpu.vector_load %arg7[%parallel_loop3A_551, %parallel_loop3A_552, %parallel_loop3A_553, %parallel_loop3A_554] {strides = array<i32>} : memref<4x4x2x2048xf32, #tpu.memory_space<vmem>>, vector<1x1x1x16xf32>,
      %parallel_loop3A_556 = vector.shape_cast %parallel_loop3A_555 : vector<1x1x1x16xf32> to vector<16xf32>
      %parallel_loop3A_557 = vector.shape_cast %parallel_loop3A_527 : vector<16xf32> to vector<1x1x1x16xf32>
      tpu.vector_store %arg7[%parallel_loop3A_551, %parallel_loop3A_552, %parallel_loop3A_553, %parallel_loop3A_554], %parallel_loop3A_557 {add = true, strides = array<i32>} : memref<4x4x2x2048xf32, #tpu.memory_space<vmem>>, vector<1x1x1x16xf32>,
      %parallel_loop3A_558 = arith.constant 1 : i32
      %parallel_loop3A_559 = arith.constant 3 : i32
      %parallel_loop3A_560 = arith.constant 0 : i32
      %parallel_loop3A_561 = arith.index_cast %parallel_loop3A_558 : i32 to index
      %parallel_loop3A_562 = arith.index_cast %parallel_loop3A_559 : i32 to index
      %parallel_loop3A_563 = arith.index_cast %parallel_loop3A_560 : i32 to index
      %parallel_loop3A_564 = arith.index_cast %parallel_loop3A_520 : i32 to index
      %parallel_loop3A_565 = tpu.vector_load %arg7[%parallel_loop3A_561, %parallel_loop3A_562, %parallel_loop3A_563, %parallel_loop3A_564] {strides = array<i32>} : memref<4x4x2x2048xf32, #tpu.memory_space<vmem>>, vector<1x1x1x16xf32>,
      %parallel_loop3A_566 = vector.shape_cast %parallel_loop3A_565 : vector<1x1x1x16xf32> to vector<16xf32>
      %parallel_loop3A_567 = vector.shape_cast %parallel_loop3A_527 : vector<16xf32> to vector<1x1x1x16xf32>
      tpu.vector_store %arg7[%parallel_loop3A_561, %parallel_loop3A_562, %parallel_loop3A_563, %parallel_loop3A_564], %parallel_loop3A_567 {add = true, strides = array<i32>} : memref<4x4x2x2048xf32, #tpu.memory_space<vmem>>, vector<1x1x1x16xf32>,
    } {sc.loop_unroll_factor = 8 : i64, sc.parallel_access}
    %parallel_loop3A_234 = arith.constant 0 : i32
    %parallel_loop3A_235 = arith.constant 128 : i32
    %parallel_loop3A_236 = arith.constant 1 : i32
    scf.for %parallel_loop3A_518 = %parallel_loop3A_234 to %parallel_loop3A_235 step %parallel_loop3A_236  : i32 {
      %parallel_loop3A_519 = arith.constant 16 : i32
      %parallel_loop3A_520 = arith.muli %parallel_loop3A_518, %parallel_loop3A_519 : i32
      %parallel_loop3A_521 = arith.constant 1 : i32
      %parallel_loop3A_522 = arith.constant 1 : i32
      %parallel_loop3A_523 = arith.index_cast %parallel_loop3A_521 : i32 to index
      %parallel_loop3A_524 = arith.index_cast %parallel_loop3A_522 : i32 to index
      %parallel_loop3A_525 = arith.index_cast %parallel_loop3A_520 : i32 to index
      %parallel_loop3A_526 = tpu.vector_load %arg8[%parallel_loop3A_523, %parallel_loop3A_524, %parallel_loop3A_525] {strides = array<i32>} : memref<4x2x2048xf32, #tpu.memory_space<vmem>>, vector<1x1x16xf32>,
      %parallel_loop3A_527 = vector.shape_cast %parallel_loop3A_526 : vector<1x1x16xf32> to vector<16xf32>
      %parallel_loop3A_528 = arith.constant 1 : i32
      %parallel_loop3A_529 = arith.constant 0 : i32
      %parallel_loop3A_530 = arith.constant 1 : i32
      %parallel_loop3A_531 = arith.index_cast %parallel_loop3A_528 : i32 to index
      %parallel_loop3A_532 = arith.index_cast %parallel_loop3A_529 : i32 to index
      %parallel_loop3A_533 = arith.index_cast %parallel_loop3A_530 : i32 to index
      %parallel_loop3A_534 = arith.index_cast %parallel_loop3A_520 : i32 to index
      %parallel_loop3A_535 = tpu.vector_load %arg7[%parallel_loop3A_531, %parallel_loop3A_532, %parallel_loop3A_533, %parallel_loop3A_534] {strides = array<i32>} : memref<4x4x2x2048xf32, #tpu.memory_space<vmem>>, vector<1x1x1x16xf32>,
      %parallel_loop3A_536 = vector.shape_cast %parallel_loop3A_535 : vector<1x1x1x16xf32> to vector<16xf32>
      %parallel_loop3A_537 = vector.shape_cast %parallel_loop3A_527 : vector<16xf32> to vector<1x1x1x16xf32>
      tpu.vector_store %arg7[%parallel_loop3A_531, %parallel_loop3A_532, %parallel_loop3A_533, %parallel_loop3A_534], %parallel_loop3A_537 {add = true, strides = array<i32>} : memref<4x4x2x2048xf32, #tpu.memory_space<vmem>>, vector<1x1x1x16xf32>,
      %parallel_loop3A_538 = arith.constant 1 : i32
      %parallel_loop3A_539 = arith.constant 1 : i32
      %parallel_loop3A_540 = arith.constant 1 : i32
      %parallel_loop3A_541 = arith.index_cast %parallel_loop3A_538 : i32 to index
      %parallel_loop3A_542 = arith.index_cast %parallel_loop3A_539 : i32 to index
      %parallel_loop3A_543 = arith.index_cast %parallel_loop3A_540 : i32 to index
      %parallel_loop3A_544 = arith.index_cast %parallel_loop3A_520 : i32 to index
      %parallel_loop3A_545 = tpu.vector_load %arg7[%parallel_loop3A_541, %parallel_loop3A_542, %parallel_loop3A_543, %parallel_loop3A_544] {strides = array<i32>} : memref<4x4x2x2048xf32, #tpu.memory_space<vmem>>, vector<1x1x1x16xf32>,
      %parallel_loop3A_546 = vector.shape_cast %parallel_loop3A_545 : vector<1x1x1x16xf32> to vector<16xf32>
      %parallel_loop3A_547 = vector.shape_cast %parallel_loop3A_527 : vector<16xf32> to vector<1x1x1x16xf32>
      tpu.vector_store %arg7[%parallel_loop3A_541, %parallel_loop3A_542, %parallel_loop3A_543, %parallel_loop3A_544], %parallel_loop3A_547 {add = true, strides = array<i32>} : memref<4x4x2x2048xf32, #tpu.memory_space<vmem>>, vector<1x1x1x16xf32>,
      %parallel_loop3A_548 = arith.constant 1 : i32
      %parallel_loop3A_549 = arith.constant 2 : i32
      %parallel_loop3A_550 = arith.constant 1 : i32
      %parallel_loop3A_551 = arith.index_cast %parallel_loop3A_548 : i32 to index
      %parallel_loop3A_552 = arith.index_cast %parallel_loop3A_549 : i32 to index
      %parallel_loop3A_553 = arith.index_cast %parallel_loop3A_550 : i32 to index
      %parallel_loop3A_554 = arith.index_cast %parallel_loop3A_520 : i32 to index
      %parallel_loop3A_555 = tpu.vector_load %arg7[%parallel_loop3A_551, %parallel_loop3A_552, %parallel_loop3A_553, %parallel_loop3A_554] {strides = array<i32>} : memref<4x4x2x2048xf32, #tpu.memory_space<vmem>>, vector<1x1x1x16xf32>,
      %parallel_loop3A_556 = vector.shape_cast %parallel_loop3A_555 : vector<1x1x1x16xf32> to vector<16xf32>
      %parallel_loop3A_557 = vector.shape_cast %parallel_loop3A_527 : vector<16xf32> to vector<1x1x1x16xf32>
      tpu.vector_store %arg7[%parallel_loop3A_551, %parallel_loop3A_552, %parallel_loop3A_553, %parallel_loop3A_554], %parallel_loop3A_557 {add = true, strides = array<i32>} : memref<4x4x2x2048xf32, #tpu.memory_space<vmem>>, vector<1x1x1x16xf32>,
      %parallel_loop3A_558 = arith.constant 1 : i32
      %parallel_loop3A_559 = arith.constant 3 : i32
      %parallel_loop3A_560 = arith.constant 1 : i32
      %parallel_loop3A_561 = arith.index_cast %parallel_loop3A_558 : i32 to index
      %parallel_loop3A_562 = arith.index_cast %parallel_loop3A_559 : i32 to index
      %parallel_loop3A_563 = arith.index_cast %parallel_loop3A_560 : i32 to index
      %parallel_loop3A_564 = arith.index_cast %parallel_loop3A_520 : i32 to index
      %parallel_loop3A_565 = tpu.vector_load %arg7[%parallel_loop3A_561, %parallel_loop3A_562, %parallel_loop3A_563, %parallel_loop3A_564] {strides = array<i32>} : memref<4x4x2x2048xf32, #tpu.memory_space<vmem>>, vector<1x1x1x16xf32>,
      %parallel_loop3A_566 = vector.shape_cast %parallel_loop3A_565 : vector<1x1x1x16xf32> to vector<16xf32>
      %parallel_loop3A_567 = vector.shape_cast %parallel_loop3A_527 : vector<16xf32> to vector<1x1x1x16xf32>
      tpu.vector_store %arg7[%parallel_loop3A_561, %parallel_loop3A_562, %parallel_loop3A_563, %parallel_loop3A_564], %parallel_loop3A_567 {add = true, strides = array<i32>} : memref<4x4x2x2048xf32, #tpu.memory_space<vmem>>, vector<1x1x1x16xf32>,
    } {sc.loop_unroll_factor = 8 : i64, sc.parallel_access}
    %add3A_237 = arith.constant 2 : i32
    %add3A_238 = arith.addi %mul3A_34, %add3A_237 : i32
    %dma_start3A_239 = arith.constant 1 : i32
    %dma_start3A_240 = arith.constant 0 : i32
    %dma_start3A_241 = arith.constant 0 : i32
    %dma_start3A_242 = arith.constant 0 : i32
    %dma_start3A_243 = tpu.memref_slice %arg7[%dma_start3A_239, %dma_start3A_240, %dma_start3A_241, %dma_start3A_242] : memref<4x4x2x2048xf32, #tpu.memory_space<vmem>> -> memref<1x4x2x2048xf32, #tpu.memory_space<vmem>>
    %dma_start3A_244 = tpu.memref_squeeze %dma_start3A_243 : memref<1x4x2x2048xf32, #tpu.memory_space<vmem>> -> memref<4x2x2048xf32, #tpu.memory_space<vmem>>
    %dma_start3A_245 = arith.constant 0 : i32
    %dma_start3A_246 = tpu.memref_slice %arg5[%mul3A_32, %add3A_238, %dma_start3A_245] : memref<4x4096x2048xf32, #tpu.memory_space<hbm>> -> memref<4x2x2048xf32, #tpu.memory_space<hbm>>
    %dma_start3A_247 = arith.constant 0 : i32
    %dma_start3A_248 = tpu.memref_slice %arg5[%mul3A_32, %add3A_238, %dma_start3A_247] : memref<4x4096x2048xf32, #tpu.memory_space<hbm>> -> memref<4x2x2048xf32, #tpu.memory_space<hbm>>
    %dma_start3A_249 = arith.constant 0 : i32
    %dma_start3A_250 = arith.constant 0 : i32
    %dma_start3A_251 = arith.constant 0 : i32
    %dma_start3A_252 = tpu.memref_slice %arg7[%dma_start3A_239, %dma_start3A_249, %dma_start3A_250, %dma_start3A_251] : memref<4x4x2x2048xf32, #tpu.memory_space<vmem>> -> memref<1x4x2x2048xf32, #tpu.memory_space<vmem>>
    %dma_start3A_253 = tpu.memref_squeeze %dma_start3A_252 : memref<1x4x2x2048xf32, #tpu.memory_space<vmem>> -> memref<4x2x2048xf32, #tpu.memory_space<vmem>>
    tpu.enqueue_dma source(%dma_start3A_253 : memref<4x2x2048xf32, #tpu.memory_space<vmem>>) target(%dma_start3A_248 : memref<4x2x2048xf32, #tpu.memory_space<hbm>>) target_semaphore(%arg18 : memref<!tpu.dma_semaphore, #tpu.memory_space<semaphore_mem>>)
    %add3A_254 = arith.constant 0 : i32
    %add3A_255 = arith.addi %mul3A_34, %add3A_254 : i32
    %dma_wait3A_256 = arith.constant 0 : i32
    %dma_wait3A_257 = arith.constant 0 : i32
    %dma_wait3A_258 = arith.constant 0 : i32
    %dma_wait3A_259 = arith.constant 0 : i32
    %dma_wait3A_260 = tpu.memref_slice %arg7[%dma_wait3A_256, %dma_wait3A_257, %dma_wait3A_258, %dma_wait3A_259] : memref<4x4x2x2048xf32, #tpu.memory_space<vmem>> -> memref<1x4x2x2048xf32, #tpu.memory_space<vmem>>
    %dma_wait3A_261 = tpu.memref_squeeze %dma_wait3A_260 : memref<1x4x2x2048xf32, #tpu.memory_space<vmem>> -> memref<4x2x2048xf32, #tpu.memory_space<vmem>>
    %dma_wait3A_262 = arith.constant 0 : i32
    %dma_wait3A_263 = tpu.memref_slice %arg5[%mul3A_32, %add3A_255, %dma_wait3A_262] : memref<4x4096x2048xf32, #tpu.memory_space<hbm>> -> memref<4x2x2048xf32, #tpu.memory_space<hbm>>
    %dma_wait3A_264 = arith.constant 0 : i32
    %dma_wait3A_265 = tpu.memref_slice %arg5[%mul3A_32, %add3A_255, %dma_wait3A_264] : memref<4x4096x2048xf32, #tpu.memory_space<hbm>> -> memref<4x2x2048xf32, #tpu.memory_space<hbm>>
    %dma_wait3A_266 = arith.constant 0 : i32
    %dma_wait3A_267 = arith.constant 0 : i32
    %dma_wait3A_268 = arith.constant 0 : i32
    %dma_wait3A_269 = tpu.memref_slice %arg7[%dma_wait3A_256, %dma_wait3A_266, %dma_wait3A_267, %dma_wait3A_268] : memref<4x4x2x2048xf32, #tpu.memory_space<vmem>> -> memref<1x4x2x2048xf32, #tpu.memory_space<vmem>>
    %dma_wait3A_270 = tpu.memref_squeeze %dma_wait3A_269 : memref<1x4x2x2048xf32, #tpu.memory_space<vmem>> -> memref<4x2x2048xf32, #tpu.memory_space<vmem>>
    tpu.wait_dma2 semaphore(%arg17 : memref<!tpu.dma_semaphore, #tpu.memory_space<semaphore_mem>>) src(%dma_wait3A_270 : memref<4x2x2048xf32, #tpu.memory_space<vmem>>) dst(%dma_wait3A_265 : memref<4x2x2048xf32, #tpu.memory_space<hbm>>)
    %add3A_271 = arith.constant 8 : i32
    %add3A_272 = arith.addi %mul3A_34, %add3A_271 : i32
    %dma_start3A_273 = arith.constant 0 : i32
    %dma_start3A_274 = arith.constant 0 : i32
    %dma_start3A_275 = arith.constant 0 : i32
    %dma_start3A_276 = arith.constant 0 : i32
    %dma_start3A_277 = tpu.memref_slice %arg7[%dma_start3A_273, %dma_start3A_274, %dma_start3A_275, %dma_start3A_276] : memref<4x4x2x2048xf32, #tpu.memory_space<vmem>> -> memref<1x4x2x2048xf32, #tpu.memory_space<vmem>>
    %dma_start3A_278 = tpu.memref_squeeze %dma_start3A_277 : memref<1x4x2x2048xf32, #tpu.memory_space<vmem>> -> memref<4x2x2048xf32, #tpu.memory_space<vmem>>
    %dma_start3A_279 = arith.constant 0 : i32
    %dma_start3A_280 = tpu.memref_slice %arg2[%mul3A_32, %add3A_272, %dma_start3A_279] : memref<4x4096x2048xf32, #tpu.memory_space<hbm>> -> memref<4x2x2048xf32, #tpu.memory_space<hbm>>
    %dma_start3A_281 = arith.constant 0 : i32
    %dma_start3A_282 = arith.constant 0 : i32
    %dma_start3A_283 = arith.constant 0 : i32
    %dma_start3A_284 = tpu.memref_slice %arg7[%dma_start3A_273, %dma_start3A_281, %dma_start3A_282, %dma_start3A_283] : memref<4x4x2x2048xf32, #tpu.memory_space<vmem>> -> memref<1x4x2x2048xf32, #tpu.memory_space<vmem>>
    %dma_start3A_285 = tpu.memref_squeeze %dma_start3A_284 : memref<1x4x2x2048xf32, #tpu.memory_space<vmem>> -> memref<4x2x2048xf32, #tpu.memory_space<vmem>>
    %dma_start3A_286 = arith.constant 0 : i32
    %dma_start3A_287 = tpu.memref_slice %arg2[%mul3A_32, %add3A_272, %dma_start3A_286] : memref<4x4096x2048xf32, #tpu.memory_space<hbm>> -> memref<4x2x2048xf32, #tpu.memory_space<hbm>>
    tpu.enqueue_dma source(%dma_start3A_287 : memref<4x2x2048xf32, #tpu.memory_space<hbm>>) target(%dma_start3A_285 : memref<4x2x2048xf32, #tpu.memory_space<vmem>>) target_semaphore(%arg9 : memref<!tpu.dma_semaphore, #tpu.memory_space<semaphore_mem>>)
    %dma_start3A_288 = arith.constant 4 : i32
    %dma_start3A_289 = arith.constant 0 : i32
    %dma_start3A_290 = arith.constant 0 : i32
    %dma_start3A_291 = arith.constant 0 : i32
    %dma_start3A_292 = tpu.memref_slice %arg8[%dma_start3A_289, %dma_start3A_290, %dma_start3A_291] : memref<4x2x2048xf32, #tpu.memory_space<vmem>> -> memref<1x2x2048xf32, #tpu.memory_space<vmem>>
    %dma_start3A_293 = tpu.memref_squeeze %dma_start3A_292 : memref<1x2x2048xf32, #tpu.memory_space<vmem>> -> memref<2x2048xf32, #tpu.memory_space<vmem>>
    %dma_start3A_294 = arith.constant 0 : i32
    %dma_start3A_295 = tpu.memref_slice %arg6[%dma_start3A_288, %dma_start3A_294] : memref<64x2xi32, #tpu.memory_space<vmem>> -> memref<1x2xi32, #tpu.memory_space<vmem>>
    %dma_start3A_296 = tpu.memref_squeeze %dma_start3A_295 : memref<1x2xi32, #tpu.memory_space<vmem>> -> memref<2xi32, #tpu.memory_space<vmem>>
    %dma_start3A_297 = arith.constant 0 : i32
    %dma_start3A_298 = arith.constant 0 : i32
    %dma_start3A_299 = tpu.memref_slice %arg4[%dma_start3A_297, %dma_start3A_298] : memref<8192x2048xf32, #tpu.memory_space<hbm>> -> memref<8192x2048xf32, #tpu.memory_space<hbm>>
    tpu.enqueue_indirect_dma source(%dma_start3A_299 : memref<8192x2048xf32, #tpu.memory_space<hbm>>) target(%dma_start3A_293 : memref<2x2048xf32, #tpu.memory_space<vmem>>) offsets(%dma_start3A_296 : memref<2xi32, #tpu.memory_space<vmem>>) semaphore(%arg13 : memref<!tpu.dma_semaphore, #tpu.memory_space<semaphore_mem>>)
    %add3A_300 = arith.constant 4 : i32
    %add3A_301 = arith.addi %mul3A_34, %add3A_300 : i32
    %dma_wait3A_302 = arith.constant 2 : i32
    %dma_wait3A_303 = arith.constant 0 : i32
    %dma_wait3A_304 = arith.constant 0 : i32
    %dma_wait3A_305 = arith.constant 0 : i32
    %dma_wait3A_306 = tpu.memref_slice %arg7[%dma_wait3A_302, %dma_wait3A_303, %dma_wait3A_304, %dma_wait3A_305] : memref<4x4x2x2048xf32, #tpu.memory_space<vmem>> -> memref<1x4x2x2048xf32, #tpu.memory_space<vmem>>
    %dma_wait3A_307 = tpu.memref_squeeze %dma_wait3A_306 : memref<1x4x2x2048xf32, #tpu.memory_space<vmem>> -> memref<4x2x2048xf32, #tpu.memory_space<vmem>>
    %dma_wait3A_308 = arith.constant 0 : i32
    %dma_wait3A_309 = tpu.memref_slice %arg2[%mul3A_32, %add3A_301, %dma_wait3A_308] : memref<4x4096x2048xf32, #tpu.memory_space<hbm>> -> memref<4x2x2048xf32, #tpu.memory_space<hbm>>
    %dma_wait3A_310 = arith.constant 0 : i32
    %dma_wait3A_311 = arith.constant 0 : i32
    %dma_wait3A_312 = arith.constant 0 : i32
    %dma_wait3A_313 = tpu.memref_slice %arg7[%dma_wait3A_302, %dma_wait3A_310, %dma_wait3A_311, %dma_wait3A_312] : memref<4x4x2x2048xf32, #tpu.memory_space<vmem>> -> memref<1x4x2x2048xf32, #tpu.memory_space<vmem>>
    %dma_wait3A_314 = tpu.memref_squeeze %dma_wait3A_313 : memref<1x4x2x2048xf32, #tpu.memory_space<vmem>> -> memref<4x2x2048xf32, #tpu.memory_space<vmem>>
    %dma_wait3A_315 = arith.constant 0 : i32
    %dma_wait3A_316 = tpu.memref_slice %arg2[%mul3A_32, %add3A_301, %dma_wait3A_315] : memref<4x4096x2048xf32, #tpu.memory_space<hbm>> -> memref<4x2x2048xf32, #tpu.memory_space<hbm>>
    tpu.wait_dma2 semaphore(%arg11 : memref<!tpu.dma_semaphore, #tpu.memory_space<semaphore_mem>>) src(%dma_wait3A_316 : memref<4x2x2048xf32, #tpu.memory_space<hbm>>) dst(%dma_wait3A_314 : memref<4x2x2048xf32, #tpu.memory_space<vmem>>)
    %dma_wait3A_317 = arith.constant 2 : i32
    %dma_wait3A_318 = arith.constant 2 : i32
    %dma_wait3A_319 = arith.constant 0 : i32
    %dma_wait3A_320 = arith.constant 0 : i32
    %dma_wait3A_321 = tpu.memref_slice %arg8[%dma_wait3A_318, %dma_wait3A_319, %dma_wait3A_320] : memref<4x2x2048xf32, #tpu.memory_space<vmem>> -> memref<1x2x2048xf32, #tpu.memory_space<vmem>>
    %dma_wait3A_322 = tpu.memref_squeeze %dma_wait3A_321 : memref<1x2x2048xf32, #tpu.memory_space<vmem>> -> memref<2x2048xf32, #tpu.memory_space<vmem>>
    %dma_wait3A_323 = arith.constant 0 : i32
    %dma_wait3A_324 = tpu.memref_slice %arg6[%dma_wait3A_317, %dma_wait3A_323] : memref<64x2xi32, #tpu.memory_space<vmem>> -> memref<1x2xi32, #tpu.memory_space<vmem>>
    %dma_wait3A_325 = tpu.memref_squeeze %dma_wait3A_324 : memref<1x2xi32, #tpu.memory_space<vmem>> -> memref<2xi32, #tpu.memory_space<vmem>>
    %dma_wait3A_326 = arith.constant 0 : i32
    %dma_wait3A_327 = arith.constant 0 : i32
    %dma_wait3A_328 = tpu.memref_slice %arg4[%dma_wait3A_326, %dma_wait3A_327] : memref<8192x2048xf32, #tpu.memory_space<hbm>> -> memref<8192x2048xf32, #tpu.memory_space<hbm>>
    tpu.wait_indirect_dma semaphore(%arg15 : memref<!tpu.dma_semaphore, #tpu.memory_space<semaphore_mem>>) src(%dma_wait3A_328 : memref<8192x2048xf32, #tpu.memory_space<hbm>>) dst(%dma_wait3A_322 : memref<2x2048xf32, #tpu.memory_space<vmem>>)
    %parallel_loop3A_329 = arith.constant 0 : i32
    %parallel_loop3A_330 = arith.constant 128 : i32
    %parallel_loop3A_331 = arith.constant 1 : i32
    scf.for %parallel_loop3A_518 = %parallel_loop3A_329 to %parallel_loop3A_330 step %parallel_loop3A_331  : i32 {
      %parallel_loop3A_519 = arith.constant 16 : i32
      %parallel_loop3A_520 = arith.muli %parallel_loop3A_518, %parallel_loop3A_519 : i32
      %parallel_loop3A_521 = arith.constant 2 : i32
      %parallel_loop3A_522 = arith.constant 0 : i32
      %parallel_loop3A_523 = arith.index_cast %parallel_loop3A_521 : i32 to index
      %parallel_loop3A_524 = arith.index_cast %parallel_loop3A_522 : i32 to index
      %parallel_loop3A_525 = arith.index_cast %parallel_loop3A_520 : i32 to index
      %parallel_loop3A_526 = tpu.vector_load %arg8[%parallel_loop3A_523, %parallel_loop3A_524, %parallel_loop3A_525] {strides = array<i32>} : memref<4x2x2048xf32, #tpu.memory_space<vmem>>, vector<1x1x16xf32>,
      %parallel_loop3A_527 = vector.shape_cast %parallel_loop3A_526 : vector<1x1x16xf32> to vector<16xf32>
      %parallel_loop3A_528 = arith.constant 2 : i32
      %parallel_loop3A_529 = arith.constant 0 : i32
      %parallel_loop3A_530 = arith.constant 0 : i32
      %parallel_loop3A_531 = arith.index_cast %parallel_loop3A_528 : i32 to index
      %parallel_loop3A_532 = arith.index_cast %parallel_loop3A_529 : i32 to index
      %parallel_loop3A_533 = arith.index_cast %parallel_loop3A_530 : i32 to index
      %parallel_loop3A_534 = arith.index_cast %parallel_loop3A_520 : i32 to index
      %parallel_loop3A_535 = tpu.vector_load %arg7[%parallel_loop3A_531, %parallel_loop3A_532, %parallel_loop3A_533, %parallel_loop3A_534] {strides = array<i32>} : memref<4x4x2x2048xf32, #tpu.memory_space<vmem>>, vector<1x1x1x16xf32>,
      %parallel_loop3A_536 = vector.shape_cast %parallel_loop3A_535 : vector<1x1x1x16xf32> to vector<16xf32>
      %parallel_loop3A_537 = vector.shape_cast %parallel_loop3A_527 : vector<16xf32> to vector<1x1x1x16xf32>
      tpu.vector_store %arg7[%parallel_loop3A_531, %parallel_loop3A_532, %parallel_loop3A_533, %parallel_loop3A_534], %parallel_loop3A_537 {add = true, strides = array<i32>} : memref<4x4x2x2048xf32, #tpu.memory_space<vmem>>, vector<1x1x1x16xf32>,
      %parallel_loop3A_538 = arith.constant 2 : i32
      %parallel_loop3A_539 = arith.constant 1 : i32
      %parallel_loop3A_540 = arith.constant 0 : i32
      %parallel_loop3A_541 = arith.index_cast %parallel_loop3A_538 : i32 to index
      %parallel_loop3A_542 = arith.index_cast %parallel_loop3A_539 : i32 to index
      %parallel_loop3A_543 = arith.index_cast %parallel_loop3A_540 : i32 to index
      %parallel_loop3A_544 = arith.index_cast %parallel_loop3A_520 : i32 to index
      %parallel_loop3A_545 = tpu.vector_load %arg7[%parallel_loop3A_541, %parallel_loop3A_542, %parallel_loop3A_543, %parallel_loop3A_544] {strides = array<i32>} : memref<4x4x2x2048xf32, #tpu.memory_space<vmem>>, vector<1x1x1x16xf32>,
      %parallel_loop3A_546 = vector.shape_cast %parallel_loop3A_545 : vector<1x1x1x16xf32> to vector<16xf32>
      %parallel_loop3A_547 = vector.shape_cast %parallel_loop3A_527 : vector<16xf32> to vector<1x1x1x16xf32>
      tpu.vector_store %arg7[%parallel_loop3A_541, %parallel_loop3A_542, %parallel_loop3A_543, %parallel_loop3A_544], %parallel_loop3A_547 {add = true, strides = array<i32>} : memref<4x4x2x2048xf32, #tpu.memory_space<vmem>>, vector<1x1x1x16xf32>,
      %parallel_loop3A_548 = arith.constant 2 : i32
      %parallel_loop3A_549 = arith.constant 2 : i32
      %parallel_loop3A_550 = arith.constant 0 : i32
      %parallel_loop3A_551 = arith.index_cast %parallel_loop3A_548 : i32 to index
      %parallel_loop3A_552 = arith.index_cast %parallel_loop3A_549 : i32 to index
      %parallel_loop3A_553 = arith.index_cast %parallel_loop3A_550 : i32 to index
      %parallel_loop3A_554 = arith.index_cast %parallel_loop3A_520 : i32 to index
      %parallel_loop3A_555 = tpu.vector_load %arg7[%parallel_loop3A_551, %parallel_loop3A_552, %parallel_loop3A_553, %parallel_loop3A_554] {strides = array<i32>} : memref<4x4x2x2048xf32, #tpu.memory_space<vmem>>, vector<1x1x1x16xf32>,
      %parallel_loop3A_556 = vector.shape_cast %parallel_loop3A_555 : vector<1x1x1x16xf32> to vector<16xf32>
      %parallel_loop3A_557 = vector.shape_cast %parallel_loop3A_527 : vector<16xf32> to vector<1x1x1x16xf32>
      tpu.vector_store %arg7[%parallel_loop3A_551, %parallel_loop3A_552, %parallel_loop3A_553, %parallel_loop3A_554], %parallel_loop3A_557 {add = true, strides = array<i32>} : memref<4x4x2x2048xf32, #tpu.memory_space<vmem>>, vector<1x1x1x16xf32>,
      %parallel_loop3A_558 = arith.constant 2 : i32
      %parallel_loop3A_559 = arith.constant 3 : i32
      %parallel_loop3A_560 = arith.constant 0 : i32
      %parallel_loop3A_561 = arith.index_cast %parallel_loop3A_558 : i32 to index
      %parallel_loop3A_562 = arith.index_cast %parallel_loop3A_559 : i32 to index
      %parallel_loop3A_563 = arith.index_cast %parallel_loop3A_560 : i32 to index
      %parallel_loop3A_564 = arith.index_cast %parallel_loop3A_520 : i32 to index
      %parallel_loop3A_565 = tpu.vector_load %arg7[%parallel_loop3A_561, %parallel_loop3A_562, %parallel_loop3A_563, %parallel_loop3A_564] {strides = array<i32>} : memref<4x4x2x2048xf32, #tpu.memory_space<vmem>>, vector<1x1x1x16xf32>,
      %parallel_loop3A_566 = vector.shape_cast %parallel_loop3A_565 : vector<1x1x1x16xf32> to vector<16xf32>
      %parallel_loop3A_567 = vector.shape_cast %parallel_loop3A_527 : vector<16xf32> to vector<1x1x1x16xf32>
      tpu.vector_store %arg7[%parallel_loop3A_561, %parallel_loop3A_562, %parallel_loop3A_563, %parallel_loop3A_564], %parallel_loop3A_567 {add = true, strides = array<i32>} : memref<4x4x2x2048xf32, #tpu.memory_space<vmem>>, vector<1x1x1x16xf32>,
    } {sc.loop_unroll_factor = 8 : i64, sc.parallel_access}
    %parallel_loop3A_332 = arith.constant 0 : i32
    %parallel_loop3A_333 = arith.constant 128 : i32
    %parallel_loop3A_334 = arith.constant 1 : i32
    scf.for %parallel_loop3A_518 = %parallel_loop3A_332 to %parallel_loop3A_333 step %parallel_loop3A_334  : i32 {
      %parallel_loop3A_519 = arith.constant 16 : i32
      %parallel_loop3A_520 = arith.muli %parallel_loop3A_518, %parallel_loop3A_519 : i32
      %parallel_loop3A_521 = arith.constant 2 : i32
      %parallel_loop3A_522 = arith.constant 1 : i32
      %parallel_loop3A_523 = arith.index_cast %parallel_loop3A_521 : i32 to index
      %parallel_loop3A_524 = arith.index_cast %parallel_loop3A_522 : i32 to index
      %parallel_loop3A_525 = arith.index_cast %parallel_loop3A_520 : i32 to index
      %parallel_loop3A_526 = tpu.vector_load %arg8[%parallel_loop3A_523, %parallel_loop3A_524, %parallel_loop3A_525] {strides = array<i32>} : memref<4x2x2048xf32, #tpu.memory_space<vmem>>, vector<1x1x16xf32>,
      %parallel_loop3A_527 = vector.shape_cast %parallel_loop3A_526 : vector<1x1x16xf32> to vector<16xf32>
      %parallel_loop3A_528 = arith.constant 2 : i32
      %parallel_loop3A_529 = arith.constant 0 : i32
      %parallel_loop3A_530 = arith.constant 1 : i32
      %parallel_loop3A_531 = arith.index_cast %parallel_loop3A_528 : i32 to index
      %parallel_loop3A_532 = arith.index_cast %parallel_loop3A_529 : i32 to index
      %parallel_loop3A_533 = arith.index_cast %parallel_loop3A_530 : i32 to index
      %parallel_loop3A_534 = arith.index_cast %parallel_loop3A_520 : i32 to index
      %parallel_loop3A_535 = tpu.vector_load %arg7[%parallel_loop3A_531, %parallel_loop3A_532, %parallel_loop3A_533, %parallel_loop3A_534] {strides = array<i32>} : memref<4x4x2x2048xf32, #tpu.memory_space<vmem>>, vector<1x1x1x16xf32>,
      %parallel_loop3A_536 = vector.shape_cast %parallel_loop3A_535 : vector<1x1x1x16xf32> to vector<16xf32>
      %parallel_loop3A_537 = vector.shape_cast %parallel_loop3A_527 : vector<16xf32> to vector<1x1x1x16xf32>
      tpu.vector_store %arg7[%parallel_loop3A_531, %parallel_loop3A_532, %parallel_loop3A_533, %parallel_loop3A_534], %parallel_loop3A_537 {add = true, strides = array<i32>} : memref<4x4x2x2048xf32, #tpu.memory_space<vmem>>, vector<1x1x1x16xf32>,
      %parallel_loop3A_538 = arith.constant 2 : i32
      %parallel_loop3A_539 = arith.constant 1 : i32
      %parallel_loop3A_540 = arith.constant 1 : i32
      %parallel_loop3A_541 = arith.index_cast %parallel_loop3A_538 : i32 to index
      %parallel_loop3A_542 = arith.index_cast %parallel_loop3A_539 : i32 to index
      %parallel_loop3A_543 = arith.index_cast %parallel_loop3A_540 : i32 to index
      %parallel_loop3A_544 = arith.index_cast %parallel_loop3A_520 : i32 to index
      %parallel_loop3A_545 = tpu.vector_load %arg7[%parallel_loop3A_541, %parallel_loop3A_542, %parallel_loop3A_543, %parallel_loop3A_544] {strides = array<i32>} : memref<4x4x2x2048xf32, #tpu.memory_space<vmem>>, vector<1x1x1x16xf32>,
      %parallel_loop3A_546 = vector.shape_cast %parallel_loop3A_545 : vector<1x1x1x16xf32> to vector<16xf32>
      %parallel_loop3A_547 = vector.shape_cast %parallel_loop3A_527 : vector<16xf32> to vector<1x1x1x16xf32>
      tpu.vector_store %arg7[%parallel_loop3A_541, %parallel_loop3A_542, %parallel_loop3A_543, %parallel_loop3A_544], %parallel_loop3A_547 {add = true, strides = array<i32>} : memref<4x4x2x2048xf32, #tpu.memory_space<vmem>>, vector<1x1x1x16xf32>,
      %parallel_loop3A_548 = arith.constant 2 : i32
      %parallel_loop3A_549 = arith.constant 2 : i32
      %parallel_loop3A_550 = arith.constant 1 : i32
      %parallel_loop3A_551 = arith.index_cast %parallel_loop3A_548 : i32 to index
      %parallel_loop3A_552 = arith.index_cast %parallel_loop3A_549 : i32 to index
      %parallel_loop3A_553 = arith.index_cast %parallel_loop3A_550 : i32 to index
      %parallel_loop3A_554 = arith.index_cast %parallel_loop3A_520 : i32 to index
      %parallel_loop3A_555 = tpu.vector_load %arg7[%parallel_loop3A_551, %parallel_loop3A_552, %parallel_loop3A_553, %parallel_loop3A_554] {strides = array<i32>} : memref<4x4x2x2048xf32, #tpu.memory_space<vmem>>, vector<1x1x1x16xf32>,
      %parallel_loop3A_556 = vector.shape_cast %parallel_loop3A_555 : vector<1x1x1x16xf32> to vector<16xf32>
      %parallel_loop3A_557 = vector.shape_cast %parallel_loop3A_527 : vector<16xf32> to vector<1x1x1x16xf32>
      tpu.vector_store %arg7[%parallel_loop3A_551, %parallel_loop3A_552, %parallel_loop3A_553, %parallel_loop3A_554], %parallel_loop3A_557 {add = true, strides = array<i32>} : memref<4x4x2x2048xf32, #tpu.memory_space<vmem>>, vector<1x1x1x16xf32>,
      %parallel_loop3A_558 = arith.constant 2 : i32
      %parallel_loop3A_559 = arith.constant 3 : i32
      %parallel_loop3A_560 = arith.constant 1 : i32
      %parallel_loop3A_561 = arith.index_cast %parallel_loop3A_558 : i32 to index
      %parallel_loop3A_562 = arith.index_cast %parallel_loop3A_559 : i32 to index
      %parallel_loop3A_563 = arith.index_cast %parallel_loop3A_560 : i32 to index
      %parallel_loop3A_564 = arith.index_cast %parallel_loop3A_520 : i32 to index
      %parallel_loop3A_565 = tpu.vector_load %arg7[%parallel_loop3A_561, %parallel_loop3A_562, %parallel_loop3A_563, %parallel_loop3A_564] {strides = array<i32>} : memref<4x4x2x2048xf32, #tpu.memory_space<vmem>>, vector<1x1x1x16xf32>,
      %parallel_loop3A_566 = vector.shape_cast %parallel_loop3A_565 : vector<1x1x1x16xf32> to vector<16xf32>
      %parallel_loop3A_567 = vector.shape_cast %parallel_loop3A_527 : vector<16xf32> to vector<1x1x1x16xf32>
      tpu.vector_store %arg7[%parallel_loop3A_561, %parallel_loop3A_562, %parallel_loop3A_563, %parallel_loop3A_564], %parallel_loop3A_567 {add = true, strides = array<i32>} : memref<4x4x2x2048xf32, #tpu.memory_space<vmem>>, vector<1x1x1x16xf32>,
    } {sc.loop_unroll_factor = 8 : i64, sc.parallel_access}
    %add3A_335 = arith.constant 4 : i32
    %add3A_336 = arith.addi %mul3A_34, %add3A_335 : i32
    %dma_start3A_337 = arith.constant 2 : i32
    %dma_start3A_338 = arith.constant 0 : i32
    %dma_start3A_339 = arith.constant 0 : i32
    %dma_start3A_340 = arith.constant 0 : i32
    %dma_start3A_341 = tpu.memref_slice %arg7[%dma_start3A_337, %dma_start3A_338, %dma_start3A_339, %dma_start3A_340] : memref<4x4x2x2048xf32, #tpu.memory_space<vmem>> -> memref<1x4x2x2048xf32, #tpu.memory_space<vmem>>
    %dma_start3A_342 = tpu.memref_squeeze %dma_start3A_341 : memref<1x4x2x2048xf32, #tpu.memory_space<vmem>> -> memref<4x2x2048xf32, #tpu.memory_space<vmem>>
    %dma_start3A_343 = arith.constant 0 : i32
    %dma_start3A_344 = tpu.memref_slice %arg5[%mul3A_32, %add3A_336, %dma_start3A_343] : memref<4x4096x2048xf32, #tpu.memory_space<hbm>> -> memref<4x2x2048xf32, #tpu.memory_space<hbm>>
    %dma_start3A_345 = arith.constant 0 : i32
    %dma_start3A_346 = tpu.memref_slice %arg5[%mul3A_32, %add3A_336, %dma_start3A_345] : memref<4x4096x2048xf32, #tpu.memory_space<hbm>> -> memref<4x2x2048xf32, #tpu.memory_space<hbm>>
    %dma_start3A_347 = arith.constant 0 : i32
    %dma_start3A_348 = arith.constant 0 : i32
    %dma_start3A_349 = arith.constant 0 : i32
    %dma_start3A_350 = tpu.memref_slice %arg7[%dma_start3A_337, %dma_start3A_347, %dma_start3A_348, %dma_start3A_349] : memref<4x4x2x2048xf32, #tpu.memory_space<vmem>> -> memref<1x4x2x2048xf32, #tpu.memory_space<vmem>>
    %dma_start3A_351 = tpu.memref_squeeze %dma_start3A_350 : memref<1x4x2x2048xf32, #tpu.memory_space<vmem>> -> memref<4x2x2048xf32, #tpu.memory_space<vmem>>
    tpu.enqueue_dma source(%dma_start3A_351 : memref<4x2x2048xf32, #tpu.memory_space<vmem>>) target(%dma_start3A_346 : memref<4x2x2048xf32, #tpu.memory_space<hbm>>) target_semaphore(%arg19 : memref<!tpu.dma_semaphore, #tpu.memory_space<semaphore_mem>>)
    %add3A_352 = arith.constant 2 : i32
    %add3A_353 = arith.addi %mul3A_34, %add3A_352 : i32
    %dma_wait3A_354 = arith.constant 1 : i32
    %dma_wait3A_355 = arith.constant 0 : i32
    %dma_wait3A_356 = arith.constant 0 : i32
    %dma_wait3A_357 = arith.constant 0 : i32
    %dma_wait3A_358 = tpu.memref_slice %arg7[%dma_wait3A_354, %dma_wait3A_355, %dma_wait3A_356, %dma_wait3A_357] : memref<4x4x2x2048xf32, #tpu.memory_space<vmem>> -> memref<1x4x2x2048xf32, #tpu.memory_space<vmem>>
    %dma_wait3A_359 = tpu.memref_squeeze %dma_wait3A_358 : memref<1x4x2x2048xf32, #tpu.memory_space<vmem>> -> memref<4x2x2048xf32, #tpu.memory_space<vmem>>
    %dma_wait3A_360 = arith.constant 0 : i32
    %dma_wait3A_361 = tpu.memref_slice %arg5[%mul3A_32, %add3A_353, %dma_wait3A_360] : memref<4x4096x2048xf32, #tpu.memory_space<hbm>> -> memref<4x2x2048xf32, #tpu.memory_space<hbm>>
    %dma_wait3A_362 = arith.constant 0 : i32
    %dma_wait3A_363 = tpu.memref_slice %arg5[%mul3A_32, %add3A_353, %dma_wait3A_362] : memref<4x4096x2048xf32, #tpu.memory_space<hbm>> -> memref<4x2x2048xf32, #tpu.memory_space<hbm>>
    %dma_wait3A_364 = arith.constant 0 : i32
    %dma_wait3A_365 = arith.constant 0 : i32
    %dma_wait3A_366 = arith.constant 0 : i32
    %dma_wait3A_367 = tpu.memref_slice %arg7[%dma_wait3A_354, %dma_wait3A_364, %dma_wait3A_365, %dma_wait3A_366] : memref<4x4x2x2048xf32, #tpu.memory_space<vmem>> -> memref<1x4x2x2048xf32, #tpu.memory_space<vmem>>
    %dma_wait3A_368 = tpu.memref_squeeze %dma_wait3A_367 : memref<1x4x2x2048xf32, #tpu.memory_space<vmem>> -> memref<4x2x2048xf32, #tpu.memory_space<vmem>>
    tpu.wait_dma2 semaphore(%arg18 : memref<!tpu.dma_semaphore, #tpu.memory_space<semaphore_mem>>) src(%dma_wait3A_368 : memref<4x2x2048xf32, #tpu.memory_space<vmem>>) dst(%dma_wait3A_363 : memref<4x2x2048xf32, #tpu.memory_space<hbm>>)
    %add3A_369 = arith.constant 10 : i32
    %add3A_370 = arith.addi %mul3A_34, %add3A_369 : i32
    %dma_start3A_371 = arith.constant 1 : i32
    %dma_start3A_372 = arith.constant 0 : i32
    %dma_start3A_373 = arith.constant 0 : i32
    %dma_start3A_374 = arith.constant 0 : i32
    %dma_start3A_375 = tpu.memref_slice %arg7[%dma_start3A_371, %dma_start3A_372, %dma_start3A_373, %dma_start3A_374] : memref<4x4x2x2048xf32, #tpu.memory_space<vmem>> -> memref<1x4x2x2048xf32, #tpu.memory_space<vmem>>
    %dma_start3A_376 = tpu.memref_squeeze %dma_start3A_375 : memref<1x4x2x2048xf32, #tpu.memory_space<vmem>> -> memref<4x2x2048xf32, #tpu.memory_space<vmem>>
    %dma_start3A_377 = arith.constant 0 : i32
    %dma_start3A_378 = tpu.memref_slice %arg2[%mul3A_32, %add3A_370, %dma_start3A_377] : memref<4x4096x2048xf32, #tpu.memory_space<hbm>> -> memref<4x2x2048xf32, #tpu.memory_space<hbm>>
    %dma_start3A_379 = arith.constant 0 : i32
    %dma_start3A_380 = arith.constant 0 : i32
    %dma_start3A_381 = arith.constant 0 : i32
    %dma_start3A_382 = tpu.memref_slice %arg7[%dma_start3A_371, %dma_start3A_379, %dma_start3A_380, %dma_start3A_381] : memref<4x4x2x2048xf32, #tpu.memory_space<vmem>> -> memref<1x4x2x2048xf32, #tpu.memory_space<vmem>>
    %dma_start3A_383 = tpu.memref_squeeze %dma_start3A_382 : memref<1x4x2x2048xf32, #tpu.memory_space<vmem>> -> memref<4x2x2048xf32, #tpu.memory_space<vmem>>
    %dma_start3A_384 = arith.constant 0 : i32
    %dma_start3A_385 = tpu.memref_slice %arg2[%mul3A_32, %add3A_370, %dma_start3A_384] : memref<4x4096x2048xf32, #tpu.memory_space<hbm>> -> memref<4x2x2048xf32, #tpu.memory_space<hbm>>
    tpu.enqueue_dma source(%dma_start3A_385 : memref<4x2x2048xf32, #tpu.memory_space<hbm>>) target(%dma_start3A_383 : memref<4x2x2048xf32, #tpu.memory_space<vmem>>) target_semaphore(%arg10 : memref<!tpu.dma_semaphore, #tpu.memory_space<semaphore_mem>>)
    %dma_start3A_386 = arith.constant 5 : i32
    %dma_start3A_387 = arith.constant 1 : i32
    %dma_start3A_388 = arith.constant 0 : i32
    %dma_start3A_389 = arith.constant 0 : i32
    %dma_start3A_390 = tpu.memref_slice %arg8[%dma_start3A_387, %dma_start3A_388, %dma_start3A_389] : memref<4x2x2048xf32, #tpu.memory_space<vmem>> -> memref<1x2x2048xf32, #tpu.memory_space<vmem>>
    %dma_start3A_391 = tpu.memref_squeeze %dma_start3A_390 : memref<1x2x2048xf32, #tpu.memory_space<vmem>> -> memref<2x2048xf32, #tpu.memory_space<vmem>>
    %dma_start3A_392 = arith.constant 0 : i32
    %dma_start3A_393 = tpu.memref_slice %arg6[%dma_start3A_386, %dma_start3A_392] : memref<64x2xi32, #tpu.memory_space<vmem>> -> memref<1x2xi32, #tpu.memory_space<vmem>>
    %dma_start3A_394 = tpu.memref_squeeze %dma_start3A_393 : memref<1x2xi32, #tpu.memory_space<vmem>> -> memref<2xi32, #tpu.memory_space<vmem>>
    %dma_start3A_395 = arith.constant 0 : i32
    %dma_start3A_396 = arith.constant 0 : i32
    %dma_start3A_397 = tpu.memref_slice %arg4[%dma_start3A_395, %dma_start3A_396] : memref<8192x2048xf32, #tpu.memory_space<hbm>> -> memref<8192x2048xf32, #tpu.memory_space<hbm>>
    tpu.enqueue_indirect_dma source(%dma_start3A_397 : memref<8192x2048xf32, #tpu.memory_space<hbm>>) target(%dma_start3A_391 : memref<2x2048xf32, #tpu.memory_space<vmem>>) offsets(%dma_start3A_394 : memref<2xi32, #tpu.memory_space<vmem>>) semaphore(%arg14 : memref<!tpu.dma_semaphore, #tpu.memory_space<semaphore_mem>>)
    %add3A_398 = arith.constant 6 : i32
    %add3A_399 = arith.addi %mul3A_34, %add3A_398 : i32
    %dma_wait3A_400 = arith.constant 3 : i32
    %dma_wait3A_401 = arith.constant 0 : i32
    %dma_wait3A_402 = arith.constant 0 : i32
    %dma_wait3A_403 = arith.constant 0 : i32
    %dma_wait3A_404 = tpu.memref_slice %arg7[%dma_wait3A_400, %dma_wait3A_401, %dma_wait3A_402, %dma_wait3A_403] : memref<4x4x2x2048xf32, #tpu.memory_space<vmem>> -> memref<1x4x2x2048xf32, #tpu.memory_space<vmem>>
    %dma_wait3A_405 = tpu.memref_squeeze %dma_wait3A_404 : memref<1x4x2x2048xf32, #tpu.memory_space<vmem>> -> memref<4x2x2048xf32, #tpu.memory_space<vmem>>
    %dma_wait3A_406 = arith.constant 0 : i32
    %dma_wait3A_407 = tpu.memref_slice %arg2[%mul3A_32, %add3A_399, %dma_wait3A_406] : memref<4x4096x2048xf32, #tpu.memory_space<hbm>> -> memref<4x2x2048xf32, #tpu.memory_space<hbm>>
    %dma_wait3A_408 = arith.constant 0 : i32
    %dma_wait3A_409 = arith.constant 0 : i32
    %dma_wait3A_410 = arith.constant 0 : i32
    %dma_wait3A_411 = tpu.memref_slice %arg7[%dma_wait3A_400, %dma_wait3A_408, %dma_wait3A_409, %dma_wait3A_410] : memref<4x4x2x2048xf32, #tpu.memory_space<vmem>> -> memref<1x4x2x2048xf32, #tpu.memory_space<vmem>>
    %dma_wait3A_412 = tpu.memref_squeeze %dma_wait3A_411 : memref<1x4x2x2048xf32, #tpu.memory_space<vmem>> -> memref<4x2x2048xf32, #tpu.memory_space<vmem>>
    %dma_wait3A_413 = arith.constant 0 : i32
    %dma_wait3A_414 = tpu.memref_slice %arg2[%mul3A_32, %add3A_399, %dma_wait3A_413] : memref<4x4096x2048xf32, #tpu.memory_space<hbm>> -> memref<4x2x2048xf32, #tpu.memory_space<hbm>>
    tpu.wait_dma2 semaphore(%arg12 : memref<!tpu.dma_semaphore, #tpu.memory_space<semaphore_mem>>) src(%dma_wait3A_414 : memref<4x2x2048xf32, #tpu.memory_space<hbm>>) dst(%dma_wait3A_412 : memref<4x2x2048xf32, #tpu.memory_space<vmem>>)
    %dma_wait3A_415 = arith.constant 3 : i32
    %dma_wait3A_416 = arith.constant 3 : i32
    %dma_wait3A_417 = arith.constant 0 : i32
    %dma_wait3A_418 = arith.constant 0 : i32
    %dma_wait3A_419 = tpu.memref_slice %arg8[%dma_wait3A_416, %dma_wait3A_417, %dma_wait3A_418] : memref<4x2x2048xf32, #tpu.memory_space<vmem>> -> memref<1x2x2048xf32, #tpu.memory_space<vmem>>
    %dma_wait3A_420 = tpu.memref_squeeze %dma_wait3A_419 : memref<1x2x2048xf32, #tpu.memory_space<vmem>> -> memref<2x2048xf32, #tpu.memory_space<vmem>>
    %dma_wait3A_421 = arith.constant 0 : i32
    %dma_wait3A_422 = tpu.memref_slice %arg6[%dma_wait3A_415, %dma_wait3A_421] : memref<64x2xi32, #tpu.memory_space<vmem>> -> memref<1x2xi32, #tpu.memory_space<vmem>>
    %dma_wait3A_423 = tpu.memref_squeeze %dma_wait3A_422 : memref<1x2xi32, #tpu.memory_space<vmem>> -> memref<2xi32, #tpu.memory_space<vmem>>
    %dma_wait3A_424 = arith.constant 0 : i32
    %dma_wait3A_425 = arith.constant 0 : i32
    %dma_wait3A_426 = tpu.memref_slice %arg4[%dma_wait3A_424, %dma_wait3A_425] : memref<8192x2048xf32, #tpu.memory_space<hbm>> -> memref<8192x2048xf32, #tpu.memory_space<hbm>>
    tpu.wait_indirect_dma semaphore(%arg16 : memref<!tpu.dma_semaphore, #tpu.memory_space<semaphore_mem>>) src(%dma_wait3A_426 : memref<8192x2048xf32, #tpu.memory_space<hbm>>) dst(%dma_wait3A_420 : memref<2x2048xf32, #tpu.memory_space<vmem>>)
    %parallel_loop3A_427 = arith.constant 0 : i32
    %parallel_loop3A_428 = arith.constant 128 : i32
    %parallel_loop3A_429 = arith.constant 1 : i32
    scf.for %parallel_loop3A_518 = %parallel_loop3A_427 to %parallel_loop3A_428 step %parallel_loop3A_429  : i32 {
      %parallel_loop3A_519 = arith.constant 16 : i32
      %parallel_loop3A_520 = arith.muli %parallel_loop3A_518, %parallel_loop3A_519 : i32
      %parallel_loop3A_521 = arith.constant 3 : i32
      %parallel_loop3A_522 = arith.constant 0 : i32
      %parallel_loop3A_523 = arith.index_cast %parallel_loop3A_521 : i32 to index
      %parallel_loop3A_524 = arith.index_cast %parallel_loop3A_522 : i32 to index
      %parallel_loop3A_525 = arith.index_cast %parallel_loop3A_520 : i32 to index
      %parallel_loop3A_526 = tpu.vector_load %arg8[%parallel_loop3A_523, %parallel_loop3A_524, %parallel_loop3A_525] {strides = array<i32>} : memref<4x2x2048xf32, #tpu.memory_space<vmem>>, vector<1x1x16xf32>,
      %parallel_loop3A_527 = vector.shape_cast %parallel_loop3A_526 : vector<1x1x16xf32> to vector<16xf32>
      %parallel_loop3A_528 = arith.constant 3 : i32
      %parallel_loop3A_529 = arith.constant 0 : i32
      %parallel_loop3A_530 = arith.constant 0 : i32
      %parallel_loop3A_531 = arith.index_cast %parallel_loop3A_528 : i32 to index
      %parallel_loop3A_532 = arith.index_cast %parallel_loop3A_529 : i32 to index
      %parallel_loop3A_533 = arith.index_cast %parallel_loop3A_530 : i32 to index
      %parallel_loop3A_534 = arith.index_cast %parallel_loop3A_520 : i32 to index
      %parallel_loop3A_535 = tpu.vector_load %arg7[%parallel_loop3A_531, %parallel_loop3A_532, %parallel_loop3A_533, %parallel_loop3A_534] {strides = array<i32>} : memref<4x4x2x2048xf32, #tpu.memory_space<vmem>>, vector<1x1x1x16xf32>,
      %parallel_loop3A_536 = vector.shape_cast %parallel_loop3A_535 : vector<1x1x1x16xf32> to vector<16xf32>
      %parallel_loop3A_537 = vector.shape_cast %parallel_loop3A_527 : vector<16xf32> to vector<1x1x1x16xf32>
      tpu.vector_store %arg7[%parallel_loop3A_531, %parallel_loop3A_532, %parallel_loop3A_533, %parallel_loop3A_534], %parallel_loop3A_537 {add = true, strides = array<i32>} : memref<4x4x2x2048xf32, #tpu.memory_space<vmem>>, vector<1x1x1x16xf32>,
      %parallel_loop3A_538 = arith.constant 3 : i32
      %parallel_loop3A_539 = arith.constant 1 : i32
      %parallel_loop3A_540 = arith.constant 0 : i32
      %parallel_loop3A_541 = arith.index_cast %parallel_loop3A_538 : i32 to index
      %parallel_loop3A_542 = arith.index_cast %parallel_loop3A_539 : i32 to index
      %parallel_loop3A_543 = arith.index_cast %parallel_loop3A_540 : i32 to index
      %parallel_loop3A_544 = arith.index_cast %parallel_loop3A_520 : i32 to index
      %parallel_loop3A_545 = tpu.vector_load %arg7[%parallel_loop3A_541, %parallel_loop3A_542, %parallel_loop3A_543, %parallel_loop3A_544] {strides = array<i32>} : memref<4x4x2x2048xf32, #tpu.memory_space<vmem>>, vector<1x1x1x16xf32>,
      %parallel_loop3A_546 = vector.shape_cast %parallel_loop3A_545 : vector<1x1x1x16xf32> to vector<16xf32>
      %parallel_loop3A_547 = vector.shape_cast %parallel_loop3A_527 : vector<16xf32> to vector<1x1x1x16xf32>
      tpu.vector_store %arg7[%parallel_loop3A_541, %parallel_loop3A_542, %parallel_loop3A_543, %parallel_loop3A_544], %parallel_loop3A_547 {add = true, strides = array<i32>} : memref<4x4x2x2048xf32, #tpu.memory_space<vmem>>, vector<1x1x1x16xf32>,
      %parallel_loop3A_548 = arith.constant 3 : i32
      %parallel_loop3A_549 = arith.constant 2 : i32
      %parallel_loop3A_550 = arith.constant 0 : i32
      %parallel_loop3A_551 = arith.index_cast %parallel_loop3A_548 : i32 to index
      %parallel_loop3A_552 = arith.index_cast %parallel_loop3A_549 : i32 to index
      %parallel_loop3A_553 = arith.index_cast %parallel_loop3A_550 : i32 to index
      %parallel_loop3A_554 = arith.index_cast %parallel_loop3A_520 : i32 to index
      %parallel_loop3A_555 = tpu.vector_load %arg7[%parallel_loop3A_551, %parallel_loop3A_552, %parallel_loop3A_553, %parallel_loop3A_554] {strides = array<i32>} : memref<4x4x2x2048xf32, #tpu.memory_space<vmem>>, vector<1x1x1x16xf32>,
      %parallel_loop3A_556 = vector.shape_cast %parallel_loop3A_555 : vector<1x1x1x16xf32> to vector<16xf32>
      %parallel_loop3A_557 = vector.shape_cast %parallel_loop3A_527 : vector<16xf32> to vector<1x1x1x16xf32>
      tpu.vector_store %arg7[%parallel_loop3A_551, %parallel_loop3A_552, %parallel_loop3A_553, %parallel_loop3A_554], %parallel_loop3A_557 {add = true, strides = array<i32>} : memref<4x4x2x2048xf32, #tpu.memory_space<vmem>>, vector<1x1x1x16xf32>,
      %parallel_loop3A_558 = arith.constant 3 : i32
      %parallel_loop3A_559 = arith.constant 3 : i32
      %parallel_loop3A_560 = arith.constant 0 : i32
      %parallel_loop3A_561 = arith.index_cast %parallel_loop3A_558 : i32 to index
      %parallel_loop3A_562 = arith.index_cast %parallel_loop3A_559 : i32 to index
      %parallel_loop3A_563 = arith.index_cast %parallel_loop3A_560 : i32 to index
      %parallel_loop3A_564 = arith.index_cast %parallel_loop3A_520 : i32 to index
      %parallel_loop3A_565 = tpu.vector_load %arg7[%parallel_loop3A_561, %parallel_loop3A_562, %parallel_loop3A_563, %parallel_loop3A_564] {strides = array<i32>} : memref<4x4x2x2048xf32, #tpu.memory_space<vmem>>, vector<1x1x1x16xf32>,
      %parallel_loop3A_566 = vector.shape_cast %parallel_loop3A_565 : vector<1x1x1x16xf32> to vector<16xf32>
      %parallel_loop3A_567 = vector.shape_cast %parallel_loop3A_527 : vector<16xf32> to vector<1x1x1x16xf32>
      tpu.vector_store %arg7[%parallel_loop3A_561, %parallel_loop3A_562, %parallel_loop3A_563, %parallel_loop3A_564], %parallel_loop3A_567 {add = true, strides = array<i32>} : memref<4x4x2x2048xf32, #tpu.memory_space<vmem>>, vector<1x1x1x16xf32>,
    } {sc.loop_unroll_factor = 8 : i64, sc.parallel_access}
    %parallel_loop3A_430 = arith.constant 0 : i32
    %parallel_loop3A_431 = arith.constant 128 : i32
    %parallel_loop3A_432 = arith.constant 1 : i32
    scf.for %parallel_loop3A_518 = %parallel_loop3A_430 to %parallel_loop3A_431 step %parallel_loop3A_432  : i32 {
      %parallel_loop3A_519 = arith.constant 16 : i32
      %parallel_loop3A_520 = arith.muli %parallel_loop3A_518, %parallel_loop3A_519 : i32
      %parallel_loop3A_521 = arith.constant 3 : i32
      %parallel_loop3A_522 = arith.constant 1 : i32
      %parallel_loop3A_523 = arith.index_cast %parallel_loop3A_521 : i32 to index
      %parallel_loop3A_524 = arith.index_cast %parallel_loop3A_522 : i32 to index
      %parallel_loop3A_525 = arith.index_cast %parallel_loop3A_520 : i32 to index
      %parallel_loop3A_526 = tpu.vector_load %arg8[%parallel_loop3A_523, %parallel_loop3A_524, %parallel_loop3A_525] {strides = array<i32>} : memref<4x2x2048xf32, #tpu.memory_space<vmem>>, vector<1x1x16xf32>,
      %parallel_loop3A_527 = vector.shape_cast %parallel_loop3A_526 : vector<1x1x16xf32> to vector<16xf32>
      %parallel_loop3A_528 = arith.constant 3 : i32
      %parallel_loop3A_529 = arith.constant 0 : i32
      %parallel_loop3A_530 = arith.constant 1 : i32
      %parallel_loop3A_531 = arith.index_cast %parallel_loop3A_528 : i32 to index
      %parallel_loop3A_532 = arith.index_cast %parallel_loop3A_529 : i32 to index
      %parallel_loop3A_533 = arith.index_cast %parallel_loop3A_530 : i32 to index
      %parallel_loop3A_534 = arith.index_cast %parallel_loop3A_520 : i32 to index
      %parallel_loop3A_535 = tpu.vector_load %arg7[%parallel_loop3A_531, %parallel_loop3A_532, %parallel_loop3A_533, %parallel_loop3A_534] {strides = array<i32>} : memref<4x4x2x2048xf32, #tpu.memory_space<vmem>>, vector<1x1x1x16xf32>,
      %parallel_loop3A_536 = vector.shape_cast %parallel_loop3A_535 : vector<1x1x1x16xf32> to vector<16xf32>
      %parallel_loop3A_537 = vector.shape_cast %parallel_loop3A_527 : vector<16xf32> to vector<1x1x1x16xf32>
      tpu.vector_store %arg7[%parallel_loop3A_531, %parallel_loop3A_532, %parallel_loop3A_533, %parallel_loop3A_534], %parallel_loop3A_537 {add = true, strides = array<i32>} : memref<4x4x2x2048xf32, #tpu.memory_space<vmem>>, vector<1x1x1x16xf32>,
      %parallel_loop3A_538 = arith.constant 3 : i32
      %parallel_loop3A_539 = arith.constant 1 : i32
      %parallel_loop3A_540 = arith.constant 1 : i32
      %parallel_loop3A_541 = arith.index_cast %parallel_loop3A_538 : i32 to index
      %parallel_loop3A_542 = arith.index_cast %parallel_loop3A_539 : i32 to index
      %parallel_loop3A_543 = arith.index_cast %parallel_loop3A_540 : i32 to index
      %parallel_loop3A_544 = arith.index_cast %parallel_loop3A_520 : i32 to index
      %parallel_loop3A_545 = tpu.vector_load %arg7[%parallel_loop3A_541, %parallel_loop3A_542, %parallel_loop3A_543, %parallel_loop3A_544] {strides = array<i32>} : memref<4x4x2x2048xf32, #tpu.memory_space<vmem>>, vector<1x1x1x16xf32>,
      %parallel_loop3A_546 = vector.shape_cast %parallel_loop3A_545 : vector<1x1x1x16xf32> to vector<16xf32>
      %parallel_loop3A_547 = vector.shape_cast %parallel_loop3A_527 : vector<16xf32> to vector<1x1x1x16xf32>
      tpu.vector_store %arg7[%parallel_loop3A_541, %parallel_loop3A_542, %parallel_loop3A_543, %parallel_loop3A_544], %parallel_loop3A_547 {add = true, strides = array<i32>} : memref<4x4x2x2048xf32, #tpu.memory_space<vmem>>, vector<1x1x1x16xf32>,
      %parallel_loop3A_548 = arith.constant 3 : i32
      %parallel_loop3A_549 = arith.constant 2 : i32
      %parallel_loop3A_550 = arith.constant 1 : i32
      %parallel_loop3A_551 = arith.index_cast %parallel_loop3A_548 : i32 to index
      %parallel_loop3A_552 = arith.index_cast %parallel_loop3A_549 : i32 to index
      %parallel_loop3A_553 = arith.index_cast %parallel_loop3A_550 : i32 to index
      %parallel_loop3A_554 = arith.index_cast %parallel_loop3A_520 : i32 to index
      %parallel_loop3A_555 = tpu.vector_load %arg7[%parallel_loop3A_551, %parallel_loop3A_552, %parallel_loop3A_553, %parallel_loop3A_554] {strides = array<i32>} : memref<4x4x2x2048xf32, #tpu.memory_space<vmem>>, vector<1x1x1x16xf32>,
      %parallel_loop3A_556 = vector.shape_cast %parallel_loop3A_555 : vector<1x1x1x16xf32> to vector<16xf32>
      %parallel_loop3A_557 = vector.shape_cast %parallel_loop3A_527 : vector<16xf32> to vector<1x1x1x16xf32>
      tpu.vector_store %arg7[%parallel_loop3A_551, %parallel_loop3A_552, %parallel_loop3A_553, %parallel_loop3A_554], %parallel_loop3A_557 {add = true, strides = array<i32>} : memref<4x4x2x2048xf32, #tpu.memory_space<vmem>>, vector<1x1x1x16xf32>,
      %parallel_loop3A_558 = arith.constant 3 : i32
      %parallel_loop3A_559 = arith.constant 3 : i32
      %parallel_loop3A_560 = arith.constant 1 : i32
      %parallel_loop3A_561 = arith.index_cast %parallel_loop3A_558 : i32 to index
      %parallel_loop3A_562 = arith.index_cast %parallel_loop3A_559 : i32 to index
      %parallel_loop3A_563 = arith.index_cast %parallel_loop3A_560 : i32 to index
      %parallel_loop3A_564 = arith.index_cast %parallel_loop3A_520 : i32 to index
      %parallel_loop3A_565 = tpu.vector_load %arg7[%parallel_loop3A_561, %parallel_loop3A_562, %parallel_loop3A_563, %parallel_loop3A_564] {strides = array<i32>} : memref<4x4x2x2048xf32, #tpu.memory_space<vmem>>, vector<1x1x1x16xf32>,
      %parallel_loop3A_566 = vector.shape_cast %parallel_loop3A_565 : vector<1x1x1x16xf32> to vector<16xf32>
      %parallel_loop3A_567 = vector.shape_cast %parallel_loop3A_527 : vector<16xf32> to vector<1x1x1x16xf32>
      tpu.vector_store %arg7[%parallel_loop3A_561, %parallel_loop3A_562, %parallel_loop3A_563, %parallel_loop3A_564], %parallel_loop3A_567 {add = true, strides = array<i32>} : memref<4x4x2x2048xf32, #tpu.memory_space<vmem>>, vector<1x1x1x16xf32>,
    } {sc.loop_unroll_factor = 8 : i64, sc.parallel_access}
    %add3A_433 = arith.constant 6 : i32
    %add3A_434 = arith.addi %mul3A_34, %add3A_433 : i32
    %dma_start3A_435 = arith.constant 3 : i32
    %dma_start3A_436 = arith.constant 0 : i32
    %dma_start3A_437 = arith.constant 0 : i32
    %dma_start3A_438 = arith.constant 0 : i32
    %dma_start3A_439 = tpu.memref_slice %arg7[%dma_start3A_435, %dma_start3A_436, %dma_start3A_437, %dma_start3A_438] : memref<4x4x2x2048xf32, #tpu.memory_space<vmem>> -> memref<1x4x2x2048xf32, #tpu.memory_space<vmem>>
    %dma_start3A_440 = tpu.memref_squeeze %dma_start3A_439 : memref<1x4x2x2048xf32, #tpu.memory_space<vmem>> -> memref<4x2x2048xf32, #tpu.memory_space<vmem>>
    %dma_start3A_441 = arith.constant 0 : i32
    %dma_start3A_442 = tpu.memref_slice %arg5[%mul3A_32, %add3A_434, %dma_start3A_441] : memref<4x4096x2048xf32, #tpu.memory_space<hbm>> -> memref<4x2x2048xf32, #tpu.memory_space<hbm>>
    %dma_start3A_443 = arith.constant 0 : i32
    %dma_start3A_444 = tpu.memref_slice %arg5[%mul3A_32, %add3A_434, %dma_start3A_443] : memref<4x4096x2048xf32, #tpu.memory_space<hbm>> -> memref<4x2x2048xf32, #tpu.memory_space<hbm>>
    %dma_start3A_445 = arith.constant 0 : i32
    %dma_start3A_446 = arith.constant 0 : i32
    %dma_start3A_447 = arith.constant 0 : i32
    %dma_start3A_448 = tpu.memref_slice %arg7[%dma_start3A_435, %dma_start3A_445, %dma_start3A_446, %dma_start3A_447] : memref<4x4x2x2048xf32, #tpu.memory_space<vmem>> -> memref<1x4x2x2048xf32, #tpu.memory_space<vmem>>
    %dma_start3A_449 = tpu.memref_squeeze %dma_start3A_448 : memref<1x4x2x2048xf32, #tpu.memory_space<vmem>> -> memref<4x2x2048xf32, #tpu.memory_space<vmem>>
    tpu.enqueue_dma source(%dma_start3A_449 : memref<4x2x2048xf32, #tpu.memory_space<vmem>>) target(%dma_start3A_444 : memref<4x2x2048xf32, #tpu.memory_space<hbm>>) target_semaphore(%arg20 : memref<!tpu.dma_semaphore, #tpu.memory_space<semaphore_mem>>)
    %add3A_450 = arith.constant 4 : i32
    %add3A_451 = arith.addi %mul3A_34, %add3A_450 : i32
    %dma_wait3A_452 = arith.constant 2 : i32
    %dma_wait3A_453 = arith.constant 0 : i32
    %dma_wait3A_454 = arith.constant 0 : i32
    %dma_wait3A_455 = arith.constant 0 : i32
    %dma_wait3A_456 = tpu.memref_slice %arg7[%dma_wait3A_452, %dma_wait3A_453, %dma_wait3A_454, %dma_wait3A_455] : memref<4x4x2x2048xf32, #tpu.memory_space<vmem>> -> memref<1x4x2x2048xf32, #tpu.memory_space<vmem>>
    %dma_wait3A_457 = tpu.memref_squeeze %dma_wait3A_456 : memref<1x4x2x2048xf32, #tpu.memory_space<vmem>> -> memref<4x2x2048xf32, #tpu.memory_space<vmem>>
    %dma_wait3A_458 = arith.constant 0 : i32
    %dma_wait3A_459 = tpu.memref_slice %arg5[%mul3A_32, %add3A_451, %dma_wait3A_458] : memref<4x4096x2048xf32, #tpu.memory_space<hbm>> -> memref<4x2x2048xf32, #tpu.memory_space<hbm>>
    %dma_wait3A_460 = arith.constant 0 : i32
    %dma_wait3A_461 = tpu.memref_slice %arg5[%mul3A_32, %add3A_451, %dma_wait3A_460] : memref<4x4096x2048xf32, #tpu.memory_space<hbm>> -> memref<4x2x2048xf32, #tpu.memory_space<hbm>>
    %dma_wait3A_462 = arith.constant 0 : i32
    %dma_wait3A_463 = arith.constant 0 : i32
    %dma_wait3A_464 = arith.constant 0 : i32
    %dma_wait3A_465 = tpu.memref_slice %arg7[%dma_wait3A_452, %dma_wait3A_462, %dma_wait3A_463, %dma_wait3A_464] : memref<4x4x2x2048xf32, #tpu.memory_space<vmem>> -> memref<1x4x2x2048xf32, #tpu.memory_space<vmem>>
    %dma_wait3A_466 = tpu.memref_squeeze %dma_wait3A_465 : memref<1x4x2x2048xf32, #tpu.memory_space<vmem>> -> memref<4x2x2048xf32, #tpu.memory_space<vmem>>
    tpu.wait_dma2 semaphore(%arg19 : memref<!tpu.dma_semaphore, #tpu.memory_space<semaphore_mem>>) src(%dma_wait3A_466 : memref<4x2x2048xf32, #tpu.memory_space<vmem>>) dst(%dma_wait3A_461 : memref<4x2x2048xf32, #tpu.memory_space<hbm>>)
    %add3A_467 = arith.constant 12 : i32
    %add3A_468 = arith.addi %mul3A_34, %add3A_467 : i32
    %dma_start3A_469 = arith.constant 2 : i32
    %dma_start3A_470 = arith.constant 0 : i32
    %dma_start3A_471 = arith.constant 0 : i32
    %dma_start3A_472 = arith.constant 0 : i32
    %dma_start3A_473 = tpu.memref_slice %arg7[%dma_start3A_469, %dma_start3A_470, %dma_start3A_471, %dma_start3A_472] : memref<4x4x2x2048xf32, #tpu.memory_space<vmem>> -> memref<1x4x2x2048xf32, #tpu.memory_space<vmem>>
    %dma_start3A_474 = tpu.memref_squeeze %dma_start3A_473 : memref<1x4x2x2048xf32, #tpu.memory_space<vmem>> -> memref<4x2x2048xf32, #tpu.memory_space<vmem>>
    %dma_start3A_475 = arith.constant 0 : i32
    %dma_start3A_476 = tpu.memref_slice %arg2[%mul3A_32, %add3A_468, %dma_start3A_475] : memref<4x4096x2048xf32, #tpu.memory_space<hbm>> -> memref<4x2x2048xf32, #tpu.memory_space<hbm>>
    %dma_start3A_477 = arith.constant 0 : i32
    %dma_start3A_478 = arith.constant 0 : i32
    %dma_start3A_479 = arith.constant 0 : i32
    %dma_start3A_480 = tpu.memref_slice %arg7[%dma_start3A_469, %dma_start3A_477, %dma_start3A_478, %dma_start3A_479] : memref<4x4x2x2048xf32, #tpu.memory_space<vmem>> -> memref<1x4x2x2048xf32, #tpu.memory_space<vmem>>
    %dma_start3A_481 = tpu.memref_squeeze %dma_start3A_480 : memref<1x4x2x2048xf32, #tpu.memory_space<vmem>> -> memref<4x2x2048xf32, #tpu.memory_space<vmem>>
    %dma_start3A_482 = arith.constant 0 : i32
    %dma_start3A_483 = tpu.memref_slice %arg2[%mul3A_32, %add3A_468, %dma_start3A_482] : memref<4x4096x2048xf32, #tpu.memory_space<hbm>> -> memref<4x2x2048xf32, #tpu.memory_space<hbm>>
    tpu.enqueue_dma source(%dma_start3A_483 : memref<4x2x2048xf32, #tpu.memory_space<hbm>>) target(%dma_start3A_481 : memref<4x2x2048xf32, #tpu.memory_space<vmem>>) target_semaphore(%arg11 : memref<!tpu.dma_semaphore, #tpu.memory_space<semaphore_mem>>)
    %dma_start3A_484 = arith.constant 6 : i32
    %dma_start3A_485 = arith.constant 2 : i32
    %dma_start3A_486 = arith.constant 0 : i32
    %dma_start3A_487 = arith.constant 0 : i32
    %dma_start3A_488 = tpu.memref_slice %arg8[%dma_start3A_485, %dma_start3A_486, %dma_start3A_487] : memref<4x2x2048xf32, #tpu.memory_space<vmem>> -> memref<1x2x2048xf32, #tpu.memory_space<vmem>>
    %dma_start3A_489 = tpu.memref_squeeze %dma_start3A_488 : memref<1x2x2048xf32, #tpu.memory_space<vmem>> -> memref<2x2048xf32, #tpu.memory_space<vmem>>
    %dma_start3A_490 = arith.constant 0 : i32
    %dma_start3A_491 = tpu.memref_slice %arg6[%dma_start3A_484, %dma_start3A_490] : memref<64x2xi32, #tpu.memory_space<vmem>> -> memref<1x2xi32, #tpu.memory_space<vmem>>
    %dma_start3A_492 = tpu.memref_squeeze %dma_start3A_491 : memref<1x2xi32, #tpu.memory_space<vmem>> -> memref<2xi32, #tpu.memory_space<vmem>>
    %dma_start3A_493 = arith.constant 0 : i32
    %dma_start3A_494 = arith.constant 0 : i32
    %dma_start3A_495 = tpu.memref_slice %arg4[%dma_start3A_493, %dma_start3A_494] : memref<8192x2048xf32, #tpu.memory_space<hbm>> -> memref<8192x2048xf32, #tpu.memory_space<hbm>>
    tpu.enqueue_indirect_dma source(%dma_start3A_495 : memref<8192x2048xf32, #tpu.memory_space<hbm>>) target(%dma_start3A_489 : memref<2x2048xf32, #tpu.memory_space<vmem>>) offsets(%dma_start3A_492 : memref<2xi32, #tpu.memory_space<vmem>>) semaphore(%arg15 : memref<!tpu.dma_semaphore, #tpu.memory_space<semaphore_mem>>)
    %scan3A = arith.constant 0 : i32
    %scan3A_496 = arith.constant 1 : i32
    %scan3A_497 = arith.constant 15 : i32
    %scan3A_498 = arith.addi %scan3A_496, %scan3A_497 : i32
    %scan3A_499 = arith.constant 1 : i32
    scf.for %scan3A_518 = %scan3A_496 to %scan3A_498 step %scan3A_499  : i32 {
      %mul3A_519 = arith.constant 4 : i32
      %mul3A_520 = arith.muli %scan3A_518, %mul3A_519 : i32
      %add3A_521 = arith.constant 0 : i32
      %add3A_522 = arith.addi %mul3A_520, %add3A_521 : i32
      %mul3A_523 = arith.constant 2 : i32
      %mul3A_524 = arith.muli %add3A_522, %mul3A_523 : i32
      %add3A_525 = arith.addi %mul3A_34, %mul3A_524 : i32
      %dma_wait3A_526 = arith.constant 0 : i32
      %dma_wait3A_527 = arith.constant 0 : i32
      %dma_wait3A_528 = arith.constant 0 : i32
      %dma_wait3A_529 = arith.constant 0 : i32
      %dma_wait3A_530 = tpu.memref_slice %arg7[%dma_wait3A_526, %dma_wait3A_527, %dma_wait3A_528, %dma_wait3A_529] : memref<4x4x2x2048xf32, #tpu.memory_space<vmem>> -> memref<1x4x2x2048xf32, #tpu.memory_space<vmem>>
      %dma_wait3A_531 = tpu.memref_squeeze %dma_wait3A_530 : memref<1x4x2x2048xf32, #tpu.memory_space<vmem>> -> memref<4x2x2048xf32, #tpu.memory_space<vmem>>
      %dma_wait3A_532 = arith.constant 0 : i32
      %dma_wait3A_533 = tpu.memref_slice %arg2[%mul3A_32, %add3A_525, %dma_wait3A_532] : memref<4x4096x2048xf32, #tpu.memory_space<hbm>> -> memref<4x2x2048xf32, #tpu.memory_space<hbm>>
      %dma_wait3A_534 = arith.constant 0 : i32
      %dma_wait3A_535 = arith.constant 0 : i32
      %dma_wait3A_536 = arith.constant 0 : i32
      %dma_wait3A_537 = tpu.memref_slice %arg7[%dma_wait3A_526, %dma_wait3A_534, %dma_wait3A_535, %dma_wait3A_536] : memref<4x4x2x2048xf32, #tpu.memory_space<vmem>> -> memref<1x4x2x2048xf32, #tpu.memory_space<vmem>>
      %dma_wait3A_538 = tpu.memref_squeeze %dma_wait3A_537 : memref<1x4x2x2048xf32, #tpu.memory_space<vmem>> -> memref<4x2x2048xf32, #tpu.memory_space<vmem>>
      %dma_wait3A_539 = arith.constant 0 : i32
      %dma_wait3A_540 = tpu.memref_slice %arg2[%mul3A_32, %add3A_525, %dma_wait3A_539] : memref<4x4096x2048xf32, #tpu.memory_space<hbm>> -> memref<4x2x2048xf32, #tpu.memory_space<hbm>>
      tpu.wait_dma2 semaphore(%arg9 : memref<!tpu.dma_semaphore, #tpu.memory_space<semaphore_mem>>) src(%dma_wait3A_540 : memref<4x2x2048xf32, #tpu.memory_space<hbm>>) dst(%dma_wait3A_538 : memref<4x2x2048xf32, #tpu.memory_space<vmem>>)
      %dma_wait3A_541 = arith.constant 0 : i32
      %dma_wait3A_542 = arith.constant 0 : i32
      %dma_wait3A_543 = arith.constant 0 : i32
      %dma_wait3A_544 = tpu.memref_slice %arg8[%dma_wait3A_541, %dma_wait3A_542, %dma_wait3A_543] : memref<4x2x2048xf32, #tpu.memory_space<vmem>> -> memref<1x2x2048xf32, #tpu.memory_space<vmem>>
      %dma_wait3A_545 = tpu.memref_squeeze %dma_wait3A_544 : memref<1x2x2048xf32, #tpu.memory_space<vmem>> -> memref<2x2048xf32, #tpu.memory_space<vmem>>
      %dma_wait3A_546 = arith.constant 0 : i32
      %dma_wait3A_547 = tpu.memref_slice %arg6[%add3A_522, %dma_wait3A_546] : memref<64x2xi32, #tpu.memory_space<vmem>> -> memref<1x2xi32, #tpu.memory_space<vmem>>
      %dma_wait3A_548 = tpu.memref_squeeze %dma_wait3A_547 : memref<1x2xi32, #tpu.memory_space<vmem>> -> memref<2xi32, #tpu.memory_space<vmem>>
      %dma_wait3A_549 = arith.constant 0 : i32
      %dma_wait3A_550 = arith.constant 0 : i32
      %dma_wait3A_551 = tpu.memref_slice %arg4[%dma_wait3A_549, %dma_wait3A_550] : memref<8192x2048xf32, #tpu.memory_space<hbm>> -> memref<8192x2048xf32, #tpu.memory_space<hbm>>
      tpu.wait_indirect_dma semaphore(%arg13 : memref<!tpu.dma_semaphore, #tpu.memory_space<semaphore_mem>>) src(%dma_wait3A_551 : memref<8192x2048xf32, #tpu.memory_space<hbm>>) dst(%dma_wait3A_545 : memref<2x2048xf32, #tpu.memory_space<vmem>>)
      %parallel_loop3A_552 = arith.constant 0 : i32
      %parallel_loop3A_553 = arith.constant 128 : i32
      %parallel_loop3A_554 = arith.constant 1 : i32
      scf.for %parallel_loop3A_853 = %parallel_loop3A_552 to %parallel_loop3A_553 step %parallel_loop3A_554  : i32 {
        %parallel_loop3A_854 = arith.constant 16 : i32
        %parallel_loop3A_855 = arith.muli %parallel_loop3A_853, %parallel_loop3A_854 : i32
        %parallel_loop3A_856 = arith.constant 0 : i32
        %parallel_loop3A_857 = arith.constant 0 : i32
        %parallel_loop3A_858 = arith.index_cast %parallel_loop3A_856 : i32 to index
        %parallel_loop3A_859 = arith.index_cast %parallel_loop3A_857 : i32 to index
        %parallel_loop3A_860 = arith.index_cast %parallel_loop3A_855 : i32 to index
        %parallel_loop3A_861 = tpu.vector_load %arg8[%parallel_loop3A_858, %parallel_loop3A_859, %parallel_loop3A_860] {strides = array<i32>} : memref<4x2x2048xf32, #tpu.memory_space<vmem>>, vector<1x1x16xf32>,
        %parallel_loop3A_862 = vector.shape_cast %parallel_loop3A_861 : vector<1x1x16xf32> to vector<16xf32>
        %parallel_loop3A_863 = arith.constant 0 : i32
        %parallel_loop3A_864 = arith.constant 0 : i32
        %parallel_loop3A_865 = arith.constant 0 : i32
        %parallel_loop3A_866 = arith.index_cast %parallel_loop3A_863 : i32 to index
        %parallel_loop3A_867 = arith.index_cast %parallel_loop3A_864 : i32 to index
        %parallel_loop3A_868 = arith.index_cast %parallel_loop3A_865 : i32 to index
        %parallel_loop3A_869 = arith.index_cast %parallel_loop3A_855 : i32 to index
        %parallel_loop3A_870 = tpu.vector_load %arg7[%parallel_loop3A_866, %parallel_loop3A_867, %parallel_loop3A_868, %parallel_loop3A_869] {strides = array<i32>} : memref<4x4x2x2048xf32, #tpu.memory_space<vmem>>, vector<1x1x1x16xf32>,
        %parallel_loop3A_871 = vector.shape_cast %parallel_loop3A_870 : vector<1x1x1x16xf32> to vector<16xf32>
        %parallel_loop3A_872 = vector.shape_cast %parallel_loop3A_862 : vector<16xf32> to vector<1x1x1x16xf32>
        tpu.vector_store %arg7[%parallel_loop3A_866, %parallel_loop3A_867, %parallel_loop3A_868, %parallel_loop3A_869], %parallel_loop3A_872 {add = true, strides = array<i32>} : memref<4x4x2x2048xf32, #tpu.memory_space<vmem>>, vector<1x1x1x16xf32>,
        %parallel_loop3A_873 = arith.constant 0 : i32
        %parallel_loop3A_874 = arith.constant 1 : i32
        %parallel_loop3A_875 = arith.constant 0 : i32
        %parallel_loop3A_876 = arith.index_cast %parallel_loop3A_873 : i32 to index
        %parallel_loop3A_877 = arith.index_cast %parallel_loop3A_874 : i32 to index
        %parallel_loop3A_878 = arith.index_cast %parallel_loop3A_875 : i32 to index
        %parallel_loop3A_879 = arith.index_cast %parallel_loop3A_855 : i32 to index
        %parallel_loop3A_880 = tpu.vector_load %arg7[%parallel_loop3A_876, %parallel_loop3A_877, %parallel_loop3A_878, %parallel_loop3A_879] {strides = array<i32>} : memref<4x4x2x2048xf32, #tpu.memory_space<vmem>>, vector<1x1x1x16xf32>,
        %parallel_loop3A_881 = vector.shape_cast %parallel_loop3A_880 : vector<1x1x1x16xf32> to vector<16xf32>
        %parallel_loop3A_882 = vector.shape_cast %parallel_loop3A_862 : vector<16xf32> to vector<1x1x1x16xf32>
        tpu.vector_store %arg7[%parallel_loop3A_876, %parallel_loop3A_877, %parallel_loop3A_878, %parallel_loop3A_879], %parallel_loop3A_882 {add = true, strides = array<i32>} : memref<4x4x2x2048xf32, #tpu.memory_space<vmem>>, vector<1x1x1x16xf32>,
        %parallel_loop3A_883 = arith.constant 0 : i32
        %parallel_loop3A_884 = arith.constant 2 : i32
        %parallel_loop3A_885 = arith.constant 0 : i32
        %parallel_loop3A_886 = arith.index_cast %parallel_loop3A_883 : i32 to index
        %parallel_loop3A_887 = arith.index_cast %parallel_loop3A_884 : i32 to index
        %parallel_loop3A_888 = arith.index_cast %parallel_loop3A_885 : i32 to index
        %parallel_loop3A_889 = arith.index_cast %parallel_loop3A_855 : i32 to index
        %parallel_loop3A_890 = tpu.vector_load %arg7[%parallel_loop3A_886, %parallel_loop3A_887, %parallel_loop3A_888, %parallel_loop3A_889] {strides = array<i32>} : memref<4x4x2x2048xf32, #tpu.memory_space<vmem>>, vector<1x1x1x16xf32>,
        %parallel_loop3A_891 = vector.shape_cast %parallel_loop3A_890 : vector<1x1x1x16xf32> to vector<16xf32>
        %parallel_loop3A_892 = vector.shape_cast %parallel_loop3A_862 : vector<16xf32> to vector<1x1x1x16xf32>
        tpu.vector_store %arg7[%parallel_loop3A_886, %parallel_loop3A_887, %parallel_loop3A_888, %parallel_loop3A_889], %parallel_loop3A_892 {add = true, strides = array<i32>} : memref<4x4x2x2048xf32, #tpu.memory_space<vmem>>, vector<1x1x1x16xf32>,
        %parallel_loop3A_893 = arith.constant 0 : i32
        %parallel_loop3A_894 = arith.constant 3 : i32
        %parallel_loop3A_895 = arith.constant 0 : i32
        %parallel_loop3A_896 = arith.index_cast %parallel_loop3A_893 : i32 to index
        %parallel_loop3A_897 = arith.index_cast %parallel_loop3A_894 : i32 to index
        %parallel_loop3A_898 = arith.index_cast %parallel_loop3A_895 : i32 to index
        %parallel_loop3A_899 = arith.index_cast %parallel_loop3A_855 : i32 to index
        %parallel_loop3A_900 = tpu.vector_load %arg7[%parallel_loop3A_896, %parallel_loop3A_897, %parallel_loop3A_898, %parallel_loop3A_899] {strides = array<i32>} : memref<4x4x2x2048xf32, #tpu.memory_space<vmem>>, vector<1x1x1x16xf32>,
        %parallel_loop3A_901 = vector.shape_cast %parallel_loop3A_900 : vector<1x1x1x16xf32> to vector<16xf32>
        %parallel_loop3A_902 = vector.shape_cast %parallel_loop3A_862 : vector<16xf32> to vector<1x1x1x16xf32>
        tpu.vector_store %arg7[%parallel_loop3A_896, %parallel_loop3A_897, %parallel_loop3A_898, %parallel_loop3A_899], %parallel_loop3A_902 {add = true, strides = array<i32>} : memref<4x4x2x2048xf32, #tpu.memory_space<vmem>>, vector<1x1x1x16xf32>,
      } {sc.loop_unroll_factor = 8 : i64, sc.parallel_access}
      %parallel_loop3A_555 = arith.constant 0 : i32
      %parallel_loop3A_556 = arith.constant 128 : i32
      %parallel_loop3A_557 = arith.constant 1 : i32
      scf.for %parallel_loop3A_853 = %parallel_loop3A_555 to %parallel_loop3A_556 step %parallel_loop3A_557  : i32 {
        %parallel_loop3A_854 = arith.constant 16 : i32
        %parallel_loop3A_855 = arith.muli %parallel_loop3A_853, %parallel_loop3A_854 : i32
        %parallel_loop3A_856 = arith.constant 0 : i32
        %parallel_loop3A_857 = arith.constant 1 : i32
        %parallel_loop3A_858 = arith.index_cast %parallel_loop3A_856 : i32 to index
        %parallel_loop3A_859 = arith.index_cast %parallel_loop3A_857 : i32 to index
        %parallel_loop3A_860 = arith.index_cast %parallel_loop3A_855 : i32 to index
        %parallel_loop3A_861 = tpu.vector_load %arg8[%parallel_loop3A_858, %parallel_loop3A_859, %parallel_loop3A_860] {strides = array<i32>} : memref<4x2x2048xf32, #tpu.memory_space<vmem>>, vector<1x1x16xf32>,
        %parallel_loop3A_862 = vector.shape_cast %parallel_loop3A_861 : vector<1x1x16xf32> to vector<16xf32>
        %parallel_loop3A_863 = arith.constant 0 : i32
        %parallel_loop3A_864 = arith.constant 0 : i32
        %parallel_loop3A_865 = arith.constant 1 : i32
        %parallel_loop3A_866 = arith.index_cast %parallel_loop3A_863 : i32 to index
        %parallel_loop3A_867 = arith.index_cast %parallel_loop3A_864 : i32 to index
        %parallel_loop3A_868 = arith.index_cast %parallel_loop3A_865 : i32 to index
        %parallel_loop3A_869 = arith.index_cast %parallel_loop3A_855 : i32 to index
        %parallel_loop3A_870 = tpu.vector_load %arg7[%parallel_loop3A_866, %parallel_loop3A_867, %parallel_loop3A_868, %parallel_loop3A_869] {strides = array<i32>} : memref<4x4x2x2048xf32, #tpu.memory_space<vmem>>, vector<1x1x1x16xf32>,
        %parallel_loop3A_871 = vector.shape_cast %parallel_loop3A_870 : vector<1x1x1x16xf32> to vector<16xf32>
        %parallel_loop3A_872 = vector.shape_cast %parallel_loop3A_862 : vector<16xf32> to vector<1x1x1x16xf32>
        tpu.vector_store %arg7[%parallel_loop3A_866, %parallel_loop3A_867, %parallel_loop3A_868, %parallel_loop3A_869], %parallel_loop3A_872 {add = true, strides = array<i32>} : memref<4x4x2x2048xf32, #tpu.memory_space<vmem>>, vector<1x1x1x16xf32>,
        %parallel_loop3A_873 = arith.constant 0 : i32
        %parallel_loop3A_874 = arith.constant 1 : i32
        %parallel_loop3A_875 = arith.constant 1 : i32
        %parallel_loop3A_876 = arith.index_cast %parallel_loop3A_873 : i32 to index
        %parallel_loop3A_877 = arith.index_cast %parallel_loop3A_874 : i32 to index
        %parallel_loop3A_878 = arith.index_cast %parallel_loop3A_875 : i32 to index
        %parallel_loop3A_879 = arith.index_cast %parallel_loop3A_855 : i32 to index
        %parallel_loop3A_880 = tpu.vector_load %arg7[%parallel_loop3A_876, %parallel_loop3A_877, %parallel_loop3A_878, %parallel_loop3A_879] {strides = array<i32>} : memref<4x4x2x2048xf32, #tpu.memory_space<vmem>>, vector<1x1x1x16xf32>,
        %parallel_loop3A_881 = vector.shape_cast %parallel_loop3A_880 : vector<1x1x1x16xf32> to vector<16xf32>
        %parallel_loop3A_882 = vector.shape_cast %parallel_loop3A_862 : vector<16xf32> to vector<1x1x1x16xf32>
        tpu.vector_store %arg7[%parallel_loop3A_876, %parallel_loop3A_877, %parallel_loop3A_878, %parallel_loop3A_879], %parallel_loop3A_882 {add = true, strides = array<i32>} : memref<4x4x2x2048xf32, #tpu.memory_space<vmem>>, vector<1x1x1x16xf32>,
        %parallel_loop3A_883 = arith.constant 0 : i32
        %parallel_loop3A_884 = arith.constant 2 : i32
        %parallel_loop3A_885 = arith.constant 1 : i32
        %parallel_loop3A_886 = arith.index_cast %parallel_loop3A_883 : i32 to index
        %parallel_loop3A_887 = arith.index_cast %parallel_loop3A_884 : i32 to index
        %parallel_loop3A_888 = arith.index_cast %parallel_loop3A_885 : i32 to index
        %parallel_loop3A_889 = arith.index_cast %parallel_loop3A_855 : i32 to index
        %parallel_loop3A_890 = tpu.vector_load %arg7[%parallel_loop3A_886, %parallel_loop3A_887, %parallel_loop3A_888, %parallel_loop3A_889] {strides = array<i32>} : memref<4x4x2x2048xf32, #tpu.memory_space<vmem>>, vector<1x1x1x16xf32>,
        %parallel_loop3A_891 = vector.shape_cast %parallel_loop3A_890 : vector<1x1x1x16xf32> to vector<16xf32>
        %parallel_loop3A_892 = vector.shape_cast %parallel_loop3A_862 : vector<16xf32> to vector<1x1x1x16xf32>
        tpu.vector_store %arg7[%parallel_loop3A_886, %parallel_loop3A_887, %parallel_loop3A_888, %parallel_loop3A_889], %parallel_loop3A_892 {add = true, strides = array<i32>} : memref<4x4x2x2048xf32, #tpu.memory_space<vmem>>, vector<1x1x1x16xf32>,
        %parallel_loop3A_893 = arith.constant 0 : i32
        %parallel_loop3A_894 = arith.constant 3 : i32
        %parallel_loop3A_895 = arith.constant 1 : i32
        %parallel_loop3A_896 = arith.index_cast %parallel_loop3A_893 : i32 to index
        %parallel_loop3A_897 = arith.index_cast %parallel_loop3A_894 : i32 to index
        %parallel_loop3A_898 = arith.index_cast %parallel_loop3A_895 : i32 to index
        %parallel_loop3A_899 = arith.index_cast %parallel_loop3A_855 : i32 to index
        %parallel_loop3A_900 = tpu.vector_load %arg7[%parallel_loop3A_896, %parallel_loop3A_897, %parallel_loop3A_898, %parallel_loop3A_899] {strides = array<i32>} : memref<4x4x2x2048xf32, #tpu.memory_space<vmem>>, vector<1x1x1x16xf32>,
        %parallel_loop3A_901 = vector.shape_cast %parallel_loop3A_900 : vector<1x1x1x16xf32> to vector<16xf32>
        %parallel_loop3A_902 = vector.shape_cast %parallel_loop3A_862 : vector<16xf32> to vector<1x1x1x16xf32>
        tpu.vector_store %arg7[%parallel_loop3A_896, %parallel_loop3A_897, %parallel_loop3A_898, %parallel_loop3A_899], %parallel_loop3A_902 {add = true, strides = array<i32>} : memref<4x4x2x2048xf32, #tpu.memory_space<vmem>>, vector<1x1x1x16xf32>,
      } {sc.loop_unroll_factor = 8 : i64, sc.parallel_access}
      %mul3A_558 = arith.constant 2 : i32
      %mul3A_559 = arith.muli %add3A_522, %mul3A_558 : i32
      %add3A_560 = arith.addi %mul3A_34, %mul3A_559 : i32
      %dma_start3A_561 = arith.constant 0 : i32
      %dma_start3A_562 = arith.constant 0 : i32
      %dma_start3A_563 = arith.constant 0 : i32
      %dma_start3A_564 = arith.constant 0 : i32
      %dma_start3A_565 = tpu.memref_slice %arg7[%dma_start3A_561, %dma_start3A_562, %dma_start3A_563, %dma_start3A_564] : memref<4x4x2x2048xf32, #tpu.memory_space<vmem>> -> memref<1x4x2x2048xf32, #tpu.memory_space<vmem>>
      %dma_start3A_566 = tpu.memref_squeeze %dma_start3A_565 : memref<1x4x2x2048xf32, #tpu.memory_space<vmem>> -> memref<4x2x2048xf32, #tpu.memory_space<vmem>>
      %dma_start3A_567 = arith.constant 0 : i32
      %dma_start3A_568 = tpu.memref_slice %arg5[%mul3A_32, %add3A_560, %dma_start3A_567] : memref<4x4096x2048xf32, #tpu.memory_space<hbm>> -> memref<4x2x2048xf32, #tpu.memory_space<hbm>>
      %dma_start3A_569 = arith.constant 0 : i32
      %dma_start3A_570 = tpu.memref_slice %arg5[%mul3A_32, %add3A_560, %dma_start3A_569] : memref<4x4096x2048xf32, #tpu.memory_space<hbm>> -> memref<4x2x2048xf32, #tpu.memory_space<hbm>>
      %dma_start3A_571 = arith.constant 0 : i32
      %dma_start3A_572 = arith.constant 0 : i32
      %dma_start3A_573 = arith.constant 0 : i32
      %dma_start3A_574 = tpu.memref_slice %arg7[%dma_start3A_561, %dma_start3A_571, %dma_start3A_572, %dma_start3A_573] : memref<4x4x2x2048xf32, #tpu.memory_space<vmem>> -> memref<1x4x2x2048xf32, #tpu.memory_space<vmem>>
      %dma_start3A_575 = tpu.memref_squeeze %dma_start3A_574 : memref<1x4x2x2048xf32, #tpu.memory_space<vmem>> -> memref<4x2x2048xf32, #tpu.memory_space<vmem>>
      tpu.enqueue_dma source(%dma_start3A_575 : memref<4x2x2048xf32, #tpu.memory_space<vmem>>) target(%dma_start3A_570 : memref<4x2x2048xf32, #tpu.memory_space<hbm>>) target_semaphore(%arg17 : memref<!tpu.dma_semaphore, #tpu.memory_space<semaphore_mem>>)
      %sub3A_576 = arith.constant 1 : i32
      %sub3A_577 = arith.subi %add3A_522, %sub3A_576 : i32
      %mul3A_578 = arith.constant 2 : i32
      %mul3A_579 = arith.muli %sub3A_577, %mul3A_578 : i32
      %add3A_580 = arith.addi %mul3A_34, %mul3A_579 : i32
      %dma_wait3A_581 = arith.constant 3 : i32
      %dma_wait3A_582 = arith.constant 0 : i32
      %dma_wait3A_583 = arith.constant 0 : i32
      %dma_wait3A_584 = arith.constant 0 : i32
      %dma_wait3A_585 = tpu.memref_slice %arg7[%dma_wait3A_581, %dma_wait3A_582, %dma_wait3A_583, %dma_wait3A_584] : memref<4x4x2x2048xf32, #tpu.memory_space<vmem>> -> memref<1x4x2x2048xf32, #tpu.memory_space<vmem>>
      %dma_wait3A_586 = tpu.memref_squeeze %dma_wait3A_585 : memref<1x4x2x2048xf32, #tpu.memory_space<vmem>> -> memref<4x2x2048xf32, #tpu.memory_space<vmem>>
      %dma_wait3A_587 = arith.constant 0 : i32
      %dma_wait3A_588 = tpu.memref_slice %arg5[%mul3A_32, %add3A_580, %dma_wait3A_587] : memref<4x4096x2048xf32, #tpu.memory_space<hbm>> -> memref<4x2x2048xf32, #tpu.memory_space<hbm>>
      %dma_wait3A_589 = arith.constant 0 : i32
      %dma_wait3A_590 = tpu.memref_slice %arg5[%mul3A_32, %add3A_580, %dma_wait3A_589] : memref<4x4096x2048xf32, #tpu.memory_space<hbm>> -> memref<4x2x2048xf32, #tpu.memory_space<hbm>>
      %dma_wait3A_591 = arith.constant 0 : i32
      %dma_wait3A_592 = arith.constant 0 : i32
      %dma_wait3A_593 = arith.constant 0 : i32
      %dma_wait3A_594 = tpu.memref_slice %arg7[%dma_wait3A_581, %dma_wait3A_591, %dma_wait3A_592, %dma_wait3A_593] : memref<4x4x2x2048xf32, #tpu.memory_space<vmem>> -> memref<1x4x2x2048xf32, #tpu.memory_space<vmem>>
      %dma_wait3A_595 = tpu.memref_squeeze %dma_wait3A_594 : memref<1x4x2x2048xf32, #tpu.memory_space<vmem>> -> memref<4x2x2048xf32, #tpu.memory_space<vmem>>
      tpu.wait_dma2 semaphore(%arg20 : memref<!tpu.dma_semaphore, #tpu.memory_space<semaphore_mem>>) src(%dma_wait3A_595 : memref<4x2x2048xf32, #tpu.memory_space<vmem>>) dst(%dma_wait3A_590 : memref<4x2x2048xf32, #tpu.memory_space<hbm>>)
      %add3A_596 = arith.constant 3 : i32
      %add3A_597 = arith.addi %add3A_522, %add3A_596 : i32
      %lt3A_598 = arith.constant 64 : i32
      %lt3A_599 = arith.cmpi slt, %add3A_597, %lt3A_598 : i32
      %convert_element_type3A = arith.extui %lt3A_599 : i1 to i32
      %cond3A = arith.constant 0 : i32
      %cond3A_600 = arith.cmpi ne, %convert_element_type3A, %cond3A : i32
      scf.if %cond3A_600 {
        %add3A_853 = arith.constant 3 : i32
        %add3A_854 = arith.addi %add3A_522, %add3A_853 : i32
        %mul3A_855 = arith.constant 2 : i32
        %mul3A_856 = arith.muli %add3A_854, %mul3A_855 : i32
        %add3A_857 = arith.addi %mul3A_34, %mul3A_856 : i32
        %dma_start3A_858 = arith.constant 3 : i32
        %dma_start3A_859 = arith.constant 0 : i32
        %dma_start3A_860 = arith.constant 0 : i32
        %dma_start3A_861 = arith.constant 0 : i32
        %dma_start3A_862 = tpu.memref_slice %arg7[%dma_start3A_858, %dma_start3A_859, %dma_start3A_860, %dma_start3A_861] : memref<4x4x2x2048xf32, #tpu.memory_space<vmem>> -> memref<1x4x2x2048xf32, #tpu.memory_space<vmem>>
        %dma_start3A_863 = tpu.memref_squeeze %dma_start3A_862 : memref<1x4x2x2048xf32, #tpu.memory_space<vmem>> -> memref<4x2x2048xf32, #tpu.memory_space<vmem>>
        %dma_start3A_864 = arith.constant 0 : i32
        %dma_start3A_865 = tpu.memref_slice %arg2[%mul3A_32, %add3A_857, %dma_start3A_864] : memref<4x4096x2048xf32, #tpu.memory_space<hbm>> -> memref<4x2x2048xf32, #tpu.memory_space<hbm>>
        %dma_start3A_866 = arith.constant 0 : i32
        %dma_start3A_867 = arith.constant 0 : i32
        %dma_start3A_868 = arith.constant 0 : i32
        %dma_start3A_869 = tpu.memref_slice %arg7[%dma_start3A_858, %dma_start3A_866, %dma_start3A_867, %dma_start3A_868] : memref<4x4x2x2048xf32, #tpu.memory_space<vmem>> -> memref<1x4x2x2048xf32, #tpu.memory_space<vmem>>
        %dma_start3A_870 = tpu.memref_squeeze %dma_start3A_869 : memref<1x4x2x2048xf32, #tpu.memory_space<vmem>> -> memref<4x2x2048xf32, #tpu.memory_space<vmem>>
        %dma_start3A_871 = arith.constant 0 : i32
        %dma_start3A_872 = tpu.memref_slice %arg2[%mul3A_32, %add3A_857, %dma_start3A_871] : memref<4x4096x2048xf32, #tpu.memory_space<hbm>> -> memref<4x2x2048xf32, #tpu.memory_space<hbm>>
        tpu.enqueue_dma source(%dma_start3A_872 : memref<4x2x2048xf32, #tpu.memory_space<hbm>>) target(%dma_start3A_870 : memref<4x2x2048xf32, #tpu.memory_space<vmem>>) target_semaphore(%arg12 : memref<!tpu.dma_semaphore, #tpu.memory_space<semaphore_mem>>)
        %dma_start3A_873 = arith.constant 3 : i32
        %dma_start3A_874 = arith.constant 0 : i32
        %dma_start3A_875 = arith.constant 0 : i32
        %dma_start3A_876 = tpu.memref_slice %arg8[%dma_start3A_873, %dma_start3A_874, %dma_start3A_875] : memref<4x2x2048xf32, #tpu.memory_space<vmem>> -> memref<1x2x2048xf32, #tpu.memory_space<vmem>>
        %dma_start3A_877 = tpu.memref_squeeze %dma_start3A_876 : memref<1x2x2048xf32, #tpu.memory_space<vmem>> -> memref<2x2048xf32, #tpu.memory_space<vmem>>
        %dma_start3A_878 = arith.constant 0 : i32
        %dma_start3A_879 = tpu.memref_slice %arg6[%add3A_854, %dma_start3A_878] : memref<64x2xi32, #tpu.memory_space<vmem>> -> memref<1x2xi32, #tpu.memory_space<vmem>>
        %dma_start3A_880 = tpu.memref_squeeze %dma_start3A_879 : memref<1x2xi32, #tpu.memory_space<vmem>> -> memref<2xi32, #tpu.memory_space<vmem>>
        %dma_start3A_881 = arith.constant 0 : i32
        %dma_start3A_882 = arith.constant 0 : i32
        %dma_start3A_883 = tpu.memref_slice %arg4[%dma_start3A_881, %dma_start3A_882] : memref<8192x2048xf32, #tpu.memory_space<hbm>> -> memref<8192x2048xf32, #tpu.memory_space<hbm>>
        tpu.enqueue_indirect_dma source(%dma_start3A_883 : memref<8192x2048xf32, #tpu.memory_space<hbm>>) target(%dma_start3A_877 : memref<2x2048xf32, #tpu.memory_space<vmem>>) offsets(%dma_start3A_880 : memref<2xi32, #tpu.memory_space<vmem>>) semaphore(%arg16 : memref<!tpu.dma_semaphore, #tpu.memory_space<semaphore_mem>>)
      } else {
      }
      %mul3A_601 = arith.constant 4 : i32
      %mul3A_602 = arith.muli %scan3A_518, %mul3A_601 : i32
      %add3A_603 = arith.constant 1 : i32
      %add3A_604 = arith.addi %mul3A_602, %add3A_603 : i32
      %mul3A_605 = arith.constant 2 : i32
      %mul3A_606 = arith.muli %add3A_604, %mul3A_605 : i32
      %add3A_607 = arith.addi %mul3A_34, %mul3A_606 : i32
      %dma_wait3A_608 = arith.constant 1 : i32
      %dma_wait3A_609 = arith.constant 0 : i32
      %dma_wait3A_610 = arith.constant 0 : i32
      %dma_wait3A_611 = arith.constant 0 : i32
      %dma_wait3A_612 = tpu.memref_slice %arg7[%dma_wait3A_608, %dma_wait3A_609, %dma_wait3A_610, %dma_wait3A_611] : memref<4x4x2x2048xf32, #tpu.memory_space<vmem>> -> memref<1x4x2x2048xf32, #tpu.memory_space<vmem>>
      %dma_wait3A_613 = tpu.memref_squeeze %dma_wait3A_612 : memref<1x4x2x2048xf32, #tpu.memory_space<vmem>> -> memref<4x2x2048xf32, #tpu.memory_space<vmem>>
      %dma_wait3A_614 = arith.constant 0 : i32
      %dma_wait3A_615 = tpu.memref_slice %arg2[%mul3A_32, %add3A_607, %dma_wait3A_614] : memref<4x4096x2048xf32, #tpu.memory_space<hbm>> -> memref<4x2x2048xf32, #tpu.memory_space<hbm>>
      %dma_wait3A_616 = arith.constant 0 : i32
      %dma_wait3A_617 = arith.constant 0 : i32
      %dma_wait3A_618 = arith.constant 0 : i32
      %dma_wait3A_619 = tpu.memref_slice %arg7[%dma_wait3A_608, %dma_wait3A_616, %dma_wait3A_617, %dma_wait3A_618] : memref<4x4x2x2048xf32, #tpu.memory_space<vmem>> -> memref<1x4x2x2048xf32, #tpu.memory_space<vmem>>
      %dma_wait3A_620 = tpu.memref_squeeze %dma_wait3A_619 : memref<1x4x2x2048xf32, #tpu.memory_space<vmem>> -> memref<4x2x2048xf32, #tpu.memory_space<vmem>>
      %dma_wait3A_621 = arith.constant 0 : i32
      %dma_wait3A_622 = tpu.memref_slice %arg2[%mul3A_32, %add3A_607, %dma_wait3A_621] : memref<4x4096x2048xf32, #tpu.memory_space<hbm>> -> memref<4x2x2048xf32, #tpu.memory_space<hbm>>
      tpu.wait_dma2 semaphore(%arg10 : memref<!tpu.dma_semaphore, #tpu.memory_space<semaphore_mem>>) src(%dma_wait3A_622 : memref<4x2x2048xf32, #tpu.memory_space<hbm>>) dst(%dma_wait3A_620 : memref<4x2x2048xf32, #tpu.memory_space<vmem>>)
      %dma_wait3A_623 = arith.constant 1 : i32
      %dma_wait3A_624 = arith.constant 0 : i32
      %dma_wait3A_625 = arith.constant 0 : i32
      %dma_wait3A_626 = tpu.memref_slice %arg8[%dma_wait3A_623, %dma_wait3A_624, %dma_wait3A_625] : memref<4x2x2048xf32, #tpu.memory_space<vmem>> -> memref<1x2x2048xf32, #tpu.memory_space<vmem>>
      %dma_wait3A_627 = tpu.memref_squeeze %dma_wait3A_626 : memref<1x2x2048xf32, #tpu.memory_space<vmem>> -> memref<2x2048xf32, #tpu.memory_space<vmem>>
      %dma_wait3A_628 = arith.constant 0 : i32
      %dma_wait3A_629 = tpu.memref_slice %arg6[%add3A_604, %dma_wait3A_628] : memref<64x2xi32, #tpu.memory_space<vmem>> -> memref<1x2xi32, #tpu.memory_space<vmem>>
      %dma_wait3A_630 = tpu.memref_squeeze %dma_wait3A_629 : memref<1x2xi32, #tpu.memory_space<vmem>> -> memref<2xi32, #tpu.memory_space<vmem>>
      %dma_wait3A_631 = arith.constant 0 : i32
      %dma_wait3A_632 = arith.constant 0 : i32
      %dma_wait3A_633 = tpu.memref_slice %arg4[%dma_wait3A_631, %dma_wait3A_632] : memref<8192x2048xf32, #tpu.memory_space<hbm>> -> memref<8192x2048xf32, #tpu.memory_space<hbm>>
      tpu.wait_indirect_dma semaphore(%arg14 : memref<!tpu.dma_semaphore, #tpu.memory_space<semaphore_mem>>) src(%dma_wait3A_633 : memref<8192x2048xf32, #tpu.memory_space<hbm>>) dst(%dma_wait3A_627 : memref<2x2048xf32, #tpu.memory_space<vmem>>)
      %parallel_loop3A_634 = arith.constant 0 : i32
      %parallel_loop3A_635 = arith.constant 128 : i32
      %parallel_loop3A_636 = arith.constant 1 : i32
      scf.for %parallel_loop3A_853 = %parallel_loop3A_634 to %parallel_loop3A_635 step %parallel_loop3A_636  : i32 {
        %parallel_loop3A_854 = arith.constant 16 : i32
        %parallel_loop3A_855 = arith.muli %parallel_loop3A_853, %parallel_loop3A_854 : i32
        %parallel_loop3A_856 = arith.constant 1 : i32
        %parallel_loop3A_857 = arith.constant 0 : i32
        %parallel_loop3A_858 = arith.index_cast %parallel_loop3A_856 : i32 to index
        %parallel_loop3A_859 = arith.index_cast %parallel_loop3A_857 : i32 to index
        %parallel_loop3A_860 = arith.index_cast %parallel_loop3A_855 : i32 to index
        %parallel_loop3A_861 = tpu.vector_load %arg8[%parallel_loop3A_858, %parallel_loop3A_859, %parallel_loop3A_860] {strides = array<i32>} : memref<4x2x2048xf32, #tpu.memory_space<vmem>>, vector<1x1x16xf32>,
        %parallel_loop3A_862 = vector.shape_cast %parallel_loop3A_861 : vector<1x1x16xf32> to vector<16xf32>
        %parallel_loop3A_863 = arith.constant 1 : i32
        %parallel_loop3A_864 = arith.constant 0 : i32
        %parallel_loop3A_865 = arith.constant 0 : i32
        %parallel_loop3A_866 = arith.index_cast %parallel_loop3A_863 : i32 to index
        %parallel_loop3A_867 = arith.index_cast %parallel_loop3A_864 : i32 to index
        %parallel_loop3A_868 = arith.index_cast %parallel_loop3A_865 : i32 to index
        %parallel_loop3A_869 = arith.index_cast %parallel_loop3A_855 : i32 to index
        %parallel_loop3A_870 = tpu.vector_load %arg7[%parallel_loop3A_866, %parallel_loop3A_867, %parallel_loop3A_868, %parallel_loop3A_869] {strides = array<i32>} : memref<4x4x2x2048xf32, #tpu.memory_space<vmem>>, vector<1x1x1x16xf32>,
        %parallel_loop3A_871 = vector.shape_cast %parallel_loop3A_870 : vector<1x1x1x16xf32> to vector<16xf32>
        %parallel_loop3A_872 = vector.shape_cast %parallel_loop3A_862 : vector<16xf32> to vector<1x1x1x16xf32>
        tpu.vector_store %arg7[%parallel_loop3A_866, %parallel_loop3A_867, %parallel_loop3A_868, %parallel_loop3A_869], %parallel_loop3A_872 {add = true, strides = array<i32>} : memref<4x4x2x2048xf32, #tpu.memory_space<vmem>>, vector<1x1x1x16xf32>,
        %parallel_loop3A_873 = arith.constant 1 : i32
        %parallel_loop3A_874 = arith.constant 1 : i32
        %parallel_loop3A_875 = arith.constant 0 : i32
        %parallel_loop3A_876 = arith.index_cast %parallel_loop3A_873 : i32 to index
        %parallel_loop3A_877 = arith.index_cast %parallel_loop3A_874 : i32 to index
        %parallel_loop3A_878 = arith.index_cast %parallel_loop3A_875 : i32 to index
        %parallel_loop3A_879 = arith.index_cast %parallel_loop3A_855 : i32 to index
        %parallel_loop3A_880 = tpu.vector_load %arg7[%parallel_loop3A_876, %parallel_loop3A_877, %parallel_loop3A_878, %parallel_loop3A_879] {strides = array<i32>} : memref<4x4x2x2048xf32, #tpu.memory_space<vmem>>, vector<1x1x1x16xf32>,
        %parallel_loop3A_881 = vector.shape_cast %parallel_loop3A_880 : vector<1x1x1x16xf32> to vector<16xf32>
        %parallel_loop3A_882 = vector.shape_cast %parallel_loop3A_862 : vector<16xf32> to vector<1x1x1x16xf32>
        tpu.vector_store %arg7[%parallel_loop3A_876, %parallel_loop3A_877, %parallel_loop3A_878, %parallel_loop3A_879], %parallel_loop3A_882 {add = true, strides = array<i32>} : memref<4x4x2x2048xf32, #tpu.memory_space<vmem>>, vector<1x1x1x16xf32>,
        %parallel_loop3A_883 = arith.constant 1 : i32
        %parallel_loop3A_884 = arith.constant 2 : i32
        %parallel_loop3A_885 = arith.constant 0 : i32
        %parallel_loop3A_886 = arith.index_cast %parallel_loop3A_883 : i32 to index
        %parallel_loop3A_887 = arith.index_cast %parallel_loop3A_884 : i32 to index
        %parallel_loop3A_888 = arith.index_cast %parallel_loop3A_885 : i32 to index
        %parallel_loop3A_889 = arith.index_cast %parallel_loop3A_855 : i32 to index
        %parallel_loop3A_890 = tpu.vector_load %arg7[%parallel_loop3A_886, %parallel_loop3A_887, %parallel_loop3A_888, %parallel_loop3A_889] {strides = array<i32>} : memref<4x4x2x2048xf32, #tpu.memory_space<vmem>>, vector<1x1x1x16xf32>,
        %parallel_loop3A_891 = vector.shape_cast %parallel_loop3A_890 : vector<1x1x1x16xf32> to vector<16xf32>
        %parallel_loop3A_892 = vector.shape_cast %parallel_loop3A_862 : vector<16xf32> to vector<1x1x1x16xf32>
        tpu.vector_store %arg7[%parallel_loop3A_886, %parallel_loop3A_887, %parallel_loop3A_888, %parallel_loop3A_889], %parallel_loop3A_892 {add = true, strides = array<i32>} : memref<4x4x2x2048xf32, #tpu.memory_space<vmem>>, vector<1x1x1x16xf32>,
        %parallel_loop3A_893 = arith.constant 1 : i32
        %parallel_loop3A_894 = arith.constant 3 : i32
        %parallel_loop3A_895 = arith.constant 0 : i32
        %parallel_loop3A_896 = arith.index_cast %parallel_loop3A_893 : i32 to index
        %parallel_loop3A_897 = arith.index_cast %parallel_loop3A_894 : i32 to index
        %parallel_loop3A_898 = arith.index_cast %parallel_loop3A_895 : i32 to index
        %parallel_loop3A_899 = arith.index_cast %parallel_loop3A_855 : i32 to index
        %parallel_loop3A_900 = tpu.vector_load %arg7[%parallel_loop3A_896, %parallel_loop3A_897, %parallel_loop3A_898, %parallel_loop3A_899] {strides = array<i32>} : memref<4x4x2x2048xf32, #tpu.memory_space<vmem>>, vector<1x1x1x16xf32>,
        %parallel_loop3A_901 = vector.shape_cast %parallel_loop3A_900 : vector<1x1x1x16xf32> to vector<16xf32>
        %parallel_loop3A_902 = vector.shape_cast %parallel_loop3A_862 : vector<16xf32> to vector<1x1x1x16xf32>
        tpu.vector_store %arg7[%parallel_loop3A_896, %parallel_loop3A_897, %parallel_loop3A_898, %parallel_loop3A_899], %parallel_loop3A_902 {add = true, strides = array<i32>} : memref<4x4x2x2048xf32, #tpu.memory_space<vmem>>, vector<1x1x1x16xf32>,
      } {sc.loop_unroll_factor = 8 : i64, sc.parallel_access}
      %parallel_loop3A_637 = arith.constant 0 : i32
      %parallel_loop3A_638 = arith.constant 128 : i32
      %parallel_loop3A_639 = arith.constant 1 : i32
      scf.for %parallel_loop3A_853 = %parallel_loop3A_637 to %parallel_loop3A_638 step %parallel_loop3A_639  : i32 {
        %parallel_loop3A_854 = arith.constant 16 : i32
        %parallel_loop3A_855 = arith.muli %parallel_loop3A_853, %parallel_loop3A_854 : i32
        %parallel_loop3A_856 = arith.constant 1 : i32
        %parallel_loop3A_857 = arith.constant 1 : i32
        %parallel_loop3A_858 = arith.index_cast %parallel_loop3A_856 : i32 to index
        %parallel_loop3A_859 = arith.index_cast %parallel_loop3A_857 : i32 to index
        %parallel_loop3A_860 = arith.index_cast %parallel_loop3A_855 : i32 to index
        %parallel_loop3A_861 = tpu.vector_load %arg8[%parallel_loop3A_858, %parallel_loop3A_859, %parallel_loop3A_860] {strides = array<i32>} : memref<4x2x2048xf32, #tpu.memory_space<vmem>>, vector<1x1x16xf32>,
        %parallel_loop3A_862 = vector.shape_cast %parallel_loop3A_861 : vector<1x1x16xf32> to vector<16xf32>
        %parallel_loop3A_863 = arith.constant 1 : i32
        %parallel_loop3A_864 = arith.constant 0 : i32
        %parallel_loop3A_865 = arith.constant 1 : i32
        %parallel_loop3A_866 = arith.index_cast %parallel_loop3A_863 : i32 to index
        %parallel_loop3A_867 = arith.index_cast %parallel_loop3A_864 : i32 to index
        %parallel_loop3A_868 = arith.index_cast %parallel_loop3A_865 : i32 to index
        %parallel_loop3A_869 = arith.index_cast %parallel_loop3A_855 : i32 to index
        %parallel_loop3A_870 = tpu.vector_load %arg7[%parallel_loop3A_866, %parallel_loop3A_867, %parallel_loop3A_868, %parallel_loop3A_869] {strides = array<i32>} : memref<4x4x2x2048xf32, #tpu.memory_space<vmem>>, vector<1x1x1x16xf32>,
        %parallel_loop3A_871 = vector.shape_cast %parallel_loop3A_870 : vector<1x1x1x16xf32> to vector<16xf32>
        %parallel_loop3A_872 = vector.shape_cast %parallel_loop3A_862 : vector<16xf32> to vector<1x1x1x16xf32>
        tpu.vector_store %arg7[%parallel_loop3A_866, %parallel_loop3A_867, %parallel_loop3A_868, %parallel_loop3A_869], %parallel_loop3A_872 {add = true, strides = array<i32>} : memref<4x4x2x2048xf32, #tpu.memory_space<vmem>>, vector<1x1x1x16xf32>,
        %parallel_loop3A_873 = arith.constant 1 : i32
        %parallel_loop3A_874 = arith.constant 1 : i32
        %parallel_loop3A_875 = arith.constant 1 : i32
        %parallel_loop3A_876 = arith.index_cast %parallel_loop3A_873 : i32 to index
        %parallel_loop3A_877 = arith.index_cast %parallel_loop3A_874 : i32 to index
        %parallel_loop3A_878 = arith.index_cast %parallel_loop3A_875 : i32 to index
        %parallel_loop3A_879 = arith.index_cast %parallel_loop3A_855 : i32 to index
        %parallel_loop3A_880 = tpu.vector_load %arg7[%parallel_loop3A_876, %parallel_loop3A_877, %parallel_loop3A_878, %parallel_loop3A_879] {strides = array<i32>} : memref<4x4x2x2048xf32, #tpu.memory_space<vmem>>, vector<1x1x1x16xf32>,
        %parallel_loop3A_881 = vector.shape_cast %parallel_loop3A_880 : vector<1x1x1x16xf32> to vector<16xf32>
        %parallel_loop3A_882 = vector.shape_cast %parallel_loop3A_862 : vector<16xf32> to vector<1x1x1x16xf32>
        tpu.vector_store %arg7[%parallel_loop3A_876, %parallel_loop3A_877, %parallel_loop3A_878, %parallel_loop3A_879], %parallel_loop3A_882 {add = true, strides = array<i32>} : memref<4x4x2x2048xf32, #tpu.memory_space<vmem>>, vector<1x1x1x16xf32>,
        %parallel_loop3A_883 = arith.constant 1 : i32
        %parallel_loop3A_884 = arith.constant 2 : i32
        %parallel_loop3A_885 = arith.constant 1 : i32
        %parallel_loop3A_886 = arith.index_cast %parallel_loop3A_883 : i32 to index
        %parallel_loop3A_887 = arith.index_cast %parallel_loop3A_884 : i32 to index
        %parallel_loop3A_888 = arith.index_cast %parallel_loop3A_885 : i32 to index
        %parallel_loop3A_889 = arith.index_cast %parallel_loop3A_855 : i32 to index
        %parallel_loop3A_890 = tpu.vector_load %arg7[%parallel_loop3A_886, %parallel_loop3A_887, %parallel_loop3A_888, %parallel_loop3A_889] {strides = array<i32>} : memref<4x4x2x2048xf32, #tpu.memory_space<vmem>>, vector<1x1x1x16xf32>,
        %parallel_loop3A_891 = vector.shape_cast %parallel_loop3A_890 : vector<1x1x1x16xf32> to vector<16xf32>
        %parallel_loop3A_892 = vector.shape_cast %parallel_loop3A_862 : vector<16xf32> to vector<1x1x1x16xf32>
        tpu.vector_store %arg7[%parallel_loop3A_886, %parallel_loop3A_887, %parallel_loop3A_888, %parallel_loop3A_889], %parallel_loop3A_892 {add = true, strides = array<i32>} : memref<4x4x2x2048xf32, #tpu.memory_space<vmem>>, vector<1x1x1x16xf32>,
        %parallel_loop3A_893 = arith.constant 1 : i32
        %parallel_loop3A_894 = arith.constant 3 : i32
        %parallel_loop3A_895 = arith.constant 1 : i32
        %parallel_loop3A_896 = arith.index_cast %parallel_loop3A_893 : i32 to index
        %parallel_loop3A_897 = arith.index_cast %parallel_loop3A_894 : i32 to index
        %parallel_loop3A_898 = arith.index_cast %parallel_loop3A_895 : i32 to index
        %parallel_loop3A_899 = arith.index_cast %parallel_loop3A_855 : i32 to index
        %parallel_loop3A_900 = tpu.vector_load %arg7[%parallel_loop3A_896, %parallel_loop3A_897, %parallel_loop3A_898, %parallel_loop3A_899] {strides = array<i32>} : memref<4x4x2x2048xf32, #tpu.memory_space<vmem>>, vector<1x1x1x16xf32>,
        %parallel_loop3A_901 = vector.shape_cast %parallel_loop3A_900 : vector<1x1x1x16xf32> to vector<16xf32>
        %parallel_loop3A_902 = vector.shape_cast %parallel_loop3A_862 : vector<16xf32> to vector<1x1x1x16xf32>
        tpu.vector_store %arg7[%parallel_loop3A_896, %parallel_loop3A_897, %parallel_loop3A_898, %parallel_loop3A_899], %parallel_loop3A_902 {add = true, strides = array<i32>} : memref<4x4x2x2048xf32, #tpu.memory_space<vmem>>, vector<1x1x1x16xf32>,
      } {sc.loop_unroll_factor = 8 : i64, sc.parallel_access}
      %mul3A_640 = arith.constant 2 : i32
      %mul3A_641 = arith.muli %add3A_604, %mul3A_640 : i32
      %add3A_642 = arith.addi %mul3A_34, %mul3A_641 : i32
      %dma_start3A_643 = arith.constant 1 : i32
      %dma_start3A_644 = arith.constant 0 : i32
      %dma_start3A_645 = arith.constant 0 : i32
      %dma_start3A_646 = arith.constant 0 : i32
      %dma_start3A_647 = tpu.memref_slice %arg7[%dma_start3A_643, %dma_start3A_644, %dma_start3A_645, %dma_start3A_646] : memref<4x4x2x2048xf32, #tpu.memory_space<vmem>> -> memref<1x4x2x2048xf32, #tpu.memory_space<vmem>>
      %dma_start3A_648 = tpu.memref_squeeze %dma_start3A_647 : memref<1x4x2x2048xf32, #tpu.memory_space<vmem>> -> memref<4x2x2048xf32, #tpu.memory_space<vmem>>
      %dma_start3A_649 = arith.constant 0 : i32
      %dma_start3A_650 = tpu.memref_slice %arg5[%mul3A_32, %add3A_642, %dma_start3A_649] : memref<4x4096x2048xf32, #tpu.memory_space<hbm>> -> memref<4x2x2048xf32, #tpu.memory_space<hbm>>
      %dma_start3A_651 = arith.constant 0 : i32
      %dma_start3A_652 = tpu.memref_slice %arg5[%mul3A_32, %add3A_642, %dma_start3A_651] : memref<4x4096x2048xf32, #tpu.memory_space<hbm>> -> memref<4x2x2048xf32, #tpu.memory_space<hbm>>
      %dma_start3A_653 = arith.constant 0 : i32
      %dma_start3A_654 = arith.constant 0 : i32
      %dma_start3A_655 = arith.constant 0 : i32
      %dma_start3A_656 = tpu.memref_slice %arg7[%dma_start3A_643, %dma_start3A_653, %dma_start3A_654, %dma_start3A_655] : memref<4x4x2x2048xf32, #tpu.memory_space<vmem>> -> memref<1x4x2x2048xf32, #tpu.memory_space<vmem>>
      %dma_start3A_657 = tpu.memref_squeeze %dma_start3A_656 : memref<1x4x2x2048xf32, #tpu.memory_space<vmem>> -> memref<4x2x2048xf32, #tpu.memory_space<vmem>>
      tpu.enqueue_dma source(%dma_start3A_657 : memref<4x2x2048xf32, #tpu.memory_space<vmem>>) target(%dma_start3A_652 : memref<4x2x2048xf32, #tpu.memory_space<hbm>>) target_semaphore(%arg18 : memref<!tpu.dma_semaphore, #tpu.memory_space<semaphore_mem>>)
      %sub3A_658 = arith.constant 1 : i32
      %sub3A_659 = arith.subi %add3A_604, %sub3A_658 : i32
      %mul3A_660 = arith.constant 2 : i32
      %mul3A_661 = arith.muli %sub3A_659, %mul3A_660 : i32
      %add3A_662 = arith.addi %mul3A_34, %mul3A_661 : i32
      %dma_wait3A_663 = arith.constant 0 : i32
      %dma_wait3A_664 = arith.constant 0 : i32
      %dma_wait3A_665 = arith.constant 0 : i32
      %dma_wait3A_666 = arith.constant 0 : i32
      %dma_wait3A_667 = tpu.memref_slice %arg7[%dma_wait3A_663, %dma_wait3A_664, %dma_wait3A_665, %dma_wait3A_666] : memref<4x4x2x2048xf32, #tpu.memory_space<vmem>> -> memref<1x4x2x2048xf32, #tpu.memory_space<vmem>>
      %dma_wait3A_668 = tpu.memref_squeeze %dma_wait3A_667 : memref<1x4x2x2048xf32, #tpu.memory_space<vmem>> -> memref<4x2x2048xf32, #tpu.memory_space<vmem>>
      %dma_wait3A_669 = arith.constant 0 : i32
      %dma_wait3A_670 = tpu.memref_slice %arg5[%mul3A_32, %add3A_662, %dma_wait3A_669] : memref<4x4096x2048xf32, #tpu.memory_space<hbm>> -> memref<4x2x2048xf32, #tpu.memory_space<hbm>>
      %dma_wait3A_671 = arith.constant 0 : i32
      %dma_wait3A_672 = tpu.memref_slice %arg5[%mul3A_32, %add3A_662, %dma_wait3A_671] : memref<4x4096x2048xf32, #tpu.memory_space<hbm>> -> memref<4x2x2048xf32, #tpu.memory_space<hbm>>
      %dma_wait3A_673 = arith.constant 0 : i32
      %dma_wait3A_674 = arith.constant 0 : i32
      %dma_wait3A_675 = arith.constant 0 : i32
      %dma_wait3A_676 = tpu.memref_slice %arg7[%dma_wait3A_663, %dma_wait3A_673, %dma_wait3A_674, %dma_wait3A_675] : memref<4x4x2x2048xf32, #tpu.memory_space<vmem>> -> memref<1x4x2x2048xf32, #tpu.memory_space<vmem>>
      %dma_wait3A_677 = tpu.memref_squeeze %dma_wait3A_676 : memref<1x4x2x2048xf32, #tpu.memory_space<vmem>> -> memref<4x2x2048xf32, #tpu.memory_space<vmem>>
      tpu.wait_dma2 semaphore(%arg17 : memref<!tpu.dma_semaphore, #tpu.memory_space<semaphore_mem>>) src(%dma_wait3A_677 : memref<4x2x2048xf32, #tpu.memory_space<vmem>>) dst(%dma_wait3A_672 : memref<4x2x2048xf32, #tpu.memory_space<hbm>>)
      %add3A_678 = arith.constant 3 : i32
      %add3A_679 = arith.addi %add3A_604, %add3A_678 : i32
      %lt3A_680 = arith.constant 64 : i32
      %lt3A_681 = arith.cmpi slt, %add3A_679, %lt3A_680 : i32
      %convert_element_type3A_682 = arith.extui %lt3A_681 : i1 to i32
      %cond3A_683 = arith.constant 0 : i32
      %cond3A_684 = arith.cmpi ne, %convert_element_type3A_682, %cond3A_683 : i32
      scf.if %cond3A_684 {
        %add3A_853 = arith.constant 3 : i32
        %add3A_854 = arith.addi %add3A_604, %add3A_853 : i32
        %mul3A_855 = arith.constant 2 : i32
        %mul3A_856 = arith.muli %add3A_854, %mul3A_855 : i32
        %add3A_857 = arith.addi %mul3A_34, %mul3A_856 : i32
        %dma_start3A_858 = arith.constant 0 : i32
        %dma_start3A_859 = arith.constant 0 : i32
        %dma_start3A_860 = arith.constant 0 : i32
        %dma_start3A_861 = arith.constant 0 : i32
        %dma_start3A_862 = tpu.memref_slice %arg7[%dma_start3A_858, %dma_start3A_859, %dma_start3A_860, %dma_start3A_861] : memref<4x4x2x2048xf32, #tpu.memory_space<vmem>> -> memref<1x4x2x2048xf32, #tpu.memory_space<vmem>>
        %dma_start3A_863 = tpu.memref_squeeze %dma_start3A_862 : memref<1x4x2x2048xf32, #tpu.memory_space<vmem>> -> memref<4x2x2048xf32, #tpu.memory_space<vmem>>
        %dma_start3A_864 = arith.constant 0 : i32
        %dma_start3A_865 = tpu.memref_slice %arg2[%mul3A_32, %add3A_857, %dma_start3A_864] : memref<4x4096x2048xf32, #tpu.memory_space<hbm>> -> memref<4x2x2048xf32, #tpu.memory_space<hbm>>
        %dma_start3A_866 = arith.constant 0 : i32
        %dma_start3A_867 = arith.constant 0 : i32
        %dma_start3A_868 = arith.constant 0 : i32
        %dma_start3A_869 = tpu.memref_slice %arg7[%dma_start3A_858, %dma_start3A_866, %dma_start3A_867, %dma_start3A_868] : memref<4x4x2x2048xf32, #tpu.memory_space<vmem>> -> memref<1x4x2x2048xf32, #tpu.memory_space<vmem>>
        %dma_start3A_870 = tpu.memref_squeeze %dma_start3A_869 : memref<1x4x2x2048xf32, #tpu.memory_space<vmem>> -> memref<4x2x2048xf32, #tpu.memory_space<vmem>>
        %dma_start3A_871 = arith.constant 0 : i32
        %dma_start3A_872 = tpu.memref_slice %arg2[%mul3A_32, %add3A_857, %dma_start3A_871] : memref<4x4096x2048xf32, #tpu.memory_space<hbm>> -> memref<4x2x2048xf32, #tpu.memory_space<hbm>>
        tpu.enqueue_dma source(%dma_start3A_872 : memref<4x2x2048xf32, #tpu.memory_space<hbm>>) target(%dma_start3A_870 : memref<4x2x2048xf32, #tpu.memory_space<vmem>>) target_semaphore(%arg9 : memref<!tpu.dma_semaphore, #tpu.memory_space<semaphore_mem>>)
        %dma_start3A_873 = arith.constant 0 : i32
        %dma_start3A_874 = arith.constant 0 : i32
        %dma_start3A_875 = arith.constant 0 : i32
        %dma_start3A_876 = tpu.memref_slice %arg8[%dma_start3A_873, %dma_start3A_874, %dma_start3A_875] : memref<4x2x2048xf32, #tpu.memory_space<vmem>> -> memref<1x2x2048xf32, #tpu.memory_space<vmem>>
        %dma_start3A_877 = tpu.memref_squeeze %dma_start3A_876 : memref<1x2x2048xf32, #tpu.memory_space<vmem>> -> memref<2x2048xf32, #tpu.memory_space<vmem>>
        %dma_start3A_878 = arith.constant 0 : i32
        %dma_start3A_879 = tpu.memref_slice %arg6[%add3A_854, %dma_start3A_878] : memref<64x2xi32, #tpu.memory_space<vmem>> -> memref<1x2xi32, #tpu.memory_space<vmem>>
        %dma_start3A_880 = tpu.memref_squeeze %dma_start3A_879 : memref<1x2xi32, #tpu.memory_space<vmem>> -> memref<2xi32, #tpu.memory_space<vmem>>
        %dma_start3A_881 = arith.constant 0 : i32
        %dma_start3A_882 = arith.constant 0 : i32
        %dma_start3A_883 = tpu.memref_slice %arg4[%dma_start3A_881, %dma_start3A_882] : memref<8192x2048xf32, #tpu.memory_space<hbm>> -> memref<8192x2048xf32, #tpu.memory_space<hbm>>
        tpu.enqueue_indirect_dma source(%dma_start3A_883 : memref<8192x2048xf32, #tpu.memory_space<hbm>>) target(%dma_start3A_877 : memref<2x2048xf32, #tpu.memory_space<vmem>>) offsets(%dma_start3A_880 : memref<2xi32, #tpu.memory_space<vmem>>) semaphore(%arg13 : memref<!tpu.dma_semaphore, #tpu.memory_space<semaphore_mem>>)
      } else {
      }
      %mul3A_685 = arith.constant 4 : i32
      %mul3A_686 = arith.muli %scan3A_518, %mul3A_685 : i32
      %add3A_687 = arith.constant 2 : i32
      %add3A_688 = arith.addi %mul3A_686, %add3A_687 : i32
      %mul3A_689 = arith.constant 2 : i32
      %mul3A_690 = arith.muli %add3A_688, %mul3A_689 : i32
      %add3A_691 = arith.addi %mul3A_34, %mul3A_690 : i32
      %dma_wait3A_692 = arith.constant 2 : i32
      %dma_wait3A_693 = arith.constant 0 : i32
      %dma_wait3A_694 = arith.constant 0 : i32
      %dma_wait3A_695 = arith.constant 0 : i32
      %dma_wait3A_696 = tpu.memref_slice %arg7[%dma_wait3A_692, %dma_wait3A_693, %dma_wait3A_694, %dma_wait3A_695] : memref<4x4x2x2048xf32, #tpu.memory_space<vmem>> -> memref<1x4x2x2048xf32, #tpu.memory_space<vmem>>
      %dma_wait3A_697 = tpu.memref_squeeze %dma_wait3A_696 : memref<1x4x2x2048xf32, #tpu.memory_space<vmem>> -> memref<4x2x2048xf32, #tpu.memory_space<vmem>>
      %dma_wait3A_698 = arith.constant 0 : i32
      %dma_wait3A_699 = tpu.memref_slice %arg2[%mul3A_32, %add3A_691, %dma_wait3A_698] : memref<4x4096x2048xf32, #tpu.memory_space<hbm>> -> memref<4x2x2048xf32, #tpu.memory_space<hbm>>
      %dma_wait3A_700 = arith.constant 0 : i32
      %dma_wait3A_701 = arith.constant 0 : i32
      %dma_wait3A_702 = arith.constant 0 : i32
      %dma_wait3A_703 = tpu.memref_slice %arg7[%dma_wait3A_692, %dma_wait3A_700, %dma_wait3A_701, %dma_wait3A_702] : memref<4x4x2x2048xf32, #tpu.memory_space<vmem>> -> memref<1x4x2x2048xf32, #tpu.memory_space<vmem>>
      %dma_wait3A_704 = tpu.memref_squeeze %dma_wait3A_703 : memref<1x4x2x2048xf32, #tpu.memory_space<vmem>> -> memref<4x2x2048xf32, #tpu.memory_space<vmem>>
      %dma_wait3A_705 = arith.constant 0 : i32
      %dma_wait3A_706 = tpu.memref_slice %arg2[%mul3A_32, %add3A_691, %dma_wait3A_705] : memref<4x4096x2048xf32, #tpu.memory_space<hbm>> -> memref<4x2x2048xf32, #tpu.memory_space<hbm>>
      tpu.wait_dma2 semaphore(%arg11 : memref<!tpu.dma_semaphore, #tpu.memory_space<semaphore_mem>>) src(%dma_wait3A_706 : memref<4x2x2048xf32, #tpu.memory_space<hbm>>) dst(%dma_wait3A_704 : memref<4x2x2048xf32, #tpu.memory_space<vmem>>)
      %dma_wait3A_707 = arith.constant 2 : i32
      %dma_wait3A_708 = arith.constant 0 : i32
      %dma_wait3A_709 = arith.constant 0 : i32
      %dma_wait3A_710 = tpu.memref_slice %arg8[%dma_wait3A_707, %dma_wait3A_708, %dma_wait3A_709] : memref<4x2x2048xf32, #tpu.memory_space<vmem>> -> memref<1x2x2048xf32, #tpu.memory_space<vmem>>
      %dma_wait3A_711 = tpu.memref_squeeze %dma_wait3A_710 : memref<1x2x2048xf32, #tpu.memory_space<vmem>> -> memref<2x2048xf32, #tpu.memory_space<vmem>>
      %dma_wait3A_712 = arith.constant 0 : i32
      %dma_wait3A_713 = tpu.memref_slice %arg6[%add3A_688, %dma_wait3A_712] : memref<64x2xi32, #tpu.memory_space<vmem>> -> memref<1x2xi32, #tpu.memory_space<vmem>>
      %dma_wait3A_714 = tpu.memref_squeeze %dma_wait3A_713 : memref<1x2xi32, #tpu.memory_space<vmem>> -> memref<2xi32, #tpu.memory_space<vmem>>
      %dma_wait3A_715 = arith.constant 0 : i32
      %dma_wait3A_716 = arith.constant 0 : i32
      %dma_wait3A_717 = tpu.memref_slice %arg4[%dma_wait3A_715, %dma_wait3A_716] : memref<8192x2048xf32, #tpu.memory_space<hbm>> -> memref<8192x2048xf32, #tpu.memory_space<hbm>>
      tpu.wait_indirect_dma semaphore(%arg15 : memref<!tpu.dma_semaphore, #tpu.memory_space<semaphore_mem>>) src(%dma_wait3A_717 : memref<8192x2048xf32, #tpu.memory_space<hbm>>) dst(%dma_wait3A_711 : memref<2x2048xf32, #tpu.memory_space<vmem>>)
      %parallel_loop3A_718 = arith.constant 0 : i32
      %parallel_loop3A_719 = arith.constant 128 : i32
      %parallel_loop3A_720 = arith.constant 1 : i32
      scf.for %parallel_loop3A_853 = %parallel_loop3A_718 to %parallel_loop3A_719 step %parallel_loop3A_720  : i32 {
        %parallel_loop3A_854 = arith.constant 16 : i32
        %parallel_loop3A_855 = arith.muli %parallel_loop3A_853, %parallel_loop3A_854 : i32
        %parallel_loop3A_856 = arith.constant 2 : i32
        %parallel_loop3A_857 = arith.constant 0 : i32
        %parallel_loop3A_858 = arith.index_cast %parallel_loop3A_856 : i32 to index
        %parallel_loop3A_859 = arith.index_cast %parallel_loop3A_857 : i32 to index
        %parallel_loop3A_860 = arith.index_cast %parallel_loop3A_855 : i32 to index
        %parallel_loop3A_861 = tpu.vector_load %arg8[%parallel_loop3A_858, %parallel_loop3A_859, %parallel_loop3A_860] {strides = array<i32>} : memref<4x2x2048xf32, #tpu.memory_space<vmem>>, vector<1x1x16xf32>,
        %parallel_loop3A_862 = vector.shape_cast %parallel_loop3A_861 : vector<1x1x16xf32> to vector<16xf32>
        %parallel_loop3A_863 = arith.constant 2 : i32
        %parallel_loop3A_864 = arith.constant 0 : i32
        %parallel_loop3A_865 = arith.constant 0 : i32
        %parallel_loop3A_866 = arith.index_cast %parallel_loop3A_863 : i32 to index
        %parallel_loop3A_867 = arith.index_cast %parallel_loop3A_864 : i32 to index
        %parallel_loop3A_868 = arith.index_cast %parallel_loop3A_865 : i32 to index
        %parallel_loop3A_869 = arith.index_cast %parallel_loop3A_855 : i32 to index
        %parallel_loop3A_870 = tpu.vector_load %arg7[%parallel_loop3A_866, %parallel_loop3A_867, %parallel_loop3A_868, %parallel_loop3A_869] {strides = array<i32>} : memref<4x4x2x2048xf32, #tpu.memory_space<vmem>>, vector<1x1x1x16xf32>,
        %parallel_loop3A_871 = vector.shape_cast %parallel_loop3A_870 : vector<1x1x1x16xf32> to vector<16xf32>
        %parallel_loop3A_872 = vector.shape_cast %parallel_loop3A_862 : vector<16xf32> to vector<1x1x1x16xf32>
        tpu.vector_store %arg7[%parallel_loop3A_866, %parallel_loop3A_867, %parallel_loop3A_868, %parallel_loop3A_869], %parallel_loop3A_872 {add = true, strides = array<i32>} : memref<4x4x2x2048xf32, #tpu.memory_space<vmem>>, vector<1x1x1x16xf32>,
        %parallel_loop3A_873 = arith.constant 2 : i32
        %parallel_loop3A_874 = arith.constant 1 : i32
        %parallel_loop3A_875 = arith.constant 0 : i32
        %parallel_loop3A_876 = arith.index_cast %parallel_loop3A_873 : i32 to index
        %parallel_loop3A_877 = arith.index_cast %parallel_loop3A_874 : i32 to index
        %parallel_loop3A_878 = arith.index_cast %parallel_loop3A_875 : i32 to index
        %parallel_loop3A_879 = arith.index_cast %parallel_loop3A_855 : i32 to index
        %parallel_loop3A_880 = tpu.vector_load %arg7[%parallel_loop3A_876, %parallel_loop3A_877, %parallel_loop3A_878, %parallel_loop3A_879] {strides = array<i32>} : memref<4x4x2x2048xf32, #tpu.memory_space<vmem>>, vector<1x1x1x16xf32>,
        %parallel_loop3A_881 = vector.shape_cast %parallel_loop3A_880 : vector<1x1x1x16xf32> to vector<16xf32>
        %parallel_loop3A_882 = vector.shape_cast %parallel_loop3A_862 : vector<16xf32> to vector<1x1x1x16xf32>
        tpu.vector_store %arg7[%parallel_loop3A_876, %parallel_loop3A_877, %parallel_loop3A_878, %parallel_loop3A_879], %parallel_loop3A_882 {add = true, strides = array<i32>} : memref<4x4x2x2048xf32, #tpu.memory_space<vmem>>, vector<1x1x1x16xf32>,
        %parallel_loop3A_883 = arith.constant 2 : i32
        %parallel_loop3A_884 = arith.constant 2 : i32
        %parallel_loop3A_885 = arith.constant 0 : i32
        %parallel_loop3A_886 = arith.index_cast %parallel_loop3A_883 : i32 to index
        %parallel_loop3A_887 = arith.index_cast %parallel_loop3A_884 : i32 to index
        %parallel_loop3A_888 = arith.index_cast %parallel_loop3A_885 : i32 to index
        %parallel_loop3A_889 = arith.index_cast %parallel_loop3A_855 : i32 to index
        %parallel_loop3A_890 = tpu.vector_load %arg7[%parallel_loop3A_886, %parallel_loop3A_887, %parallel_loop3A_888, %parallel_loop3A_889] {strides = array<i32>} : memref<4x4x2x2048xf32, #tpu.memory_space<vmem>>, vector<1x1x1x16xf32>,
        %parallel_loop3A_891 = vector.shape_cast %parallel_loop3A_890 : vector<1x1x1x16xf32> to vector<16xf32>
        %parallel_loop3A_892 = vector.shape_cast %parallel_loop3A_862 : vector<16xf32> to vector<1x1x1x16xf32>
        tpu.vector_store %arg7[%parallel_loop3A_886, %parallel_loop3A_887, %parallel_loop3A_888, %parallel_loop3A_889], %parallel_loop3A_892 {add = true, strides = array<i32>} : memref<4x4x2x2048xf32, #tpu.memory_space<vmem>>, vector<1x1x1x16xf32>,
        %parallel_loop3A_893 = arith.constant 2 : i32
        %parallel_loop3A_894 = arith.constant 3 : i32
        %parallel_loop3A_895 = arith.constant 0 : i32
        %parallel_loop3A_896 = arith.index_cast %parallel_loop3A_893 : i32 to index
        %parallel_loop3A_897 = arith.index_cast %parallel_loop3A_894 : i32 to index
        %parallel_loop3A_898 = arith.index_cast %parallel_loop3A_895 : i32 to index
        %parallel_loop3A_899 = arith.index_cast %parallel_loop3A_855 : i32 to index
        %parallel_loop3A_900 = tpu.vector_load %arg7[%parallel_loop3A_896, %parallel_loop3A_897, %parallel_loop3A_898, %parallel_loop3A_899] {strides = array<i32>} : memref<4x4x2x2048xf32, #tpu.memory_space<vmem>>, vector<1x1x1x16xf32>,
        %parallel_loop3A_901 = vector.shape_cast %parallel_loop3A_900 : vector<1x1x1x16xf32> to vector<16xf32>
        %parallel_loop3A_902 = vector.shape_cast %parallel_loop3A_862 : vector<16xf32> to vector<1x1x1x16xf32>
        tpu.vector_store %arg7[%parallel_loop3A_896, %parallel_loop3A_897, %parallel_loop3A_898, %parallel_loop3A_899], %parallel_loop3A_902 {add = true, strides = array<i32>} : memref<4x4x2x2048xf32, #tpu.memory_space<vmem>>, vector<1x1x1x16xf32>,
      } {sc.loop_unroll_factor = 8 : i64, sc.parallel_access}
      %parallel_loop3A_721 = arith.constant 0 : i32
      %parallel_loop3A_722 = arith.constant 128 : i32
      %parallel_loop3A_723 = arith.constant 1 : i32
      scf.for %parallel_loop3A_853 = %parallel_loop3A_721 to %parallel_loop3A_722 step %parallel_loop3A_723  : i32 {
        %parallel_loop3A_854 = arith.constant 16 : i32
        %parallel_loop3A_855 = arith.muli %parallel_loop3A_853, %parallel_loop3A_854 : i32
        %parallel_loop3A_856 = arith.constant 2 : i32
        %parallel_loop3A_857 = arith.constant 1 : i32
        %parallel_loop3A_858 = arith.index_cast %parallel_loop3A_856 : i32 to index
        %parallel_loop3A_859 = arith.index_cast %parallel_loop3A_857 : i32 to index
        %parallel_loop3A_860 = arith.index_cast %parallel_loop3A_855 : i32 to index
        %parallel_loop3A_861 = tpu.vector_load %arg8[%parallel_loop3A_858, %parallel_loop3A_859, %parallel_loop3A_860] {strides = array<i32>} : memref<4x2x2048xf32, #tpu.memory_space<vmem>>, vector<1x1x16xf32>,
        %parallel_loop3A_862 = vector.shape_cast %parallel_loop3A_861 : vector<1x1x16xf32> to vector<16xf32>
        %parallel_loop3A_863 = arith.constant 2 : i32
        %parallel_loop3A_864 = arith.constant 0 : i32
        %parallel_loop3A_865 = arith.constant 1 : i32
        %parallel_loop3A_866 = arith.index_cast %parallel_loop3A_863 : i32 to index
        %parallel_loop3A_867 = arith.index_cast %parallel_loop3A_864 : i32 to index
        %parallel_loop3A_868 = arith.index_cast %parallel_loop3A_865 : i32 to index
        %parallel_loop3A_869 = arith.index_cast %parallel_loop3A_855 : i32 to index
        %parallel_loop3A_870 = tpu.vector_load %arg7[%parallel_loop3A_866, %parallel_loop3A_867, %parallel_loop3A_868, %parallel_loop3A_869] {strides = array<i32>} : memref<4x4x2x2048xf32, #tpu.memory_space<vmem>>, vector<1x1x1x16xf32>,
        %parallel_loop3A_871 = vector.shape_cast %parallel_loop3A_870 : vector<1x1x1x16xf32> to vector<16xf32>
        %parallel_loop3A_872 = vector.shape_cast %parallel_loop3A_862 : vector<16xf32> to vector<1x1x1x16xf32>
        tpu.vector_store %arg7[%parallel_loop3A_866, %parallel_loop3A_867, %parallel_loop3A_868, %parallel_loop3A_869], %parallel_loop3A_872 {add = true, strides = array<i32>} : memref<4x4x2x2048xf32, #tpu.memory_space<vmem>>, vector<1x1x1x16xf32>,
        %parallel_loop3A_873 = arith.constant 2 : i32
        %parallel_loop3A_874 = arith.constant 1 : i32
        %parallel_loop3A_875 = arith.constant 1 : i32
        %parallel_loop3A_876 = arith.index_cast %parallel_loop3A_873 : i32 to index
        %parallel_loop3A_877 = arith.index_cast %parallel_loop3A_874 : i32 to index
        %parallel_loop3A_878 = arith.index_cast %parallel_loop3A_875 : i32 to index
        %parallel_loop3A_879 = arith.index_cast %parallel_loop3A_855 : i32 to index
        %parallel_loop3A_880 = tpu.vector_load %arg7[%parallel_loop3A_876, %parallel_loop3A_877, %parallel_loop3A_878, %parallel_loop3A_879] {strides = array<i32>} : memref<4x4x2x2048xf32, #tpu.memory_space<vmem>>, vector<1x1x1x16xf32>,
        %parallel_loop3A_881 = vector.shape_cast %parallel_loop3A_880 : vector<1x1x1x16xf32> to vector<16xf32>
        %parallel_loop3A_882 = vector.shape_cast %parallel_loop3A_862 : vector<16xf32> to vector<1x1x1x16xf32>
        tpu.vector_store %arg7[%parallel_loop3A_876, %parallel_loop3A_877, %parallel_loop3A_878, %parallel_loop3A_879], %parallel_loop3A_882 {add = true, strides = array<i32>} : memref<4x4x2x2048xf32, #tpu.memory_space<vmem>>, vector<1x1x1x16xf32>,
        %parallel_loop3A_883 = arith.constant 2 : i32
        %parallel_loop3A_884 = arith.constant 2 : i32
        %parallel_loop3A_885 = arith.constant 1 : i32
        %parallel_loop3A_886 = arith.index_cast %parallel_loop3A_883 : i32 to index
        %parallel_loop3A_887 = arith.index_cast %parallel_loop3A_884 : i32 to index
        %parallel_loop3A_888 = arith.index_cast %parallel_loop3A_885 : i32 to index
        %parallel_loop3A_889 = arith.index_cast %parallel_loop3A_855 : i32 to index
        %parallel_loop3A_890 = tpu.vector_load %arg7[%parallel_loop3A_886, %parallel_loop3A_887, %parallel_loop3A_888, %parallel_loop3A_889] {strides = array<i32>} : memref<4x4x2x2048xf32, #tpu.memory_space<vmem>>, vector<1x1x1x16xf32>,
        %parallel_loop3A_891 = vector.shape_cast %parallel_loop3A_890 : vector<1x1x1x16xf32> to vector<16xf32>
        %parallel_loop3A_892 = vector.shape_cast %parallel_loop3A_862 : vector<16xf32> to vector<1x1x1x16xf32>
        tpu.vector_store %arg7[%parallel_loop3A_886, %parallel_loop3A_887, %parallel_loop3A_888, %parallel_loop3A_889], %parallel_loop3A_892 {add = true, strides = array<i32>} : memref<4x4x2x2048xf32, #tpu.memory_space<vmem>>, vector<1x1x1x16xf32>,
        %parallel_loop3A_893 = arith.constant 2 : i32
        %parallel_loop3A_894 = arith.constant 3 : i32
        %parallel_loop3A_895 = arith.constant 1 : i32
        %parallel_loop3A_896 = arith.index_cast %parallel_loop3A_893 : i32 to index
        %parallel_loop3A_897 = arith.index_cast %parallel_loop3A_894 : i32 to index
        %parallel_loop3A_898 = arith.index_cast %parallel_loop3A_895 : i32 to index
        %parallel_loop3A_899 = arith.index_cast %parallel_loop3A_855 : i32 to index
        %parallel_loop3A_900 = tpu.vector_load %arg7[%parallel_loop3A_896, %parallel_loop3A_897, %parallel_loop3A_898, %parallel_loop3A_899] {strides = array<i32>} : memref<4x4x2x2048xf32, #tpu.memory_space<vmem>>, vector<1x1x1x16xf32>,
        %parallel_loop3A_901 = vector.shape_cast %parallel_loop3A_900 : vector<1x1x1x16xf32> to vector<16xf32>
        %parallel_loop3A_902 = vector.shape_cast %parallel_loop3A_862 : vector<16xf32> to vector<1x1x1x16xf32>
        tpu.vector_store %arg7[%parallel_loop3A_896, %parallel_loop3A_897, %parallel_loop3A_898, %parallel_loop3A_899], %parallel_loop3A_902 {add = true, strides = array<i32>} : memref<4x4x2x2048xf32, #tpu.memory_space<vmem>>, vector<1x1x1x16xf32>,
      } {sc.loop_unroll_factor = 8 : i64, sc.parallel_access}
      %mul3A_724 = arith.constant 2 : i32
      %mul3A_725 = arith.muli %add3A_688, %mul3A_724 : i32
      %add3A_726 = arith.addi %mul3A_34, %mul3A_725 : i32
      %dma_start3A_727 = arith.constant 2 : i32
      %dma_start3A_728 = arith.constant 0 : i32
      %dma_start3A_729 = arith.constant 0 : i32
      %dma_start3A_730 = arith.constant 0 : i32
      %dma_start3A_731 = tpu.memref_slice %arg7[%dma_start3A_727, %dma_start3A_728, %dma_start3A_729, %dma_start3A_730] : memref<4x4x2x2048xf32, #tpu.memory_space<vmem>> -> memref<1x4x2x2048xf32, #tpu.memory_space<vmem>>
      %dma_start3A_732 = tpu.memref_squeeze %dma_start3A_731 : memref<1x4x2x2048xf32, #tpu.memory_space<vmem>> -> memref<4x2x2048xf32, #tpu.memory_space<vmem>>
      %dma_start3A_733 = arith.constant 0 : i32
      %dma_start3A_734 = tpu.memref_slice %arg5[%mul3A_32, %add3A_726, %dma_start3A_733] : memref<4x4096x2048xf32, #tpu.memory_space<hbm>> -> memref<4x2x2048xf32, #tpu.memory_space<hbm>>
      %dma_start3A_735 = arith.constant 0 : i32
      %dma_start3A_736 = tpu.memref_slice %arg5[%mul3A_32, %add3A_726, %dma_start3A_735] : memref<4x4096x2048xf32, #tpu.memory_space<hbm>> -> memref<4x2x2048xf32, #tpu.memory_space<hbm>>
      %dma_start3A_737 = arith.constant 0 : i32
      %dma_start3A_738 = arith.constant 0 : i32
      %dma_start3A_739 = arith.constant 0 : i32
      %dma_start3A_740 = tpu.memref_slice %arg7[%dma_start3A_727, %dma_start3A_737, %dma_start3A_738, %dma_start3A_739] : memref<4x4x2x2048xf32, #tpu.memory_space<vmem>> -> memref<1x4x2x2048xf32, #tpu.memory_space<vmem>>
      %dma_start3A_741 = tpu.memref_squeeze %dma_start3A_740 : memref<1x4x2x2048xf32, #tpu.memory_space<vmem>> -> memref<4x2x2048xf32, #tpu.memory_space<vmem>>
      tpu.enqueue_dma source(%dma_start3A_741 : memref<4x2x2048xf32, #tpu.memory_space<vmem>>) target(%dma_start3A_736 : memref<4x2x2048xf32, #tpu.memory_space<hbm>>) target_semaphore(%arg19 : memref<!tpu.dma_semaphore, #tpu.memory_space<semaphore_mem>>)
      %sub3A_742 = arith.constant 1 : i32
      %sub3A_743 = arith.subi %add3A_688, %sub3A_742 : i32
      %mul3A_744 = arith.constant 2 : i32
      %mul3A_745 = arith.muli %sub3A_743, %mul3A_744 : i32
      %add3A_746 = arith.addi %mul3A_34, %mul3A_745 : i32
      %dma_wait3A_747 = arith.constant 1 : i32
      %dma_wait3A_748 = arith.constant 0 : i32
      %dma_wait3A_749 = arith.constant 0 : i32
      %dma_wait3A_750 = arith.constant 0 : i32
      %dma_wait3A_751 = tpu.memref_slice %arg7[%dma_wait3A_747, %dma_wait3A_748, %dma_wait3A_749, %dma_wait3A_750] : memref<4x4x2x2048xf32, #tpu.memory_space<vmem>> -> memref<1x4x2x2048xf32, #tpu.memory_space<vmem>>
      %dma_wait3A_752 = tpu.memref_squeeze %dma_wait3A_751 : memref<1x4x2x2048xf32, #tpu.memory_space<vmem>> -> memref<4x2x2048xf32, #tpu.memory_space<vmem>>
      %dma_wait3A_753 = arith.constant 0 : i32
      %dma_wait3A_754 = tpu.memref_slice %arg5[%mul3A_32, %add3A_746, %dma_wait3A_753] : memref<4x4096x2048xf32, #tpu.memory_space<hbm>> -> memref<4x2x2048xf32, #tpu.memory_space<hbm>>
      %dma_wait3A_755 = arith.constant 0 : i32
      %dma_wait3A_756 = tpu.memref_slice %arg5[%mul3A_32, %add3A_746, %dma_wait3A_755] : memref<4x4096x2048xf32, #tpu.memory_space<hbm>> -> memref<4x2x2048xf32, #tpu.memory_space<hbm>>
      %dma_wait3A_757 = arith.constant 0 : i32
      %dma_wait3A_758 = arith.constant 0 : i32
      %dma_wait3A_759 = arith.constant 0 : i32
      %dma_wait3A_760 = tpu.memref_slice %arg7[%dma_wait3A_747, %dma_wait3A_757, %dma_wait3A_758, %dma_wait3A_759] : memref<4x4x2x2048xf32, #tpu.memory_space<vmem>> -> memref<1x4x2x2048xf32, #tpu.memory_space<vmem>>
      %dma_wait3A_761 = tpu.memref_squeeze %dma_wait3A_760 : memref<1x4x2x2048xf32, #tpu.memory_space<vmem>> -> memref<4x2x2048xf32, #tpu.memory_space<vmem>>
      tpu.wait_dma2 semaphore(%arg18 : memref<!tpu.dma_semaphore, #tpu.memory_space<semaphore_mem>>) src(%dma_wait3A_761 : memref<4x2x2048xf32, #tpu.memory_space<vmem>>) dst(%dma_wait3A_756 : memref<4x2x2048xf32, #tpu.memory_space<hbm>>)
      %add3A_762 = arith.constant 3 : i32
      %add3A_763 = arith.addi %add3A_688, %add3A_762 : i32
      %lt3A_764 = arith.constant 64 : i32
      %lt3A_765 = arith.cmpi slt, %add3A_763, %lt3A_764 : i32
      %convert_element_type3A_766 = arith.extui %lt3A_765 : i1 to i32
      %cond3A_767 = arith.constant 0 : i32
      %cond3A_768 = arith.cmpi ne, %convert_element_type3A_766, %cond3A_767 : i32
      scf.if %cond3A_768 {
        %add3A_853 = arith.constant 3 : i32
        %add3A_854 = arith.addi %add3A_688, %add3A_853 : i32
        %mul3A_855 = arith.constant 2 : i32
        %mul3A_856 = arith.muli %add3A_854, %mul3A_855 : i32
        %add3A_857 = arith.addi %mul3A_34, %mul3A_856 : i32
        %dma_start3A_858 = arith.constant 1 : i32
        %dma_start3A_859 = arith.constant 0 : i32
        %dma_start3A_860 = arith.constant 0 : i32
        %dma_start3A_861 = arith.constant 0 : i32
        %dma_start3A_862 = tpu.memref_slice %arg7[%dma_start3A_858, %dma_start3A_859, %dma_start3A_860, %dma_start3A_861] : memref<4x4x2x2048xf32, #tpu.memory_space<vmem>> -> memref<1x4x2x2048xf32, #tpu.memory_space<vmem>>
        %dma_start3A_863 = tpu.memref_squeeze %dma_start3A_862 : memref<1x4x2x2048xf32, #tpu.memory_space<vmem>> -> memref<4x2x2048xf32, #tpu.memory_space<vmem>>
        %dma_start3A_864 = arith.constant 0 : i32
        %dma_start3A_865 = tpu.memref_slice %arg2[%mul3A_32, %add3A_857, %dma_start3A_864] : memref<4x4096x2048xf32, #tpu.memory_space<hbm>> -> memref<4x2x2048xf32, #tpu.memory_space<hbm>>
        %dma_start3A_866 = arith.constant 0 : i32
        %dma_start3A_867 = arith.constant 0 : i32
        %dma_start3A_868 = arith.constant 0 : i32
        %dma_start3A_869 = tpu.memref_slice %arg7[%dma_start3A_858, %dma_start3A_866, %dma_start3A_867, %dma_start3A_868] : memref<4x4x2x2048xf32, #tpu.memory_space<vmem>> -> memref<1x4x2x2048xf32, #tpu.memory_space<vmem>>
        %dma_start3A_870 = tpu.memref_squeeze %dma_start3A_869 : memref<1x4x2x2048xf32, #tpu.memory_space<vmem>> -> memref<4x2x2048xf32, #tpu.memory_space<vmem>>
        %dma_start3A_871 = arith.constant 0 : i32
        %dma_start3A_872 = tpu.memref_slice %arg2[%mul3A_32, %add3A_857, %dma_start3A_871] : memref<4x4096x2048xf32, #tpu.memory_space<hbm>> -> memref<4x2x2048xf32, #tpu.memory_space<hbm>>
        tpu.enqueue_dma source(%dma_start3A_872 : memref<4x2x2048xf32, #tpu.memory_space<hbm>>) target(%dma_start3A_870 : memref<4x2x2048xf32, #tpu.memory_space<vmem>>) target_semaphore(%arg10 : memref<!tpu.dma_semaphore, #tpu.memory_space<semaphore_mem>>)
        %dma_start3A_873 = arith.constant 1 : i32
        %dma_start3A_874 = arith.constant 0 : i32
        %dma_start3A_875 = arith.constant 0 : i32
        %dma_start3A_876 = tpu.memref_slice %arg8[%dma_start3A_873, %dma_start3A_874, %dma_start3A_875] : memref<4x2x2048xf32, #tpu.memory_space<vmem>> -> memref<1x2x2048xf32, #tpu.memory_space<vmem>>
        %dma_start3A_877 = tpu.memref_squeeze %dma_start3A_876 : memref<1x2x2048xf32, #tpu.memory_space<vmem>> -> memref<2x2048xf32, #tpu.memory_space<vmem>>
        %dma_start3A_878 = arith.constant 0 : i32
        %dma_start3A_879 = tpu.memref_slice %arg6[%add3A_854, %dma_start3A_878] : memref<64x2xi32, #tpu.memory_space<vmem>> -> memref<1x2xi32, #tpu.memory_space<vmem>>
        %dma_start3A_880 = tpu.memref_squeeze %dma_start3A_879 : memref<1x2xi32, #tpu.memory_space<vmem>> -> memref<2xi32, #tpu.memory_space<vmem>>
        %dma_start3A_881 = arith.constant 0 : i32
        %dma_start3A_882 = arith.constant 0 : i32
        %dma_start3A_883 = tpu.memref_slice %arg4[%dma_start3A_881, %dma_start3A_882] : memref<8192x2048xf32, #tpu.memory_space<hbm>> -> memref<8192x2048xf32, #tpu.memory_space<hbm>>
        tpu.enqueue_indirect_dma source(%dma_start3A_883 : memref<8192x2048xf32, #tpu.memory_space<hbm>>) target(%dma_start3A_877 : memref<2x2048xf32, #tpu.memory_space<vmem>>) offsets(%dma_start3A_880 : memref<2xi32, #tpu.memory_space<vmem>>) semaphore(%arg14 : memref<!tpu.dma_semaphore, #tpu.memory_space<semaphore_mem>>)
      } else {
      }
      %mul3A_769 = arith.constant 4 : i32
      %mul3A_770 = arith.muli %scan3A_518, %mul3A_769 : i32
      %add3A_771 = arith.constant 3 : i32
      %add3A_772 = arith.addi %mul3A_770, %add3A_771 : i32
      %mul3A_773 = arith.constant 2 : i32
      %mul3A_774 = arith.muli %add3A_772, %mul3A_773 : i32
      %add3A_775 = arith.addi %mul3A_34, %mul3A_774 : i32
      %dma_wait3A_776 = arith.constant 3 : i32
      %dma_wait3A_777 = arith.constant 0 : i32
      %dma_wait3A_778 = arith.constant 0 : i32
      %dma_wait3A_779 = arith.constant 0 : i32
      %dma_wait3A_780 = tpu.memref_slice %arg7[%dma_wait3A_776, %dma_wait3A_777, %dma_wait3A_778, %dma_wait3A_779] : memref<4x4x2x2048xf32, #tpu.memory_space<vmem>> -> memref<1x4x2x2048xf32, #tpu.memory_space<vmem>>
      %dma_wait3A_781 = tpu.memref_squeeze %dma_wait3A_780 : memref<1x4x2x2048xf32, #tpu.memory_space<vmem>> -> memref<4x2x2048xf32, #tpu.memory_space<vmem>>
      %dma_wait3A_782 = arith.constant 0 : i32
      %dma_wait3A_783 = tpu.memref_slice %arg2[%mul3A_32, %add3A_775, %dma_wait3A_782] : memref<4x4096x2048xf32, #tpu.memory_space<hbm>> -> memref<4x2x2048xf32, #tpu.memory_space<hbm>>
      %dma_wait3A_784 = arith.constant 0 : i32
      %dma_wait3A_785 = arith.constant 0 : i32
      %dma_wait3A_786 = arith.constant 0 : i32
      %dma_wait3A_787 = tpu.memref_slice %arg7[%dma_wait3A_776, %dma_wait3A_784, %dma_wait3A_785, %dma_wait3A_786] : memref<4x4x2x2048xf32, #tpu.memory_space<vmem>> -> memref<1x4x2x2048xf32, #tpu.memory_space<vmem>>
      %dma_wait3A_788 = tpu.memref_squeeze %dma_wait3A_787 : memref<1x4x2x2048xf32, #tpu.memory_space<vmem>> -> memref<4x2x2048xf32, #tpu.memory_space<vmem>>
      %dma_wait3A_789 = arith.constant 0 : i32
      %dma_wait3A_790 = tpu.memref_slice %arg2[%mul3A_32, %add3A_775, %dma_wait3A_789] : memref<4x4096x2048xf32, #tpu.memory_space<hbm>> -> memref<4x2x2048xf32, #tpu.memory_space<hbm>>
      tpu.wait_dma2 semaphore(%arg12 : memref<!tpu.dma_semaphore, #tpu.memory_space<semaphore_mem>>) src(%dma_wait3A_790 : memref<4x2x2048xf32, #tpu.memory_space<hbm>>) dst(%dma_wait3A_788 : memref<4x2x2048xf32, #tpu.memory_space<vmem>>)
      %dma_wait3A_791 = arith.constant 3 : i32
      %dma_wait3A_792 = arith.constant 0 : i32
      %dma_wait3A_793 = arith.constant 0 : i32
      %dma_wait3A_794 = tpu.memref_slice %arg8[%dma_wait3A_791, %dma_wait3A_792, %dma_wait3A_793] : memref<4x2x2048xf32, #tpu.memory_space<vmem>> -> memref<1x2x2048xf32, #tpu.memory_space<vmem>>
      %dma_wait3A_795 = tpu.memref_squeeze %dma_wait3A_794 : memref<1x2x2048xf32, #tpu.memory_space<vmem>> -> memref<2x2048xf32, #tpu.memory_space<vmem>>
      %dma_wait3A_796 = arith.constant 0 : i32
      %dma_wait3A_797 = tpu.memref_slice %arg6[%add3A_772, %dma_wait3A_796] : memref<64x2xi32, #tpu.memory_space<vmem>> -> memref<1x2xi32, #tpu.memory_space<vmem>>
      %dma_wait3A_798 = tpu.memref_squeeze %dma_wait3A_797 : memref<1x2xi32, #tpu.memory_space<vmem>> -> memref<2xi32, #tpu.memory_space<vmem>>
      %dma_wait3A_799 = arith.constant 0 : i32
      %dma_wait3A_800 = arith.constant 0 : i32
      %dma_wait3A_801 = tpu.memref_slice %arg4[%dma_wait3A_799, %dma_wait3A_800] : memref<8192x2048xf32, #tpu.memory_space<hbm>> -> memref<8192x2048xf32, #tpu.memory_space<hbm>>
      tpu.wait_indirect_dma semaphore(%arg16 : memref<!tpu.dma_semaphore, #tpu.memory_space<semaphore_mem>>) src(%dma_wait3A_801 : memref<8192x2048xf32, #tpu.memory_space<hbm>>) dst(%dma_wait3A_795 : memref<2x2048xf32, #tpu.memory_space<vmem>>)
      %parallel_loop3A_802 = arith.constant 0 : i32
      %parallel_loop3A_803 = arith.constant 128 : i32
      %parallel_loop3A_804 = arith.constant 1 : i32
      scf.for %parallel_loop3A_853 = %parallel_loop3A_802 to %parallel_loop3A_803 step %parallel_loop3A_804  : i32 {
        %parallel_loop3A_854 = arith.constant 16 : i32
        %parallel_loop3A_855 = arith.muli %parallel_loop3A_853, %parallel_loop3A_854 : i32
        %parallel_loop3A_856 = arith.constant 3 : i32
        %parallel_loop3A_857 = arith.constant 0 : i32
        %parallel_loop3A_858 = arith.index_cast %parallel_loop3A_856 : i32 to index
        %parallel_loop3A_859 = arith.index_cast %parallel_loop3A_857 : i32 to index
        %parallel_loop3A_860 = arith.index_cast %parallel_loop3A_855 : i32 to index
        %parallel_loop3A_861 = tpu.vector_load %arg8[%parallel_loop3A_858, %parallel_loop3A_859, %parallel_loop3A_860] {strides = array<i32>} : memref<4x2x2048xf32, #tpu.memory_space<vmem>>, vector<1x1x16xf32>,
        %parallel_loop3A_862 = vector.shape_cast %parallel_loop3A_861 : vector<1x1x16xf32> to vector<16xf32>
        %parallel_loop3A_863 = arith.constant 3 : i32
        %parallel_loop3A_864 = arith.constant 0 : i32
        %parallel_loop3A_865 = arith.constant 0 : i32
        %parallel_loop3A_866 = arith.index_cast %parallel_loop3A_863 : i32 to index
        %parallel_loop3A_867 = arith.index_cast %parallel_loop3A_864 : i32 to index
        %parallel_loop3A_868 = arith.index_cast %parallel_loop3A_865 : i32 to index
        %parallel_loop3A_869 = arith.index_cast %parallel_loop3A_855 : i32 to index
        %parallel_loop3A_870 = tpu.vector_load %arg7[%parallel_loop3A_866, %parallel_loop3A_867, %parallel_loop3A_868, %parallel_loop3A_869] {strides = array<i32>} : memref<4x4x2x2048xf32, #tpu.memory_space<vmem>>, vector<1x1x1x16xf32>,
        %parallel_loop3A_871 = vector.shape_cast %parallel_loop3A_870 : vector<1x1x1x16xf32> to vector<16xf32>
        %parallel_loop3A_872 = vector.shape_cast %parallel_loop3A_862 : vector<16xf32> to vector<1x1x1x16xf32>
        tpu.vector_store %arg7[%parallel_loop3A_866, %parallel_loop3A_867, %parallel_loop3A_868, %parallel_loop3A_869], %parallel_loop3A_872 {add = true, strides = array<i32>} : memref<4x4x2x2048xf32, #tpu.memory_space<vmem>>, vector<1x1x1x16xf32>,
        %parallel_loop3A_873 = arith.constant 3 : i32
        %parallel_loop3A_874 = arith.constant 1 : i32
        %parallel_loop3A_875 = arith.constant 0 : i32
        %parallel_loop3A_876 = arith.index_cast %parallel_loop3A_873 : i32 to index
        %parallel_loop3A_877 = arith.index_cast %parallel_loop3A_874 : i32 to index
        %parallel_loop3A_878 = arith.index_cast %parallel_loop3A_875 : i32 to index
        %parallel_loop3A_879 = arith.index_cast %parallel_loop3A_855 : i32 to index
        %parallel_loop3A_880 = tpu.vector_load %arg7[%parallel_loop3A_876, %parallel_loop3A_877, %parallel_loop3A_878, %parallel_loop3A_879] {strides = array<i32>} : memref<4x4x2x2048xf32, #tpu.memory_space<vmem>>, vector<1x1x1x16xf32>,
        %parallel_loop3A_881 = vector.shape_cast %parallel_loop3A_880 : vector<1x1x1x16xf32> to vector<16xf32>
        %parallel_loop3A_882 = vector.shape_cast %parallel_loop3A_862 : vector<16xf32> to vector<1x1x1x16xf32>
        tpu.vector_store %arg7[%parallel_loop3A_876, %parallel_loop3A_877, %parallel_loop3A_878, %parallel_loop3A_879], %parallel_loop3A_882 {add = true, strides = array<i32>} : memref<4x4x2x2048xf32, #tpu.memory_space<vmem>>, vector<1x1x1x16xf32>,
        %parallel_loop3A_883 = arith.constant 3 : i32
        %parallel_loop3A_884 = arith.constant 2 : i32
        %parallel_loop3A_885 = arith.constant 0 : i32
        %parallel_loop3A_886 = arith.index_cast %parallel_loop3A_883 : i32 to index
        %parallel_loop3A_887 = arith.index_cast %parallel_loop3A_884 : i32 to index
        %parallel_loop3A_888 = arith.index_cast %parallel_loop3A_885 : i32 to index
        %parallel_loop3A_889 = arith.index_cast %parallel_loop3A_855 : i32 to index
        %parallel_loop3A_890 = tpu.vector_load %arg7[%parallel_loop3A_886, %parallel_loop3A_887, %parallel_loop3A_888, %parallel_loop3A_889] {strides = array<i32>} : memref<4x4x2x2048xf32, #tpu.memory_space<vmem>>, vector<1x1x1x16xf32>,
        %parallel_loop3A_891 = vector.shape_cast %parallel_loop3A_890 : vector<1x1x1x16xf32> to vector<16xf32>
        %parallel_loop3A_892 = vector.shape_cast %parallel_loop3A_862 : vector<16xf32> to vector<1x1x1x16xf32>
        tpu.vector_store %arg7[%parallel_loop3A_886, %parallel_loop3A_887, %parallel_loop3A_888, %parallel_loop3A_889], %parallel_loop3A_892 {add = true, strides = array<i32>} : memref<4x4x2x2048xf32, #tpu.memory_space<vmem>>, vector<1x1x1x16xf32>,
        %parallel_loop3A_893 = arith.constant 3 : i32
        %parallel_loop3A_894 = arith.constant 3 : i32
        %parallel_loop3A_895 = arith.constant 0 : i32
        %parallel_loop3A_896 = arith.index_cast %parallel_loop3A_893 : i32 to index
        %parallel_loop3A_897 = arith.index_cast %parallel_loop3A_894 : i32 to index
        %parallel_loop3A_898 = arith.index_cast %parallel_loop3A_895 : i32 to index
        %parallel_loop3A_899 = arith.index_cast %parallel_loop3A_855 : i32 to index
        %parallel_loop3A_900 = tpu.vector_load %arg7[%parallel_loop3A_896, %parallel_loop3A_897, %parallel_loop3A_898, %parallel_loop3A_899] {strides = array<i32>} : memref<4x4x2x2048xf32, #tpu.memory_space<vmem>>, vector<1x1x1x16xf32>,
        %parallel_loop3A_901 = vector.shape_cast %parallel_loop3A_900 : vector<1x1x1x16xf32> to vector<16xf32>
        %parallel_loop3A_902 = vector.shape_cast %parallel_loop3A_862 : vector<16xf32> to vector<1x1x1x16xf32>
        tpu.vector_store %arg7[%parallel_loop3A_896, %parallel_loop3A_897, %parallel_loop3A_898, %parallel_loop3A_899], %parallel_loop3A_902 {add = true, strides = array<i32>} : memref<4x4x2x2048xf32, #tpu.memory_space<vmem>>, vector<1x1x1x16xf32>,
      } {sc.loop_unroll_factor = 8 : i64, sc.parallel_access}
      %parallel_loop3A_805 = arith.constant 0 : i32
      %parallel_loop3A_806 = arith.constant 128 : i32
      %parallel_loop3A_807 = arith.constant 1 : i32
      scf.for %parallel_loop3A_853 = %parallel_loop3A_805 to %parallel_loop3A_806 step %parallel_loop3A_807  : i32 {
        %parallel_loop3A_854 = arith.constant 16 : i32
        %parallel_loop3A_855 = arith.muli %parallel_loop3A_853, %parallel_loop3A_854 : i32
        %parallel_loop3A_856 = arith.constant 3 : i32
        %parallel_loop3A_857 = arith.constant 1 : i32
        %parallel_loop3A_858 = arith.index_cast %parallel_loop3A_856 : i32 to index
        %parallel_loop3A_859 = arith.index_cast %parallel_loop3A_857 : i32 to index
        %parallel_loop3A_860 = arith.index_cast %parallel_loop3A_855 : i32 to index
        %parallel_loop3A_861 = tpu.vector_load %arg8[%parallel_loop3A_858, %parallel_loop3A_859, %parallel_loop3A_860] {strides = array<i32>} : memref<4x2x2048xf32, #tpu.memory_space<vmem>>, vector<1x1x16xf32>,
        %parallel_loop3A_862 = vector.shape_cast %parallel_loop3A_861 : vector<1x1x16xf32> to vector<16xf32>
        %parallel_loop3A_863 = arith.constant 3 : i32
        %parallel_loop3A_864 = arith.constant 0 : i32
        %parallel_loop3A_865 = arith.constant 1 : i32
        %parallel_loop3A_866 = arith.index_cast %parallel_loop3A_863 : i32 to index
        %parallel_loop3A_867 = arith.index_cast %parallel_loop3A_864 : i32 to index
        %parallel_loop3A_868 = arith.index_cast %parallel_loop3A_865 : i32 to index
        %parallel_loop3A_869 = arith.index_cast %parallel_loop3A_855 : i32 to index
        %parallel_loop3A_870 = tpu.vector_load %arg7[%parallel_loop3A_866, %parallel_loop3A_867, %parallel_loop3A_868, %parallel_loop3A_869] {strides = array<i32>} : memref<4x4x2x2048xf32, #tpu.memory_space<vmem>>, vector<1x1x1x16xf32>,
        %parallel_loop3A_871 = vector.shape_cast %parallel_loop3A_870 : vector<1x1x1x16xf32> to vector<16xf32>
        %parallel_loop3A_872 = vector.shape_cast %parallel_loop3A_862 : vector<16xf32> to vector<1x1x1x16xf32>
        tpu.vector_store %arg7[%parallel_loop3A_866, %parallel_loop3A_867, %parallel_loop3A_868, %parallel_loop3A_869], %parallel_loop3A_872 {add = true, strides = array<i32>} : memref<4x4x2x2048xf32, #tpu.memory_space<vmem>>, vector<1x1x1x16xf32>,
        %parallel_loop3A_873 = arith.constant 3 : i32
        %parallel_loop3A_874 = arith.constant 1 : i32
        %parallel_loop3A_875 = arith.constant 1 : i32
        %parallel_loop3A_876 = arith.index_cast %parallel_loop3A_873 : i32 to index
        %parallel_loop3A_877 = arith.index_cast %parallel_loop3A_874 : i32 to index
        %parallel_loop3A_878 = arith.index_cast %parallel_loop3A_875 : i32 to index
        %parallel_loop3A_879 = arith.index_cast %parallel_loop3A_855 : i32 to index
        %parallel_loop3A_880 = tpu.vector_load %arg7[%parallel_loop3A_876, %parallel_loop3A_877, %parallel_loop3A_878, %parallel_loop3A_879] {strides = array<i32>} : memref<4x4x2x2048xf32, #tpu.memory_space<vmem>>, vector<1x1x1x16xf32>,
        %parallel_loop3A_881 = vector.shape_cast %parallel_loop3A_880 : vector<1x1x1x16xf32> to vector<16xf32>
        %parallel_loop3A_882 = vector.shape_cast %parallel_loop3A_862 : vector<16xf32> to vector<1x1x1x16xf32>
        tpu.vector_store %arg7[%parallel_loop3A_876, %parallel_loop3A_877, %parallel_loop3A_878, %parallel_loop3A_879], %parallel_loop3A_882 {add = true, strides = array<i32>} : memref<4x4x2x2048xf32, #tpu.memory_space<vmem>>, vector<1x1x1x16xf32>,
        %parallel_loop3A_883 = arith.constant 3 : i32
        %parallel_loop3A_884 = arith.constant 2 : i32
        %parallel_loop3A_885 = arith.constant 1 : i32
        %parallel_loop3A_886 = arith.index_cast %parallel_loop3A_883 : i32 to index
        %parallel_loop3A_887 = arith.index_cast %parallel_loop3A_884 : i32 to index
        %parallel_loop3A_888 = arith.index_cast %parallel_loop3A_885 : i32 to index
        %parallel_loop3A_889 = arith.index_cast %parallel_loop3A_855 : i32 to index
        %parallel_loop3A_890 = tpu.vector_load %arg7[%parallel_loop3A_886, %parallel_loop3A_887, %parallel_loop3A_888, %parallel_loop3A_889] {strides = array<i32>} : memref<4x4x2x2048xf32, #tpu.memory_space<vmem>>, vector<1x1x1x16xf32>,
        %parallel_loop3A_891 = vector.shape_cast %parallel_loop3A_890 : vector<1x1x1x16xf32> to vector<16xf32>
        %parallel_loop3A_892 = vector.shape_cast %parallel_loop3A_862 : vector<16xf32> to vector<1x1x1x16xf32>
        tpu.vector_store %arg7[%parallel_loop3A_886, %parallel_loop3A_887, %parallel_loop3A_888, %parallel_loop3A_889], %parallel_loop3A_892 {add = true, strides = array<i32>} : memref<4x4x2x2048xf32, #tpu.memory_space<vmem>>, vector<1x1x1x16xf32>,
        %parallel_loop3A_893 = arith.constant 3 : i32
        %parallel_loop3A_894 = arith.constant 3 : i32
        %parallel_loop3A_895 = arith.constant 1 : i32
        %parallel_loop3A_896 = arith.index_cast %parallel_loop3A_893 : i32 to index
        %parallel_loop3A_897 = arith.index_cast %parallel_loop3A_894 : i32 to index
        %parallel_loop3A_898 = arith.index_cast %parallel_loop3A_895 : i32 to index
        %parallel_loop3A_899 = arith.index_cast %parallel_loop3A_855 : i32 to index
        %parallel_loop3A_900 = tpu.vector_load %arg7[%parallel_loop3A_896, %parallel_loop3A_897, %parallel_loop3A_898, %parallel_loop3A_899] {strides = array<i32>} : memref<4x4x2x2048xf32, #tpu.memory_space<vmem>>, vector<1x1x1x16xf32>,
        %parallel_loop3A_901 = vector.shape_cast %parallel_loop3A_900 : vector<1x1x1x16xf32> to vector<16xf32>
        %parallel_loop3A_902 = vector.shape_cast %parallel_loop3A_862 : vector<16xf32> to vector<1x1x1x16xf32>
        tpu.vector_store %arg7[%parallel_loop3A_896, %parallel_loop3A_897, %parallel_loop3A_898, %parallel_loop3A_899], %parallel_loop3A_902 {add = true, strides = array<i32>} : memref<4x4x2x2048xf32, #tpu.memory_space<vmem>>, vector<1x1x1x16xf32>,
      } {sc.loop_unroll_factor = 8 : i64, sc.parallel_access}
      %mul3A_808 = arith.constant 2 : i32
      %mul3A_809 = arith.muli %add3A_772, %mul3A_808 : i32
      %add3A_810 = arith.addi %mul3A_34, %mul3A_809 : i32
      %dma_start3A_811 = arith.constant 3 : i32
      %dma_start3A_812 = arith.constant 0 : i32
      %dma_start3A_813 = arith.constant 0 : i32
      %dma_start3A_814 = arith.constant 0 : i32
      %dma_start3A_815 = tpu.memref_slice %arg7[%dma_start3A_811, %dma_start3A_812, %dma_start3A_813, %dma_start3A_814] : memref<4x4x2x2048xf32, #tpu.memory_space<vmem>> -> memref<1x4x2x2048xf32, #tpu.memory_space<vmem>>
      %dma_start3A_816 = tpu.memref_squeeze %dma_start3A_815 : memref<1x4x2x2048xf32, #tpu.memory_space<vmem>> -> memref<4x2x2048xf32, #tpu.memory_space<vmem>>
      %dma_start3A_817 = arith.constant 0 : i32
      %dma_start3A_818 = tpu.memref_slice %arg5[%mul3A_32, %add3A_810, %dma_start3A_817] : memref<4x4096x2048xf32, #tpu.memory_space<hbm>> -> memref<4x2x2048xf32, #tpu.memory_space<hbm>>
      %dma_start3A_819 = arith.constant 0 : i32
      %dma_start3A_820 = tpu.memref_slice %arg5[%mul3A_32, %add3A_810, %dma_start3A_819] : memref<4x4096x2048xf32, #tpu.memory_space<hbm>> -> memref<4x2x2048xf32, #tpu.memory_space<hbm>>
      %dma_start3A_821 = arith.constant 0 : i32
      %dma_start3A_822 = arith.constant 0 : i32
      %dma_start3A_823 = arith.constant 0 : i32
      %dma_start3A_824 = tpu.memref_slice %arg7[%dma_start3A_811, %dma_start3A_821, %dma_start3A_822, %dma_start3A_823] : memref<4x4x2x2048xf32, #tpu.memory_space<vmem>> -> memref<1x4x2x2048xf32, #tpu.memory_space<vmem>>
      %dma_start3A_825 = tpu.memref_squeeze %dma_start3A_824 : memref<1x4x2x2048xf32, #tpu.memory_space<vmem>> -> memref<4x2x2048xf32, #tpu.memory_space<vmem>>
      tpu.enqueue_dma source(%dma_start3A_825 : memref<4x2x2048xf32, #tpu.memory_space<vmem>>) target(%dma_start3A_820 : memref<4x2x2048xf32, #tpu.memory_space<hbm>>) target_semaphore(%arg20 : memref<!tpu.dma_semaphore, #tpu.memory_space<semaphore_mem>>)
      %sub3A_826 = arith.constant 1 : i32
      %sub3A_827 = arith.subi %add3A_772, %sub3A_826 : i32
      %mul3A_828 = arith.constant 2 : i32
      %mul3A_829 = arith.muli %sub3A_827, %mul3A_828 : i32
      %add3A_830 = arith.addi %mul3A_34, %mul3A_829 : i32
      %dma_wait3A_831 = arith.constant 2 : i32
      %dma_wait3A_832 = arith.constant 0 : i32
      %dma_wait3A_833 = arith.constant 0 : i32
      %dma_wait3A_834 = arith.constant 0 : i32
      %dma_wait3A_835 = tpu.memref_slice %arg7[%dma_wait3A_831, %dma_wait3A_832, %dma_wait3A_833, %dma_wait3A_834] : memref<4x4x2x2048xf32, #tpu.memory_space<vmem>> -> memref<1x4x2x2048xf32, #tpu.memory_space<vmem>>
      %dma_wait3A_836 = tpu.memref_squeeze %dma_wait3A_835 : memref<1x4x2x2048xf32, #tpu.memory_space<vmem>> -> memref<4x2x2048xf32, #tpu.memory_space<vmem>>
      %dma_wait3A_837 = arith.constant 0 : i32
      %dma_wait3A_838 = tpu.memref_slice %arg5[%mul3A_32, %add3A_830, %dma_wait3A_837] : memref<4x4096x2048xf32, #tpu.memory_space<hbm>> -> memref<4x2x2048xf32, #tpu.memory_space<hbm>>
      %dma_wait3A_839 = arith.constant 0 : i32
      %dma_wait3A_840 = tpu.memref_slice %arg5[%mul3A_32, %add3A_830, %dma_wait3A_839] : memref<4x4096x2048xf32, #tpu.memory_space<hbm>> -> memref<4x2x2048xf32, #tpu.memory_space<hbm>>
      %dma_wait3A_841 = arith.constant 0 : i32
      %dma_wait3A_842 = arith.constant 0 : i32
      %dma_wait3A_843 = arith.constant 0 : i32
      %dma_wait3A_844 = tpu.memref_slice %arg7[%dma_wait3A_831, %dma_wait3A_841, %dma_wait3A_842, %dma_wait3A_843] : memref<4x4x2x2048xf32, #tpu.memory_space<vmem>> -> memref<1x4x2x2048xf32, #tpu.memory_space<vmem>>
      %dma_wait3A_845 = tpu.memref_squeeze %dma_wait3A_844 : memref<1x4x2x2048xf32, #tpu.memory_space<vmem>> -> memref<4x2x2048xf32, #tpu.memory_space<vmem>>
      tpu.wait_dma2 semaphore(%arg19 : memref<!tpu.dma_semaphore, #tpu.memory_space<semaphore_mem>>) src(%dma_wait3A_845 : memref<4x2x2048xf32, #tpu.memory_space<vmem>>) dst(%dma_wait3A_840 : memref<4x2x2048xf32, #tpu.memory_space<hbm>>)
      %add3A_846 = arith.constant 3 : i32
      %add3A_847 = arith.addi %add3A_772, %add3A_846 : i32
      %lt3A_848 = arith.constant 64 : i32
      %lt3A_849 = arith.cmpi slt, %add3A_847, %lt3A_848 : i32
      %convert_element_type3A_850 = arith.extui %lt3A_849 : i1 to i32
      %cond3A_851 = arith.constant 0 : i32
      %cond3A_852 = arith.cmpi ne, %convert_element_type3A_850, %cond3A_851 : i32
      scf.if %cond3A_852 {
        %add3A_853 = arith.constant 3 : i32
        %add3A_854 = arith.addi %add3A_772, %add3A_853 : i32
        %mul3A_855 = arith.constant 2 : i32
        %mul3A_856 = arith.muli %add3A_854, %mul3A_855 : i32
        %add3A_857 = arith.addi %mul3A_34, %mul3A_856 : i32
        %dma_start3A_858 = arith.constant 2 : i32
        %dma_start3A_859 = arith.constant 0 : i32
        %dma_start3A_860 = arith.constant 0 : i32
        %dma_start3A_861 = arith.constant 0 : i32
        %dma_start3A_862 = tpu.memref_slice %arg7[%dma_start3A_858, %dma_start3A_859, %dma_start3A_860, %dma_start3A_861] : memref<4x4x2x2048xf32, #tpu.memory_space<vmem>> -> memref<1x4x2x2048xf32, #tpu.memory_space<vmem>>
        %dma_start3A_863 = tpu.memref_squeeze %dma_start3A_862 : memref<1x4x2x2048xf32, #tpu.memory_space<vmem>> -> memref<4x2x2048xf32, #tpu.memory_space<vmem>>
        %dma_start3A_864 = arith.constant 0 : i32
        %dma_start3A_865 = tpu.memref_slice %arg2[%mul3A_32, %add3A_857, %dma_start3A_864] : memref<4x4096x2048xf32, #tpu.memory_space<hbm>> -> memref<4x2x2048xf32, #tpu.memory_space<hbm>>
        %dma_start3A_866 = arith.constant 0 : i32
        %dma_start3A_867 = arith.constant 0 : i32
        %dma_start3A_868 = arith.constant 0 : i32
        %dma_start3A_869 = tpu.memref_slice %arg7[%dma_start3A_858, %dma_start3A_866, %dma_start3A_867, %dma_start3A_868] : memref<4x4x2x2048xf32, #tpu.memory_space<vmem>> -> memref<1x4x2x2048xf32, #tpu.memory_space<vmem>>
        %dma_start3A_870 = tpu.memref_squeeze %dma_start3A_869 : memref<1x4x2x2048xf32, #tpu.memory_space<vmem>> -> memref<4x2x2048xf32, #tpu.memory_space<vmem>>
        %dma_start3A_871 = arith.constant 0 : i32
        %dma_start3A_872 = tpu.memref_slice %arg2[%mul3A_32, %add3A_857, %dma_start3A_871] : memref<4x4096x2048xf32, #tpu.memory_space<hbm>> -> memref<4x2x2048xf32, #tpu.memory_space<hbm>>
        tpu.enqueue_dma source(%dma_start3A_872 : memref<4x2x2048xf32, #tpu.memory_space<hbm>>) target(%dma_start3A_870 : memref<4x2x2048xf32, #tpu.memory_space<vmem>>) target_semaphore(%arg11 : memref<!tpu.dma_semaphore, #tpu.memory_space<semaphore_mem>>)
        %dma_start3A_873 = arith.constant 2 : i32
        %dma_start3A_874 = arith.constant 0 : i32
        %dma_start3A_875 = arith.constant 0 : i32
        %dma_start3A_876 = tpu.memref_slice %arg8[%dma_start3A_873, %dma_start3A_874, %dma_start3A_875] : memref<4x2x2048xf32, #tpu.memory_space<vmem>> -> memref<1x2x2048xf32, #tpu.memory_space<vmem>>
        %dma_start3A_877 = tpu.memref_squeeze %dma_start3A_876 : memref<1x2x2048xf32, #tpu.memory_space<vmem>> -> memref<2x2048xf32, #tpu.memory_space<vmem>>
        %dma_start3A_878 = arith.constant 0 : i32
        %dma_start3A_879 = tpu.memref_slice %arg6[%add3A_854, %dma_start3A_878] : memref<64x2xi32, #tpu.memory_space<vmem>> -> memref<1x2xi32, #tpu.memory_space<vmem>>
        %dma_start3A_880 = tpu.memref_squeeze %dma_start3A_879 : memref<1x2xi32, #tpu.memory_space<vmem>> -> memref<2xi32, #tpu.memory_space<vmem>>
        %dma_start3A_881 = arith.constant 0 : i32
        %dma_start3A_882 = arith.constant 0 : i32
        %dma_start3A_883 = tpu.memref_slice %arg4[%dma_start3A_881, %dma_start3A_882] : memref<8192x2048xf32, #tpu.memory_space<hbm>> -> memref<8192x2048xf32, #tpu.memory_space<hbm>>
        tpu.enqueue_indirect_dma source(%dma_start3A_883 : memref<8192x2048xf32, #tpu.memory_space<hbm>>) target(%dma_start3A_877 : memref<2x2048xf32, #tpu.memory_space<vmem>>) offsets(%dma_start3A_880 : memref<2xi32, #tpu.memory_space<vmem>>) semaphore(%arg15 : memref<!tpu.dma_semaphore, #tpu.memory_space<semaphore_mem>>)
      } else {
      }
    }
    %scan3A_500 = arith.constant 15 : i32
    %add3A_501 = arith.constant 126 : i32
    %add3A_502 = arith.addi %mul3A_34, %add3A_501 : i32
    %dma_wait3A_503 = arith.constant 3 : i32
    %dma_wait3A_504 = arith.constant 0 : i32
    %dma_wait3A_505 = arith.constant 0 : i32
    %dma_wait3A_506 = arith.constant 0 : i32
    %dma_wait3A_507 = tpu.memref_slice %arg7[%dma_wait3A_503, %dma_wait3A_504, %dma_wait3A_505, %dma_wait3A_506] : memref<4x4x2x2048xf32, #tpu.memory_space<vmem>> -> memref<1x4x2x2048xf32, #tpu.memory_space<vmem>>
    %dma_wait3A_508 = tpu.memref_squeeze %dma_wait3A_507 : memref<1x4x2x2048xf32, #tpu.memory_space<vmem>> -> memref<4x2x2048xf32, #tpu.memory_space<vmem>>
    %dma_wait3A_509 = arith.constant 0 : i32
    %dma_wait3A_510 = tpu.memref_slice %arg5[%mul3A_32, %add3A_502, %dma_wait3A_509] : memref<4x4096x2048xf32, #tpu.memory_space<hbm>> -> memref<4x2x2048xf32, #tpu.memory_space<hbm>>
    %dma_wait3A_511 = arith.constant 0 : i32
    %dma_wait3A_512 = tpu.memref_slice %arg5[%mul3A_32, %add3A_502, %dma_wait3A_511] : memref<4x4096x2048xf32, #tpu.memory_space<hbm>> -> memref<4x2x2048xf32, #tpu.memory_space<hbm>>
    %dma_wait3A_513 = arith.constant 0 : i32
    %dma_wait3A_514 = arith.constant 0 : i32
    %dma_wait3A_515 = arith.constant 0 : i32
    %dma_wait3A_516 = tpu.memref_slice %arg7[%dma_wait3A_503, %dma_wait3A_513, %dma_wait3A_514, %dma_wait3A_515] : memref<4x4x2x2048xf32, #tpu.memory_space<vmem>> -> memref<1x4x2x2048xf32, #tpu.memory_space<vmem>>
    %dma_wait3A_517 = tpu.memref_squeeze %dma_wait3A_516 : memref<1x4x2x2048xf32, #tpu.memory_space<vmem>> -> memref<4x2x2048xf32, #tpu.memory_space<vmem>>
    tpu.wait_dma2 semaphore(%arg20 : memref<!tpu.dma_semaphore, #tpu.memory_space<semaphore_mem>>) src(%dma_wait3A_517 : memref<4x2x2048xf32, #tpu.memory_space<vmem>>) dst(%dma_wait3A_512 : memref<4x2x2048xf32, #tpu.memory_space<hbm>>)
    return
  }
}

</mosaic_0001>

<sc_bundles>
// kernel: kernel.3.cloned.1.call-start
scs
__scs_entry_jumppad:
0x0: {  	(pc) =	sbr.rel $0x88, $3  }
0x1: {  	(tag) =	ssettag $0x0;
	lr =	simm.s32 $0x1  }
0x2: {  	[smem:$0x3F9E] =	sst lr;
	_ =	strace $0xD0000000  }
0x3: {  	_ = 	snop  }
0x4: {  	_ = 	snop  }
0x5: {  	_ = 	snop  }
0x6: {  	_ = 	snop  }
0x7: {  	_ = 	snop  }
__scs_overlays_trampoline_lowered:
0x8: {  	[smem:$0x3FAD] =	sst s0  }
0x9: {  	[smem:$0x3FAE] =	sst s1  }
0xa: {  	[smem:$0x3FAF] =	sst s2  }
0xb: {  	[smem:$0x3FB0] =	sst s3  }
0xc: {  	[smem:$0x3FB1] =	sst s4  }
0xd: {  	[smem:$0x3FB2] =	sst s5  }
0xe: {  	[smem:$0x3FB3] =	sst s6  }
0xf: {  	[smem:$0x3FB4] =	sst s7  }
0x10: {  	[smem:$0x3FB5] =	sst s8  }
0x11: {  	[smem:$0x3FB6] =	sst s9;
	s0 =	simm.s32 @!p0 $0x0  }
0x12: {  	s1 =	sld [smem:$0x3F9C];
	s0 =	simm.s32 @p0 $0x1  }
0x13: {  	[smem:$0x3FB7] =	sst s0;
	s0 =	simm.s32 @!p1 $0x0  }
0x14: {  	s2 =	sld [smem:$0x3F9B];
	s0 =	simm.s32 @p1 $0x1  }
0x15: {  	[smem:$0x3FB8] =	sst s0;
	s0 =	simm.s32 @!p2 $0x0  }
0x16: {  	s3 =	sld [smem:$0x3FDB];
	s0 =	simm.s32 @p2 $0x1  }
0x17: {  	s4 =	simm.s32 $0x1BF5;
	[smem:$0x3FBA] =	sst s0  }
0x18: {  	s0 =	sld [smem:$0x3F9D];
	_ =	swait.ge [sflag:s4], $0x0  }
0x19: {  	s7 =	sld [smem:$0x3F9E]  }
0x1a: {  	s8 =	sadd.s32 $0xFFFFE003, lr  }
0x1b: {  	s9 =	sadd.s32 $0xFFFFFEF7, lr;
	s5 =	simm.s32 $0xFFFFFFFF;
	p2 =	slt.u32 s8, $0xFFFFF086  }
0x1c: {  	p1 =	slt.u32 s9, $0xF7A;
	s5 =	simm.s32 @!p2 $0x0  }
0x1d: {  	s5 =	simm.s32 @p1 $0x1;
	p0 =	seq.s32 s7, s2  }
0x1e: {  	s7 =	smul.u32 @!p0 $0xF7A, s2;
	p2 =	seq.s32 @!p0 s5, $0x0  }
0x1f: {  	s9 =	smul.u32 $0xF7A, s1;
	s8 =	simm.s32 @!p0 $0x1BF5;
	p2 =	por !p2, p0  }
0x20: {  	[sflag:s8] =	ssyncset.s32 @!p0 $0xFFFFF086;
	s6 =	sadd.s32 @!p0 s3, s7;
	s7 =	simm.s32 @!p0 $0x108  }
0x21: {  	s3 =	sadd.s32 s3, s9;
	s6 =	sadd.s32 @!p0 $0x88, s6;
	s7 =	simm.s32 @p2 $0x1082  }
0x22: {  	[simem:s7], [sflag:s8] =	dma.local @!p0 [hbm:s6], $0xF7A  }
0x23: {  	s9 =	sor.u32 $0xD0000000, s2;
	s6 =	simm.s32 $0x108;
	_ =	swait.ge @!p0 [sflag:s8], $0x0  }
0x24: {  	s3 =	sadd.s32 $0x88, s3;
	s6 =	simm.s32 @!p1 $0x1082;
	[sflag:s4] =	ssyncset.s32 $0xFFFFF086  }
0x25: {  	[simem:s6], [sflag:s4] =	dma.local [hbm:s3], $0xF7A  }
0x26: {  	[smem:$0x3F9E] =	sst s1;
	(tag) =	ssettag s2;
	_ =	strace s9  }
0x27: {  	s1 =	sld [smem:$0x3FAE]  }
0x28: {  	s2 =	sld [smem:$0x3FAF]  }
0x29: {  	s4 =	sld [smem:$0x3FB1]  }
0x2a: {  	p0 =	seq.s32 s5, $0x0;
	s5 =	sld [smem:$0x3FB2]  }
0x2b: {  	s6 =	sld [smem:$0x3FB3]  }
0x2c: {  	s7 =	sld [smem:$0x3FB4]  }
0x2d: {  	s3 =	simm.s32 $0x108;
	s8 =	sld [smem:$0x3FB5]  }
0x2e: {  	s3 =	simm.s32 @!p0 $0x1082;
	s9 =	sld [smem:$0x3FB6]  }
0x2f: {  	lr =	sadd.s32 s0, s3;
	s0 =	sld [smem:$0x3FAD]  }
0x30: {  	s3 =	sld [smem:$0x3FB0]  }
0x31: {  	[smem:$0x3FB9] =	sst s10  }
0x32: {  	s10 =	sld [smem:$0x3FB7];
	_ =	sdelay $0x3  }
0x33: {  	p0 =	seq.s32 s10, $0x1;
	s10 =	sld [smem:$0x3FB9];
	_ =	sdelay $0x3  }
0x34: {  	[smem:$0x3FB9] =	sst s10  }
0x35: {  	s10 =	sld [smem:$0x3FB8];
	_ =	sdelay $0x3  }
0x36: {  	p1 =	seq.s32 s10, $0x1;
	s10 =	sld [smem:$0x3FB9];
	_ =	sdelay $0x3  }
0x37: {  	[smem:$0x3FB9] =	sst s10  }
0x38: {  	s10 =	sld [smem:$0x3FBA]  }
0x39: {  	_ = 	snop;
	(pc) =	sbr.ind lr, $3  }
0x3a: {  	_ = 	snop  }
0x3b: {  	_ = 	snop  }
0x3c: {  	p2 =	seq.s32 s10, $0x1;
	s10 =	sld [smem:$0x3FB9]  }
0x3d: {  	_ =	shalt  }
0x3e: {  	_ =	shalt  }
0x3f: {  	_ =	shalt  }
0x40: {  	_ =	shalt  }
0x41: {  	_ =	shalt  }
0x42: {  	_ =	shalt  }
0x43: {  	_ =	shalt  }
0x44: {  	_ =	shalt  }
0x45: {  	_ =	shalt  }
0x46: {  	_ =	shalt  }
0x47: {  	_ =	shalt  }
0x48: {  	_ =	shalt  }
0x49: {  	_ =	shalt  }
0x4a: {  	_ =	shalt  }
0x4b: {  	_ =	shalt  }
0x4c: {  	_ =	shalt  }
0x4d: {  	_ =	shalt  }
0x4e: {  	_ =	shalt  }
0x4f: {  	_ =	shalt  }
0x50: {  	_ =	shalt  }
0x51: {  	_ =	shalt  }
0x52: {  	_ =	shalt  }
0x53: {  	_ =	shalt  }
0x54: {  	_ =	shalt  }
0x55: {  	_ =	shalt  }
0x56: {  	_ =	shalt  }
0x57: {  	_ =	shalt  }
0x58: {  	_ =	shalt  }
0x59: {  	_ =	shalt  }
0x5a: {  	_ =	shalt  }
0x5b: {  	_ =	shalt  }
0x5c: {  	_ =	shalt  }
0x5d: {  	_ =	shalt  }
0x5e: {  	_ =	shalt  }
0x5f: {  	_ =	shalt  }
0x60: {  	_ =	shalt  }
0x61: {  	_ =	shalt  }
0x62: {  	_ =	shalt  }
0x63: {  	_ =	shalt  }
0x64: {  	_ =	shalt  }
0x65: {  	_ =	shalt  }
0x66: {  	_ =	shalt  }
0x67: {  	_ =	shalt  }
0x68: {  	_ =	shalt  }
0x69: {  	_ =	shalt  }
0x6a: {  	_ =	shalt  }
0x6b: {  	_ =	shalt  }
0x6c: {  	_ =	shalt  }
0x6d: {  	_ =	shalt  }
0x6e: {  	_ =	shalt  }
0x6f: {  	_ =	shalt  }
0x70: {  	_ =	shalt  }
0x71: {  	_ =	shalt  }
0x72: {  	_ =	shalt  }
0x73: {  	_ =	shalt  }
0x74: {  	_ =	shalt  }
0x75: {  	_ =	shalt  }
0x76: {  	_ =	shalt  }
0x77: {  	_ =	shalt  }
0x78: {  	_ =	shalt  }
0x79: {  	_ =	shalt  }
0x7a: {  	_ =	shalt  }
0x7b: {  	_ =	shalt  }
0x7c: {  	_ =	shalt  }
0x7d: {  	_ =	shalt  }
0x7e: {  	_ =	shalt  }
0x7f: {  	_ =	shalt  }
0x80: {  	_ =	shalt  }
0x81: {  	_ =	shalt  }
0x82: {  	_ =	shalt  }
0x83: {  	_ =	shalt  }
0x84: {  	_ =	shalt  }
0x85: {  	_ =	shalt  }
0x86: {  	_ =	shalt  }
0x87: {  	_ =	shalt  }
.Lfunc_end0:
.L_simem_size_0:
called_computation_lowered:
.L_overlay_start_0:
0x88: {  	s2 =	sld [smem:$0x3FD9]  }
0x89: {  	s3 =	sld [smem:$0x3FFE];
	_ =	sdelay $0x1  }
0x8a: {  	s1 =	srdreg.scid  }
0x8b: {  	s0 =	sand.u32 $0x1, s1  }
0x8c: {  	s17 =	sshll.u32 s0, $0xA;
	s2 =	sadd.s32 s3, s2  }
0x8d: {  	s2 =	sadd.s32 s2, s17  }
0x8e: {  	[smem:$0x3FC5] =	sst s2  }
0x8f: {  	_ = 	snop  }
0x90: {  	s2 =	sld [smem:$0x3FC9]  }
0x91: {  	s18 =	sld [smem:$0x3FC7]  }
0x92: {  	s4 =	sld [smem:$0x3FD0];
	(tm) =	ssettm $0x1  }
0x93: {  	s5 =	sld [smem:$0x3FFB];
	_ =	sdelay $0x3  }
0x94: {  	_ =	strace s5  }
0x95: {  	s5 =	sld [smem:$0x3FFC];
	_ =	sdelay $0x3  }
0x96: {  	_ =	strace s5  }
0x97: {  	s5 =	sld [smem:$0x3FFD];
	_ =	sdelay $0x3  }
0x98: {  	_ =	strace s5  }
0x99: {  	_ =	strace $0x8FFFFFFF  }
0x9a: {  	s19 =	sld [smem:$0x3FDB];
	_ =	sdelay $0x1  }
0x9b: {  	s6 =	simm.s32 $_scs_section_size  }
0x9c: {  	s7 =	simm.s32 $_size__tile_overlayer_lowered;
	s8 =	simm.s32 $_tile_overlayer_lowered  }
0x9d: {  	s22 =	simm.s32 $0x1BFF;
	s21 =	sshll.u32 s8, $0x1;
	s5 =	sadd.s32 s6, s19  }
0x9e: {  	s9 =	simm.s32 $0x0;
	s20 =	sshll.u32 s7, $0x1;
	s7 =	sadd.s32 s21, s5  }
0x9f: {  	[timem:s9], [sflag:s22] =	dma.local [hbm:s7], s20  }
0xa0: {  	_ =	swait.ge [sflag:s22], s20  }
0xa1: {  	s6 =	ssub.s32 $0x0, s20;
	[sflag:s22] =	ssyncset.done $0x0  }
0xa2: {  	[sflag:s22] =	ssyncadd.s32 s6;
	_ =	sdelay $0x1  }
0xa3: {  	s23 =	simm.s32 $0x1B8B  }
0xa4: {  	_ =	swait.ge [sflag:s23], $0x1  }
0xa5: {  	[sflag:s23] =	ssyncset.done $0x0  }
0xa6: {  	s25 =	simm.s32 $0x1B8E;
	s24 =	sld [smem:$0x3FFE];
	[sflag:s23] =	ssyncadd.s32 $0xFFFFFFFF  }
0xa7: {  	s26 =	simm.s32 $execute0_lowered;
	[smem:$0x3FD2] =	sst s25  }
0xa8: {  	s7 =	sshll.u32 s26, $0x1;
	_ =	strace $0x80000046;
	[dreg:$0x1] =	wrdreg $0xFFFFFFFF  }
0xa9: {  	s28 =	simm.s32 $_size_execute0_lowered;
	s5 =	sadd.s32 s5, s7;
	[dreg:$0x0] =	wrdreg $0x0  }
0xaa: {  	s7 =	sshll.u32 s28, $0x1;
	[dreg:$0x2] =	wrdreg s5  }
0xab: {  	[dreg:$0x3] =	wrdreg s7  }
0xac: {  	[dreg:$0x4] =	wrdreg $0xC0  }
0xad: {  	_ =	task [dreg:s9], $0x5FFFF  }
0xae: {  	[dreg:$0x1] =	wrdreg $0xFFFFFFFF  }
0xaf: {  	[dreg:$0x0] =	wrdreg $0x60  }
0xb0: {  	[dreg:$0x2] =	wrdreg s2  }
0xb1: {  	[dreg:$0x3] =	wrdreg s24  }
0xb2: {  	[dreg:$0x4] =	wrdreg s18  }
0xb3: {  	[dreg:$0x5] =	wrdreg s4  }
0xb4: {  	[dreg:$0x6] =	wrdreg $0x9  }
0xb5: {  	_ =	task.clear_ibuf [dreg:s9], $0x7FFFF;
	_ =	strace $0x90000046  }
0xb6: {  	s29 =	simm.s32 $0x9;
	_ =	strace $0x80000048  }
0xb7: {  	_ =	swait.ge [sflag:s29], $0x1  }
0xb8: {  	[sflag:s29] =	ssyncadd.s32 $0xFFFFFFFF  }
0xb9: {  	_ =	strace $0x90000048  }
0xba: {  	_ =	sfence  }
0xbb: {  	s30 =	sld [smem:$0x0];
	_ =	sdelay $0x2  }
0xbc: {  	s31 =	sshll.u32 s1, $0xD;
	s1 =	sshrl.u32 s1, $0x2  }
0xbd: {  	s3 =	sand.u32 $0x4000, s31;
	s1 =	sadd.s32 s1, s30  }
0xbe: {  	s0 =	sor.u32 s3, s0;
	s1 =	sshll.u32 s1, $0x11  }
0xbf: {  	s0 =	sor.u32 s1, s0  }
0xc0: {  	s0 =	sadd.s32 $0x8F2B, s0  }
0xc1: {  	[sflag:s0] =	ssyncadd.remote.s32 $0x1  }
0xc2: {  	_ =	sfence.sel $0xFFFF  }
0xc3: {  	[dreg:$0x0] =	wrdreg $0xFFFFFFFF;
	(pc) =	sbr.abs _section_cstart, $3  }
0xc4: {  	[dreg:$0x1] =	wrdreg $0xFFFFFFFF  }
0xc5: {  	_ =	task.clear_ibuf [dreg:s9], $0x2FFFF;
	_ =	strace $0x9FFFFFFF  }
0xc6: {  	(tm) =	ssettm $0x7FFFFFFF  }
0xc7: {  	_ =	shalt  }
tec
execute0_lowered:
.L_overlay_start_1:
0x0: {  	(tag) =	ssettag $0x1  }
0x1: {  	s7 =	rddreg [dreg:$0x0]  }
0x2: {  	s0 =	rddreg [dreg:$0x1]  }
0x3: {  	s3 =	rddreg [dreg:$0x2]  }
0x4: {  	s1 =	srdreg.scid;
	s2 =	stileid.u32  }
0x5: {  	s13 =	rddreg [dreg:$0x3];
	s5 =	simm.s32 $0x0;
	s28 =	simm.s32 $0x400  }
0x6: {  	s29 =	simm.s32 $0x6;
	s30 =	simm.s32 $0x9;
	s31 =	simm.s32 $0x3  }
0x7: {  	s1 =	sand.u32 $0x1, s1;
	[smem:$0x7FF] =	sst s5;
	s22 =	sadd.s32 $0x20, s13  }
0x8: {  	s23 =	sadd.s32 $0x40, s13;
	_ =	strace $0x80000047;
	[dreg:$0x10] =	wrdreg s22  }
0x9: {  	s2 =	sshll.u32 s2, $0x1;
	s24 =	sadd.s32 $0x20, s7;
	[dreg:$0x11] =	wrdreg s23  }
0xa: {  	s9 =	sadd.s32 $0x400, s3;
	s25 =	sadd.s32 $0x40, s7;
	[dreg:$0x12] =	wrdreg s24  }
0xb: {  	s2 =	sor.u32 s1, s2;
	s1 =	ssub.s32 $0x2, s1;
	[dreg:$0x13] =	wrdreg s25  }
0xc: {  	s22 =	simm.s32 $0xA000;
	s24 =	simm.s32 $0x8;
	s25 =	simm.s32 $0xB  }
0xd: {  	s23 =	simm.s32 $0xC;
	s4 =	sshll.u32 s2, $0xA;
	s6 =	sshll.u32 s2, $0xF  }
0xe: {  	s26 =	sshrl.u32 s1, $0x1;
	s0 =	sadd.s32 s4, s0;
	s15 =	sadd.s32 s13, s6  }
0xf: {  	s4 =	sor.u32 $0x20, s6;
	s0 =	sadd.s32 $0x400, s0;
	[dreg:$0x8] =	wrdreg s15  }
0x10: {  	s12 =	sor.u32 $0x40, s6;
	s11 =	sadd.s32 s7, s4;
	[dreg:$0x5] =	wrdreg s0  }
0x11: {  	s14 =	sor.u32 $0x60, s6;
	s10 =	sadd.s32 s7, s12;
	[dreg:$0x6] =	wrdreg s11  }
0x12: {  	s8 =	sadd.s32 s7, s6;
	s16 =	sadd.s32 s7, s14;
	[dreg:$0x7] =	wrdreg s10  }
0x13: {  	s2 =	simm.s32 $0x7;
	s17 =	sadd.s32 $0x800, s8;
	[dreg:$0x9] =	wrdreg s16  }
0x14: {  	s1 =	ssub.s32 s1, s26;
	s18 =	sadd.s32 s13, s12;
	[dreg:$0xb] =	wrdreg s17  }
0x15: {  	s19 =	sadd.s32 $0x820, s8;
	s20 =	sadd.s32 s13, s14;
	[dreg:$0xc] =	wrdreg s18  }
0x16: {  	s21 =	sadd.s32 $0x840, s8;
	s26 =	smax.u32 s1, $0x1;
	[dreg:$0xd] =	wrdreg s19  }
0x17: {  	s12 =	simm.s32 $0x12000;
	s14 =	simm.s32 $0x11000;
	[dreg:$0xe] =	wrdreg s20  }
.Ltmp0:
0x18: {  	s15 =	simm.s32 $0x2;
	[dreg:$0xf] =	wrdreg s21;
	(pc) =	sbr.rel .LBB2_1-.Ltmp0, $4  }
0x19: {  	s7 =	simm.s32 $0x4;
	s0 =	sadd.s32 s13, s4;
	[dreg:$0x14] =	wrdreg s26  }
0x1a: {  	v0 =	vlaneseq.u32;
	s26 =	simm.s32 $0x100;
	s18 =	simm.s32 $0x12800;
	s19 =	simm.s32 $0x13000  }
0x1b: {  	v1 =	vshrl.u32 v0, $0x1;
	s20 =	simm.s32 $0x13800;
	s16 =	simm.s32 $0x1;
	s17 =	simm.s32 $0x5  }
0x1c: {  	vm0 =	vmmov $0xffff;
	v0 =	vand.u32 $0x1, v0;
	v1 =	vmul.u32 $0x8, v1;
	s4 =	simm.s32 $0x0;
	[dreg:$0xa] =	wrdreg s0;
	s0 =	simm.s32 $0xA  }
.LBB2_36:
0x1d: {  	_ =	swait.ge [sflag:s23], $0x4000  }
0x1e: {  	s4 =	rddreg [dreg:$0x15]  }
0x1f: {  	s1 =	rddreg [dreg:$0x14];
	s4 =	sadd.s32 $0x1, s4  }
0x20: {  	p0 =	sne.s32 s4, s1  }
.Ltmp1:
0x21: {  	_ = 	snop;
	(pc) =	sbr.rel @!p0 .LBB2_37-.Ltmp1, $3  }
0x22: {  	_ =	sdelay $0x1  }
0x23: {  	s12 =	simm.s32 $0x12000;
	s18 =	simm.s32 $0x12800;
	[sflag:s23] =	ssyncset.done $0x0  }
0x24: {  	s19 =	simm.s32 $0x13000;
	s20 =	simm.s32 $0x13800;
	[sflag:s23] =	ssyncadd.s32 $0xFFFFC000  }
.LBB2_1:
0x25: {  	[dreg:$0x15] =	wrdreg s4  }
0x26: {  	s1 =	rddreg [dreg:$0x5];
	s11 =	simm.s32 $0xD  }
0x27: {  	[tilespmem:s5], [sflag:$0xD] =	stream.linear.gather [hbm4b:s1+s5], $0x2000, $0x38;
	[tilespmem:$0x16000] =	vst v63  }
0x28: {  	_ =	swait.ge [sflag:s11], $0x2000  }
0x29: {  	[sflag:s11] =	ssyncset.done $0x0  }
0x2a: {  	s21 =	simm.s32 $0x2000;
	[sflag:s11] =	ssyncadd.s32 $0xFFFFE000  }
0x2b: {  	[tilespmem:s21], [sflag:$0x1] =	stream.strided.gather [hbm4b:s8+s26], $0x1000, s28, s26, $0x38;
	[tilespmem:$0x16000] =	vst v63  }
0x2c: {  	s10 =	simm.s32 $0x3000;
	s1 =	sadd.s32 $0x100000, s8  }
0x2d: {  	[tilespmem:s10], [sflag:$0x1] =	stream.strided.gather [hbm4b:s1+s26], $0x1000, s28, s26, $0x38;
	[tilespmem:$0x16000] =	vst v63  }
0x2e: {  	s11 =	sadd.s32 $0x200000, s8;
	s21 =	simm.s32 $0x4000  }
0x2f: {  	[tilespmem:s21], [sflag:$0x1] =	stream.strided.gather [hbm4b:s11+s26], $0x1000, s28, s26, $0x38;
	[tilespmem:$0x16000] =	vst v63  }
0x30: {  	s1 =	sadd.s32 $0x300000, s8;
	s10 =	simm.s32 $0x5000  }
0x31: {  	[tilespmem:s10], [sflag:$0x1] =	stream.strided.gather [hbm4b:s1+s26], $0x1000, s28, s26, $0x38;
	[tilespmem:$0x16000] =	vst v63  }
0x32: {  	v2 =	vld.msk [tilespmem:$0x0], $0x3;
	_ =	sdelay $0x4  }
0x33: {  	v3 =	vshll.u32 v2, $0x4  }
0x34: {  	v2 =	vand.u32 $0x7, v2;
	v3 =	vand.u32 $0xFFFFFF80, v3  }
0x35: {  	v2 =	vor.u32 v2, v3  }
0x36: {  	v2 =	vperm.xlane v2, v0;
	_ =	sdelay $0x1  }
0x37: {  	v2 =	vadd.s32 v1, v2;
	_ =	sdelay $0x4  }
0x38: {  	[tilespmem:s12], [sflag:$0x5] =	stream.indirect_vreg.gather [hbm4b:s3+s5], $0x80, v2, vm0, $0xb8;
	[tilespmem:$0x16000] =	vst v63  }
0x39: {  	_ = 	snop  }
0x3a: {  	[tilespmem:s18], [sflag:$0x5] =	stream.indirect_vreg.gather [hbm4b:s9+s5], $0x80, v2, vm0, $0xb8;
	[tilespmem:$0x16000] =	vst v63  }
0x3b: {  	s11 =	simm.s32 $0x6000;
	s1 =	rddreg [dreg:$0x6]  }
0x3c: {  	[tilespmem:s11], [sflag:$0x2] =	stream.strided.gather [hbm4b:s1+s26], $0x1000, s28, s26, $0x38;
	[tilespmem:$0x16000] =	vst v63  }
0x3d: {  	s10 =	simm.s32 $0x7000;
	s21 =	sadd.s32 $0x100000, s1  }
0x3e: {  	[tilespmem:s10], [sflag:$0x2] =	stream.strided.gather [hbm4b:s21+s26], $0x1000, s28, s26, $0x38;
	[tilespmem:$0x16000] =	vst v63  }
0x3f: {  	s11 =	sadd.s32 $0x200000, s1;
	s21 =	simm.s32 $0x8000  }
0x40: {  	[tilespmem:s21], [sflag:$0x2] =	stream.strided.gather [hbm4b:s11+s26], $0x1000, s28, s26, $0x38;
	[tilespmem:$0x16000] =	vst v63  }
0x41: {  	s1 =	sadd.s32 $0x300000, s1;
	s10 =	simm.s32 $0x9000  }
0x42: {  	[tilespmem:s10], [sflag:$0x2] =	stream.strided.gather [hbm4b:s1+s26], $0x1000, s28, s26, $0x38;
	[tilespmem:$0x16000] =	vst v63  }
0x43: {  	v2 =	vld.msk [tilespmem:$0x80], $0x3;
	_ =	sdelay $0x4  }
0x44: {  	v3 =	vshll.u32 v2, $0x4  }
0x45: {  	v2 =	vand.u32 $0x7, v2;
	v3 =	vand.u32 $0xFFFFFF80, v3  }
0x46: {  	v2 =	vor.u32 v2, v3  }
0x47: {  	v2 =	vperm.xlane v2, v0;
	_ =	sdelay $0x1  }
0x48: {  	v2 =	vadd.s32 v1, v2;
	_ =	sdelay $0x4  }
0x49: {  	[tilespmem:s19], [sflag:$0x6] =	stream.indirect_vreg.gather [hbm4b:s3+s5], $0x80, v2, vm0, $0xb8;
	[tilespmem:$0x16000] =	vst v63  }
0x4a: {  	_ = 	snop  }
0x4b: {  	[tilespmem:s20], [sflag:$0x6] =	stream.indirect_vreg.gather [hbm4b:s9+s5], $0x80, v2, vm0, $0xb8;
	[tilespmem:$0x16000] =	vst v63  }
0x4c: {  	s1 =	rddreg [dreg:$0x7]  }
0x4d: {  	[tilespmem:s22], [sflag:$0x3] =	stream.strided.gather [hbm4b:s1+s26], $0x1000, s28, s26, $0x38;
	[tilespmem:$0x16000] =	vst v63  }
0x4e: {  	s21 =	simm.s32 $0xB000;
	s11 =	sadd.s32 $0x100000, s1  }
0x4f: {  	[tilespmem:s21], [sflag:$0x3] =	stream.strided.gather [hbm4b:s11+s26], $0x1000, s28, s26, $0x38;
	[tilespmem:$0x16000] =	vst v63  }
0x50: {  	s11 =	sadd.s32 $0x200000, s1;
	s21 =	simm.s32 $0xC000  }
0x51: {  	[tilespmem:s21], [sflag:$0x3] =	stream.strided.gather [hbm4b:s11+s26], $0x1000, s28, s26, $0x38;
	[tilespmem:$0x16000] =	vst v63  }
0x52: {  	s10 =	simm.s32 $0xD000;
	s1 =	sadd.s32 $0x300000, s1  }
0x53: {  	[tilespmem:s10], [sflag:$0x3] =	stream.strided.gather [hbm4b:s1+s26], $0x1000, s28, s26, $0x38;
	[tilespmem:$0x16000] =	vst v63  }
0x54: {  	v2 =	vld.msk [tilespmem:$0x100], $0x3;
	_ =	sdelay $0x4  }
0x55: {  	v3 =	vshll.u32 v2, $0x4  }
0x56: {  	v2 =	vand.u32 $0x7, v2;
	v3 =	vand.u32 $0xFFFFFF80, v3  }
0x57: {  	v2 =	vor.u32 v2, v3  }
0x58: {  	v2 =	vperm.xlane v2, v0;
	_ =	sdelay $0x1  }
0x59: {  	v2 =	vadd.s32 v1, v2;
	_ =	sdelay $0x3  }
0x5a: {  	s11 =	simm.s32 $0x14000  }
0x5b: {  	[tilespmem:s11], [sflag:$0x7] =	stream.indirect_vreg.gather [hbm4b:s3+s5], $0x80, v2, vm0, $0xb8;
	[tilespmem:$0x16000] =	vst v63  }
0x5c: {  	s21 =	simm.s32 $0x14800  }
0x5d: {  	[tilespmem:s21], [sflag:$0x7] =	stream.indirect_vreg.gather [hbm4b:s9+s5], $0x80, v2, vm0, $0xb8;
	[tilespmem:$0x16000] =	vst v63  }
0x5e: {  	_ =	swait.ge [sflag:s16], $0x4000  }
0x5f: {  	[sflag:s16] =	ssyncset.done $0x0  }
0x60: {  	[sflag:s16] =	ssyncadd.s32 $0xFFFFC000  }
0x61: {  	_ =	swait.ge [sflag:s17], $0x1000  }
0x62: {  	[sflag:s17] =	ssyncset.done $0x0  }
0x63: {  	s4 =	simm.s32 $0x0;
	[sflag:s17] =	ssyncadd.s32 $0xFFFFF000  }
0x64: {  	v2 =	vld [tilespmem:s4+$0x12070]  }
0x65: {  	v3 =	vld [tilespmem:s4+$0x12000]  }
0x66: {  	v4 =	vld [tilespmem:s4+$0x12010]  }
0x67: {  	v5 =	vld [tilespmem:s4+$0x12020]  }
0x68: {  	v6 =	vld [tilespmem:s4+$0x12030]  }
0x69: {  	v7 =	vld [tilespmem:s4+$0x12040]  }
0x6a: {  	v8 =	vld [tilespmem:s4+$0x12050]  }
0x6b: {  	v9 =	vld [tilespmem:s4+$0x12060]  }
0x6c: {  	[tilespmem:s4+$0x5070] =	vst.add.f32.msk $0xffff, v2  }
0x6d: {  	[tilespmem:s4+$0x2000] =	vst.add.f32.msk $0xffff, v3  }
0x6e: {  	[tilespmem:s4+$0x3000] =	vst.add.f32.msk $0xffff, v3  }
0x6f: {  	[tilespmem:s4+$0x4000] =	vst.add.f32.msk $0xffff, v3  }
0x70: {  	[tilespmem:s4+$0x5000] =	vst.add.f32.msk $0xffff, v3  }
0x71: {  	[tilespmem:s4+$0x2010] =	vst.add.f32.msk $0xffff, v4  }
0x72: {  	[tilespmem:s4+$0x3010] =	vst.add.f32.msk $0xffff, v4  }
0x73: {  	[tilespmem:s4+$0x4010] =	vst.add.f32.msk $0xffff, v4  }
0x74: {  	[tilespmem:s4+$0x5010] =	vst.add.f32.msk $0xffff, v4  }
0x75: {  	[tilespmem:s4+$0x2020] =	vst.add.f32.msk $0xffff, v5  }
0x76: {  	[tilespmem:s4+$0x3020] =	vst.add.f32.msk $0xffff, v5  }
0x77: {  	[tilespmem:s4+$0x4020] =	vst.add.f32.msk $0xffff, v5  }
0x78: {  	[tilespmem:s4+$0x5020] =	vst.add.f32.msk $0xffff, v5  }
0x79: {  	[tilespmem:s4+$0x2030] =	vst.add.f32.msk $0xffff, v6  }
0x7a: {  	[tilespmem:s4+$0x3030] =	vst.add.f32.msk $0xffff, v6  }
0x7b: {  	[tilespmem:s4+$0x4030] =	vst.add.f32.msk $0xffff, v6  }
0x7c: {  	[tilespmem:s4+$0x5030] =	vst.add.f32.msk $0xffff, v6  }
0x7d: {  	[tilespmem:s4+$0x2040] =	vst.add.f32.msk $0xffff, v7  }
0x7e: {  	[tilespmem:s4+$0x3040] =	vst.add.f32.msk $0xffff, v7  }
0x7f: {  	[tilespmem:s4+$0x4040] =	vst.add.f32.msk $0xffff, v7  }
0x80: {  	[tilespmem:s4+$0x5040] =	vst.add.f32.msk $0xffff, v7  }
0x81: {  	[tilespmem:s4+$0x2050] =	vst.add.f32.msk $0xffff, v8  }
0x82: {  	[tilespmem:s4+$0x3050] =	vst.add.f32.msk $0xffff, v8  }
0x83: {  	[tilespmem:s4+$0x4050] =	vst.add.f32.msk $0xffff, v8  }
0x84: {  	[tilespmem:s4+$0x5050] =	vst.add.f32.msk $0xffff, v8  }
0x85: {  	[tilespmem:s4+$0x2060] =	vst.add.f32.msk $0xffff, v9  }
0x86: {  	[tilespmem:s4+$0x3060] =	vst.add.f32.msk $0xffff, v9  }
0x87: {  	[tilespmem:s4+$0x4060] =	vst.add.f32.msk $0xffff, v9  }
0x88: {  	[tilespmem:s4+$0x5060] =	vst.add.f32.msk $0xffff, v9  }
0x89: {  	[tilespmem:s4+$0x2070] =	vst.add.f32.msk $0xffff, v2  }
0x8a: {  	s10 =	simm.s32 $0x0;
	s11 =	simm.s32 $0x400;
	[tilespmem:s4+$0x3070] =	vst.add.f32.msk $0xffff, v2  }
.LBB2_2:
0x8b: {  	s10 =	sadd.s32 $0x8, s10;
	[tilespmem:s4+$0x4070] =	vst.add.f32.msk $0xffff, v2;
	s4 =	sshra.s32 s11, $0x2  }
0x8c: {  	v2 =	vld [tilespmem:s4+$0x12070];
	p0 =	slt.u32 s10, $0x78  }
0x8d: {  	v3 =	vld [tilespmem:s4+$0x12000]  }
0x8e: {  	v4 =	vld [tilespmem:s4+$0x12010]  }
0x8f: {  	v5 =	vld [tilespmem:s4+$0x12020]  }
0x90: {  	v6 =	vld [tilespmem:s4+$0x12030]  }
0x91: {  	[tilespmem:s4+$0x5070] =	vst.add.f32.msk $0xffff, v2  }
0x92: {  	v7 =	vld [tilespmem:s4+$0x12040]  }
0x93: {  	v8 =	vld [tilespmem:s4+$0x12050]  }
0x94: {  	v9 =	vld [tilespmem:s4+$0x12060]  }
0x95: {  	[tilespmem:s4+$0x2000] =	vst.add.f32.msk $0xffff, v3  }
0x96: {  	[tilespmem:s4+$0x3000] =	vst.add.f32.msk $0xffff, v3  }
0x97: {  	[tilespmem:s4+$0x4000] =	vst.add.f32.msk $0xffff, v3  }
0x98: {  	[tilespmem:s4+$0x5000] =	vst.add.f32.msk $0xffff, v3  }
0x99: {  	[tilespmem:s4+$0x2010] =	vst.add.f32.msk $0xffff, v4  }
0x9a: {  	[tilespmem:s4+$0x3010] =	vst.add.f32.msk $0xffff, v4  }
0x9b: {  	[tilespmem:s4+$0x4010] =	vst.add.f32.msk $0xffff, v4  }
0x9c: {  	[tilespmem:s4+$0x5010] =	vst.add.f32.msk $0xffff, v4  }
0x9d: {  	[tilespmem:s4+$0x2020] =	vst.add.f32.msk $0xffff, v5  }
0x9e: {  	[tilespmem:s4+$0x3020] =	vst.add.f32.msk $0xffff, v5  }
0x9f: {  	[tilespmem:s4+$0x4020] =	vst.add.f32.msk $0xffff, v5  }
0xa0: {  	[tilespmem:s4+$0x5020] =	vst.add.f32.msk $0xffff, v5  }
0xa1: {  	[tilespmem:s4+$0x2030] =	vst.add.f32.msk $0xffff, v6  }
0xa2: {  	[tilespmem:s4+$0x3030] =	vst.add.f32.msk $0xffff, v6  }
0xa3: {  	[tilespmem:s4+$0x4030] =	vst.add.f32.msk $0xffff, v6  }
0xa4: {  	[tilespmem:s4+$0x5030] =	vst.add.f32.msk $0xffff, v6  }
0xa5: {  	[tilespmem:s4+$0x2040] =	vst.add.f32.msk $0xffff, v7  }
0xa6: {  	[tilespmem:s4+$0x3040] =	vst.add.f32.msk $0xffff, v7  }
0xa7: {  	[tilespmem:s4+$0x4040] =	vst.add.f32.msk $0xffff, v7  }
0xa8: {  	[tilespmem:s4+$0x5040] =	vst.add.f32.msk $0xffff, v7  }
0xa9: {  	[tilespmem:s4+$0x2050] =	vst.add.f32.msk $0xffff, v8  }
0xaa: {  	[tilespmem:s4+$0x3050] =	vst.add.f32.msk $0xffff, v8  }
0xab: {  	[tilespmem:s4+$0x4050] =	vst.add.f32.msk $0xffff, v8  }
0xac: {  	[tilespmem:s4+$0x5050] =	vst.add.f32.msk $0xffff, v8  }
0xad: {  	[tilespmem:s4+$0x2060] =	vst.add.f32.msk $0xffff, v9  }
.Ltmp2:
0xae: {  	[tilespmem:s4+$0x3060] =	vst.add.f32.msk $0xffff, v9;
	(pc) =	sbr.rel @p0 .LBB2_2-.Ltmp2, $4  }
0xaf: {  	[tilespmem:s4+$0x4060] =	vst.add.f32.msk $0xffff, v9  }
0xb0: {  	[tilespmem:s4+$0x5060] =	vst.add.f32.msk $0xffff, v9  }
0xb1: {  	[tilespmem:s4+$0x2070] =	vst.add.f32.msk $0xffff, v2  }
0xb2: {  	s11 =	sadd.s32 $0x400, s11;
	[tilespmem:s4+$0x3070] =	vst.add.f32.msk $0xffff, v2  }
0xb3: {  	[tilespmem:s4+$0x4070] =	vst.add.f32.msk $0xffff, v2;
	s4 =	simm.s32 $0x0  }
0xb4: {  	v2 =	vld [tilespmem:s4+$0x120F0]  }
0xb5: {  	v3 =	vld [tilespmem:s4+$0x12080]  }
0xb6: {  	v4 =	vld [tilespmem:s4+$0x12090]  }
0xb7: {  	v5 =	vld [tilespmem:s4+$0x120A0]  }
0xb8: {  	v6 =	vld [tilespmem:s4+$0x120B0]  }
0xb9: {  	v7 =	vld [tilespmem:s4+$0x120C0]  }
0xba: {  	v8 =	vld [tilespmem:s4+$0x120D0]  }
0xbb: {  	v9 =	vld [tilespmem:s4+$0x120E0]  }
0xbc: {  	[tilespmem:s4+$0x50F0] =	vst.add.f32.msk $0xffff, v2  }
0xbd: {  	[tilespmem:s4+$0x2080] =	vst.add.f32.msk $0xffff, v3  }
0xbe: {  	[tilespmem:s4+$0x3080] =	vst.add.f32.msk $0xffff, v3  }
0xbf: {  	[tilespmem:s4+$0x4080] =	vst.add.f32.msk $0xffff, v3  }
0xc0: {  	[tilespmem:s4+$0x5080] =	vst.add.f32.msk $0xffff, v3  }
0xc1: {  	[tilespmem:s4+$0x2090] =	vst.add.f32.msk $0xffff, v4  }
0xc2: {  	[tilespmem:s4+$0x3090] =	vst.add.f32.msk $0xffff, v4  }
0xc3: {  	[tilespmem:s4+$0x4090] =	vst.add.f32.msk $0xffff, v4  }
0xc4: {  	[tilespmem:s4+$0x5090] =	vst.add.f32.msk $0xffff, v4  }
0xc5: {  	[tilespmem:s4+$0x20A0] =	vst.add.f32.msk $0xffff, v5  }
0xc6: {  	[tilespmem:s4+$0x30A0] =	vst.add.f32.msk $0xffff, v5  }
0xc7: {  	[tilespmem:s4+$0x40A0] =	vst.add.f32.msk $0xffff, v5  }
0xc8: {  	[tilespmem:s4+$0x50A0] =	vst.add.f32.msk $0xffff, v5  }
0xc9: {  	[tilespmem:s4+$0x20B0] =	vst.add.f32.msk $0xffff, v6  }
0xca: {  	[tilespmem:s4+$0x30B0] =	vst.add.f32.msk $0xffff, v6  }
0xcb: {  	[tilespmem:s4+$0x40B0] =	vst.add.f32.msk $0xffff, v6  }
0xcc: {  	[tilespmem:s4+$0x50B0] =	vst.add.f32.msk $0xffff, v6  }
0xcd: {  	[tilespmem:s4+$0x20C0] =	vst.add.f32.msk $0xffff, v7  }
0xce: {  	[tilespmem:s4+$0x30C0] =	vst.add.f32.msk $0xffff, v7  }
0xcf: {  	[tilespmem:s4+$0x40C0] =	vst.add.f32.msk $0xffff, v7  }
0xd0: {  	[tilespmem:s4+$0x50C0] =	vst.add.f32.msk $0xffff, v7  }
0xd1: {  	[tilespmem:s4+$0x20D0] =	vst.add.f32.msk $0xffff, v8  }
0xd2: {  	[tilespmem:s4+$0x30D0] =	vst.add.f32.msk $0xffff, v8  }
0xd3: {  	[tilespmem:s4+$0x40D0] =	vst.add.f32.msk $0xffff, v8  }
0xd4: {  	[tilespmem:s4+$0x50D0] =	vst.add.f32.msk $0xffff, v8  }
0xd5: {  	[tilespmem:s4+$0x20E0] =	vst.add.f32.msk $0xffff, v9  }
0xd6: {  	[tilespmem:s4+$0x30E0] =	vst.add.f32.msk $0xffff, v9  }
0xd7: {  	[tilespmem:s4+$0x40E0] =	vst.add.f32.msk $0xffff, v9  }
0xd8: {  	[tilespmem:s4+$0x50E0] =	vst.add.f32.msk $0xffff, v9  }
0xd9: {  	[tilespmem:s4+$0x20F0] =	vst.add.f32.msk $0xffff, v2  }
0xda: {  	s10 =	simm.s32 $0x0;
	s11 =	simm.s32 $0x400;
	[tilespmem:s4+$0x30F0] =	vst.add.f32.msk $0xffff, v2  }
.LBB2_4:
0xdb: {  	s10 =	sadd.s32 $0x8, s10;
	[tilespmem:s4+$0x40F0] =	vst.add.f32.msk $0xffff, v2;
	s4 =	sshra.s32 s11, $0x2  }
0xdc: {  	v2 =	vld [tilespmem:s4+$0x120F0];
	p0 =	slt.u32 s10, $0x78  }
0xdd: {  	v3 =	vld [tilespmem:s4+$0x12080]  }
0xde: {  	v4 =	vld [tilespmem:s4+$0x12090]  }
0xdf: {  	v5 =	vld [tilespmem:s4+$0x120A0]  }
0xe0: {  	v6 =	vld [tilespmem:s4+$0x120B0]  }
0xe1: {  	[tilespmem:s4+$0x50F0] =	vst.add.f32.msk $0xffff, v2  }
0xe2: {  	v7 =	vld [tilespmem:s4+$0x120C0]  }
0xe3: {  	v8 =	vld [tilespmem:s4+$0x120D0]  }
0xe4: {  	v9 =	vld [tilespmem:s4+$0x120E0]  }
0xe5: {  	[tilespmem:s4+$0x2080] =	vst.add.f32.msk $0xffff, v3  }
0xe6: {  	[tilespmem:s4+$0x3080] =	vst.add.f32.msk $0xffff, v3  }
0xe7: {  	[tilespmem:s4+$0x4080] =	vst.add.f32.msk $0xffff, v3  }
0xe8: {  	[tilespmem:s4+$0x5080] =	vst.add.f32.msk $0xffff, v3  }
0xe9: {  	[tilespmem:s4+$0x2090] =	vst.add.f32.msk $0xffff, v4  }
0xea: {  	[tilespmem:s4+$0x3090] =	vst.add.f32.msk $0xffff, v4  }
0xeb: {  	[tilespmem:s4+$0x4090] =	vst.add.f32.msk $0xffff, v4  }
0xec: {  	[tilespmem:s4+$0x5090] =	vst.add.f32.msk $0xffff, v4  }
0xed: {  	[tilespmem:s4+$0x20A0] =	vst.add.f32.msk $0xffff, v5  }
0xee: {  	[tilespmem:s4+$0x30A0] =	vst.add.f32.msk $0xffff, v5  }
0xef: {  	[tilespmem:s4+$0x40A0] =	vst.add.f32.msk $0xffff, v5  }
0xf0: {  	[tilespmem:s4+$0x50A0] =	vst.add.f32.msk $0xffff, v5  }
0xf1: {  	[tilespmem:s4+$0x20B0] =	vst.add.f32.msk $0xffff, v6  }
0xf2: {  	[tilespmem:s4+$0x30B0] =	vst.add.f32.msk $0xffff, v6  }
0xf3: {  	[tilespmem:s4+$0x40B0] =	vst.add.f32.msk $0xffff, v6  }
0xf4: {  	[tilespmem:s4+$0x50B0] =	vst.add.f32.msk $0xffff, v6  }
0xf5: {  	[tilespmem:s4+$0x20C0] =	vst.add.f32.msk $0xffff, v7  }
0xf6: {  	[tilespmem:s4+$0x30C0] =	vst.add.f32.msk $0xffff, v7  }
0xf7: {  	[tilespmem:s4+$0x40C0] =	vst.add.f32.msk $0xffff, v7  }
0xf8: {  	[tilespmem:s4+$0x50C0] =	vst.add.f32.msk $0xffff, v7  }
0xf9: {  	[tilespmem:s4+$0x20D0] =	vst.add.f32.msk $0xffff, v8  }
0xfa: {  	[tilespmem:s4+$0x30D0] =	vst.add.f32.msk $0xffff, v8  }
0xfb: {  	[tilespmem:s4+$0x40D0] =	vst.add.f32.msk $0xffff, v8  }
0xfc: {  	[tilespmem:s4+$0x50D0] =	vst.add.f32.msk $0xffff, v8  }
0xfd: {  	[tilespmem:s4+$0x20E0] =	vst.add.f32.msk $0xffff, v9  }
.Ltmp3:
0xfe: {  	[tilespmem:s4+$0x30E0] =	vst.add.f32.msk $0xffff, v9;
	(pc) =	sbr.rel @p0 .LBB2_4-.Ltmp3, $4  }
0xff: {  	[tilespmem:s4+$0x40E0] =	vst.add.f32.msk $0xffff, v9  }
0x100: {  	[tilespmem:s4+$0x50E0] =	vst.add.f32.msk $0xffff, v9  }
0x101: {  	[tilespmem:s4+$0x20F0] =	vst.add.f32.msk $0xffff, v2  }
0x102: {  	s11 =	sadd.s32 $0x400, s11;
	[tilespmem:s4+$0x30F0] =	vst.add.f32.msk $0xffff, v2  }
0x103: {  	[tilespmem:s4+$0x40F0] =	vst.add.f32.msk $0xffff, v2  }
0x104: {  	s11 =	simm.s32 $0x2000;
	s1 =	rddreg [dreg:$0x8]  }
0x105: {  	[hbm4b:s1+s26] =	stream.strided.scatter [tilespmem:s11], [sflag:$0x9], $0x1000, s28, s26, $0x38;
	[tilespmem:$0x16000] =	vst v63  }
0x106: {  	s10 =	simm.s32 $0x3000;
	s21 =	sadd.s32 $0x100000, s1  }
0x107: {  	[hbm4b:s21+s26] =	stream.strided.scatter [tilespmem:s10], [sflag:$0x9], $0x1000, s28, s26, $0x38;
	[tilespmem:$0x16000] =	vst v63  }
0x108: {  	s11 =	sadd.s32 $0x200000, s1;
	s21 =	simm.s32 $0x4000  }
0x109: {  	[hbm4b:s11+s26] =	stream.strided.scatter [tilespmem:s21], [sflag:$0x9], $0x1000, s28, s26, $0x38;
	[tilespmem:$0x16000] =	vst v63  }
0x10a: {  	s11 =	sadd.s32 $0x300000, s1;
	s21 =	simm.s32 $0x5000  }
0x10b: {  	[hbm4b:s11+s26] =	stream.strided.scatter [tilespmem:s21], [sflag:$0x9], $0x1000, s28, s26, $0x38;
	[tilespmem:$0x16000] =	vst v63  }
0x10c: {  	s10 =	simm.s32 $0xE000;
	s1 =	rddreg [dreg:$0x9]  }
0x10d: {  	[tilespmem:s10], [sflag:$0x4] =	stream.strided.gather [hbm4b:s1+s26], $0x1000, s28, s26, $0x38;
	[tilespmem:$0x16000] =	vst v63  }
0x10e: {  	s11 =	sadd.s32 $0x100000, s1;
	s21 =	simm.s32 $0xF000  }
0x10f: {  	[tilespmem:s21], [sflag:$0x4] =	stream.strided.gather [hbm4b:s11+s26], $0x1000, s28, s26, $0x38;
	[tilespmem:$0x16000] =	vst v63  }
0x110: {  	s11 =	sadd.s32 $0x200000, s1;
	s21 =	simm.s32 $0x10000  }
0x111: {  	[tilespmem:s21], [sflag:$0x4] =	stream.strided.gather [hbm4b:s11+s26], $0x1000, s28, s26, $0x38;
	[tilespmem:$0x16000] =	vst v63  }
0x112: {  	s1 =	sadd.s32 $0x300000, s1  }
0x113: {  	[tilespmem:s14], [sflag:$0x4] =	stream.strided.gather [hbm4b:s1+s26], $0x1000, s28, s26, $0x38;
	[tilespmem:$0x16000] =	vst v63  }
0x114: {  	v2 =	vld.msk [tilespmem:$0x180], $0x3;
	_ =	sdelay $0x4  }
0x115: {  	v3 =	vshll.u32 v2, $0x4  }
0x116: {  	v2 =	vand.u32 $0x7, v2;
	v3 =	vand.u32 $0xFFFFFF80, v3  }
0x117: {  	v2 =	vor.u32 v2, v3  }
0x118: {  	v2 =	vperm.xlane v2, v0;
	_ =	sdelay $0x1  }
0x119: {  	v2 =	vadd.s32 v1, v2;
	_ =	sdelay $0x3  }
0x11a: {  	s10 =	simm.s32 $0x0;
	s11 =	simm.s32 $0x15000  }
0x11b: {  	[tilespmem:s11], [sflag:$0x8] =	stream.indirect_vreg.gather [hbm4b:s3+s10], $0x80, v2, vm0, $0xb8;
	[tilespmem:$0x16000] =	vst v63  }
0x11c: {  	s21 =	simm.s32 $0x15800  }
0x11d: {  	[tilespmem:s21], [sflag:$0x8] =	stream.indirect_vreg.gather [hbm4b:s9+s10], $0x80, v2, vm0, $0xb8;
	[tilespmem:$0x16000] =	vst v63  }
0x11e: {  	_ =	swait.ge [sflag:s15], $0x4000  }
0x11f: {  	[sflag:s15] =	ssyncset.done $0x0  }
0x120: {  	[sflag:s15] =	ssyncadd.s32 $0xFFFFC000  }
0x121: {  	_ =	swait.ge [sflag:s29], $0x1000  }
0x122: {  	[sflag:s29] =	ssyncset.done $0x0  }
0x123: {  	s4 =	simm.s32 $0x0;
	[sflag:s29] =	ssyncadd.s32 $0xFFFFF000  }
0x124: {  	v2 =	vld [tilespmem:s4+$0x13070]  }
0x125: {  	v3 =	vld [tilespmem:s4+$0x13000]  }
0x126: {  	v4 =	vld [tilespmem:s4+$0x13010]  }
0x127: {  	v5 =	vld [tilespmem:s4+$0x13020]  }
0x128: {  	v6 =	vld [tilespmem:s4+$0x13030]  }
0x129: {  	v7 =	vld [tilespmem:s4+$0x13040]  }
0x12a: {  	v8 =	vld [tilespmem:s4+$0x13050]  }
0x12b: {  	v9 =	vld [tilespmem:s4+$0x13060]  }
0x12c: {  	[tilespmem:s4+$0x9070] =	vst.add.f32.msk $0xffff, v2  }
0x12d: {  	[tilespmem:s4+$0x6000] =	vst.add.f32.msk $0xffff, v3  }
0x12e: {  	[tilespmem:s4+$0x7000] =	vst.add.f32.msk $0xffff, v3  }
0x12f: {  	[tilespmem:s4+$0x8000] =	vst.add.f32.msk $0xffff, v3  }
0x130: {  	[tilespmem:s4+$0x9000] =	vst.add.f32.msk $0xffff, v3  }
0x131: {  	[tilespmem:s4+$0x6010] =	vst.add.f32.msk $0xffff, v4  }
0x132: {  	[tilespmem:s4+$0x7010] =	vst.add.f32.msk $0xffff, v4  }
0x133: {  	[tilespmem:s4+$0x8010] =	vst.add.f32.msk $0xffff, v4  }
0x134: {  	[tilespmem:s4+$0x9010] =	vst.add.f32.msk $0xffff, v4  }
0x135: {  	[tilespmem:s4+$0x6020] =	vst.add.f32.msk $0xffff, v5  }
0x136: {  	[tilespmem:s4+$0x7020] =	vst.add.f32.msk $0xffff, v5  }
0x137: {  	[tilespmem:s4+$0x8020] =	vst.add.f32.msk $0xffff, v5  }
0x138: {  	[tilespmem:s4+$0x9020] =	vst.add.f32.msk $0xffff, v5  }
0x139: {  	[tilespmem:s4+$0x6030] =	vst.add.f32.msk $0xffff, v6  }
0x13a: {  	[tilespmem:s4+$0x7030] =	vst.add.f32.msk $0xffff, v6  }
0x13b: {  	[tilespmem:s4+$0x8030] =	vst.add.f32.msk $0xffff, v6  }
0x13c: {  	[tilespmem:s4+$0x9030] =	vst.add.f32.msk $0xffff, v6  }
0x13d: {  	[tilespmem:s4+$0x6040] =	vst.add.f32.msk $0xffff, v7  }
0x13e: {  	[tilespmem:s4+$0x7040] =	vst.add.f32.msk $0xffff, v7  }
0x13f: {  	[tilespmem:s4+$0x8040] =	vst.add.f32.msk $0xffff, v7  }
0x140: {  	[tilespmem:s4+$0x9040] =	vst.add.f32.msk $0xffff, v7  }
0x141: {  	[tilespmem:s4+$0x6050] =	vst.add.f32.msk $0xffff, v8  }
0x142: {  	[tilespmem:s4+$0x7050] =	vst.add.f32.msk $0xffff, v8  }
0x143: {  	[tilespmem:s4+$0x8050] =	vst.add.f32.msk $0xffff, v8  }
0x144: {  	[tilespmem:s4+$0x9050] =	vst.add.f32.msk $0xffff, v8  }
0x145: {  	[tilespmem:s4+$0x6060] =	vst.add.f32.msk $0xffff, v9  }
0x146: {  	[tilespmem:s4+$0x7060] =	vst.add.f32.msk $0xffff, v9  }
0x147: {  	[tilespmem:s4+$0x8060] =	vst.add.f32.msk $0xffff, v9  }
0x148: {  	[tilespmem:s4+$0x9060] =	vst.add.f32.msk $0xffff, v9  }
0x149: {  	[tilespmem:s4+$0x6070] =	vst.add.f32.msk $0xffff, v2  }
0x14a: {  	s11 =	simm.s32 $0x400;
	s10 =	simm.s32 $0x0;
	[tilespmem:s4+$0x7070] =	vst.add.f32.msk $0xffff, v2  }
.LBB2_6:
0x14b: {  	s10 =	sadd.s32 $0x8, s10;
	[tilespmem:s4+$0x8070] =	vst.add.f32.msk $0xffff, v2;
	s4 =	sshra.s32 s11, $0x2  }
0x14c: {  	v2 =	vld [tilespmem:s4+$0x13070];
	p0 =	slt.u32 s10, $0x78  }
0x14d: {  	v3 =	vld [tilespmem:s4+$0x13000]  }
0x14e: {  	v4 =	vld [tilespmem:s4+$0x13010]  }
0x14f: {  	v5 =	vld [tilespmem:s4+$0x13020]  }
0x150: {  	v6 =	vld [tilespmem:s4+$0x13030]  }
0x151: {  	[tilespmem:s4+$0x9070] =	vst.add.f32.msk $0xffff, v2  }
0x152: {  	v7 =	vld [tilespmem:s4+$0x13040]  }
0x153: {  	v8 =	vld [tilespmem:s4+$0x13050]  }
0x154: {  	v9 =	vld [tilespmem:s4+$0x13060]  }
0x155: {  	[tilespmem:s4+$0x6000] =	vst.add.f32.msk $0xffff, v3  }
0x156: {  	[tilespmem:s4+$0x7000] =	vst.add.f32.msk $0xffff, v3  }
0x157: {  	[tilespmem:s4+$0x8000] =	vst.add.f32.msk $0xffff, v3  }
0x158: {  	[tilespmem:s4+$0x9000] =	vst.add.f32.msk $0xffff, v3  }
0x159: {  	[tilespmem:s4+$0x6010] =	vst.add.f32.msk $0xffff, v4  }
0x15a: {  	[tilespmem:s4+$0x7010] =	vst.add.f32.msk $0xffff, v4  }
0x15b: {  	[tilespmem:s4+$0x8010] =	vst.add.f32.msk $0xffff, v4  }
0x15c: {  	[tilespmem:s4+$0x9010] =	vst.add.f32.msk $0xffff, v4  }
0x15d: {  	[tilespmem:s4+$0x6020] =	vst.add.f32.msk $0xffff, v5  }
0x15e: {  	[tilespmem:s4+$0x7020] =	vst.add.f32.msk $0xffff, v5  }
0x15f: {  	[tilespmem:s4+$0x8020] =	vst.add.f32.msk $0xffff, v5  }
0x160: {  	[tilespmem:s4+$0x9020] =	vst.add.f32.msk $0xffff, v5  }
0x161: {  	[tilespmem:s4+$0x6030] =	vst.add.f32.msk $0xffff, v6  }
0x162: {  	[tilespmem:s4+$0x7030] =	vst.add.f32.msk $0xffff, v6  }
0x163: {  	[tilespmem:s4+$0x8030] =	vst.add.f32.msk $0xffff, v6  }
0x164: {  	[tilespmem:s4+$0x9030] =	vst.add.f32.msk $0xffff, v6  }
0x165: {  	[tilespmem:s4+$0x6040] =	vst.add.f32.msk $0xffff, v7  }
0x166: {  	[tilespmem:s4+$0x7040] =	vst.add.f32.msk $0xffff, v7  }
0x167: {  	[tilespmem:s4+$0x8040] =	vst.add.f32.msk $0xffff, v7  }
0x168: {  	[tilespmem:s4+$0x9040] =	vst.add.f32.msk $0xffff, v7  }
0x169: {  	[tilespmem:s4+$0x6050] =	vst.add.f32.msk $0xffff, v8  }
0x16a: {  	[tilespmem:s4+$0x7050] =	vst.add.f32.msk $0xffff, v8  }
0x16b: {  	[tilespmem:s4+$0x8050] =	vst.add.f32.msk $0xffff, v8  }
0x16c: {  	[tilespmem:s4+$0x9050] =	vst.add.f32.msk $0xffff, v8  }
0x16d: {  	[tilespmem:s4+$0x6060] =	vst.add.f32.msk $0xffff, v9  }
.Ltmp4:
0x16e: {  	[tilespmem:s4+$0x7060] =	vst.add.f32.msk $0xffff, v9;
	(pc) =	sbr.rel @p0 .LBB2_6-.Ltmp4, $4  }
0x16f: {  	[tilespmem:s4+$0x8060] =	vst.add.f32.msk $0xffff, v9  }
0x170: {  	[tilespmem:s4+$0x9060] =	vst.add.f32.msk $0xffff, v9  }
0x171: {  	[tilespmem:s4+$0x6070] =	vst.add.f32.msk $0xffff, v2  }
0x172: {  	s11 =	sadd.s32 $0x400, s11;
	[tilespmem:s4+$0x7070] =	vst.add.f32.msk $0xffff, v2  }
0x173: {  	[tilespmem:s4+$0x8070] =	vst.add.f32.msk $0xffff, v2;
	s4 =	simm.s32 $0x0  }
0x174: {  	v2 =	vld [tilespmem:s4+$0x130F0]  }
0x175: {  	v3 =	vld [tilespmem:s4+$0x13080]  }
0x176: {  	v4 =	vld [tilespmem:s4+$0x13090]  }
0x177: {  	v5 =	vld [tilespmem:s4+$0x130A0]  }
0x178: {  	v6 =	vld [tilespmem:s4+$0x130B0]  }
0x179: {  	v7 =	vld [tilespmem:s4+$0x130C0]  }
0x17a: {  	v8 =	vld [tilespmem:s4+$0x130D0]  }
0x17b: {  	v9 =	vld [tilespmem:s4+$0x130E0]  }
0x17c: {  	[tilespmem:s4+$0x90F0] =	vst.add.f32.msk $0xffff, v2  }
0x17d: {  	[tilespmem:s4+$0x6080] =	vst.add.f32.msk $0xffff, v3  }
0x17e: {  	[tilespmem:s4+$0x7080] =	vst.add.f32.msk $0xffff, v3  }
0x17f: {  	[tilespmem:s4+$0x8080] =	vst.add.f32.msk $0xffff, v3  }
0x180: {  	[tilespmem:s4+$0x9080] =	vst.add.f32.msk $0xffff, v3  }
0x181: {  	[tilespmem:s4+$0x6090] =	vst.add.f32.msk $0xffff, v4  }
0x182: {  	[tilespmem:s4+$0x7090] =	vst.add.f32.msk $0xffff, v4  }
0x183: {  	[tilespmem:s4+$0x8090] =	vst.add.f32.msk $0xffff, v4  }
0x184: {  	[tilespmem:s4+$0x9090] =	vst.add.f32.msk $0xffff, v4  }
0x185: {  	[tilespmem:s4+$0x60A0] =	vst.add.f32.msk $0xffff, v5  }
0x186: {  	[tilespmem:s4+$0x70A0] =	vst.add.f32.msk $0xffff, v5  }
0x187: {  	[tilespmem:s4+$0x80A0] =	vst.add.f32.msk $0xffff, v5  }
0x188: {  	[tilespmem:s4+$0x90A0] =	vst.add.f32.msk $0xffff, v5  }
0x189: {  	[tilespmem:s4+$0x60B0] =	vst.add.f32.msk $0xffff, v6  }
0x18a: {  	[tilespmem:s4+$0x70B0] =	vst.add.f32.msk $0xffff, v6  }
0x18b: {  	[tilespmem:s4+$0x80B0] =	vst.add.f32.msk $0xffff, v6  }
0x18c: {  	[tilespmem:s4+$0x90B0] =	vst.add.f32.msk $0xffff, v6  }
0x18d: {  	[tilespmem:s4+$0x60C0] =	vst.add.f32.msk $0xffff, v7  }
0x18e: {  	[tilespmem:s4+$0x70C0] =	vst.add.f32.msk $0xffff, v7  }
0x18f: {  	[tilespmem:s4+$0x80C0] =	vst.add.f32.msk $0xffff, v7  }
0x190: {  	[tilespmem:s4+$0x90C0] =	vst.add.f32.msk $0xffff, v7  }
0x191: {  	[tilespmem:s4+$0x60D0] =	vst.add.f32.msk $0xffff, v8  }
0x192: {  	[tilespmem:s4+$0x70D0] =	vst.add.f32.msk $0xffff, v8  }
0x193: {  	[tilespmem:s4+$0x80D0] =	vst.add.f32.msk $0xffff, v8  }
0x194: {  	[tilespmem:s4+$0x90D0] =	vst.add.f32.msk $0xffff, v8  }
0x195: {  	[tilespmem:s4+$0x60E0] =	vst.add.f32.msk $0xffff, v9  }
0x196: {  	[tilespmem:s4+$0x70E0] =	vst.add.f32.msk $0xffff, v9  }
0x197: {  	[tilespmem:s4+$0x80E0] =	vst.add.f32.msk $0xffff, v9  }
0x198: {  	[tilespmem:s4+$0x90E0] =	vst.add.f32.msk $0xffff, v9  }
0x199: {  	[tilespmem:s4+$0x60F0] =	vst.add.f32.msk $0xffff, v2  }
0x19a: {  	s10 =	simm.s32 $0x0;
	s11 =	simm.s32 $0x400;
	[tilespmem:s4+$0x70F0] =	vst.add.f32.msk $0xffff, v2  }
.LBB2_8:
0x19b: {  	s10 =	sadd.s32 $0x8, s10;
	[tilespmem:s4+$0x80F0] =	vst.add.f32.msk $0xffff, v2;
	s4 =	sshra.s32 s11, $0x2  }
0x19c: {  	v2 =	vld [tilespmem:s4+$0x130F0];
	p0 =	slt.u32 s10, $0x78  }
0x19d: {  	v3 =	vld [tilespmem:s4+$0x13080]  }
0x19e: {  	v4 =	vld [tilespmem:s4+$0x13090]  }
0x19f: {  	v5 =	vld [tilespmem:s4+$0x130A0]  }
0x1a0: {  	v6 =	vld [tilespmem:s4+$0x130B0]  }
0x1a1: {  	[tilespmem:s4+$0x90F0] =	vst.add.f32.msk $0xffff, v2  }
0x1a2: {  	v7 =	vld [tilespmem:s4+$0x130C0]  }
0x1a3: {  	v8 =	vld [tilespmem:s4+$0x130D0]  }
0x1a4: {  	v9 =	vld [tilespmem:s4+$0x130E0]  }
0x1a5: {  	[tilespmem:s4+$0x6080] =	vst.add.f32.msk $0xffff, v3  }
0x1a6: {  	[tilespmem:s4+$0x7080] =	vst.add.f32.msk $0xffff, v3  }
0x1a7: {  	[tilespmem:s4+$0x8080] =	vst.add.f32.msk $0xffff, v3  }
0x1a8: {  	[tilespmem:s4+$0x9080] =	vst.add.f32.msk $0xffff, v3  }
0x1a9: {  	[tilespmem:s4+$0x6090] =	vst.add.f32.msk $0xffff, v4  }
0x1aa: {  	[tilespmem:s4+$0x7090] =	vst.add.f32.msk $0xffff, v4  }
0x1ab: {  	[tilespmem:s4+$0x8090] =	vst.add.f32.msk $0xffff, v4  }
0x1ac: {  	[tilespmem:s4+$0x9090] =	vst.add.f32.msk $0xffff, v4  }
0x1ad: {  	[tilespmem:s4+$0x60A0] =	vst.add.f32.msk $0xffff, v5  }
0x1ae: {  	[tilespmem:s4+$0x70A0] =	vst.add.f32.msk $0xffff, v5  }
0x1af: {  	[tilespmem:s4+$0x80A0] =	vst.add.f32.msk $0xffff, v5  }
0x1b0: {  	[tilespmem:s4+$0x90A0] =	vst.add.f32.msk $0xffff, v5  }
0x1b1: {  	[tilespmem:s4+$0x60B0] =	vst.add.f32.msk $0xffff, v6  }
0x1b2: {  	[tilespmem:s4+$0x70B0] =	vst.add.f32.msk $0xffff, v6  }
0x1b3: {  	[tilespmem:s4+$0x80B0] =	vst.add.f32.msk $0xffff, v6  }
0x1b4: {  	[tilespmem:s4+$0x90B0] =	vst.add.f32.msk $0xffff, v6  }
0x1b5: {  	[tilespmem:s4+$0x60C0] =	vst.add.f32.msk $0xffff, v7  }
0x1b6: {  	[tilespmem:s4+$0x70C0] =	vst.add.f32.msk $0xffff, v7  }
0x1b7: {  	[tilespmem:s4+$0x80C0] =	vst.add.f32.msk $0xffff, v7  }
0x1b8: {  	[tilespmem:s4+$0x90C0] =	vst.add.f32.msk $0xffff, v7  }
0x1b9: {  	[tilespmem:s4+$0x60D0] =	vst.add.f32.msk $0xffff, v8  }
0x1ba: {  	[tilespmem:s4+$0x70D0] =	vst.add.f32.msk $0xffff, v8  }
0x1bb: {  	[tilespmem:s4+$0x80D0] =	vst.add.f32.msk $0xffff, v8  }
0x1bc: {  	[tilespmem:s4+$0x90D0] =	vst.add.f32.msk $0xffff, v8  }
0x1bd: {  	[tilespmem:s4+$0x60E0] =	vst.add.f32.msk $0xffff, v9  }
.Ltmp5:
0x1be: {  	[tilespmem:s4+$0x70E0] =	vst.add.f32.msk $0xffff, v9;
	(pc) =	sbr.rel @p0 .LBB2_8-.Ltmp5, $4  }
0x1bf: {  	[tilespmem:s4+$0x80E0] =	vst.add.f32.msk $0xffff, v9  }
0x1c0: {  	[tilespmem:s4+$0x90E0] =	vst.add.f32.msk $0xffff, v9  }
0x1c1: {  	[tilespmem:s4+$0x60F0] =	vst.add.f32.msk $0xffff, v2  }
0x1c2: {  	s11 =	sadd.s32 $0x400, s11;
	[tilespmem:s4+$0x70F0] =	vst.add.f32.msk $0xffff, v2  }
0x1c3: {  	[tilespmem:s4+$0x80F0] =	vst.add.f32.msk $0xffff, v2  }
0x1c4: {  	s11 =	simm.s32 $0x6000;
	s1 =	rddreg [dreg:$0xa]  }
0x1c5: {  	[hbm4b:s1+s26] =	stream.strided.scatter [tilespmem:s11], [sflag:$0xA], $0x1000, s28, s26, $0x38;
	[tilespmem:$0x16000] =	vst v63  }
0x1c6: {  	s10 =	simm.s32 $0x7000;
	s21 =	sadd.s32 $0x100000, s1  }
0x1c7: {  	[hbm4b:s21+s26] =	stream.strided.scatter [tilespmem:s10], [sflag:$0xA], $0x1000, s28, s26, $0x38;
	[tilespmem:$0x16000] =	vst v63  }
0x1c8: {  	s11 =	sadd.s32 $0x200000, s1;
	s21 =	simm.s32 $0x8000  }
0x1c9: {  	[hbm4b:s11+s26] =	stream.strided.scatter [tilespmem:s21], [sflag:$0xA], $0x1000, s28, s26, $0x38;
	[tilespmem:$0x16000] =	vst v63  }
0x1ca: {  	s11 =	sadd.s32 $0x300000, s1;
	s21 =	simm.s32 $0x9000  }
0x1cb: {  	[hbm4b:s11+s26] =	stream.strided.scatter [tilespmem:s21], [sflag:$0xA], $0x1000, s28, s26, $0x38;
	[tilespmem:$0x16000] =	vst v63  }
0x1cc: {  	_ =	swait.ge [sflag:s30], $0x4000  }
0x1cd: {  	[sflag:s30] =	ssyncset.done $0x0  }
0x1ce: {  	s10 =	simm.s32 $0x2000;
	s1 =	rddreg [dreg:$0xb];
	[sflag:s30] =	ssyncadd.s32 $0xFFFFC000  }
0x1cf: {  	[tilespmem:s10], [sflag:$0x1] =	stream.strided.gather [hbm4b:s1+s26], $0x1000, s28, s26, $0x38;
	[tilespmem:$0x16000] =	vst v63  }
0x1d0: {  	s21 =	simm.s32 $0x3000;
	s11 =	sadd.s32 $0x100000, s1  }
0x1d1: {  	[tilespmem:s21], [sflag:$0x1] =	stream.strided.gather [hbm4b:s11+s26], $0x1000, s28, s26, $0x38;
	[tilespmem:$0x16000] =	vst v63  }
0x1d2: {  	s11 =	sadd.s32 $0x200000, s1;
	s21 =	simm.s32 $0x4000  }
0x1d3: {  	[tilespmem:s21], [sflag:$0x1] =	stream.strided.gather [hbm4b:s11+s26], $0x1000, s28, s26, $0x38;
	[tilespmem:$0x16000] =	vst v63  }
0x1d4: {  	s10 =	sadd.s32 $0x300000, s1;
	s11 =	simm.s32 $0x5000  }
0x1d5: {  	[tilespmem:s11], [sflag:$0x1] =	stream.strided.gather [hbm4b:s10+s26], $0x1000, s28, s26, $0x38;
	[tilespmem:$0x16000] =	vst v63  }
0x1d6: {  	v2 =	vld.msk [tilespmem:$0x200], $0x3;
	_ =	sdelay $0x4  }
0x1d7: {  	v3 =	vshll.u32 v2, $0x4  }
0x1d8: {  	v2 =	vand.u32 $0x7, v2;
	v3 =	vand.u32 $0xFFFFFF80, v3  }
0x1d9: {  	v2 =	vor.u32 v2, v3  }
0x1da: {  	v2 =	vperm.xlane v2, v0;
	_ =	sdelay $0x1  }
0x1db: {  	v2 =	vadd.s32 v1, v2;
	_ =	sdelay $0x3  }
0x1dc: {  	s21 =	simm.s32 $0x0  }
0x1dd: {  	[tilespmem:s12], [sflag:$0x5] =	stream.indirect_vreg.gather [hbm4b:s3+s21], $0x80, v2, vm0, $0xb8;
	[tilespmem:$0x16000] =	vst v63  }
0x1de: {  	_ = 	snop  }
0x1df: {  	[tilespmem:s18], [sflag:$0x5] =	stream.indirect_vreg.gather [hbm4b:s9+s21], $0x80, v2, vm0, $0xb8;
	[tilespmem:$0x16000] =	vst v63  }
0x1e0: {  	_ =	swait.ge [sflag:s31], $0x4000  }
0x1e1: {  	[sflag:s31] =	ssyncset.done $0x0  }
0x1e2: {  	[sflag:s31] =	ssyncadd.s32 $0xFFFFC000  }
0x1e3: {  	_ =	swait.ge [sflag:s2], $0x1000  }
0x1e4: {  	[sflag:s2] =	ssyncset.done $0x0  }
0x1e5: {  	s4 =	simm.s32 $0x0;
	[sflag:s2] =	ssyncadd.s32 $0xFFFFF000  }
0x1e6: {  	v2 =	vld [tilespmem:s4+$0x14070]  }
0x1e7: {  	v3 =	vld [tilespmem:s4+$0x14000]  }
0x1e8: {  	v4 =	vld [tilespmem:s4+$0x14010]  }
0x1e9: {  	v5 =	vld [tilespmem:s4+$0x14020]  }
0x1ea: {  	v6 =	vld [tilespmem:s4+$0x14030]  }
0x1eb: {  	v7 =	vld [tilespmem:s4+$0x14040]  }
0x1ec: {  	v8 =	vld [tilespmem:s4+$0x14050]  }
0x1ed: {  	v9 =	vld [tilespmem:s4+$0x14060]  }
0x1ee: {  	[tilespmem:s4+$0xD070] =	vst.add.f32.msk $0xffff, v2  }
0x1ef: {  	[tilespmem:s4+$0xA000] =	vst.add.f32.msk $0xffff, v3  }
0x1f0: {  	[tilespmem:s4+$0xB000] =	vst.add.f32.msk $0xffff, v3  }
0x1f1: {  	[tilespmem:s4+$0xC000] =	vst.add.f32.msk $0xffff, v3  }
0x1f2: {  	[tilespmem:s4+$0xD000] =	vst.add.f32.msk $0xffff, v3  }
0x1f3: {  	[tilespmem:s4+$0xA010] =	vst.add.f32.msk $0xffff, v4  }
0x1f4: {  	[tilespmem:s4+$0xB010] =	vst.add.f32.msk $0xffff, v4  }
0x1f5: {  	[tilespmem:s4+$0xC010] =	vst.add.f32.msk $0xffff, v4  }
0x1f6: {  	[tilespmem:s4+$0xD010] =	vst.add.f32.msk $0xffff, v4  }
0x1f7: {  	[tilespmem:s4+$0xA020] =	vst.add.f32.msk $0xffff, v5  }
0x1f8: {  	[tilespmem:s4+$0xB020] =	vst.add.f32.msk $0xffff, v5  }
0x1f9: {  	[tilespmem:s4+$0xC020] =	vst.add.f32.msk $0xffff, v5  }
0x1fa: {  	[tilespmem:s4+$0xD020] =	vst.add.f32.msk $0xffff, v5  }
0x1fb: {  	[tilespmem:s4+$0xA030] =	vst.add.f32.msk $0xffff, v6  }
0x1fc: {  	[tilespmem:s4+$0xB030] =	vst.add.f32.msk $0xffff, v6  }
0x1fd: {  	[tilespmem:s4+$0xC030] =	vst.add.f32.msk $0xffff, v6  }
0x1fe: {  	[tilespmem:s4+$0xD030] =	vst.add.f32.msk $0xffff, v6  }
0x1ff: {  	[tilespmem:s4+$0xA040] =	vst.add.f32.msk $0xffff, v7  }
0x200: {  	[tilespmem:s4+$0xB040] =	vst.add.f32.msk $0xffff, v7  }
0x201: {  	[tilespmem:s4+$0xC040] =	vst.add.f32.msk $0xffff, v7  }
0x202: {  	[tilespmem:s4+$0xD040] =	vst.add.f32.msk $0xffff, v7  }
0x203: {  	[tilespmem:s4+$0xA050] =	vst.add.f32.msk $0xffff, v8  }
0x204: {  	[tilespmem:s4+$0xB050] =	vst.add.f32.msk $0xffff, v8  }
0x205: {  	[tilespmem:s4+$0xC050] =	vst.add.f32.msk $0xffff, v8  }
0x206: {  	[tilespmem:s4+$0xD050] =	vst.add.f32.msk $0xffff, v8  }
0x207: {  	[tilespmem:s4+$0xA060] =	vst.add.f32.msk $0xffff, v9  }
0x208: {  	[tilespmem:s4+$0xB060] =	vst.add.f32.msk $0xffff, v9  }
0x209: {  	[tilespmem:s4+$0xC060] =	vst.add.f32.msk $0xffff, v9  }
0x20a: {  	[tilespmem:s4+$0xD060] =	vst.add.f32.msk $0xffff, v9  }
0x20b: {  	[tilespmem:s4+$0xA070] =	vst.add.f32.msk $0xffff, v2  }
0x20c: {  	s10 =	simm.s32 $0x0;
	s11 =	simm.s32 $0x400;
	[tilespmem:s4+$0xB070] =	vst.add.f32.msk $0xffff, v2  }
.LBB2_10:
0x20d: {  	s10 =	sadd.s32 $0x8, s10;
	[tilespmem:s4+$0xC070] =	vst.add.f32.msk $0xffff, v2;
	s4 =	sshra.s32 s11, $0x2  }
0x20e: {  	v2 =	vld [tilespmem:s4+$0x14070];
	p0 =	slt.u32 s10, $0x78  }
0x20f: {  	v3 =	vld [tilespmem:s4+$0x14000]  }
0x210: {  	v4 =	vld [tilespmem:s4+$0x14010]  }
0x211: {  	v5 =	vld [tilespmem:s4+$0x14020]  }
0x212: {  	v6 =	vld [tilespmem:s4+$0x14030]  }
0x213: {  	[tilespmem:s4+$0xD070] =	vst.add.f32.msk $0xffff, v2  }
0x214: {  	v7 =	vld [tilespmem:s4+$0x14040]  }
0x215: {  	v8 =	vld [tilespmem:s4+$0x14050]  }
0x216: {  	v9 =	vld [tilespmem:s4+$0x14060]  }
0x217: {  	[tilespmem:s4+$0xA000] =	vst.add.f32.msk $0xffff, v3  }
0x218: {  	[tilespmem:s4+$0xB000] =	vst.add.f32.msk $0xffff, v3  }
0x219: {  	[tilespmem:s4+$0xC000] =	vst.add.f32.msk $0xffff, v3  }
0x21a: {  	[tilespmem:s4+$0xD000] =	vst.add.f32.msk $0xffff, v3  }
0x21b: {  	[tilespmem:s4+$0xA010] =	vst.add.f32.msk $0xffff, v4  }
0x21c: {  	[tilespmem:s4+$0xB010] =	vst.add.f32.msk $0xffff, v4  }
0x21d: {  	[tilespmem:s4+$0xC010] =	vst.add.f32.msk $0xffff, v4  }
0x21e: {  	[tilespmem:s4+$0xD010] =	vst.add.f32.msk $0xffff, v4  }
0x21f: {  	[tilespmem:s4+$0xA020] =	vst.add.f32.msk $0xffff, v5  }
0x220: {  	[tilespmem:s4+$0xB020] =	vst.add.f32.msk $0xffff, v5  }
0x221: {  	[tilespmem:s4+$0xC020] =	vst.add.f32.msk $0xffff, v5  }
0x222: {  	[tilespmem:s4+$0xD020] =	vst.add.f32.msk $0xffff, v5  }
0x223: {  	[tilespmem:s4+$0xA030] =	vst.add.f32.msk $0xffff, v6  }
0x224: {  	[tilespmem:s4+$0xB030] =	vst.add.f32.msk $0xffff, v6  }
0x225: {  	[tilespmem:s4+$0xC030] =	vst.add.f32.msk $0xffff, v6  }
0x226: {  	[tilespmem:s4+$0xD030] =	vst.add.f32.msk $0xffff, v6  }
0x227: {  	[tilespmem:s4+$0xA040] =	vst.add.f32.msk $0xffff, v7  }
0x228: {  	[tilespmem:s4+$0xB040] =	vst.add.f32.msk $0xffff, v7  }
0x229: {  	[tilespmem:s4+$0xC040] =	vst.add.f32.msk $0xffff, v7  }
0x22a: {  	[tilespmem:s4+$0xD040] =	vst.add.f32.msk $0xffff, v7  }
0x22b: {  	[tilespmem:s4+$0xA050] =	vst.add.f32.msk $0xffff, v8  }
0x22c: {  	[tilespmem:s4+$0xB050] =	vst.add.f32.msk $0xffff, v8  }
0x22d: {  	[tilespmem:s4+$0xC050] =	vst.add.f32.msk $0xffff, v8  }
0x22e: {  	[tilespmem:s4+$0xD050] =	vst.add.f32.msk $0xffff, v8  }
0x22f: {  	[tilespmem:s4+$0xA060] =	vst.add.f32.msk $0xffff, v9  }
.Ltmp6:
0x230: {  	[tilespmem:s4+$0xB060] =	vst.add.f32.msk $0xffff, v9;
	(pc) =	sbr.rel @p0 .LBB2_10-.Ltmp6, $4  }
0x231: {  	[tilespmem:s4+$0xC060] =	vst.add.f32.msk $0xffff, v9  }
0x232: {  	[tilespmem:s4+$0xD060] =	vst.add.f32.msk $0xffff, v9  }
0x233: {  	[tilespmem:s4+$0xA070] =	vst.add.f32.msk $0xffff, v2  }
0x234: {  	s11 =	sadd.s32 $0x400, s11;
	[tilespmem:s4+$0xB070] =	vst.add.f32.msk $0xffff, v2  }
0x235: {  	[tilespmem:s4+$0xC070] =	vst.add.f32.msk $0xffff, v2;
	s4 =	simm.s32 $0x0  }
0x236: {  	v2 =	vld [tilespmem:s4+$0x140F0]  }
0x237: {  	v3 =	vld [tilespmem:s4+$0x14080]  }
0x238: {  	v4 =	vld [tilespmem:s4+$0x14090]  }
0x239: {  	v5 =	vld [tilespmem:s4+$0x140A0]  }
0x23a: {  	v6 =	vld [tilespmem:s4+$0x140B0]  }
0x23b: {  	v7 =	vld [tilespmem:s4+$0x140C0]  }
0x23c: {  	v8 =	vld [tilespmem:s4+$0x140D0]  }
0x23d: {  	v9 =	vld [tilespmem:s4+$0x140E0]  }
0x23e: {  	[tilespmem:s4+$0xD0F0] =	vst.add.f32.msk $0xffff, v2  }
0x23f: {  	[tilespmem:s4+$0xA080] =	vst.add.f32.msk $0xffff, v3  }
0x240: {  	[tilespmem:s4+$0xB080] =	vst.add.f32.msk $0xffff, v3  }
0x241: {  	[tilespmem:s4+$0xC080] =	vst.add.f32.msk $0xffff, v3  }
0x242: {  	[tilespmem:s4+$0xD080] =	vst.add.f32.msk $0xffff, v3  }
0x243: {  	[tilespmem:s4+$0xA090] =	vst.add.f32.msk $0xffff, v4  }
0x244: {  	[tilespmem:s4+$0xB090] =	vst.add.f32.msk $0xffff, v4  }
0x245: {  	[tilespmem:s4+$0xC090] =	vst.add.f32.msk $0xffff, v4  }
0x246: {  	[tilespmem:s4+$0xD090] =	vst.add.f32.msk $0xffff, v4  }
0x247: {  	[tilespmem:s4+$0xA0A0] =	vst.add.f32.msk $0xffff, v5  }
0x248: {  	[tilespmem:s4+$0xB0A0] =	vst.add.f32.msk $0xffff, v5  }
0x249: {  	[tilespmem:s4+$0xC0A0] =	vst.add.f32.msk $0xffff, v5  }
0x24a: {  	[tilespmem:s4+$0xD0A0] =	vst.add.f32.msk $0xffff, v5  }
0x24b: {  	[tilespmem:s4+$0xA0B0] =	vst.add.f32.msk $0xffff, v6  }
0x24c: {  	[tilespmem:s4+$0xB0B0] =	vst.add.f32.msk $0xffff, v6  }
0x24d: {  	[tilespmem:s4+$0xC0B0] =	vst.add.f32.msk $0xffff, v6  }
0x24e: {  	[tilespmem:s4+$0xD0B0] =	vst.add.f32.msk $0xffff, v6  }
0x24f: {  	[tilespmem:s4+$0xA0C0] =	vst.add.f32.msk $0xffff, v7  }
0x250: {  	[tilespmem:s4+$0xB0C0] =	vst.add.f32.msk $0xffff, v7  }
0x251: {  	[tilespmem:s4+$0xC0C0] =	vst.add.f32.msk $0xffff, v7  }
0x252: {  	[tilespmem:s4+$0xD0C0] =	vst.add.f32.msk $0xffff, v7  }
0x253: {  	[tilespmem:s4+$0xA0D0] =	vst.add.f32.msk $0xffff, v8  }
0x254: {  	[tilespmem:s4+$0xB0D0] =	vst.add.f32.msk $0xffff, v8  }
0x255: {  	[tilespmem:s4+$0xC0D0] =	vst.add.f32.msk $0xffff, v8  }
0x256: {  	[tilespmem:s4+$0xD0D0] =	vst.add.f32.msk $0xffff, v8  }
0x257: {  	[tilespmem:s4+$0xA0E0] =	vst.add.f32.msk $0xffff, v9  }
0x258: {  	[tilespmem:s4+$0xB0E0] =	vst.add.f32.msk $0xffff, v9  }
0x259: {  	[tilespmem:s4+$0xC0E0] =	vst.add.f32.msk $0xffff, v9  }
0x25a: {  	[tilespmem:s4+$0xD0E0] =	vst.add.f32.msk $0xffff, v9  }
0x25b: {  	[tilespmem:s4+$0xA0F0] =	vst.add.f32.msk $0xffff, v2  }
0x25c: {  	s10 =	simm.s32 $0x0;
	s11 =	simm.s32 $0x400;
	[tilespmem:s4+$0xB0F0] =	vst.add.f32.msk $0xffff, v2  }
.LBB2_12:
0x25d: {  	s10 =	sadd.s32 $0x8, s10;
	[tilespmem:s4+$0xC0F0] =	vst.add.f32.msk $0xffff, v2;
	s4 =	sshra.s32 s11, $0x2  }
0x25e: {  	v2 =	vld [tilespmem:s4+$0x140F0];
	p0 =	slt.u32 s10, $0x78  }
0x25f: {  	v3 =	vld [tilespmem:s4+$0x14080]  }
0x260: {  	v4 =	vld [tilespmem:s4+$0x14090]  }
0x261: {  	v5 =	vld [tilespmem:s4+$0x140A0]  }
0x262: {  	v6 =	vld [tilespmem:s4+$0x140B0]  }
0x263: {  	[tilespmem:s4+$0xD0F0] =	vst.add.f32.msk $0xffff, v2  }
0x264: {  	v7 =	vld [tilespmem:s4+$0x140C0]  }
0x265: {  	v8 =	vld [tilespmem:s4+$0x140D0]  }
0x266: {  	v9 =	vld [tilespmem:s4+$0x140E0]  }
0x267: {  	[tilespmem:s4+$0xA080] =	vst.add.f32.msk $0xffff, v3  }
0x268: {  	[tilespmem:s4+$0xB080] =	vst.add.f32.msk $0xffff, v3  }
0x269: {  	[tilespmem:s4+$0xC080] =	vst.add.f32.msk $0xffff, v3  }
0x26a: {  	[tilespmem:s4+$0xD080] =	vst.add.f32.msk $0xffff, v3  }
0x26b: {  	[tilespmem:s4+$0xA090] =	vst.add.f32.msk $0xffff, v4  }
0x26c: {  	[tilespmem:s4+$0xB090] =	vst.add.f32.msk $0xffff, v4  }
0x26d: {  	[tilespmem:s4+$0xC090] =	vst.add.f32.msk $0xffff, v4  }
0x26e: {  	[tilespmem:s4+$0xD090] =	vst.add.f32.msk $0xffff, v4  }
0x26f: {  	[tilespmem:s4+$0xA0A0] =	vst.add.f32.msk $0xffff, v5  }
0x270: {  	[tilespmem:s4+$0xB0A0] =	vst.add.f32.msk $0xffff, v5  }
0x271: {  	[tilespmem:s4+$0xC0A0] =	vst.add.f32.msk $0xffff, v5  }
0x272: {  	[tilespmem:s4+$0xD0A0] =	vst.add.f32.msk $0xffff, v5  }
0x273: {  	[tilespmem:s4+$0xA0B0] =	vst.add.f32.msk $0xffff, v6  }
0x274: {  	[tilespmem:s4+$0xB0B0] =	vst.add.f32.msk $0xffff, v6  }
0x275: {  	[tilespmem:s4+$0xC0B0] =	vst.add.f32.msk $0xffff, v6  }
0x276: {  	[tilespmem:s4+$0xD0B0] =	vst.add.f32.msk $0xffff, v6  }
0x277: {  	[tilespmem:s4+$0xA0C0] =	vst.add.f32.msk $0xffff, v7  }
0x278: {  	[tilespmem:s4+$0xB0C0] =	vst.add.f32.msk $0xffff, v7  }
0x279: {  	[tilespmem:s4+$0xC0C0] =	vst.add.f32.msk $0xffff, v7  }
0x27a: {  	[tilespmem:s4+$0xD0C0] =	vst.add.f32.msk $0xffff, v7  }
0x27b: {  	[tilespmem:s4+$0xA0D0] =	vst.add.f32.msk $0xffff, v8  }
0x27c: {  	[tilespmem:s4+$0xB0D0] =	vst.add.f32.msk $0xffff, v8  }
0x27d: {  	[tilespmem:s4+$0xC0D0] =	vst.add.f32.msk $0xffff, v8  }
0x27e: {  	[tilespmem:s4+$0xD0D0] =	vst.add.f32.msk $0xffff, v8  }
0x27f: {  	[tilespmem:s4+$0xA0E0] =	vst.add.f32.msk $0xffff, v9  }
.Ltmp7:
0x280: {  	[tilespmem:s4+$0xB0E0] =	vst.add.f32.msk $0xffff, v9;
	(pc) =	sbr.rel @p0 .LBB2_12-.Ltmp7, $4  }
0x281: {  	[tilespmem:s4+$0xC0E0] =	vst.add.f32.msk $0xffff, v9  }
0x282: {  	[tilespmem:s4+$0xD0E0] =	vst.add.f32.msk $0xffff, v9  }
0x283: {  	[tilespmem:s4+$0xA0F0] =	vst.add.f32.msk $0xffff, v2  }
0x284: {  	s11 =	sadd.s32 $0x400, s11;
	[tilespmem:s4+$0xB0F0] =	vst.add.f32.msk $0xffff, v2  }
0x285: {  	[tilespmem:s4+$0xC0F0] =	vst.add.f32.msk $0xffff, v2  }
0x286: {  	s1 =	rddreg [dreg:$0xc]  }
0x287: {  	[hbm4b:s1+s26] =	stream.strided.scatter [tilespmem:s22], [sflag:$0xB], $0x1000, s28, s26, $0x38;
	[tilespmem:$0x16000] =	vst v63  }
0x288: {  	s10 =	simm.s32 $0xB000;
	s12 =	sadd.s32 $0x100000, s1  }
0x289: {  	[hbm4b:s12+s26] =	stream.strided.scatter [tilespmem:s10], [sflag:$0xB], $0x1000, s28, s26, $0x38;
	[tilespmem:$0x16000] =	vst v63  }
0x28a: {  	s21 =	simm.s32 $0xC000;
	s18 =	sadd.s32 $0x200000, s1  }
0x28b: {  	[hbm4b:s18+s26] =	stream.strided.scatter [tilespmem:s21], [sflag:$0xB], $0x1000, s28, s26, $0x38;
	[tilespmem:$0x16000] =	vst v63  }
0x28c: {  	s11 =	simm.s32 $0xD000;
	s10 =	sadd.s32 $0x300000, s1  }
0x28d: {  	[hbm4b:s10+s26] =	stream.strided.scatter [tilespmem:s11], [sflag:$0xB], $0x1000, s28, s26, $0x38;
	[tilespmem:$0x16000] =	vst v63  }
0x28e: {  	_ =	swait.ge [sflag:s0], $0x4000  }
0x28f: {  	[sflag:s0] =	ssyncset.done $0x0  }
0x290: {  	s12 =	simm.s32 $0x6000;
	s1 =	rddreg [dreg:$0xd];
	[sflag:s0] =	ssyncadd.s32 $0xFFFFC000  }
0x291: {  	[tilespmem:s12], [sflag:$0x2] =	stream.strided.gather [hbm4b:s1+s26], $0x1000, s28, s26, $0x38;
	[tilespmem:$0x16000] =	vst v63  }
0x292: {  	s21 =	simm.s32 $0x7000;
	s18 =	sadd.s32 $0x100000, s1  }
0x293: {  	[tilespmem:s21], [sflag:$0x2] =	stream.strided.gather [hbm4b:s18+s26], $0x1000, s28, s26, $0x38;
	[tilespmem:$0x16000] =	vst v63  }
0x294: {  	s11 =	simm.s32 $0x8000;
	s10 =	sadd.s32 $0x200000, s1  }
0x295: {  	[tilespmem:s11], [sflag:$0x2] =	stream.strided.gather [hbm4b:s10+s26], $0x1000, s28, s26, $0x38;
	[tilespmem:$0x16000] =	vst v63  }
0x296: {  	s12 =	sadd.s32 $0x300000, s1;
	s18 =	simm.s32 $0x9000  }
0x297: {  	[tilespmem:s18], [sflag:$0x2] =	stream.strided.gather [hbm4b:s12+s26], $0x1000, s28, s26, $0x38;
	[tilespmem:$0x16000] =	vst v63  }
0x298: {  	v2 =	vld.msk [tilespmem:$0x280], $0x3;
	_ =	sdelay $0x4  }
0x299: {  	v3 =	vshll.u32 v2, $0x4  }
0x29a: {  	v2 =	vand.u32 $0x7, v2;
	v3 =	vand.u32 $0xFFFFFF80, v3  }
0x29b: {  	v2 =	vor.u32 v2, v3  }
0x29c: {  	v2 =	vperm.xlane v2, v0;
	_ =	sdelay $0x1  }
0x29d: {  	v2 =	vadd.s32 v1, v2;
	_ =	sdelay $0x3  }
0x29e: {  	s21 =	simm.s32 $0x0  }
0x29f: {  	[tilespmem:s19], [sflag:$0x6] =	stream.indirect_vreg.gather [hbm4b:s3+s21], $0x80, v2, vm0, $0xb8;
	[tilespmem:$0x16000] =	vst v63  }
0x2a0: {  	_ = 	snop  }
0x2a1: {  	[tilespmem:s20], [sflag:$0x6] =	stream.indirect_vreg.gather [hbm4b:s9+s21], $0x80, v2, vm0, $0xb8;
	[tilespmem:$0x16000] =	vst v63  }
0x2a2: {  	_ =	swait.ge [sflag:s7], $0x4000  }
0x2a3: {  	[sflag:s7] =	ssyncset.done $0x0  }
0x2a4: {  	[sflag:s7] =	ssyncadd.s32 $0xFFFFC000  }
0x2a5: {  	_ =	swait.ge [sflag:s24], $0x1000  }
0x2a6: {  	[sflag:s24] =	ssyncset.done $0x0  }
0x2a7: {  	s4 =	simm.s32 $0x0;
	[sflag:s24] =	ssyncadd.s32 $0xFFFFF000  }
0x2a8: {  	v2 =	vld [tilespmem:s4+$0x15070]  }
0x2a9: {  	v3 =	vld [tilespmem:s4+$0x15000]  }
0x2aa: {  	v4 =	vld [tilespmem:s4+$0x15010]  }
0x2ab: {  	v5 =	vld [tilespmem:s4+$0x15020]  }
0x2ac: {  	v6 =	vld [tilespmem:s4+$0x15030]  }
0x2ad: {  	v7 =	vld [tilespmem:s4+$0x15040]  }
0x2ae: {  	v8 =	vld [tilespmem:s4+$0x15050]  }
0x2af: {  	v9 =	vld [tilespmem:s4+$0x15060]  }
0x2b0: {  	[tilespmem:s4+$0x11070] =	vst.add.f32.msk $0xffff, v2  }
0x2b1: {  	[tilespmem:s4+$0xE000] =	vst.add.f32.msk $0xffff, v3  }
0x2b2: {  	[tilespmem:s4+$0xF000] =	vst.add.f32.msk $0xffff, v3  }
0x2b3: {  	[tilespmem:s4+$0x10000] =	vst.add.f32.msk $0xffff, v3  }
0x2b4: {  	[tilespmem:s4+$0x11000] =	vst.add.f32.msk $0xffff, v3  }
0x2b5: {  	[tilespmem:s4+$0xE010] =	vst.add.f32.msk $0xffff, v4  }
0x2b6: {  	[tilespmem:s4+$0xF010] =	vst.add.f32.msk $0xffff, v4  }
0x2b7: {  	[tilespmem:s4+$0x10010] =	vst.add.f32.msk $0xffff, v4  }
0x2b8: {  	[tilespmem:s4+$0x11010] =	vst.add.f32.msk $0xffff, v4  }
0x2b9: {  	[tilespmem:s4+$0xE020] =	vst.add.f32.msk $0xffff, v5  }
0x2ba: {  	[tilespmem:s4+$0xF020] =	vst.add.f32.msk $0xffff, v5  }
0x2bb: {  	[tilespmem:s4+$0x10020] =	vst.add.f32.msk $0xffff, v5  }
0x2bc: {  	[tilespmem:s4+$0x11020] =	vst.add.f32.msk $0xffff, v5  }
0x2bd: {  	[tilespmem:s4+$0xE030] =	vst.add.f32.msk $0xffff, v6  }
0x2be: {  	[tilespmem:s4+$0xF030] =	vst.add.f32.msk $0xffff, v6  }
0x2bf: {  	[tilespmem:s4+$0x10030] =	vst.add.f32.msk $0xffff, v6  }
0x2c0: {  	[tilespmem:s4+$0x11030] =	vst.add.f32.msk $0xffff, v6  }
0x2c1: {  	[tilespmem:s4+$0xE040] =	vst.add.f32.msk $0xffff, v7  }
0x2c2: {  	[tilespmem:s4+$0xF040] =	vst.add.f32.msk $0xffff, v7  }
0x2c3: {  	[tilespmem:s4+$0x10040] =	vst.add.f32.msk $0xffff, v7  }
0x2c4: {  	[tilespmem:s4+$0x11040] =	vst.add.f32.msk $0xffff, v7  }
0x2c5: {  	[tilespmem:s4+$0xE050] =	vst.add.f32.msk $0xffff, v8  }
0x2c6: {  	[tilespmem:s4+$0xF050] =	vst.add.f32.msk $0xffff, v8  }
0x2c7: {  	[tilespmem:s4+$0x10050] =	vst.add.f32.msk $0xffff, v8  }
0x2c8: {  	[tilespmem:s4+$0x11050] =	vst.add.f32.msk $0xffff, v8  }
0x2c9: {  	[tilespmem:s4+$0xE060] =	vst.add.f32.msk $0xffff, v9  }
0x2ca: {  	[tilespmem:s4+$0xF060] =	vst.add.f32.msk $0xffff, v9  }
0x2cb: {  	[tilespmem:s4+$0x10060] =	vst.add.f32.msk $0xffff, v9  }
0x2cc: {  	[tilespmem:s4+$0x11060] =	vst.add.f32.msk $0xffff, v9  }
0x2cd: {  	[tilespmem:s4+$0xE070] =	vst.add.f32.msk $0xffff, v2  }
0x2ce: {  	s10 =	simm.s32 $0x0;
	s11 =	simm.s32 $0x400;
	[tilespmem:s4+$0xF070] =	vst.add.f32.msk $0xffff, v2  }
.LBB2_14:
0x2cf: {  	s10 =	sadd.s32 $0x8, s10;
	[tilespmem:s4+$0x10070] =	vst.add.f32.msk $0xffff, v2;
	s4 =	sshra.s32 s11, $0x2  }
0x2d0: {  	v2 =	vld [tilespmem:s4+$0x15070];
	p0 =	slt.u32 s10, $0x78  }
0x2d1: {  	v3 =	vld [tilespmem:s4+$0x15000]  }
0x2d2: {  	v4 =	vld [tilespmem:s4+$0x15010]  }
0x2d3: {  	v5 =	vld [tilespmem:s4+$0x15020]  }
0x2d4: {  	v6 =	vld [tilespmem:s4+$0x15030]  }
0x2d5: {  	[tilespmem:s4+$0x11070] =	vst.add.f32.msk $0xffff, v2  }
0x2d6: {  	v7 =	vld [tilespmem:s4+$0x15040]  }
0x2d7: {  	v8 =	vld [tilespmem:s4+$0x15050]  }
0x2d8: {  	v9 =	vld [tilespmem:s4+$0x15060]  }
0x2d9: {  	[tilespmem:s4+$0xE000] =	vst.add.f32.msk $0xffff, v3  }
0x2da: {  	[tilespmem:s4+$0xF000] =	vst.add.f32.msk $0xffff, v3  }
0x2db: {  	[tilespmem:s4+$0x10000] =	vst.add.f32.msk $0xffff, v3  }
0x2dc: {  	[tilespmem:s4+$0x11000] =	vst.add.f32.msk $0xffff, v3  }
0x2dd: {  	[tilespmem:s4+$0xE010] =	vst.add.f32.msk $0xffff, v4  }
0x2de: {  	[tilespmem:s4+$0xF010] =	vst.add.f32.msk $0xffff, v4  }
0x2df: {  	[tilespmem:s4+$0x10010] =	vst.add.f32.msk $0xffff, v4  }
0x2e0: {  	[tilespmem:s4+$0x11010] =	vst.add.f32.msk $0xffff, v4  }
0x2e1: {  	[tilespmem:s4+$0xE020] =	vst.add.f32.msk $0xffff, v5  }
0x2e2: {  	[tilespmem:s4+$0xF020] =	vst.add.f32.msk $0xffff, v5  }
0x2e3: {  	[tilespmem:s4+$0x10020] =	vst.add.f32.msk $0xffff, v5  }
0x2e4: {  	[tilespmem:s4+$0x11020] =	vst.add.f32.msk $0xffff, v5  }
0x2e5: {  	[tilespmem:s4+$0xE030] =	vst.add.f32.msk $0xffff, v6  }
0x2e6: {  	[tilespmem:s4+$0xF030] =	vst.add.f32.msk $0xffff, v6  }
0x2e7: {  	[tilespmem:s4+$0x10030] =	vst.add.f32.msk $0xffff, v6  }
0x2e8: {  	[tilespmem:s4+$0x11030] =	vst.add.f32.msk $0xffff, v6  }
0x2e9: {  	[tilespmem:s4+$0xE040] =	vst.add.f32.msk $0xffff, v7  }
0x2ea: {  	[tilespmem:s4+$0xF040] =	vst.add.f32.msk $0xffff, v7  }
0x2eb: {  	[tilespmem:s4+$0x10040] =	vst.add.f32.msk $0xffff, v7  }
0x2ec: {  	[tilespmem:s4+$0x11040] =	vst.add.f32.msk $0xffff, v7  }
0x2ed: {  	[tilespmem:s4+$0xE050] =	vst.add.f32.msk $0xffff, v8  }
0x2ee: {  	[tilespmem:s4+$0xF050] =	vst.add.f32.msk $0xffff, v8  }
0x2ef: {  	[tilespmem:s4+$0x10050] =	vst.add.f32.msk $0xffff, v8  }
0x2f0: {  	[tilespmem:s4+$0x11050] =	vst.add.f32.msk $0xffff, v8  }
0x2f1: {  	[tilespmem:s4+$0xE060] =	vst.add.f32.msk $0xffff, v9  }
.Ltmp8:
0x2f2: {  	[tilespmem:s4+$0xF060] =	vst.add.f32.msk $0xffff, v9;
	(pc) =	sbr.rel @p0 .LBB2_14-.Ltmp8, $4  }
0x2f3: {  	[tilespmem:s4+$0x10060] =	vst.add.f32.msk $0xffff, v9  }
0x2f4: {  	[tilespmem:s4+$0x11060] =	vst.add.f32.msk $0xffff, v9  }
0x2f5: {  	[tilespmem:s4+$0xE070] =	vst.add.f32.msk $0xffff, v2  }
0x2f6: {  	s11 =	sadd.s32 $0x400, s11;
	[tilespmem:s4+$0xF070] =	vst.add.f32.msk $0xffff, v2  }
0x2f7: {  	[tilespmem:s4+$0x10070] =	vst.add.f32.msk $0xffff, v2;
	s4 =	simm.s32 $0x0  }
0x2f8: {  	v2 =	vld [tilespmem:s4+$0x150F0]  }
0x2f9: {  	v3 =	vld [tilespmem:s4+$0x15080]  }
0x2fa: {  	v4 =	vld [tilespmem:s4+$0x15090]  }
0x2fb: {  	v5 =	vld [tilespmem:s4+$0x150A0]  }
0x2fc: {  	v6 =	vld [tilespmem:s4+$0x150B0]  }
0x2fd: {  	v7 =	vld [tilespmem:s4+$0x150C0]  }
0x2fe: {  	v8 =	vld [tilespmem:s4+$0x150D0]  }
0x2ff: {  	v9 =	vld [tilespmem:s4+$0x150E0]  }
0x300: {  	[tilespmem:s4+$0x110F0] =	vst.add.f32.msk $0xffff, v2  }
0x301: {  	[tilespmem:s4+$0xE080] =	vst.add.f32.msk $0xffff, v3  }
0x302: {  	[tilespmem:s4+$0xF080] =	vst.add.f32.msk $0xffff, v3  }
0x303: {  	[tilespmem:s4+$0x10080] =	vst.add.f32.msk $0xffff, v3  }
0x304: {  	[tilespmem:s4+$0x11080] =	vst.add.f32.msk $0xffff, v3  }
0x305: {  	[tilespmem:s4+$0xE090] =	vst.add.f32.msk $0xffff, v4  }
0x306: {  	[tilespmem:s4+$0xF090] =	vst.add.f32.msk $0xffff, v4  }
0x307: {  	[tilespmem:s4+$0x10090] =	vst.add.f32.msk $0xffff, v4  }
0x308: {  	[tilespmem:s4+$0x11090] =	vst.add.f32.msk $0xffff, v4  }
0x309: {  	[tilespmem:s4+$0xE0A0] =	vst.add.f32.msk $0xffff, v5  }
0x30a: {  	[tilespmem:s4+$0xF0A0] =	vst.add.f32.msk $0xffff, v5  }
0x30b: {  	[tilespmem:s4+$0x100A0] =	vst.add.f32.msk $0xffff, v5  }
0x30c: {  	[tilespmem:s4+$0x110A0] =	vst.add.f32.msk $0xffff, v5  }
0x30d: {  	[tilespmem:s4+$0xE0B0] =	vst.add.f32.msk $0xffff, v6  }
0x30e: {  	[tilespmem:s4+$0xF0B0] =	vst.add.f32.msk $0xffff, v6  }
0x30f: {  	[tilespmem:s4+$0x100B0] =	vst.add.f32.msk $0xffff, v6  }
0x310: {  	[tilespmem:s4+$0x110B0] =	vst.add.f32.msk $0xffff, v6  }
0x311: {  	[tilespmem:s4+$0xE0C0] =	vst.add.f32.msk $0xffff, v7  }
0x312: {  	[tilespmem:s4+$0xF0C0] =	vst.add.f32.msk $0xffff, v7  }
0x313: {  	[tilespmem:s4+$0x100C0] =	vst.add.f32.msk $0xffff, v7  }
0x314: {  	[tilespmem:s4+$0x110C0] =	vst.add.f32.msk $0xffff, v7  }
0x315: {  	[tilespmem:s4+$0xE0D0] =	vst.add.f32.msk $0xffff, v8  }
0x316: {  	[tilespmem:s4+$0xF0D0] =	vst.add.f32.msk $0xffff, v8  }
0x317: {  	[tilespmem:s4+$0x100D0] =	vst.add.f32.msk $0xffff, v8  }
0x318: {  	[tilespmem:s4+$0x110D0] =	vst.add.f32.msk $0xffff, v8  }
0x319: {  	[tilespmem:s4+$0xE0E0] =	vst.add.f32.msk $0xffff, v9  }
0x31a: {  	[tilespmem:s4+$0xF0E0] =	vst.add.f32.msk $0xffff, v9  }
0x31b: {  	[tilespmem:s4+$0x100E0] =	vst.add.f32.msk $0xffff, v9  }
0x31c: {  	[tilespmem:s4+$0x110E0] =	vst.add.f32.msk $0xffff, v9  }
0x31d: {  	[tilespmem:s4+$0xE0F0] =	vst.add.f32.msk $0xffff, v2  }
0x31e: {  	s10 =	simm.s32 $0x0;
	s11 =	simm.s32 $0x400;
	[tilespmem:s4+$0xF0F0] =	vst.add.f32.msk $0xffff, v2  }
.LBB2_16:
0x31f: {  	s10 =	sadd.s32 $0x8, s10;
	[tilespmem:s4+$0x100F0] =	vst.add.f32.msk $0xffff, v2;
	s4 =	sshra.s32 s11, $0x2  }
0x320: {  	v2 =	vld [tilespmem:s4+$0x150F0];
	p0 =	slt.u32 s10, $0x78  }
0x321: {  	v3 =	vld [tilespmem:s4+$0x15080]  }
0x322: {  	v4 =	vld [tilespmem:s4+$0x15090]  }
0x323: {  	v5 =	vld [tilespmem:s4+$0x150A0]  }
0x324: {  	v6 =	vld [tilespmem:s4+$0x150B0]  }
0x325: {  	[tilespmem:s4+$0x110F0] =	vst.add.f32.msk $0xffff, v2  }
0x326: {  	v7 =	vld [tilespmem:s4+$0x150C0]  }
0x327: {  	v8 =	vld [tilespmem:s4+$0x150D0]  }
0x328: {  	v9 =	vld [tilespmem:s4+$0x150E0]  }
0x329: {  	[tilespmem:s4+$0xE080] =	vst.add.f32.msk $0xffff, v3  }
0x32a: {  	[tilespmem:s4+$0xF080] =	vst.add.f32.msk $0xffff, v3  }
0x32b: {  	[tilespmem:s4+$0x10080] =	vst.add.f32.msk $0xffff, v3  }
0x32c: {  	[tilespmem:s4+$0x11080] =	vst.add.f32.msk $0xffff, v3  }
0x32d: {  	[tilespmem:s4+$0xE090] =	vst.add.f32.msk $0xffff, v4  }
0x32e: {  	[tilespmem:s4+$0xF090] =	vst.add.f32.msk $0xffff, v4  }
0x32f: {  	[tilespmem:s4+$0x10090] =	vst.add.f32.msk $0xffff, v4  }
0x330: {  	[tilespmem:s4+$0x11090] =	vst.add.f32.msk $0xffff, v4  }
0x331: {  	[tilespmem:s4+$0xE0A0] =	vst.add.f32.msk $0xffff, v5  }
0x332: {  	[tilespmem:s4+$0xF0A0] =	vst.add.f32.msk $0xffff, v5  }
0x333: {  	[tilespmem:s4+$0x100A0] =	vst.add.f32.msk $0xffff, v5  }
0x334: {  	[tilespmem:s4+$0x110A0] =	vst.add.f32.msk $0xffff, v5  }
0x335: {  	[tilespmem:s4+$0xE0B0] =	vst.add.f32.msk $0xffff, v6  }
0x336: {  	[tilespmem:s4+$0xF0B0] =	vst.add.f32.msk $0xffff, v6  }
0x337: {  	[tilespmem:s4+$0x100B0] =	vst.add.f32.msk $0xffff, v6  }
0x338: {  	[tilespmem:s4+$0x110B0] =	vst.add.f32.msk $0xffff, v6  }
0x339: {  	[tilespmem:s4+$0xE0C0] =	vst.add.f32.msk $0xffff, v7  }
0x33a: {  	[tilespmem:s4+$0xF0C0] =	vst.add.f32.msk $0xffff, v7  }
0x33b: {  	[tilespmem:s4+$0x100C0] =	vst.add.f32.msk $0xffff, v7  }
0x33c: {  	[tilespmem:s4+$0x110C0] =	vst.add.f32.msk $0xffff, v7  }
0x33d: {  	[tilespmem:s4+$0xE0D0] =	vst.add.f32.msk $0xffff, v8  }
0x33e: {  	[tilespmem:s4+$0xF0D0] =	vst.add.f32.msk $0xffff, v8  }
0x33f: {  	[tilespmem:s4+$0x100D0] =	vst.add.f32.msk $0xffff, v8  }
0x340: {  	[tilespmem:s4+$0x110D0] =	vst.add.f32.msk $0xffff, v8  }
0x341: {  	[tilespmem:s4+$0xE0E0] =	vst.add.f32.msk $0xffff, v9  }
.Ltmp9:
0x342: {  	[tilespmem:s4+$0xF0E0] =	vst.add.f32.msk $0xffff, v9;
	(pc) =	sbr.rel @p0 .LBB2_16-.Ltmp9, $4  }
0x343: {  	[tilespmem:s4+$0x100E0] =	vst.add.f32.msk $0xffff, v9  }
0x344: {  	[tilespmem:s4+$0x110E0] =	vst.add.f32.msk $0xffff, v9  }
0x345: {  	[tilespmem:s4+$0xE0F0] =	vst.add.f32.msk $0xffff, v2  }
0x346: {  	s11 =	sadd.s32 $0x400, s11;
	[tilespmem:s4+$0xF0F0] =	vst.add.f32.msk $0xffff, v2  }
0x347: {  	[tilespmem:s4+$0x100F0] =	vst.add.f32.msk $0xffff, v2  }
0x348: {  	s11 =	simm.s32 $0xE000;
	s1 =	rddreg [dreg:$0xe]  }
0x349: {  	[hbm4b:s1+s26] =	stream.strided.scatter [tilespmem:s11], [sflag:$0xC], $0x1000, s28, s26, $0x38;
	[tilespmem:$0x16000] =	vst v63  }
0x34a: {  	s10 =	simm.s32 $0xF000;
	s12 =	sadd.s32 $0x100000, s1  }
0x34b: {  	[hbm4b:s12+s26] =	stream.strided.scatter [tilespmem:s10], [sflag:$0xC], $0x1000, s28, s26, $0x38;
	[tilespmem:$0x16000] =	vst v63  }
0x34c: {  	s19 =	simm.s32 $0x10000;
	s18 =	sadd.s32 $0x200000, s1  }
0x34d: {  	[hbm4b:s18+s26] =	stream.strided.scatter [tilespmem:s19], [sflag:$0xC], $0x1000, s28, s26, $0x38;
	[tilespmem:$0x16000] =	vst v63  }
0x34e: {  	s20 =	sadd.s32 $0x300000, s1  }
0x34f: {  	[hbm4b:s20+s26] =	stream.strided.scatter [tilespmem:s14], [sflag:$0xC], $0x1000, s28, s26, $0x38;
	[tilespmem:$0x16000] =	vst v63  }
0x350: {  	_ =	swait.ge [sflag:s25], $0x4000  }
0x351: {  	[sflag:s25] =	ssyncset.done $0x0  }
0x352: {  	s21 =	rddreg [dreg:$0xf];
	[sflag:s25] =	ssyncadd.s32 $0xFFFFC000  }
0x353: {  	[tilespmem:s22], [sflag:$0x3] =	stream.strided.gather [hbm4b:s21+s26], $0x1000, s28, s26, $0x38;
	[tilespmem:$0x16000] =	vst v63  }
0x354: {  	s11 =	simm.s32 $0xB000;
	s10 =	sadd.s32 $0x100000, s21  }
0x355: {  	[tilespmem:s11], [sflag:$0x3] =	stream.strided.gather [hbm4b:s10+s26], $0x1000, s28, s26, $0x38;
	[tilespmem:$0x16000] =	vst v63  }
0x356: {  	s18 =	simm.s32 $0xC000;
	s12 =	sadd.s32 $0x200000, s21  }
0x357: {  	[tilespmem:s18], [sflag:$0x3] =	stream.strided.gather [hbm4b:s12+s26], $0x1000, s28, s26, $0x38;
	[tilespmem:$0x16000] =	vst v63  }
0x358: {  	s20 =	simm.s32 $0xD000;
	s19 =	sadd.s32 $0x300000, s21  }
0x359: {  	[tilespmem:s20], [sflag:$0x3] =	stream.strided.gather [hbm4b:s19+s26], $0x1000, s28, s26, $0x38;
	[tilespmem:$0x16000] =	vst v63  }
0x35a: {  	v2 =	vld.msk [tilespmem:$0x300], $0x3;
	_ =	sdelay $0x4  }
0x35b: {  	v3 =	vshll.u32 v2, $0x4  }
0x35c: {  	v2 =	vand.u32 $0x7, v2;
	v3 =	vand.u32 $0xFFFFFF80, v3  }
0x35d: {  	v2 =	vor.u32 v2, v3  }
0x35e: {  	v2 =	vperm.xlane v2, v0;
	_ =	sdelay $0x1  }
0x35f: {  	v2 =	vadd.s32 v1, v2;
	_ =	sdelay $0x3  }
0x360: {  	s21 =	simm.s32 $0x14000  }
0x361: {  	[tilespmem:s21], [sflag:$0x7] =	stream.indirect_vreg.gather [hbm4b:s3+s5], $0x80, v2, vm0, $0xb8;
	[tilespmem:$0x16000] =	vst v63  }
0x362: {  	s4 =	simm.s32 $0x1;
	s22 =	simm.s32 $0x14800  }
0x363: {  	[tilespmem:s22], [sflag:$0x7] =	stream.indirect_vreg.gather [hbm4b:s9+s5], $0x80, v2, vm0, $0xb8;
	[tilespmem:$0x16000] =	vst v63  }
.LBB2_18:
0x364: {  	_ =	swait.ge [sflag:s16], $0x4000  }
0x365: {  	[sflag:s16] =	ssyncset.done $0x0  }
0x366: {  	[sflag:s16] =	ssyncadd.s32 $0xFFFFC000  }
0x367: {  	_ =	swait.ge [sflag:s17], $0x1000  }
0x368: {  	[sflag:s17] =	ssyncset.done $0x0  }
0x369: {  	s20 =	simm.s32 $0x0;
	[sflag:s17] =	ssyncadd.s32 $0xFFFFF000  }
0x36a: {  	v2 =	vld [tilespmem:s20+$0x12070]  }
0x36b: {  	v3 =	vld [tilespmem:s20+$0x12000]  }
0x36c: {  	v4 =	vld [tilespmem:s20+$0x12010]  }
0x36d: {  	v5 =	vld [tilespmem:s20+$0x12020]  }
0x36e: {  	v6 =	vld [tilespmem:s20+$0x12030]  }
0x36f: {  	v7 =	vld [tilespmem:s20+$0x12040]  }
0x370: {  	v8 =	vld [tilespmem:s20+$0x12050]  }
0x371: {  	v9 =	vld [tilespmem:s20+$0x12060]  }
0x372: {  	[tilespmem:s20+$0x5070] =	vst.add.f32.msk $0xffff, v2  }
0x373: {  	[tilespmem:s20+$0x2000] =	vst.add.f32.msk $0xffff, v3  }
0x374: {  	[tilespmem:s20+$0x3000] =	vst.add.f32.msk $0xffff, v3  }
0x375: {  	[tilespmem:s20+$0x4000] =	vst.add.f32.msk $0xffff, v3  }
0x376: {  	[tilespmem:s20+$0x5000] =	vst.add.f32.msk $0xffff, v3  }
0x377: {  	[tilespmem:s20+$0x2010] =	vst.add.f32.msk $0xffff, v4  }
0x378: {  	[tilespmem:s20+$0x3010] =	vst.add.f32.msk $0xffff, v4  }
0x379: {  	[tilespmem:s20+$0x4010] =	vst.add.f32.msk $0xffff, v4  }
0x37a: {  	[tilespmem:s20+$0x5010] =	vst.add.f32.msk $0xffff, v4  }
0x37b: {  	[tilespmem:s20+$0x2020] =	vst.add.f32.msk $0xffff, v5  }
0x37c: {  	[tilespmem:s20+$0x3020] =	vst.add.f32.msk $0xffff, v5  }
0x37d: {  	[tilespmem:s20+$0x4020] =	vst.add.f32.msk $0xffff, v5  }
0x37e: {  	[tilespmem:s20+$0x5020] =	vst.add.f32.msk $0xffff, v5  }
0x37f: {  	[tilespmem:s20+$0x2030] =	vst.add.f32.msk $0xffff, v6  }
0x380: {  	[tilespmem:s20+$0x3030] =	vst.add.f32.msk $0xffff, v6  }
0x381: {  	[tilespmem:s20+$0x4030] =	vst.add.f32.msk $0xffff, v6  }
0x382: {  	[tilespmem:s20+$0x5030] =	vst.add.f32.msk $0xffff, v6  }
0x383: {  	[tilespmem:s20+$0x2040] =	vst.add.f32.msk $0xffff, v7  }
0x384: {  	[tilespmem:s20+$0x3040] =	vst.add.f32.msk $0xffff, v7  }
0x385: {  	[tilespmem:s20+$0x4040] =	vst.add.f32.msk $0xffff, v7  }
0x386: {  	[tilespmem:s20+$0x5040] =	vst.add.f32.msk $0xffff, v7  }
0x387: {  	[tilespmem:s20+$0x2050] =	vst.add.f32.msk $0xffff, v8  }
0x388: {  	[tilespmem:s20+$0x3050] =	vst.add.f32.msk $0xffff, v8  }
0x389: {  	[tilespmem:s20+$0x4050] =	vst.add.f32.msk $0xffff, v8  }
0x38a: {  	[tilespmem:s20+$0x5050] =	vst.add.f32.msk $0xffff, v8  }
0x38b: {  	[tilespmem:s20+$0x2060] =	vst.add.f32.msk $0xffff, v9  }
0x38c: {  	[tilespmem:s20+$0x3060] =	vst.add.f32.msk $0xffff, v9  }
0x38d: {  	[tilespmem:s20+$0x4060] =	vst.add.f32.msk $0xffff, v9  }
0x38e: {  	[tilespmem:s20+$0x5060] =	vst.add.f32.msk $0xffff, v9  }
0x38f: {  	[tilespmem:s20+$0x2070] =	vst.add.f32.msk $0xffff, v2  }
0x390: {  	s10 =	simm.s32 $0x0;
	s11 =	simm.s32 $0x400;
	[tilespmem:s20+$0x3070] =	vst.add.f32.msk $0xffff, v2  }
.LBB2_19:
0x391: {  	s10 =	sadd.s32 $0x8, s10;
	[tilespmem:s20+$0x4070] =	vst.add.f32.msk $0xffff, v2;
	s20 =	sshra.s32 s11, $0x2  }
0x392: {  	v2 =	vld [tilespmem:s20+$0x12070];
	p0 =	slt.u32 s10, $0x78  }
0x393: {  	v3 =	vld [tilespmem:s20+$0x12000]  }
0x394: {  	v4 =	vld [tilespmem:s20+$0x12010]  }
0x395: {  	v5 =	vld [tilespmem:s20+$0x12020]  }
0x396: {  	v6 =	vld [tilespmem:s20+$0x12030]  }
0x397: {  	[tilespmem:s20+$0x5070] =	vst.add.f32.msk $0xffff, v2  }
0x398: {  	v7 =	vld [tilespmem:s20+$0x12040]  }
0x399: {  	v8 =	vld [tilespmem:s20+$0x12050]  }
0x39a: {  	v9 =	vld [tilespmem:s20+$0x12060]  }
0x39b: {  	[tilespmem:s20+$0x2000] =	vst.add.f32.msk $0xffff, v3  }
0x39c: {  	[tilespmem:s20+$0x3000] =	vst.add.f32.msk $0xffff, v3  }
0x39d: {  	[tilespmem:s20+$0x4000] =	vst.add.f32.msk $0xffff, v3  }
0x39e: {  	[tilespmem:s20+$0x5000] =	vst.add.f32.msk $0xffff, v3  }
0x39f: {  	[tilespmem:s20+$0x2010] =	vst.add.f32.msk $0xffff, v4  }
0x3a0: {  	[tilespmem:s20+$0x3010] =	vst.add.f32.msk $0xffff, v4  }
0x3a1: {  	[tilespmem:s20+$0x4010] =	vst.add.f32.msk $0xffff, v4  }
0x3a2: {  	[tilespmem:s20+$0x5010] =	vst.add.f32.msk $0xffff, v4  }
0x3a3: {  	[tilespmem:s20+$0x2020] =	vst.add.f32.msk $0xffff, v5  }
0x3a4: {  	[tilespmem:s20+$0x3020] =	vst.add.f32.msk $0xffff, v5  }
0x3a5: {  	[tilespmem:s20+$0x4020] =	vst.add.f32.msk $0xffff, v5  }
0x3a6: {  	[tilespmem:s20+$0x5020] =	vst.add.f32.msk $0xffff, v5  }
0x3a7: {  	[tilespmem:s20+$0x2030] =	vst.add.f32.msk $0xffff, v6  }
0x3a8: {  	[tilespmem:s20+$0x3030] =	vst.add.f32.msk $0xffff, v6  }
0x3a9: {  	[tilespmem:s20+$0x4030] =	vst.add.f32.msk $0xffff, v6  }
0x3aa: {  	[tilespmem:s20+$0x5030] =	vst.add.f32.msk $0xffff, v6  }
0x3ab: {  	[tilespmem:s20+$0x2040] =	vst.add.f32.msk $0xffff, v7  }
0x3ac: {  	[tilespmem:s20+$0x3040] =	vst.add.f32.msk $0xffff, v7  }
0x3ad: {  	[tilespmem:s20+$0x4040] =	vst.add.f32.msk $0xffff, v7  }
0x3ae: {  	[tilespmem:s20+$0x5040] =	vst.add.f32.msk $0xffff, v7  }
0x3af: {  	[tilespmem:s20+$0x2050] =	vst.add.f32.msk $0xffff, v8  }
0x3b0: {  	[tilespmem:s20+$0x3050] =	vst.add.f32.msk $0xffff, v8  }
0x3b1: {  	[tilespmem:s20+$0x4050] =	vst.add.f32.msk $0xffff, v8  }
0x3b2: {  	[tilespmem:s20+$0x5050] =	vst.add.f32.msk $0xffff, v8  }
0x3b3: {  	[tilespmem:s20+$0x2060] =	vst.add.f32.msk $0xffff, v9  }
.Ltmp10:
0x3b4: {  	[tilespmem:s20+$0x3060] =	vst.add.f32.msk $0xffff, v9;
	(pc) =	sbr.rel @p0 .LBB2_19-.Ltmp10, $4  }
0x3b5: {  	[tilespmem:s20+$0x4060] =	vst.add.f32.msk $0xffff, v9  }
0x3b6: {  	[tilespmem:s20+$0x5060] =	vst.add.f32.msk $0xffff, v9  }
0x3b7: {  	[tilespmem:s20+$0x2070] =	vst.add.f32.msk $0xffff, v2  }
0x3b8: {  	s11 =	sadd.s32 $0x400, s11;
	[tilespmem:s20+$0x3070] =	vst.add.f32.msk $0xffff, v2  }
0x3b9: {  	[tilespmem:s20+$0x4070] =	vst.add.f32.msk $0xffff, v2;
	s21 =	simm.s32 $0x0  }
0x3ba: {  	v2 =	vld [tilespmem:s21+$0x120F0]  }
0x3bb: {  	v3 =	vld [tilespmem:s21+$0x12080]  }
0x3bc: {  	v4 =	vld [tilespmem:s21+$0x12090]  }
0x3bd: {  	v5 =	vld [tilespmem:s21+$0x120A0]  }
0x3be: {  	v6 =	vld [tilespmem:s21+$0x120B0]  }
0x3bf: {  	v7 =	vld [tilespmem:s21+$0x120C0]  }
0x3c0: {  	v8 =	vld [tilespmem:s21+$0x120D0]  }
0x3c1: {  	v9 =	vld [tilespmem:s21+$0x120E0]  }
0x3c2: {  	[tilespmem:s21+$0x50F0] =	vst.add.f32.msk $0xffff, v2  }
0x3c3: {  	[tilespmem:s21+$0x2080] =	vst.add.f32.msk $0xffff, v3  }
0x3c4: {  	[tilespmem:s21+$0x3080] =	vst.add.f32.msk $0xffff, v3  }
0x3c5: {  	[tilespmem:s21+$0x4080] =	vst.add.f32.msk $0xffff, v3  }
0x3c6: {  	[tilespmem:s21+$0x5080] =	vst.add.f32.msk $0xffff, v3  }
0x3c7: {  	[tilespmem:s21+$0x2090] =	vst.add.f32.msk $0xffff, v4  }
0x3c8: {  	[tilespmem:s21+$0x3090] =	vst.add.f32.msk $0xffff, v4  }
0x3c9: {  	[tilespmem:s21+$0x4090] =	vst.add.f32.msk $0xffff, v4  }
0x3ca: {  	[tilespmem:s21+$0x5090] =	vst.add.f32.msk $0xffff, v4  }
0x3cb: {  	[tilespmem:s21+$0x20A0] =	vst.add.f32.msk $0xffff, v5  }
0x3cc: {  	[tilespmem:s21+$0x30A0] =	vst.add.f32.msk $0xffff, v5  }
0x3cd: {  	[tilespmem:s21+$0x40A0] =	vst.add.f32.msk $0xffff, v5  }
0x3ce: {  	[tilespmem:s21+$0x50A0] =	vst.add.f32.msk $0xffff, v5  }
0x3cf: {  	[tilespmem:s21+$0x20B0] =	vst.add.f32.msk $0xffff, v6  }
0x3d0: {  	[tilespmem:s21+$0x30B0] =	vst.add.f32.msk $0xffff, v6  }
0x3d1: {  	[tilespmem:s21+$0x40B0] =	vst.add.f32.msk $0xffff, v6  }
0x3d2: {  	[tilespmem:s21+$0x50B0] =	vst.add.f32.msk $0xffff, v6  }
0x3d3: {  	[tilespmem:s21+$0x20C0] =	vst.add.f32.msk $0xffff, v7  }
0x3d4: {  	[tilespmem:s21+$0x30C0] =	vst.add.f32.msk $0xffff, v7  }
0x3d5: {  	[tilespmem:s21+$0x40C0] =	vst.add.f32.msk $0xffff, v7  }
0x3d6: {  	[tilespmem:s21+$0x50C0] =	vst.add.f32.msk $0xffff, v7  }
0x3d7: {  	[tilespmem:s21+$0x20D0] =	vst.add.f32.msk $0xffff, v8  }
0x3d8: {  	[tilespmem:s21+$0x30D0] =	vst.add.f32.msk $0xffff, v8  }
0x3d9: {  	[tilespmem:s21+$0x40D0] =	vst.add.f32.msk $0xffff, v8  }
0x3da: {  	[tilespmem:s21+$0x50D0] =	vst.add.f32.msk $0xffff, v8  }
0x3db: {  	[tilespmem:s21+$0x20E0] =	vst.add.f32.msk $0xffff, v9  }
0x3dc: {  	[tilespmem:s21+$0x30E0] =	vst.add.f32.msk $0xffff, v9  }
0x3dd: {  	[tilespmem:s21+$0x40E0] =	vst.add.f32.msk $0xffff, v9  }
0x3de: {  	[tilespmem:s21+$0x50E0] =	vst.add.f32.msk $0xffff, v9  }
0x3df: {  	[tilespmem:s21+$0x20F0] =	vst.add.f32.msk $0xffff, v2  }
0x3e0: {  	s10 =	simm.s32 $0x0;
	s11 =	simm.s32 $0x400;
	[tilespmem:s21+$0x30F0] =	vst.add.f32.msk $0xffff, v2  }
.LBB2_21:
0x3e1: {  	s10 =	sadd.s32 $0x8, s10;
	[tilespmem:s21+$0x40F0] =	vst.add.f32.msk $0xffff, v2;
	s21 =	sshra.s32 s11, $0x2  }
0x3e2: {  	v2 =	vld [tilespmem:s21+$0x120F0];
	p0 =	slt.u32 s10, $0x78  }
0x3e3: {  	v3 =	vld [tilespmem:s21+$0x12080]  }
0x3e4: {  	v4 =	vld [tilespmem:s21+$0x12090]  }
0x3e5: {  	v5 =	vld [tilespmem:s21+$0x120A0]  }
0x3e6: {  	v6 =	vld [tilespmem:s21+$0x120B0]  }
0x3e7: {  	[tilespmem:s21+$0x50F0] =	vst.add.f32.msk $0xffff, v2  }
0x3e8: {  	v7 =	vld [tilespmem:s21+$0x120C0]  }
0x3e9: {  	v8 =	vld [tilespmem:s21+$0x120D0]  }
0x3ea: {  	v9 =	vld [tilespmem:s21+$0x120E0]  }
0x3eb: {  	[tilespmem:s21+$0x2080] =	vst.add.f32.msk $0xffff, v3  }
0x3ec: {  	[tilespmem:s21+$0x3080] =	vst.add.f32.msk $0xffff, v3  }
0x3ed: {  	[tilespmem:s21+$0x4080] =	vst.add.f32.msk $0xffff, v3  }
0x3ee: {  	[tilespmem:s21+$0x5080] =	vst.add.f32.msk $0xffff, v3  }
0x3ef: {  	[tilespmem:s21+$0x2090] =	vst.add.f32.msk $0xffff, v4  }
0x3f0: {  	[tilespmem:s21+$0x3090] =	vst.add.f32.msk $0xffff, v4  }
0x3f1: {  	[tilespmem:s21+$0x4090] =	vst.add.f32.msk $0xffff, v4  }
0x3f2: {  	[tilespmem:s21+$0x5090] =	vst.add.f32.msk $0xffff, v4  }
0x3f3: {  	[tilespmem:s21+$0x20A0] =	vst.add.f32.msk $0xffff, v5  }
0x3f4: {  	[tilespmem:s21+$0x30A0] =	vst.add.f32.msk $0xffff, v5  }
0x3f5: {  	[tilespmem:s21+$0x40A0] =	vst.add.f32.msk $0xffff, v5  }
0x3f6: {  	[tilespmem:s21+$0x50A0] =	vst.add.f32.msk $0xffff, v5  }
0x3f7: {  	[tilespmem:s21+$0x20B0] =	vst.add.f32.msk $0xffff, v6  }
0x3f8: {  	[tilespmem:s21+$0x30B0] =	vst.add.f32.msk $0xffff, v6  }
0x3f9: {  	[tilespmem:s21+$0x40B0] =	vst.add.f32.msk $0xffff, v6  }
0x3fa: {  	[tilespmem:s21+$0x50B0] =	vst.add.f32.msk $0xffff, v6  }
0x3fb: {  	[tilespmem:s21+$0x20C0] =	vst.add.f32.msk $0xffff, v7  }
0x3fc: {  	[tilespmem:s21+$0x30C0] =	vst.add.f32.msk $0xffff, v7  }
0x3fd: {  	[tilespmem:s21+$0x40C0] =	vst.add.f32.msk $0xffff, v7  }
0x3fe: {  	[tilespmem:s21+$0x50C0] =	vst.add.f32.msk $0xffff, v7  }
0x3ff: {  	[tilespmem:s21+$0x20D0] =	vst.add.f32.msk $0xffff, v8  }
0x400: {  	[tilespmem:s21+$0x30D0] =	vst.add.f32.msk $0xffff, v8  }
0x401: {  	[tilespmem:s21+$0x40D0] =	vst.add.f32.msk $0xffff, v8  }
0x402: {  	[tilespmem:s21+$0x50D0] =	vst.add.f32.msk $0xffff, v8  }
0x403: {  	[tilespmem:s21+$0x20E0] =	vst.add.f32.msk $0xffff, v9  }
.Ltmp11:
0x404: {  	[tilespmem:s21+$0x30E0] =	vst.add.f32.msk $0xffff, v9;
	(pc) =	sbr.rel @p0 .LBB2_21-.Ltmp11, $4  }
0x405: {  	[tilespmem:s21+$0x40E0] =	vst.add.f32.msk $0xffff, v9  }
0x406: {  	[tilespmem:s21+$0x50E0] =	vst.add.f32.msk $0xffff, v9  }
0x407: {  	[tilespmem:s21+$0x20F0] =	vst.add.f32.msk $0xffff, v2  }
0x408: {  	s11 =	sadd.s32 $0x400, s11;
	[tilespmem:s21+$0x30F0] =	vst.add.f32.msk $0xffff, v2  }
0x409: {  	s20 =	sshll.u32 s4, $0xB  }
0x40a: {  	s22 =	sor.u32 s6, s20  }
0x40b: {  	[tilespmem:s21+$0x40F0] =	vst.add.f32.msk $0xffff, v2;
	s1 =	simm.s32 $0x2000;
	s10 =	sadd.s32 s13, s22  }
0x40c: {  	[hbm4b:s10+s26] =	stream.strided.scatter [tilespmem:s1], [sflag:$0x9], $0x1000, s28, s26, $0x38;
	[tilespmem:$0x16000] =	vst v63  }
0x40d: {  	s18 =	simm.s32 $0x3000;
	s11 =	sadd.s32 $0x100000, s10  }
0x40e: {  	[hbm4b:s11+s26] =	stream.strided.scatter [tilespmem:s18], [sflag:$0x9], $0x1000, s28, s26, $0x38;
	[tilespmem:$0x16000] =	vst v63  }
0x40f: {  	s21 =	simm.s32 $0x4000;
	s19 =	sadd.s32 $0x200000, s10  }
0x410: {  	[hbm4b:s19+s26] =	stream.strided.scatter [tilespmem:s21], [sflag:$0x9], $0x1000, s28, s26, $0x38;
	[tilespmem:$0x16000] =	vst v63  }
0x411: {  	s12 =	simm.s32 $0x5000;
	s10 =	sadd.s32 $0x300000, s10  }
0x412: {  	[hbm4b:s10+s26] =	stream.strided.scatter [tilespmem:s12], [sflag:$0x9], $0x1000, s28, s26, $0x38;
	[tilespmem:$0x16000] =	vst v63  }
0x413: {  	_ =	swait.ge [sflag:s23], $0x4000  }
0x414: {  	[sflag:s23] =	ssyncset.done $0x0  }
0x415: {  	[sflag:s23] =	ssyncadd.s32 $0xFFFFC000  }
0x416: {  	s21 =	sor.u32 $0x60, s22;
	s18 =	rddreg [dreg:$0x0]  }
0x417: {  	s19 =	simm.s32 $0xE000;
	s10 =	sadd.s32 s18, s21  }
0x418: {  	[tilespmem:s19], [sflag:$0x4] =	stream.strided.gather [hbm4b:s10+s26], $0x1000, s28, s26, $0x38;
	[tilespmem:$0x16000] =	vst v63  }
0x419: {  	s12 =	simm.s32 $0xF000;
	s1 =	sadd.s32 $0x100000, s10  }
0x41a: {  	[tilespmem:s12], [sflag:$0x4] =	stream.strided.gather [hbm4b:s1+s26], $0x1000, s28, s26, $0x38;
	[tilespmem:$0x16000] =	vst v63  }
0x41b: {  	s18 =	sadd.s32 $0x200000, s10;
	s19 =	simm.s32 $0x10000  }
0x41c: {  	[tilespmem:s19], [sflag:$0x4] =	stream.strided.gather [hbm4b:s18+s26], $0x1000, s28, s26, $0x38;
	[tilespmem:$0x16000] =	vst v63  }
0x41d: {  	s11 =	sshrl.u32 s20, $0x2;
	s10 =	sadd.s32 $0x300000, s10  }
0x41e: {  	[tilespmem:s14], [sflag:$0x4] =	stream.strided.gather [hbm4b:s10+s26], $0x1000, s28, s26, $0x38;
	[tilespmem:$0x16000] =	vst v63  }
0x41f: {  	s10 =	sor.u32 $0x180, s11  }
0x420: {  	v2 =	vld.msk [tilespmem:s10+$0x0], $0x3;
	_ =	sdelay $0x4  }
0x421: {  	v3 =	vshll.u32 v2, $0x4  }
0x422: {  	v2 =	vand.u32 $0x7, v2;
	v3 =	vand.u32 $0xFFFFFF80, v3  }
0x423: {  	v2 =	vor.u32 v2, v3  }
0x424: {  	v2 =	vperm.xlane v2, v0;
	_ =	sdelay $0x1  }
0x425: {  	v2 =	vadd.s32 v1, v2;
	_ =	sdelay $0x3  }
0x426: {  	s12 =	simm.s32 $0x0;
	s18 =	simm.s32 $0x15000  }
0x427: {  	[tilespmem:s18], [sflag:$0x8] =	stream.indirect_vreg.gather [hbm4b:s3+s12], $0x80, v2, vm0, $0xb8;
	[tilespmem:$0x16000] =	vst v63  }
0x428: {  	s19 =	simm.s32 $0x15800  }
0x429: {  	[tilespmem:s19], [sflag:$0x8] =	stream.indirect_vreg.gather [hbm4b:s9+s12], $0x80, v2, vm0, $0xb8;
	[tilespmem:$0x16000] =	vst v63  }
0x42a: {  	_ =	swait.ge [sflag:s15], $0x4000  }
0x42b: {  	[sflag:s15] =	ssyncset.done $0x0  }
0x42c: {  	[sflag:s15] =	ssyncadd.s32 $0xFFFFC000  }
0x42d: {  	_ =	swait.ge [sflag:s29], $0x1000  }
0x42e: {  	[sflag:s29] =	ssyncset.done $0x0  }
0x42f: {  	s10 =	simm.s32 $0x0;
	[sflag:s29] =	ssyncadd.s32 $0xFFFFF000  }
0x430: {  	v2 =	vld [tilespmem:s10+$0x13070]  }
0x431: {  	v3 =	vld [tilespmem:s10+$0x13000]  }
0x432: {  	v4 =	vld [tilespmem:s10+$0x13010]  }
0x433: {  	v5 =	vld [tilespmem:s10+$0x13020]  }
0x434: {  	v6 =	vld [tilespmem:s10+$0x13030]  }
0x435: {  	v7 =	vld [tilespmem:s10+$0x13040]  }
0x436: {  	v8 =	vld [tilespmem:s10+$0x13050]  }
0x437: {  	v9 =	vld [tilespmem:s10+$0x13060]  }
0x438: {  	[tilespmem:s10+$0x9070] =	vst.add.f32.msk $0xffff, v2  }
0x439: {  	[tilespmem:s10+$0x6000] =	vst.add.f32.msk $0xffff, v3  }
0x43a: {  	[tilespmem:s10+$0x7000] =	vst.add.f32.msk $0xffff, v3  }
0x43b: {  	[tilespmem:s10+$0x8000] =	vst.add.f32.msk $0xffff, v3  }
0x43c: {  	[tilespmem:s10+$0x9000] =	vst.add.f32.msk $0xffff, v3  }
0x43d: {  	[tilespmem:s10+$0x6010] =	vst.add.f32.msk $0xffff, v4  }
0x43e: {  	[tilespmem:s10+$0x7010] =	vst.add.f32.msk $0xffff, v4  }
0x43f: {  	[tilespmem:s10+$0x8010] =	vst.add.f32.msk $0xffff, v4  }
0x440: {  	[tilespmem:s10+$0x9010] =	vst.add.f32.msk $0xffff, v4  }
0x441: {  	[tilespmem:s10+$0x6020] =	vst.add.f32.msk $0xffff, v5  }
0x442: {  	[tilespmem:s10+$0x7020] =	vst.add.f32.msk $0xffff, v5  }
0x443: {  	[tilespmem:s10+$0x8020] =	vst.add.f32.msk $0xffff, v5  }
0x444: {  	[tilespmem:s10+$0x9020] =	vst.add.f32.msk $0xffff, v5  }
0x445: {  	[tilespmem:s10+$0x6030] =	vst.add.f32.msk $0xffff, v6  }
0x446: {  	[tilespmem:s10+$0x7030] =	vst.add.f32.msk $0xffff, v6  }
0x447: {  	[tilespmem:s10+$0x8030] =	vst.add.f32.msk $0xffff, v6  }
0x448: {  	[tilespmem:s10+$0x9030] =	vst.add.f32.msk $0xffff, v6  }
0x449: {  	[tilespmem:s10+$0x6040] =	vst.add.f32.msk $0xffff, v7  }
0x44a: {  	[tilespmem:s10+$0x7040] =	vst.add.f32.msk $0xffff, v7  }
0x44b: {  	[tilespmem:s10+$0x8040] =	vst.add.f32.msk $0xffff, v7  }
0x44c: {  	[tilespmem:s10+$0x9040] =	vst.add.f32.msk $0xffff, v7  }
0x44d: {  	[tilespmem:s10+$0x6050] =	vst.add.f32.msk $0xffff, v8  }
0x44e: {  	[tilespmem:s10+$0x7050] =	vst.add.f32.msk $0xffff, v8  }
0x44f: {  	[tilespmem:s10+$0x8050] =	vst.add.f32.msk $0xffff, v8  }
0x450: {  	[tilespmem:s10+$0x9050] =	vst.add.f32.msk $0xffff, v8  }
0x451: {  	[tilespmem:s10+$0x6060] =	vst.add.f32.msk $0xffff, v9  }
0x452: {  	[tilespmem:s10+$0x7060] =	vst.add.f32.msk $0xffff, v9  }
0x453: {  	[tilespmem:s10+$0x8060] =	vst.add.f32.msk $0xffff, v9  }
0x454: {  	[tilespmem:s10+$0x9060] =	vst.add.f32.msk $0xffff, v9  }
0x455: {  	[tilespmem:s10+$0x6070] =	vst.add.f32.msk $0xffff, v2  }
0x456: {  	s11 =	simm.s32 $0x0;
	s12 =	simm.s32 $0x400;
	[tilespmem:s10+$0x7070] =	vst.add.f32.msk $0xffff, v2  }
.LBB2_23:
0x457: {  	s11 =	sadd.s32 $0x8, s11;
	[tilespmem:s10+$0x8070] =	vst.add.f32.msk $0xffff, v2;
	s10 =	sshra.s32 s12, $0x2  }
0x458: {  	v2 =	vld [tilespmem:s10+$0x13070];
	p0 =	slt.u32 s11, $0x78  }
0x459: {  	v3 =	vld [tilespmem:s10+$0x13000]  }
0x45a: {  	v4 =	vld [tilespmem:s10+$0x13010]  }
0x45b: {  	v5 =	vld [tilespmem:s10+$0x13020]  }
0x45c: {  	v6 =	vld [tilespmem:s10+$0x13030]  }
0x45d: {  	[tilespmem:s10+$0x9070] =	vst.add.f32.msk $0xffff, v2  }
0x45e: {  	v7 =	vld [tilespmem:s10+$0x13040]  }
0x45f: {  	v8 =	vld [tilespmem:s10+$0x13050]  }
0x460: {  	v9 =	vld [tilespmem:s10+$0x13060]  }
0x461: {  	[tilespmem:s10+$0x6000] =	vst.add.f32.msk $0xffff, v3  }
0x462: {  	[tilespmem:s10+$0x7000] =	vst.add.f32.msk $0xffff, v3  }
0x463: {  	[tilespmem:s10+$0x8000] =	vst.add.f32.msk $0xffff, v3  }
0x464: {  	[tilespmem:s10+$0x9000] =	vst.add.f32.msk $0xffff, v3  }
0x465: {  	[tilespmem:s10+$0x6010] =	vst.add.f32.msk $0xffff, v4  }
0x466: {  	[tilespmem:s10+$0x7010] =	vst.add.f32.msk $0xffff, v4  }
0x467: {  	[tilespmem:s10+$0x8010] =	vst.add.f32.msk $0xffff, v4  }
0x468: {  	[tilespmem:s10+$0x9010] =	vst.add.f32.msk $0xffff, v4  }
0x469: {  	[tilespmem:s10+$0x6020] =	vst.add.f32.msk $0xffff, v5  }
0x46a: {  	[tilespmem:s10+$0x7020] =	vst.add.f32.msk $0xffff, v5  }
0x46b: {  	[tilespmem:s10+$0x8020] =	vst.add.f32.msk $0xffff, v5  }
0x46c: {  	[tilespmem:s10+$0x9020] =	vst.add.f32.msk $0xffff, v5  }
0x46d: {  	[tilespmem:s10+$0x6030] =	vst.add.f32.msk $0xffff, v6  }
0x46e: {  	[tilespmem:s10+$0x7030] =	vst.add.f32.msk $0xffff, v6  }
0x46f: {  	[tilespmem:s10+$0x8030] =	vst.add.f32.msk $0xffff, v6  }
0x470: {  	[tilespmem:s10+$0x9030] =	vst.add.f32.msk $0xffff, v6  }
0x471: {  	[tilespmem:s10+$0x6040] =	vst.add.f32.msk $0xffff, v7  }
0x472: {  	[tilespmem:s10+$0x7040] =	vst.add.f32.msk $0xffff, v7  }
0x473: {  	[tilespmem:s10+$0x8040] =	vst.add.f32.msk $0xffff, v7  }
0x474: {  	[tilespmem:s10+$0x9040] =	vst.add.f32.msk $0xffff, v7  }
0x475: {  	[tilespmem:s10+$0x6050] =	vst.add.f32.msk $0xffff, v8  }
0x476: {  	[tilespmem:s10+$0x7050] =	vst.add.f32.msk $0xffff, v8  }
0x477: {  	[tilespmem:s10+$0x8050] =	vst.add.f32.msk $0xffff, v8  }
0x478: {  	[tilespmem:s10+$0x9050] =	vst.add.f32.msk $0xffff, v8  }
0x479: {  	[tilespmem:s10+$0x6060] =	vst.add.f32.msk $0xffff, v9  }
.Ltmp12:
0x47a: {  	[tilespmem:s10+$0x7060] =	vst.add.f32.msk $0xffff, v9;
	(pc) =	sbr.rel @p0 .LBB2_23-.Ltmp12, $4  }
0x47b: {  	[tilespmem:s10+$0x8060] =	vst.add.f32.msk $0xffff, v9  }
0x47c: {  	[tilespmem:s10+$0x9060] =	vst.add.f32.msk $0xffff, v9  }
0x47d: {  	[tilespmem:s10+$0x6070] =	vst.add.f32.msk $0xffff, v2  }
0x47e: {  	s12 =	sadd.s32 $0x400, s12;
	[tilespmem:s10+$0x7070] =	vst.add.f32.msk $0xffff, v2  }
0x47f: {  	[tilespmem:s10+$0x8070] =	vst.add.f32.msk $0xffff, v2;
	s10 =	simm.s32 $0x0  }
0x480: {  	v2 =	vld [tilespmem:s10+$0x130F0]  }
0x481: {  	v3 =	vld [tilespmem:s10+$0x13080]  }
0x482: {  	v4 =	vld [tilespmem:s10+$0x13090]  }
0x483: {  	v5 =	vld [tilespmem:s10+$0x130A0]  }
0x484: {  	v6 =	vld [tilespmem:s10+$0x130B0]  }
0x485: {  	v7 =	vld [tilespmem:s10+$0x130C0]  }
0x486: {  	v8 =	vld [tilespmem:s10+$0x130D0]  }
0x487: {  	v9 =	vld [tilespmem:s10+$0x130E0]  }
0x488: {  	[tilespmem:s10+$0x90F0] =	vst.add.f32.msk $0xffff, v2  }
0x489: {  	[tilespmem:s10+$0x6080] =	vst.add.f32.msk $0xffff, v3  }
0x48a: {  	[tilespmem:s10+$0x7080] =	vst.add.f32.msk $0xffff, v3  }
0x48b: {  	[tilespmem:s10+$0x8080] =	vst.add.f32.msk $0xffff, v3  }
0x48c: {  	[tilespmem:s10+$0x9080] =	vst.add.f32.msk $0xffff, v3  }
0x48d: {  	[tilespmem:s10+$0x6090] =	vst.add.f32.msk $0xffff, v4  }
0x48e: {  	[tilespmem:s10+$0x7090] =	vst.add.f32.msk $0xffff, v4  }
0x48f: {  	[tilespmem:s10+$0x8090] =	vst.add.f32.msk $0xffff, v4  }
0x490: {  	[tilespmem:s10+$0x9090] =	vst.add.f32.msk $0xffff, v4  }
0x491: {  	[tilespmem:s10+$0x60A0] =	vst.add.f32.msk $0xffff, v5  }
0x492: {  	[tilespmem:s10+$0x70A0] =	vst.add.f32.msk $0xffff, v5  }
0x493: {  	[tilespmem:s10+$0x80A0] =	vst.add.f32.msk $0xffff, v5  }
0x494: {  	[tilespmem:s10+$0x90A0] =	vst.add.f32.msk $0xffff, v5  }
0x495: {  	[tilespmem:s10+$0x60B0] =	vst.add.f32.msk $0xffff, v6  }
0x496: {  	[tilespmem:s10+$0x70B0] =	vst.add.f32.msk $0xffff, v6  }
0x497: {  	[tilespmem:s10+$0x80B0] =	vst.add.f32.msk $0xffff, v6  }
0x498: {  	[tilespmem:s10+$0x90B0] =	vst.add.f32.msk $0xffff, v6  }
0x499: {  	[tilespmem:s10+$0x60C0] =	vst.add.f32.msk $0xffff, v7  }
0x49a: {  	[tilespmem:s10+$0x70C0] =	vst.add.f32.msk $0xffff, v7  }
0x49b: {  	[tilespmem:s10+$0x80C0] =	vst.add.f32.msk $0xffff, v7  }
0x49c: {  	[tilespmem:s10+$0x90C0] =	vst.add.f32.msk $0xffff, v7  }
0x49d: {  	[tilespmem:s10+$0x60D0] =	vst.add.f32.msk $0xffff, v8  }
0x49e: {  	[tilespmem:s10+$0x70D0] =	vst.add.f32.msk $0xffff, v8  }
0x49f: {  	[tilespmem:s10+$0x80D0] =	vst.add.f32.msk $0xffff, v8  }
0x4a0: {  	[tilespmem:s10+$0x90D0] =	vst.add.f32.msk $0xffff, v8  }
0x4a1: {  	[tilespmem:s10+$0x60E0] =	vst.add.f32.msk $0xffff, v9  }
0x4a2: {  	[tilespmem:s10+$0x70E0] =	vst.add.f32.msk $0xffff, v9  }
0x4a3: {  	[tilespmem:s10+$0x80E0] =	vst.add.f32.msk $0xffff, v9  }
0x4a4: {  	[tilespmem:s10+$0x90E0] =	vst.add.f32.msk $0xffff, v9  }
0x4a5: {  	[tilespmem:s10+$0x60F0] =	vst.add.f32.msk $0xffff, v2  }
0x4a6: {  	s1 =	smov.u32 s13;
	s11 =	simm.s32 $0x0;
	s12 =	simm.s32 $0x400;
	[tilespmem:s10+$0x70F0] =	vst.add.f32.msk $0xffff, v2  }
.LBB2_25:
0x4a7: {  	s11 =	sadd.s32 $0x8, s11;
	[tilespmem:s10+$0x80F0] =	vst.add.f32.msk $0xffff, v2;
	s10 =	sshra.s32 s12, $0x2  }
0x4a8: {  	v2 =	vld [tilespmem:s10+$0x130F0];
	p0 =	slt.u32 s11, $0x78  }
0x4a9: {  	v3 =	vld [tilespmem:s10+$0x13080]  }
0x4aa: {  	v4 =	vld [tilespmem:s10+$0x13090]  }
0x4ab: {  	v5 =	vld [tilespmem:s10+$0x130A0]  }
0x4ac: {  	v6 =	vld [tilespmem:s10+$0x130B0]  }
0x4ad: {  	[tilespmem:s10+$0x90F0] =	vst.add.f32.msk $0xffff, v2  }
0x4ae: {  	v7 =	vld [tilespmem:s10+$0x130C0]  }
0x4af: {  	v8 =	vld [tilespmem:s10+$0x130D0]  }
0x4b0: {  	v9 =	vld [tilespmem:s10+$0x130E0]  }
0x4b1: {  	[tilespmem:s10+$0x6080] =	vst.add.f32.msk $0xffff, v3  }
0x4b2: {  	[tilespmem:s10+$0x7080] =	vst.add.f32.msk $0xffff, v3  }
0x4b3: {  	[tilespmem:s10+$0x8080] =	vst.add.f32.msk $0xffff, v3  }
0x4b4: {  	[tilespmem:s10+$0x9080] =	vst.add.f32.msk $0xffff, v3  }
0x4b5: {  	[tilespmem:s10+$0x6090] =	vst.add.f32.msk $0xffff, v4  }
0x4b6: {  	[tilespmem:s10+$0x7090] =	vst.add.f32.msk $0xffff, v4  }
0x4b7: {  	[tilespmem:s10+$0x8090] =	vst.add.f32.msk $0xffff, v4  }
0x4b8: {  	[tilespmem:s10+$0x9090] =	vst.add.f32.msk $0xffff, v4  }
0x4b9: {  	[tilespmem:s10+$0x60A0] =	vst.add.f32.msk $0xffff, v5  }
0x4ba: {  	[tilespmem:s10+$0x70A0] =	vst.add.f32.msk $0xffff, v5  }
0x4bb: {  	[tilespmem:s10+$0x80A0] =	vst.add.f32.msk $0xffff, v5  }
0x4bc: {  	[tilespmem:s10+$0x90A0] =	vst.add.f32.msk $0xffff, v5  }
0x4bd: {  	[tilespmem:s10+$0x60B0] =	vst.add.f32.msk $0xffff, v6  }
0x4be: {  	[tilespmem:s10+$0x70B0] =	vst.add.f32.msk $0xffff, v6  }
0x4bf: {  	[tilespmem:s10+$0x80B0] =	vst.add.f32.msk $0xffff, v6  }
0x4c0: {  	[tilespmem:s10+$0x90B0] =	vst.add.f32.msk $0xffff, v6  }
0x4c1: {  	[tilespmem:s10+$0x60C0] =	vst.add.f32.msk $0xffff, v7  }
0x4c2: {  	[tilespmem:s10+$0x70C0] =	vst.add.f32.msk $0xffff, v7  }
0x4c3: {  	[tilespmem:s10+$0x80C0] =	vst.add.f32.msk $0xffff, v7  }
0x4c4: {  	[tilespmem:s10+$0x90C0] =	vst.add.f32.msk $0xffff, v7  }
0x4c5: {  	[tilespmem:s10+$0x60D0] =	vst.add.f32.msk $0xffff, v8  }
0x4c6: {  	[tilespmem:s10+$0x70D0] =	vst.add.f32.msk $0xffff, v8  }
0x4c7: {  	[tilespmem:s10+$0x80D0] =	vst.add.f32.msk $0xffff, v8  }
0x4c8: {  	[tilespmem:s10+$0x90D0] =	vst.add.f32.msk $0xffff, v8  }
0x4c9: {  	[tilespmem:s10+$0x60E0] =	vst.add.f32.msk $0xffff, v9  }
.Ltmp13:
0x4ca: {  	[tilespmem:s10+$0x70E0] =	vst.add.f32.msk $0xffff, v9;
	(pc) =	sbr.rel @p0 .LBB2_25-.Ltmp13, $4  }
0x4cb: {  	[tilespmem:s10+$0x80E0] =	vst.add.f32.msk $0xffff, v9  }
0x4cc: {  	[tilespmem:s10+$0x90E0] =	vst.add.f32.msk $0xffff, v9  }
0x4cd: {  	[tilespmem:s10+$0x60F0] =	vst.add.f32.msk $0xffff, v2  }
0x4ce: {  	s12 =	sadd.s32 $0x400, s12;
	[tilespmem:s10+$0x70F0] =	vst.add.f32.msk $0xffff, v2  }
0x4cf: {  	[tilespmem:s10+$0x80F0] =	vst.add.f32.msk $0xffff, v2  }
0x4d0: {  	s10 =	rddreg [dreg:$0x10]  }
0x4d1: {  	s11 =	simm.s32 $0x6000;
	s10 =	sadd.s32 s22, s10  }
0x4d2: {  	[hbm4b:s10+s26] =	stream.strided.scatter [tilespmem:s11], [sflag:$0xA], $0x1000, s28, s26, $0x38;
	[tilespmem:$0x16000] =	vst v63  }
0x4d3: {  	s12 =	simm.s32 $0x7000;
	s19 =	sadd.s32 $0x100000, s10  }
0x4d4: {  	[hbm4b:s19+s26] =	stream.strided.scatter [tilespmem:s12], [sflag:$0xA], $0x1000, s28, s26, $0x38;
	[tilespmem:$0x16000] =	vst v63  }
0x4d5: {  	s18 =	simm.s32 $0x8000;
	s13 =	sadd.s32 $0x200000, s10  }
0x4d6: {  	[hbm4b:s13+s26] =	stream.strided.scatter [tilespmem:s18], [sflag:$0xA], $0x1000, s28, s26, $0x38;
	[tilespmem:$0x16000] =	vst v63  }
0x4d7: {  	p0 =	seq.s32 s4, $0xF;
	s10 =	sadd.s32 $0x300000, s10;
	s19 =	simm.s32 $0x9000  }
0x4d8: {  	[hbm4b:s10+s26] =	stream.strided.scatter [tilespmem:s19], [sflag:$0xA], $0x1000, s28, s26, $0x38;
	[tilespmem:$0x16000] =	vst v63  }
0x4d9: {  	s12 =	simm.s32 @!p0 $0x100;
	_ =	swait.ge [sflag:s30], $0x4000  }
0x4da: {  	s13 =	simm.s32 @!p0 $0x400;
	s10 =	sadd.s32 @!p0 $0x800, s20;
	[sflag:s30] =	ssyncset.done $0x0  }
0x4db: {  	s18 =	simm.s32 @!p0 $0x2000;
	s11 =	sadd.s32 @!p0 s10, s8;
	[sflag:s30] =	ssyncadd.s32 $0xFFFFC000  }
0x4dc: {  	[tilespmem:s18], [sflag:$0x1] =	stream.strided.gather @!p0 [hbm4b:s11+s12], $0x1000, s13, s12, $0x38;
	[tilespmem:$0x16000] =	vst v63  }
0x4dd: {  	s19 =	simm.s32 @!p0 $0x3000;
	s18 =	sadd.s32 @!p0 $0x100000, s11  }
0x4de: {  	[tilespmem:s19], [sflag:$0x1] =	stream.strided.gather @!p0 [hbm4b:s18+s12], $0x1000, s13, s12, $0x38;
	[tilespmem:$0x16000] =	vst v63  }
0x4df: {  	s18 =	sadd.s32 @!p0 $0x200000, s11;
	s19 =	simm.s32 @!p0 $0x4000  }
0x4e0: {  	[tilespmem:s19], [sflag:$0x1] =	stream.strided.gather @!p0 [hbm4b:s18+s12], $0x1000, s13, s12, $0x38;
	[tilespmem:$0x16000] =	vst v63  }
0x4e1: {  	s10 =	sshrl.u32 @!p0 s10, $0x2;
	s11 =	sadd.s32 @!p0 $0x300000, s11;
	s18 =	simm.s32 @!p0 $0x5000  }
0x4e2: {  	[tilespmem:s18], [sflag:$0x1] =	stream.strided.gather @!p0 [hbm4b:s11+s12], $0x1000, s13, s12, $0x38;
	[tilespmem:$0x16000] =	vst v63  }
0x4e3: {  	v2 =	vld.msk @!p0 [tilespmem:s10+$0x0], $0x3;
	_ =	sdelay $0x4  }
0x4e4: {  	v3 =	vshll.u32 @!p0 v2, $0x4  }
0x4e5: {  	v4 =	vlaneseq.u32 @!p0;
	v2 =	vand.u32 @!p0 $0x7, v2;
	v3 =	vand.u32 @!p0 $0xFFFFFF80, v3  }
0x4e6: {  	v2 =	vor.u32 @!p0 v2, v3;
	v3 =	vand.u32 @!p0 $0x1, v4;
	v4 =	vshrl.u32 @!p0 v4, $0x1  }
0x4e7: {  	v2 =	vperm.xlane @!p0 v2, v3;
	v3 =	vmul.u32 @!p0 $0x8, v4;
	_ =	sdelay $0x1  }
0x4e8: {  	v2 =	vadd.s32 @!p0 v3, v2;
	_ =	sdelay $0x3  }
0x4e9: {  	vm1 =	vmmov @!p0 $0xffff;
	s11 =	simm.s32 @!p0 $0x12000;
	s10 =	simm.s32 @!p0 $0x0  }
0x4ea: {  	[tilespmem:s11], [sflag:$0x5] =	stream.indirect_vreg.gather @!p0 [hbm4b:s3+s10], $0x80, v2, vm1, $0xb8;
	[tilespmem:$0x16000] =	vst v63  }
0x4eb: {  	s11 =	simm.s32 @!p0 $0x12800  }
0x4ec: {  	[tilespmem:s11], [sflag:$0x5] =	stream.indirect_vreg.gather @!p0 [hbm4b:s9+s10], $0x80, v2, vm1, $0xb8;
	[tilespmem:$0x16000] =	vst v63  }
0x4ed: {  	_ =	swait.ge [sflag:s31], $0x4000  }
0x4ee: {  	[sflag:s31] =	ssyncset.done $0x0  }
0x4ef: {  	[sflag:s31] =	ssyncadd.s32 $0xFFFFC000  }
0x4f0: {  	_ =	swait.ge [sflag:s2], $0x1000  }
0x4f1: {  	[sflag:s2] =	ssyncset.done $0x0  }
0x4f2: {  	s10 =	simm.s32 $0x0;
	[sflag:s2] =	ssyncadd.s32 $0xFFFFF000  }
0x4f3: {  	v2 =	vld [tilespmem:s10+$0x14070]  }
0x4f4: {  	v3 =	vld [tilespmem:s10+$0x14000]  }
0x4f5: {  	v63 =	vld [tilespmem:s10+$0x14010]  }
0x4f6: {  	v5 =	vld [tilespmem:s10+$0x14020]  }
0x4f7: {  	v6 =	vld [tilespmem:s10+$0x14030]  }
0x4f8: {  	v7 =	vld [tilespmem:s10+$0x14040]  }
0x4f9: {  	v8 =	vld [tilespmem:s10+$0x14050]  }
0x4fa: {  	v9 =	vld [tilespmem:s10+$0x14060]  }
0x4fb: {  	[tilespmem:s10+$0xD070] =	vst.add.f32.msk $0xffff, v2  }
0x4fc: {  	[tilespmem:s10+$0xA000] =	vst.add.f32.msk $0xffff, v3  }
0x4fd: {  	[tilespmem:s10+$0xB000] =	vst.add.f32.msk $0xffff, v3  }
0x4fe: {  	[tilespmem:s10+$0xC000] =	vst.add.f32.msk $0xffff, v3  }
0x4ff: {  	[tilespmem:s10+$0xD000] =	vst.add.f32.msk $0xffff, v3  }
0x500: {  	[tilespmem:s10+$0xA010] =	vst.add.f32.msk $0xffff, v63  }
0x501: {  	[tilespmem:s10+$0xB010] =	vst.add.f32.msk $0xffff, v63  }
0x502: {  	[tilespmem:s10+$0xC010] =	vst.add.f32.msk $0xffff, v63  }
0x503: {  	[tilespmem:s10+$0xD010] =	vst.add.f32.msk $0xffff, v63  }
0x504: {  	[tilespmem:s10+$0xA020] =	vst.add.f32.msk $0xffff, v5  }
0x505: {  	[tilespmem:s10+$0xB020] =	vst.add.f32.msk $0xffff, v5  }
0x506: {  	[tilespmem:s10+$0xC020] =	vst.add.f32.msk $0xffff, v5  }
0x507: {  	[tilespmem:s10+$0xD020] =	vst.add.f32.msk $0xffff, v5  }
0x508: {  	[tilespmem:s10+$0xA030] =	vst.add.f32.msk $0xffff, v6  }
0x509: {  	[tilespmem:s10+$0xB030] =	vst.add.f32.msk $0xffff, v6  }
0x50a: {  	[tilespmem:s10+$0xC030] =	vst.add.f32.msk $0xffff, v6  }
0x50b: {  	[tilespmem:s10+$0xD030] =	vst.add.f32.msk $0xffff, v6  }
0x50c: {  	[tilespmem:s10+$0xA040] =	vst.add.f32.msk $0xffff, v7  }
0x50d: {  	[tilespmem:s10+$0xB040] =	vst.add.f32.msk $0xffff, v7  }
0x50e: {  	[tilespmem:s10+$0xC040] =	vst.add.f32.msk $0xffff, v7  }
0x50f: {  	[tilespmem:s10+$0xD040] =	vst.add.f32.msk $0xffff, v7  }
0x510: {  	[tilespmem:s10+$0xA050] =	vst.add.f32.msk $0xffff, v8  }
0x511: {  	[tilespmem:s10+$0xB050] =	vst.add.f32.msk $0xffff, v8  }
0x512: {  	[tilespmem:s10+$0xC050] =	vst.add.f32.msk $0xffff, v8  }
0x513: {  	[tilespmem:s10+$0xD050] =	vst.add.f32.msk $0xffff, v8  }
0x514: {  	[tilespmem:s10+$0xA060] =	vst.add.f32.msk $0xffff, v9  }
0x515: {  	[tilespmem:s10+$0xB060] =	vst.add.f32.msk $0xffff, v9  }
0x516: {  	[tilespmem:s10+$0xC060] =	vst.add.f32.msk $0xffff, v9  }
0x517: {  	[tilespmem:s10+$0xD060] =	vst.add.f32.msk $0xffff, v9  }
0x518: {  	[tilespmem:s10+$0xA070] =	vst.add.f32.msk $0xffff, v2  }
0x519: {  	s12 =	simm.s32 $0x400;
	s11 =	simm.s32 $0x0;
	[tilespmem:s10+$0xB070] =	vst.add.f32.msk $0xffff, v2  }
.LBB2_27:
0x51a: {  	s11 =	sadd.s32 $0x8, s11;
	[tilespmem:s10+$0xC070] =	vst.add.f32.msk $0xffff, v2;
	s10 =	sshra.s32 s12, $0x2  }
0x51b: {  	v2 =	vld [tilespmem:s10+$0x14070];
	p1 =	slt.u32 s11, $0x78  }
0x51c: {  	v3 =	vld [tilespmem:s10+$0x14000]  }
0x51d: {  	v4 =	vld [tilespmem:s10+$0x14010]  }
0x51e: {  	v5 =	vld [tilespmem:s10+$0x14020]  }
0x51f: {  	v6 =	vld [tilespmem:s10+$0x14030]  }
0x520: {  	[tilespmem:s10+$0xD070] =	vst.add.f32.msk $0xffff, v2  }
0x521: {  	v7 =	vld [tilespmem:s10+$0x14040]  }
0x522: {  	v8 =	vld [tilespmem:s10+$0x14050]  }
0x523: {  	v9 =	vld [tilespmem:s10+$0x14060]  }
0x524: {  	[tilespmem:s10+$0xA000] =	vst.add.f32.msk $0xffff, v3  }
0x525: {  	[tilespmem:s10+$0xB000] =	vst.add.f32.msk $0xffff, v3  }
0x526: {  	[tilespmem:s10+$0xC000] =	vst.add.f32.msk $0xffff, v3  }
0x527: {  	[tilespmem:s10+$0xD000] =	vst.add.f32.msk $0xffff, v3  }
0x528: {  	[tilespmem:s10+$0xA010] =	vst.add.f32.msk $0xffff, v4  }
0x529: {  	[tilespmem:s10+$0xB010] =	vst.add.f32.msk $0xffff, v4  }
0x52a: {  	[tilespmem:s10+$0xC010] =	vst.add.f32.msk $0xffff, v4  }
0x52b: {  	[tilespmem:s10+$0xD010] =	vst.add.f32.msk $0xffff, v4  }
0x52c: {  	[tilespmem:s10+$0xA020] =	vst.add.f32.msk $0xffff, v5  }
0x52d: {  	[tilespmem:s10+$0xB020] =	vst.add.f32.msk $0xffff, v5  }
0x52e: {  	[tilespmem:s10+$0xC020] =	vst.add.f32.msk $0xffff, v5  }
0x52f: {  	[tilespmem:s10+$0xD020] =	vst.add.f32.msk $0xffff, v5  }
0x530: {  	[tilespmem:s10+$0xA030] =	vst.add.f32.msk $0xffff, v6  }
0x531: {  	[tilespmem:s10+$0xB030] =	vst.add.f32.msk $0xffff, v6  }
0x532: {  	[tilespmem:s10+$0xC030] =	vst.add.f32.msk $0xffff, v6  }
0x533: {  	[tilespmem:s10+$0xD030] =	vst.add.f32.msk $0xffff, v6  }
0x534: {  	[tilespmem:s10+$0xA040] =	vst.add.f32.msk $0xffff, v7  }
0x535: {  	[tilespmem:s10+$0xB040] =	vst.add.f32.msk $0xffff, v7  }
0x536: {  	[tilespmem:s10+$0xC040] =	vst.add.f32.msk $0xffff, v7  }
0x537: {  	[tilespmem:s10+$0xD040] =	vst.add.f32.msk $0xffff, v7  }
0x538: {  	[tilespmem:s10+$0xA050] =	vst.add.f32.msk $0xffff, v8  }
0x539: {  	[tilespmem:s10+$0xB050] =	vst.add.f32.msk $0xffff, v8  }
0x53a: {  	[tilespmem:s10+$0xC050] =	vst.add.f32.msk $0xffff, v8  }
0x53b: {  	[tilespmem:s10+$0xD050] =	vst.add.f32.msk $0xffff, v8  }
0x53c: {  	[tilespmem:s10+$0xA060] =	vst.add.f32.msk $0xffff, v9  }
.Ltmp14:
0x53d: {  	[tilespmem:s10+$0xB060] =	vst.add.f32.msk $0xffff, v9;
	(pc) =	sbr.rel @p1 .LBB2_27-.Ltmp14, $4  }
0x53e: {  	[tilespmem:s10+$0xC060] =	vst.add.f32.msk $0xffff, v9  }
0x53f: {  	[tilespmem:s10+$0xD060] =	vst.add.f32.msk $0xffff, v9  }
0x540: {  	[tilespmem:s10+$0xA070] =	vst.add.f32.msk $0xffff, v2  }
0x541: {  	s12 =	sadd.s32 $0x400, s12;
	[tilespmem:s10+$0xB070] =	vst.add.f32.msk $0xffff, v2  }
0x542: {  	[tilespmem:s10+$0xC070] =	vst.add.f32.msk $0xffff, v2;
	s10 =	simm.s32 $0x0  }
0x543: {  	v2 =	vld [tilespmem:s10+$0x140F0]  }
0x544: {  	v3 =	vld [tilespmem:s10+$0x14080]  }
0x545: {  	v4 =	vld [tilespmem:s10+$0x14090]  }
0x546: {  	v5 =	vld [tilespmem:s10+$0x140A0]  }
0x547: {  	v6 =	vld [tilespmem:s10+$0x140B0]  }
0x548: {  	v7 =	vld [tilespmem:s10+$0x140C0]  }
0x549: {  	v8 =	vld [tilespmem:s10+$0x140D0]  }
0x54a: {  	v9 =	vld [tilespmem:s10+$0x140E0]  }
0x54b: {  	[tilespmem:s10+$0xD0F0] =	vst.add.f32.msk $0xffff, v2  }
0x54c: {  	[tilespmem:s10+$0xA080] =	vst.add.f32.msk $0xffff, v3  }
0x54d: {  	[tilespmem:s10+$0xB080] =	vst.add.f32.msk $0xffff, v3  }
0x54e: {  	[tilespmem:s10+$0xC080] =	vst.add.f32.msk $0xffff, v3  }
0x54f: {  	[tilespmem:s10+$0xD080] =	vst.add.f32.msk $0xffff, v3  }
0x550: {  	[tilespmem:s10+$0xA090] =	vst.add.f32.msk $0xffff, v4  }
0x551: {  	[tilespmem:s10+$0xB090] =	vst.add.f32.msk $0xffff, v4  }
0x552: {  	[tilespmem:s10+$0xC090] =	vst.add.f32.msk $0xffff, v4  }
0x553: {  	[tilespmem:s10+$0xD090] =	vst.add.f32.msk $0xffff, v4  }
0x554: {  	[tilespmem:s10+$0xA0A0] =	vst.add.f32.msk $0xffff, v5  }
0x555: {  	[tilespmem:s10+$0xB0A0] =	vst.add.f32.msk $0xffff, v5  }
0x556: {  	[tilespmem:s10+$0xC0A0] =	vst.add.f32.msk $0xffff, v5  }
0x557: {  	[tilespmem:s10+$0xD0A0] =	vst.add.f32.msk $0xffff, v5  }
0x558: {  	[tilespmem:s10+$0xA0B0] =	vst.add.f32.msk $0xffff, v6  }
0x559: {  	[tilespmem:s10+$0xB0B0] =	vst.add.f32.msk $0xffff, v6  }
0x55a: {  	[tilespmem:s10+$0xC0B0] =	vst.add.f32.msk $0xffff, v6  }
0x55b: {  	[tilespmem:s10+$0xD0B0] =	vst.add.f32.msk $0xffff, v6  }
0x55c: {  	[tilespmem:s10+$0xA0C0] =	vst.add.f32.msk $0xffff, v7  }
0x55d: {  	[tilespmem:s10+$0xB0C0] =	vst.add.f32.msk $0xffff, v7  }
0x55e: {  	[tilespmem:s10+$0xC0C0] =	vst.add.f32.msk $0xffff, v7  }
0x55f: {  	[tilespmem:s10+$0xD0C0] =	vst.add.f32.msk $0xffff, v7  }
0x560: {  	[tilespmem:s10+$0xA0D0] =	vst.add.f32.msk $0xffff, v8  }
0x561: {  	[tilespmem:s10+$0xB0D0] =	vst.add.f32.msk $0xffff, v8  }
0x562: {  	[tilespmem:s10+$0xC0D0] =	vst.add.f32.msk $0xffff, v8  }
0x563: {  	[tilespmem:s10+$0xD0D0] =	vst.add.f32.msk $0xffff, v8  }
0x564: {  	[tilespmem:s10+$0xA0E0] =	vst.add.f32.msk $0xffff, v9  }
0x565: {  	[tilespmem:s10+$0xB0E0] =	vst.add.f32.msk $0xffff, v9  }
0x566: {  	[tilespmem:s10+$0xC0E0] =	vst.add.f32.msk $0xffff, v9  }
0x567: {  	[tilespmem:s10+$0xD0E0] =	vst.add.f32.msk $0xffff, v9  }
0x568: {  	[tilespmem:s10+$0xA0F0] =	vst.add.f32.msk $0xffff, v2  }
0x569: {  	s11 =	simm.s32 $0x0;
	s12 =	simm.s32 $0x400;
	[tilespmem:s10+$0xB0F0] =	vst.add.f32.msk $0xffff, v2  }
.LBB2_29:
0x56a: {  	s11 =	sadd.s32 $0x8, s11;
	[tilespmem:s10+$0xC0F0] =	vst.add.f32.msk $0xffff, v2;
	s10 =	sshra.s32 s12, $0x2  }
0x56b: {  	v2 =	vld [tilespmem:s10+$0x140F0];
	p1 =	slt.u32 s11, $0x78  }
0x56c: {  	v3 =	vld [tilespmem:s10+$0x14080]  }
0x56d: {  	v4 =	vld [tilespmem:s10+$0x14090]  }
0x56e: {  	v5 =	vld [tilespmem:s10+$0x140A0]  }
0x56f: {  	v6 =	vld [tilespmem:s10+$0x140B0]  }
0x570: {  	[tilespmem:s10+$0xD0F0] =	vst.add.f32.msk $0xffff, v2  }
0x571: {  	v7 =	vld [tilespmem:s10+$0x140C0]  }
0x572: {  	v8 =	vld [tilespmem:s10+$0x140D0]  }
0x573: {  	v9 =	vld [tilespmem:s10+$0x140E0]  }
0x574: {  	[tilespmem:s10+$0xA080] =	vst.add.f32.msk $0xffff, v3  }
0x575: {  	[tilespmem:s10+$0xB080] =	vst.add.f32.msk $0xffff, v3  }
0x576: {  	[tilespmem:s10+$0xC080] =	vst.add.f32.msk $0xffff, v3  }
0x577: {  	[tilespmem:s10+$0xD080] =	vst.add.f32.msk $0xffff, v3  }
0x578: {  	[tilespmem:s10+$0xA090] =	vst.add.f32.msk $0xffff, v4  }
0x579: {  	[tilespmem:s10+$0xB090] =	vst.add.f32.msk $0xffff, v4  }
0x57a: {  	[tilespmem:s10+$0xC090] =	vst.add.f32.msk $0xffff, v4  }
0x57b: {  	[tilespmem:s10+$0xD090] =	vst.add.f32.msk $0xffff, v4  }
0x57c: {  	[tilespmem:s10+$0xA0A0] =	vst.add.f32.msk $0xffff, v5  }
0x57d: {  	[tilespmem:s10+$0xB0A0] =	vst.add.f32.msk $0xffff, v5  }
0x57e: {  	[tilespmem:s10+$0xC0A0] =	vst.add.f32.msk $0xffff, v5  }
0x57f: {  	[tilespmem:s10+$0xD0A0] =	vst.add.f32.msk $0xffff, v5  }
0x580: {  	[tilespmem:s10+$0xA0B0] =	vst.add.f32.msk $0xffff, v6  }
0x581: {  	[tilespmem:s10+$0xB0B0] =	vst.add.f32.msk $0xffff, v6  }
0x582: {  	[tilespmem:s10+$0xC0B0] =	vst.add.f32.msk $0xffff, v6  }
0x583: {  	[tilespmem:s10+$0xD0B0] =	vst.add.f32.msk $0xffff, v6  }
0x584: {  	[tilespmem:s10+$0xA0C0] =	vst.add.f32.msk $0xffff, v7  }
0x585: {  	[tilespmem:s10+$0xB0C0] =	vst.add.f32.msk $0xffff, v7  }
0x586: {  	[tilespmem:s10+$0xC0C0] =	vst.add.f32.msk $0xffff, v7  }
0x587: {  	[tilespmem:s10+$0xD0C0] =	vst.add.f32.msk $0xffff, v7  }
0x588: {  	[tilespmem:s10+$0xA0D0] =	vst.add.f32.msk $0xffff, v8  }
0x589: {  	[tilespmem:s10+$0xB0D0] =	vst.add.f32.msk $0xffff, v8  }
0x58a: {  	[tilespmem:s10+$0xC0D0] =	vst.add.f32.msk $0xffff, v8  }
0x58b: {  	[tilespmem:s10+$0xD0D0] =	vst.add.f32.msk $0xffff, v8  }
0x58c: {  	[tilespmem:s10+$0xA0E0] =	vst.add.f32.msk $0xffff, v9  }
.Ltmp15:
0x58d: {  	[tilespmem:s10+$0xB0E0] =	vst.add.f32.msk $0xffff, v9;
	(pc) =	sbr.rel @p1 .LBB2_29-.Ltmp15, $4  }
0x58e: {  	[tilespmem:s10+$0xC0E0] =	vst.add.f32.msk $0xffff, v9  }
0x58f: {  	[tilespmem:s10+$0xD0E0] =	vst.add.f32.msk $0xffff, v9  }
0x590: {  	[tilespmem:s10+$0xA0F0] =	vst.add.f32.msk $0xffff, v2  }
0x591: {  	s12 =	sadd.s32 $0x400, s12;
	[tilespmem:s10+$0xB0F0] =	vst.add.f32.msk $0xffff, v2  }
0x592: {  	[tilespmem:s10+$0xC0F0] =	vst.add.f32.msk $0xffff, v2  }
0x593: {  	s10 =	rddreg [dreg:$0x11]  }
0x594: {  	s10 =	sadd.s32 s22, s10;
	s22 =	simm.s32 $0xA000  }
0x595: {  	[hbm4b:s10+s26] =	stream.strided.scatter [tilespmem:s22], [sflag:$0xB], $0x1000, s28, s26, $0x38;
	[tilespmem:$0x16000] =	vst v63  }
0x596: {  	s12 =	simm.s32 $0xB000;
	s11 =	sadd.s32 $0x100000, s10  }
0x597: {  	[hbm4b:s11+s26] =	stream.strided.scatter [tilespmem:s12], [sflag:$0xB], $0x1000, s28, s26, $0x38;
	[tilespmem:$0x16000] =	vst v63  }
0x598: {  	s18 =	simm.s32 $0xC000;
	s13 =	sadd.s32 $0x200000, s10  }
0x599: {  	[hbm4b:s13+s26] =	stream.strided.scatter [tilespmem:s18], [sflag:$0xB], $0x1000, s28, s26, $0x38;
	[tilespmem:$0x16000] =	vst v63  }
0x59a: {  	s19 =	simm.s32 $0xD000;
	s10 =	sadd.s32 $0x300000, s10  }
0x59b: {  	[hbm4b:s10+s26] =	stream.strided.scatter [tilespmem:s19], [sflag:$0xB], $0x1000, s28, s26, $0x38;
	[tilespmem:$0x16000] =	vst v63  }
0x59c: {  	s13 =	simm.s32 @!p0 $0x400;
	s10 =	sadd.s32 @!p0 $0xA00, s20  }
0x59d: {  	s18 =	simm.s32 @!p0 $0x6000;
	_ =	swait.ge [sflag:s0], $0x4000;
	s11 =	sadd.s32 @!p0 s6, s10  }
0x59e: {  	[sflag:s0] =	ssyncset.done $0x0;
	s11 =	sand.u32 @!p0 $0x1FF800, s11;
	s12 =	rddreg [dreg:$0x12]  }
0x59f: {  	[sflag:s0] =	ssyncadd.s32 $0xFFFFC000;
	s11 =	sadd.s32 @!p0 s11, s12;
	s12 =	simm.s32 @!p0 $0x100  }
0x5a0: {  	[tilespmem:s18], [sflag:$0x2] =	stream.strided.gather @!p0 [hbm4b:s11+s12], $0x1000, s13, s12, $0x38;
	[tilespmem:$0x16000] =	vst v63  }
0x5a1: {  	s19 =	simm.s32 @!p0 $0x7000;
	s18 =	sadd.s32 @!p0 $0x100000, s11  }
0x5a2: {  	[tilespmem:s19], [sflag:$0x2] =	stream.strided.gather @!p0 [hbm4b:s18+s12], $0x1000, s13, s12, $0x38;
	[tilespmem:$0x16000] =	vst v63  }
0x5a3: {  	s18 =	sadd.s32 @!p0 $0x200000, s11;
	s19 =	simm.s32 @!p0 $0x8000  }
0x5a4: {  	[tilespmem:s19], [sflag:$0x2] =	stream.strided.gather @!p0 [hbm4b:s18+s12], $0x1000, s13, s12, $0x38;
	[tilespmem:$0x16000] =	vst v63  }
0x5a5: {  	s10 =	sshrl.u32 @!p0 s10, $0x2;
	s11 =	sadd.s32 @!p0 $0x300000, s11;
	s18 =	simm.s32 @!p0 $0x9000  }
0x5a6: {  	[tilespmem:s18], [sflag:$0x2] =	stream.strided.gather @!p0 [hbm4b:s11+s12], $0x1000, s13, s12, $0x38;
	[tilespmem:$0x16000] =	vst v63  }
0x5a7: {  	v2 =	vld.msk @!p0 [tilespmem:s10+$0x0], $0x3;
	_ =	sdelay $0x4  }
0x5a8: {  	v3 =	vshll.u32 @!p0 v2, $0x4  }
0x5a9: {  	v4 =	vlaneseq.u32 @!p0;
	v2 =	vand.u32 @!p0 $0x7, v2;
	v3 =	vand.u32 @!p0 $0xFFFFFF80, v3  }
0x5aa: {  	v2 =	vor.u32 @!p0 v2, v3;
	v3 =	vand.u32 @!p0 $0x1, v4;
	v4 =	vshrl.u32 @!p0 v4, $0x1  }
0x5ab: {  	v2 =	vperm.xlane @!p0 v2, v3;
	v3 =	vmul.u32 @!p0 $0x8, v4;
	_ =	sdelay $0x1  }
0x5ac: {  	v2 =	vadd.s32 @!p0 v3, v2;
	_ =	sdelay $0x3  }
0x5ad: {  	s11 =	simm.s32 @!p0 $0x13000;
	s10 =	simm.s32 @!p0 $0x0  }
0x5ae: {  	[tilespmem:s11], [sflag:$0x6] =	stream.indirect_vreg.gather @!p0 [hbm4b:s3+s10], $0x80, v2, vm1, $0xb8;
	[tilespmem:$0x16000] =	vst v63  }
0x5af: {  	s11 =	simm.s32 @!p0 $0x13800  }
0x5b0: {  	[tilespmem:s11], [sflag:$0x6] =	stream.indirect_vreg.gather @!p0 [hbm4b:s9+s10], $0x80, v2, vm1, $0xb8;
	[tilespmem:$0x16000] =	vst v63  }
0x5b1: {  	_ =	swait.ge [sflag:s7], $0x4000  }
0x5b2: {  	[sflag:s7] =	ssyncset.done $0x0  }
0x5b3: {  	[sflag:s7] =	ssyncadd.s32 $0xFFFFC000  }
0x5b4: {  	_ =	swait.ge [sflag:s24], $0x1000  }
0x5b5: {  	[sflag:s24] =	ssyncset.done $0x0  }
0x5b6: {  	s10 =	simm.s32 $0x0;
	[sflag:s24] =	ssyncadd.s32 $0xFFFFF000  }
0x5b7: {  	v2 =	vld [tilespmem:s10+$0x15070]  }
0x5b8: {  	v3 =	vld [tilespmem:s10+$0x15000]  }
0x5b9: {  	v63 =	vld [tilespmem:s10+$0x15010]  }
0x5ba: {  	v5 =	vld [tilespmem:s10+$0x15020]  }
0x5bb: {  	v6 =	vld [tilespmem:s10+$0x15030]  }
0x5bc: {  	v7 =	vld [tilespmem:s10+$0x15040]  }
0x5bd: {  	v8 =	vld [tilespmem:s10+$0x15050]  }
0x5be: {  	v9 =	vld [tilespmem:s10+$0x15060]  }
0x5bf: {  	[tilespmem:s10+$0x11070] =	vst.add.f32.msk $0xffff, v2  }
0x5c0: {  	[tilespmem:s10+$0xE000] =	vst.add.f32.msk $0xffff, v3  }
0x5c1: {  	[tilespmem:s10+$0xF000] =	vst.add.f32.msk $0xffff, v3  }
0x5c2: {  	[tilespmem:s10+$0x10000] =	vst.add.f32.msk $0xffff, v3  }
0x5c3: {  	[tilespmem:s10+$0x11000] =	vst.add.f32.msk $0xffff, v3  }
0x5c4: {  	[tilespmem:s10+$0xE010] =	vst.add.f32.msk $0xffff, v63  }
0x5c5: {  	[tilespmem:s10+$0xF010] =	vst.add.f32.msk $0xffff, v63  }
0x5c6: {  	[tilespmem:s10+$0x10010] =	vst.add.f32.msk $0xffff, v63  }
0x5c7: {  	[tilespmem:s10+$0x11010] =	vst.add.f32.msk $0xffff, v63  }
0x5c8: {  	[tilespmem:s10+$0xE020] =	vst.add.f32.msk $0xffff, v5  }
0x5c9: {  	[tilespmem:s10+$0xF020] =	vst.add.f32.msk $0xffff, v5  }
0x5ca: {  	[tilespmem:s10+$0x10020] =	vst.add.f32.msk $0xffff, v5  }
0x5cb: {  	[tilespmem:s10+$0x11020] =	vst.add.f32.msk $0xffff, v5  }
0x5cc: {  	[tilespmem:s10+$0xE030] =	vst.add.f32.msk $0xffff, v6  }
0x5cd: {  	[tilespmem:s10+$0xF030] =	vst.add.f32.msk $0xffff, v6  }
0x5ce: {  	[tilespmem:s10+$0x10030] =	vst.add.f32.msk $0xffff, v6  }
0x5cf: {  	[tilespmem:s10+$0x11030] =	vst.add.f32.msk $0xffff, v6  }
0x5d0: {  	[tilespmem:s10+$0xE040] =	vst.add.f32.msk $0xffff, v7  }
0x5d1: {  	[tilespmem:s10+$0xF040] =	vst.add.f32.msk $0xffff, v7  }
0x5d2: {  	[tilespmem:s10+$0x10040] =	vst.add.f32.msk $0xffff, v7  }
0x5d3: {  	[tilespmem:s10+$0x11040] =	vst.add.f32.msk $0xffff, v7  }
0x5d4: {  	[tilespmem:s10+$0xE050] =	vst.add.f32.msk $0xffff, v8  }
0x5d5: {  	[tilespmem:s10+$0xF050] =	vst.add.f32.msk $0xffff, v8  }
0x5d6: {  	[tilespmem:s10+$0x10050] =	vst.add.f32.msk $0xffff, v8  }
0x5d7: {  	[tilespmem:s10+$0x11050] =	vst.add.f32.msk $0xffff, v8  }
0x5d8: {  	[tilespmem:s10+$0xE060] =	vst.add.f32.msk $0xffff, v9  }
0x5d9: {  	[tilespmem:s10+$0xF060] =	vst.add.f32.msk $0xffff, v9  }
0x5da: {  	[tilespmem:s10+$0x10060] =	vst.add.f32.msk $0xffff, v9  }
0x5db: {  	[tilespmem:s10+$0x11060] =	vst.add.f32.msk $0xffff, v9  }
0x5dc: {  	[tilespmem:s10+$0xE070] =	vst.add.f32.msk $0xffff, v2  }
0x5dd: {  	s12 =	simm.s32 $0x400;
	s11 =	simm.s32 $0x0;
	[tilespmem:s10+$0xF070] =	vst.add.f32.msk $0xffff, v2  }
.LBB2_31:
0x5de: {  	s11 =	sadd.s32 $0x8, s11;
	[tilespmem:s10+$0x10070] =	vst.add.f32.msk $0xffff, v2;
	s10 =	sshra.s32 s12, $0x2  }
0x5df: {  	v2 =	vld [tilespmem:s10+$0x15070];
	p1 =	slt.u32 s11, $0x78  }
0x5e0: {  	v3 =	vld [tilespmem:s10+$0x15000]  }
0x5e1: {  	v4 =	vld [tilespmem:s10+$0x15010]  }
0x5e2: {  	v5 =	vld [tilespmem:s10+$0x15020]  }
0x5e3: {  	v6 =	vld [tilespmem:s10+$0x15030]  }
0x5e4: {  	[tilespmem:s10+$0x11070] =	vst.add.f32.msk $0xffff, v2  }
0x5e5: {  	v7 =	vld [tilespmem:s10+$0x15040]  }
0x5e6: {  	v8 =	vld [tilespmem:s10+$0x15050]  }
0x5e7: {  	v9 =	vld [tilespmem:s10+$0x15060]  }
0x5e8: {  	[tilespmem:s10+$0xE000] =	vst.add.f32.msk $0xffff, v3  }
0x5e9: {  	[tilespmem:s10+$0xF000] =	vst.add.f32.msk $0xffff, v3  }
0x5ea: {  	[tilespmem:s10+$0x10000] =	vst.add.f32.msk $0xffff, v3  }
0x5eb: {  	[tilespmem:s10+$0x11000] =	vst.add.f32.msk $0xffff, v3  }
0x5ec: {  	[tilespmem:s10+$0xE010] =	vst.add.f32.msk $0xffff, v4  }
0x5ed: {  	[tilespmem:s10+$0xF010] =	vst.add.f32.msk $0xffff, v4  }
0x5ee: {  	[tilespmem:s10+$0x10010] =	vst.add.f32.msk $0xffff, v4  }
0x5ef: {  	[tilespmem:s10+$0x11010] =	vst.add.f32.msk $0xffff, v4  }
0x5f0: {  	[tilespmem:s10+$0xE020] =	vst.add.f32.msk $0xffff, v5  }
0x5f1: {  	[tilespmem:s10+$0xF020] =	vst.add.f32.msk $0xffff, v5  }
0x5f2: {  	[tilespmem:s10+$0x10020] =	vst.add.f32.msk $0xffff, v5  }
0x5f3: {  	[tilespmem:s10+$0x11020] =	vst.add.f32.msk $0xffff, v5  }
0x5f4: {  	[tilespmem:s10+$0xE030] =	vst.add.f32.msk $0xffff, v6  }
0x5f5: {  	[tilespmem:s10+$0xF030] =	vst.add.f32.msk $0xffff, v6  }
0x5f6: {  	[tilespmem:s10+$0x10030] =	vst.add.f32.msk $0xffff, v6  }
0x5f7: {  	[tilespmem:s10+$0x11030] =	vst.add.f32.msk $0xffff, v6  }
0x5f8: {  	[tilespmem:s10+$0xE040] =	vst.add.f32.msk $0xffff, v7  }
0x5f9: {  	[tilespmem:s10+$0xF040] =	vst.add.f32.msk $0xffff, v7  }
0x5fa: {  	[tilespmem:s10+$0x10040] =	vst.add.f32.msk $0xffff, v7  }
0x5fb: {  	[tilespmem:s10+$0x11040] =	vst.add.f32.msk $0xffff, v7  }
0x5fc: {  	[tilespmem:s10+$0xE050] =	vst.add.f32.msk $0xffff, v8  }
0x5fd: {  	[tilespmem:s10+$0xF050] =	vst.add.f32.msk $0xffff, v8  }
0x5fe: {  	[tilespmem:s10+$0x10050] =	vst.add.f32.msk $0xffff, v8  }
0x5ff: {  	[tilespmem:s10+$0x11050] =	vst.add.f32.msk $0xffff, v8  }
0x600: {  	[tilespmem:s10+$0xE060] =	vst.add.f32.msk $0xffff, v9  }
.Ltmp16:
0x601: {  	[tilespmem:s10+$0xF060] =	vst.add.f32.msk $0xffff, v9;
	(pc) =	sbr.rel @p1 .LBB2_31-.Ltmp16, $4  }
0x602: {  	[tilespmem:s10+$0x10060] =	vst.add.f32.msk $0xffff, v9  }
0x603: {  	[tilespmem:s10+$0x11060] =	vst.add.f32.msk $0xffff, v9  }
0x604: {  	[tilespmem:s10+$0xE070] =	vst.add.f32.msk $0xffff, v2  }
0x605: {  	s12 =	sadd.s32 $0x400, s12;
	[tilespmem:s10+$0xF070] =	vst.add.f32.msk $0xffff, v2  }
0x606: {  	[tilespmem:s10+$0x10070] =	vst.add.f32.msk $0xffff, v2;
	s10 =	simm.s32 $0x0  }
0x607: {  	v2 =	vld [tilespmem:s10+$0x150F0]  }
0x608: {  	v3 =	vld [tilespmem:s10+$0x15080]  }
0x609: {  	v4 =	vld [tilespmem:s10+$0x15090]  }
0x60a: {  	v5 =	vld [tilespmem:s10+$0x150A0]  }
0x60b: {  	v6 =	vld [tilespmem:s10+$0x150B0]  }
0x60c: {  	v7 =	vld [tilespmem:s10+$0x150C0]  }
0x60d: {  	v8 =	vld [tilespmem:s10+$0x150D0]  }
0x60e: {  	v9 =	vld [tilespmem:s10+$0x150E0]  }
0x60f: {  	[tilespmem:s10+$0x110F0] =	vst.add.f32.msk $0xffff, v2  }
0x610: {  	[tilespmem:s10+$0xE080] =	vst.add.f32.msk $0xffff, v3  }
0x611: {  	[tilespmem:s10+$0xF080] =	vst.add.f32.msk $0xffff, v3  }
0x612: {  	[tilespmem:s10+$0x10080] =	vst.add.f32.msk $0xffff, v3  }
0x613: {  	[tilespmem:s10+$0x11080] =	vst.add.f32.msk $0xffff, v3  }
0x614: {  	[tilespmem:s10+$0xE090] =	vst.add.f32.msk $0xffff, v4  }
0x615: {  	[tilespmem:s10+$0xF090] =	vst.add.f32.msk $0xffff, v4  }
0x616: {  	[tilespmem:s10+$0x10090] =	vst.add.f32.msk $0xffff, v4  }
0x617: {  	[tilespmem:s10+$0x11090] =	vst.add.f32.msk $0xffff, v4  }
0x618: {  	[tilespmem:s10+$0xE0A0] =	vst.add.f32.msk $0xffff, v5  }
0x619: {  	[tilespmem:s10+$0xF0A0] =	vst.add.f32.msk $0xffff, v5  }
0x61a: {  	[tilespmem:s10+$0x100A0] =	vst.add.f32.msk $0xffff, v5  }
0x61b: {  	[tilespmem:s10+$0x110A0] =	vst.add.f32.msk $0xffff, v5  }
0x61c: {  	[tilespmem:s10+$0xE0B0] =	vst.add.f32.msk $0xffff, v6  }
0x61d: {  	[tilespmem:s10+$0xF0B0] =	vst.add.f32.msk $0xffff, v6  }
0x61e: {  	[tilespmem:s10+$0x100B0] =	vst.add.f32.msk $0xffff, v6  }
0x61f: {  	[tilespmem:s10+$0x110B0] =	vst.add.f32.msk $0xffff, v6  }
0x620: {  	[tilespmem:s10+$0xE0C0] =	vst.add.f32.msk $0xffff, v7  }
0x621: {  	[tilespmem:s10+$0xF0C0] =	vst.add.f32.msk $0xffff, v7  }
0x622: {  	[tilespmem:s10+$0x100C0] =	vst.add.f32.msk $0xffff, v7  }
0x623: {  	[tilespmem:s10+$0x110C0] =	vst.add.f32.msk $0xffff, v7  }
0x624: {  	[tilespmem:s10+$0xE0D0] =	vst.add.f32.msk $0xffff, v8  }
0x625: {  	[tilespmem:s10+$0xF0D0] =	vst.add.f32.msk $0xffff, v8  }
0x626: {  	[tilespmem:s10+$0x100D0] =	vst.add.f32.msk $0xffff, v8  }
0x627: {  	[tilespmem:s10+$0x110D0] =	vst.add.f32.msk $0xffff, v8  }
0x628: {  	[tilespmem:s10+$0xE0E0] =	vst.add.f32.msk $0xffff, v9  }
0x629: {  	[tilespmem:s10+$0xF0E0] =	vst.add.f32.msk $0xffff, v9  }
0x62a: {  	[tilespmem:s10+$0x100E0] =	vst.add.f32.msk $0xffff, v9  }
0x62b: {  	[tilespmem:s10+$0x110E0] =	vst.add.f32.msk $0xffff, v9  }
0x62c: {  	[tilespmem:s10+$0xE0F0] =	vst.add.f32.msk $0xffff, v2  }
0x62d: {  	s11 =	simm.s32 $0x0;
	s12 =	simm.s32 $0x400;
	s13 =	smov.u32 s1;
	[tilespmem:s10+$0xF0F0] =	vst.add.f32.msk $0xffff, v2  }
.LBB2_33:
0x62e: {  	s11 =	sadd.s32 $0x8, s11;
	[tilespmem:s10+$0x100F0] =	vst.add.f32.msk $0xffff, v2;
	s10 =	sshra.s32 s12, $0x2  }
0x62f: {  	v2 =	vld [tilespmem:s10+$0x150F0];
	p1 =	slt.u32 s11, $0x78  }
0x630: {  	v3 =	vld [tilespmem:s10+$0x15080]  }
0x631: {  	v4 =	vld [tilespmem:s10+$0x15090]  }
0x632: {  	v5 =	vld [tilespmem:s10+$0x150A0]  }
0x633: {  	v6 =	vld [tilespmem:s10+$0x150B0]  }
0x634: {  	[tilespmem:s10+$0x110F0] =	vst.add.f32.msk $0xffff, v2  }
0x635: {  	v7 =	vld [tilespmem:s10+$0x150C0]  }
0x636: {  	v8 =	vld [tilespmem:s10+$0x150D0]  }
0x637: {  	v9 =	vld [tilespmem:s10+$0x150E0]  }
0x638: {  	[tilespmem:s10+$0xE080] =	vst.add.f32.msk $0xffff, v3  }
0x639: {  	[tilespmem:s10+$0xF080] =	vst.add.f32.msk $0xffff, v3  }
0x63a: {  	[tilespmem:s10+$0x10080] =	vst.add.f32.msk $0xffff, v3  }
0x63b: {  	[tilespmem:s10+$0x11080] =	vst.add.f32.msk $0xffff, v3  }
0x63c: {  	[tilespmem:s10+$0xE090] =	vst.add.f32.msk $0xffff, v4  }
0x63d: {  	[tilespmem:s10+$0xF090] =	vst.add.f32.msk $0xffff, v4  }
0x63e: {  	[tilespmem:s10+$0x10090] =	vst.add.f32.msk $0xffff, v4  }
0x63f: {  	[tilespmem:s10+$0x11090] =	vst.add.f32.msk $0xffff, v4  }
0x640: {  	[tilespmem:s10+$0xE0A0] =	vst.add.f32.msk $0xffff, v5  }
0x641: {  	[tilespmem:s10+$0xF0A0] =	vst.add.f32.msk $0xffff, v5  }
0x642: {  	[tilespmem:s10+$0x100A0] =	vst.add.f32.msk $0xffff, v5  }
0x643: {  	[tilespmem:s10+$0x110A0] =	vst.add.f32.msk $0xffff, v5  }
0x644: {  	[tilespmem:s10+$0xE0B0] =	vst.add.f32.msk $0xffff, v6  }
0x645: {  	[tilespmem:s10+$0xF0B0] =	vst.add.f32.msk $0xffff, v6  }
0x646: {  	[tilespmem:s10+$0x100B0] =	vst.add.f32.msk $0xffff, v6  }
0x647: {  	[tilespmem:s10+$0x110B0] =	vst.add.f32.msk $0xffff, v6  }
0x648: {  	[tilespmem:s10+$0xE0C0] =	vst.add.f32.msk $0xffff, v7  }
0x649: {  	[tilespmem:s10+$0xF0C0] =	vst.add.f32.msk $0xffff, v7  }
0x64a: {  	[tilespmem:s10+$0x100C0] =	vst.add.f32.msk $0xffff, v7  }
0x64b: {  	[tilespmem:s10+$0x110C0] =	vst.add.f32.msk $0xffff, v7  }
0x64c: {  	[tilespmem:s10+$0xE0D0] =	vst.add.f32.msk $0xffff, v8  }
0x64d: {  	[tilespmem:s10+$0xF0D0] =	vst.add.f32.msk $0xffff, v8  }
0x64e: {  	[tilespmem:s10+$0x100D0] =	vst.add.f32.msk $0xffff, v8  }
0x64f: {  	[tilespmem:s10+$0x110D0] =	vst.add.f32.msk $0xffff, v8  }
0x650: {  	[tilespmem:s10+$0xE0E0] =	vst.add.f32.msk $0xffff, v9  }
.Ltmp17:
0x651: {  	[tilespmem:s10+$0xF0E0] =	vst.add.f32.msk $0xffff, v9;
	(pc) =	sbr.rel @p1 .LBB2_33-.Ltmp17, $4  }
0x652: {  	[tilespmem:s10+$0x100E0] =	vst.add.f32.msk $0xffff, v9  }
0x653: {  	[tilespmem:s10+$0x110E0] =	vst.add.f32.msk $0xffff, v9  }
0x654: {  	[tilespmem:s10+$0xE0F0] =	vst.add.f32.msk $0xffff, v2  }
0x655: {  	s12 =	sadd.s32 $0x400, s12;
	[tilespmem:s10+$0xF0F0] =	vst.add.f32.msk $0xffff, v2  }
0x656: {  	[tilespmem:s10+$0x100F0] =	vst.add.f32.msk $0xffff, v2;
	s12 =	sadd.s32 s13, s21;
	s1 =	simm.s32 $0xE000  }
0x657: {  	[hbm4b:s12+s26] =	stream.strided.scatter [tilespmem:s1], [sflag:$0xC], $0x1000, s28, s26, $0x38;
	[tilespmem:$0x16000] =	vst v63  }
0x658: {  	s18 =	simm.s32 $0xF000;
	s11 =	sadd.s32 $0x100000, s12  }
0x659: {  	[hbm4b:s11+s26] =	stream.strided.scatter [tilespmem:s18], [sflag:$0xC], $0x1000, s28, s26, $0x38;
	[tilespmem:$0x16000] =	vst v63  }
0x65a: {  	s21 =	simm.s32 $0x10000;
	s19 =	sadd.s32 $0x200000, s12  }
0x65b: {  	[hbm4b:s19+s26] =	stream.strided.scatter [tilespmem:s21], [sflag:$0xC], $0x1000, s28, s26, $0x38;
	[tilespmem:$0x16000] =	vst v63  }
.Ltmp18:
0x65c: {  	s10 =	sadd.s32 $0x300000, s12;
	(pc) =	sbr.rel @p0 .LBB2_36-.Ltmp18, $4  }
0x65d: {  	[hbm4b:s10+s26] =	stream.strided.scatter [tilespmem:s14], [sflag:$0xC], $0x1000, s28, s26, $0x38;
	[tilespmem:$0x16000] =	vst v63  }
0x65e: {  	_ =	swait.ge [sflag:s25], $0x4000  }
0x65f: {  	[sflag:s25] =	ssyncset.done $0x0  }
0x660: {  	[sflag:s25] =	ssyncadd.s32 $0xFFFFC000  }
0x661: {  	s10 =	sadd.s32 $0xC00, s20  }
0x662: {  	s11 =	sadd.s32 s6, s10  }
0x663: {  	s1 =	rddreg [dreg:$0x13];
	s11 =	sand.u32 $0x1FF800, s11  }
0x664: {  	s11 =	sadd.s32 s11, s1  }
0x665: {  	[tilespmem:s22], [sflag:$0x3] =	stream.strided.gather [hbm4b:s11+s26], $0x1000, s28, s26, $0x38;
	[tilespmem:$0x16000] =	vst v63  }
0x666: {  	s12 =	sadd.s32 $0x100000, s11;
	s22 =	simm.s32 $0xB000  }
0x667: {  	[tilespmem:s22], [sflag:$0x3] =	stream.strided.gather [hbm4b:s12+s26], $0x1000, s28, s26, $0x38;
	[tilespmem:$0x16000] =	vst v63  }
0x668: {  	s19 =	simm.s32 $0xC000;
	s18 =	sadd.s32 $0x200000, s11  }
0x669: {  	[tilespmem:s19], [sflag:$0x3] =	stream.strided.gather [hbm4b:s18+s26], $0x1000, s28, s26, $0x38;
	[tilespmem:$0x16000] =	vst v63  }
0x66a: {  	s20 =	simm.s32 $0xD000;
	s10 =	sshrl.u32 s10, $0x2;
	s11 =	sadd.s32 $0x300000, s11  }
0x66b: {  	[tilespmem:s20], [sflag:$0x3] =	stream.strided.gather [hbm4b:s11+s26], $0x1000, s28, s26, $0x38;
	[tilespmem:$0x16000] =	vst v63  }
0x66c: {  	v2 =	vld.msk [tilespmem:s10+$0x0], $0x3;
	_ =	sdelay $0x4  }
0x66d: {  	v3 =	vshll.u32 v2, $0x4  }
0x66e: {  	v2 =	vand.u32 $0x7, v2;
	v3 =	vand.u32 $0xFFFFFF80, v3  }
0x66f: {  	v2 =	vor.u32 v2, v3  }
0x670: {  	v2 =	vperm.xlane v2, v0;
	_ =	sdelay $0x1  }
0x671: {  	v2 =	vadd.s32 v1, v2;
	_ =	sdelay $0x2  }
.Ltmp19:
0x672: {  	_ = 	snop;
	(pc) =	sbr.rel .LBB2_18-.Ltmp19, $4  }
0x673: {  	s21 =	simm.s32 $0x14000  }
0x674: {  	[tilespmem:s21], [sflag:$0x7] =	stream.indirect_vreg.gather [hbm4b:s3+s5], $0x80, v2, vm0, $0xb8;
	[tilespmem:$0x16000] =	vst v63  }
0x675: {  	s4 =	sadd.s32 $0x1, s4;
	s22 =	simm.s32 $0x14800  }
0x676: {  	[tilespmem:s22], [sflag:$0x7] =	stream.indirect_vreg.gather [hbm4b:s9+s5], $0x80, v2, vm0, $0xb8;
	[tilespmem:$0x16000] =	vst v63  }
.LBB2_37:
0x677: {  	_ =	sfence.sel $0x180000  }
0x678: {  	[bflag:$0x0] =	sbarrier.arrive $0xFFFF  }
0x679: {  	_ =	strace $0x90000047  }
0x67a: {  	s0 =	stileid.u32;
	[bflag:$0x2] =	sbarrier.arrive $0xFFFF  }
0x67b: {  	p0 =	sne.s32 s0, $0x0;
	s0 =	rddreg [dreg:$0x4]  }
0x67c: {  	s0 =	sadd.s32 @!p0 $0x100000, s0  }
0x67d: {  	[sflag:s0] =	ssyncadd.tile.s32 @!p0 $0x1;
	_ =	shalt  }
.Lfunc_end2:
_tile_overlayer_lowered:
.L_overlay_start_2:
0x67e: {  	(tag) =	ssettag $0x2  }
0x67f: {  	s0 =	rddreg [dreg:$0x0];
	s2 =	stileid.u32  }
0x680: {  	s1 =	rddreg [dreg:$0x1];
	p0 =	sne.s32 s2, $0x0  }
0x681: {  	s3 =	rddreg [dreg:$0x2];
	[bflag:$0x3] =	sbarrier.arrive $0xFFFF;
	s2 =	simm.s32 @!p0 $0x1C0D  }
0x682: {  	[timem:s3], [sflag:s2] =	dma.local @!p0 [hbm:s0], s1  }
0x683: {  	s0 =	simm.s32 @!p0 $0xD  }
0x684: {  	_ =	swait.ge @!p0 [sflag:s0], s1  }
0x685: {  	s1 =	ssub.s32 @!p0 $0x0, s1;
	[sflag:s0] =	ssyncset.done @!p0 $0x0  }
0x686: {  	[sflag:s0] =	ssyncadd.s32 @!p0 s1  }
0x687: {  	[bflag:$0x3] =	sbarrier.arrive $0xFFFF  }
0x688: {  	_ =	shalt  }

</sc_bundles>
